<compile_context>
chip_gen: v7x
topology: tpu7x:2x2x1
jax: 0.10.2.dev20260603
libtpu: 0.0.44.dev20260713+nightly
codegen_flags: <defaults>
</compile_context>

<pallas_src>
import functools

import jax
import jax.numpy as jnp
from jax import lax
from jax.experimental import pallas as pl
from jax.experimental.pallas import tpu as pltpu
from jax.experimental.pallas import tpu_sc as plsc

N = 10000
E = 320000
M = 2500
EQ = 80000
D = 128

NC = 2
NS = 16
NW = NC * NS

C1 = 128
EPT1 = 10240
EP1 = NW * EPT1
NCH1 = EPT1 // C1
FAST_C = 0
EPT1F = 13568
EPT1S = 6912
NCH1F = EPT1F // C1
NCH1S = EPT1S // C1
NP = 10240
ROWS1 = NP // NS

C2 = 128
EPT2 = 2560
EQP = NW * EPT2
NCH2 = EPT2 // C2
EPT2F = 3328
EPT2S = 1792
NCH2F = EPT2F // C2
NCH2S = EPT2S // C2
MP = 2560
ROWS2 = MP // NS
DW = 144

_mesh = plsc.VectorSubcoreMesh(core_axis_name="c", subcore_axis_name="s")


def _w_group(px_v, py_v, pz_v, qx_v, qy_v, qz_v, si, di):
    dx = plsc.load_gather(px_v, [si]) - plsc.load_gather(qx_v, [di])
    dy = plsc.load_gather(py_v, [si]) - plsc.load_gather(qy_v, [di])
    dz = plsc.load_gather(pz_v, [si]) - plsc.load_gather(qz_v, [di])
    return jnp.exp(-(dx * dx + dy * dy + dz * dz))


def _sc_w_body(px_hbm, py_hbm, pz_hbm, qx_hbm, qy_hbm, qz_hbm,
               src_hbm, dst_hbm, qs_hbm, qd_hbm,
               w1_hbm, w2_hbm,
               px_v, py_v, pz_v, qx_v, qy_v, qz_v,
               src_sl, dst_sl, w1_sl, qs_sl, qd_sl, w2_sl):
    c = lax.axis_index("c")
    s = lax.axis_index("s")
    wid = c * NS + s
    pltpu.sync_copy(px_hbm, px_v)
    pltpu.sync_copy(py_hbm, py_v)
    pltpu.sync_copy(pz_hbm, pz_v)
    pltpu.sync_copy(qx_hbm, qx_v)
    pltpu.sync_copy(qy_hbm, qy_v)
    pltpu.sync_copy(qz_hbm, qz_v)
    pltpu.sync_copy(src_hbm.at[pl.ds(wid * EPT1, EPT1)], src_sl)
    pltpu.sync_copy(dst_hbm.at[pl.ds(wid * EPT1, EPT1)], dst_sl)
    pltpu.sync_copy(qs_hbm.at[pl.ds(wid * EPT2, EPT2)], qs_sl)
    pltpu.sync_copy(qd_hbm.at[pl.ds(wid * EPT2, EPT2)], qd_sl)

    @plsc.parallel_loop(0, EPT1 // 16, unroll=4)
    def _(i):
        o = i * 16
        si = src_sl[pl.ds(o, 16)]
        di = dst_sl[pl.ds(o, 16)]
        w1_sl[pl.ds(o, 16)] = _w_group(px_v, py_v, pz_v,
                                       px_v, py_v, pz_v, si, di)

    pltpu.sync_copy(w1_sl, w1_hbm.at[pl.ds(wid * EPT1, EPT1)])

    @plsc.parallel_loop(0, EPT2 // 16, unroll=4)
    def _(i):
        o = i * 16
        si = qs_sl[pl.ds(o, 16)]
        di = qd_sl[pl.ds(o, 16)]
        w2_sl[pl.ds(o, 16)] = _w_group(px_v, py_v, pz_v,
                                       qx_v, qy_v, qz_v, si, di)

    pltpu.sync_copy(w2_sl, w2_hbm.at[pl.ds(wid * EPT2, EPT2)])


@functools.partial(
    pl.kernel,
    out_type=(jax.ShapeDtypeStruct((EP1,), jnp.float32),
              jax.ShapeDtypeStruct((EQP,), jnp.float32)),
    mesh=_mesh,
    scratch_types=[
        pltpu.VMEM((N,), jnp.float32),
        pltpu.VMEM((N,), jnp.float32),
        pltpu.VMEM((N,), jnp.float32),
        pltpu.VMEM((MP,), jnp.float32),
        pltpu.VMEM((MP,), jnp.float32),
        pltpu.VMEM((MP,), jnp.float32),
        pltpu.VMEM((EPT1,), jnp.int32),
        pltpu.VMEM((EPT1,), jnp.int32),
        pltpu.VMEM((EPT1,), jnp.float32),
        pltpu.VMEM((EPT2,), jnp.int32),
        pltpu.VMEM((EPT2,), jnp.int32),
        pltpu.VMEM((EPT2,), jnp.float32),
    ],
    compiler_params=pltpu.CompilerParams(needs_layout_passes=False),
)
def _sc_w(*refs):
    _sc_w_body(*refs)


def _scale_chunk(grows, srows, b, w_ref, w_off, nrows, extra_w):
    lane0 = jnp.arange(16, dtype=jnp.int32) == 0

    @plsc.parallel_loop(0, nrows, unroll=4)
    def _(r):
        wb = plsc.load_gather(w_ref, [jnp.full((16,), w_off + r,
                                               dtype=jnp.int32)])
        for j in range(D // 16):
            srows[b, r, pl.ds(j * 16, 16)] = grows[b, r, pl.ds(j * 16, 16)] * wb
        if extra_w:
            srows[b, r, pl.ds(D, 16)] = jnp.where(lane0, wb, 0.0)


def _zero_shared(zbuf, acc_sh, s, rows_per_tile, buf_rows, width):
    zero = jnp.zeros((16,), dtype=jnp.float32)

    def zbody(r, carry):
        for j in range(width // 16):
            zbuf[r, pl.ds(j * 16, 16)] = zero
        return carry

    lax.fori_loop(0, buf_rows, zbody, 0)
    base = s * rows_per_tile
    full, rem = divmod(rows_per_tile, buf_rows)
    for t in range(full):
        pltpu.sync_copy(zbuf,
                        acc_sh.at[pl.ds(base + t * buf_rows, buf_rows)])
    if rem:
        pltpu.sync_copy(zbuf.at[pl.ds(0, rem)],
                        acc_sh.at[pl.ds(base + full * buf_rows, rem)])


def _sc_agg_body(src_hbm, dst_hbm, w_hbm, feat_hbm,
                 out_hbm,
                 src_b0, src_b1, dst_b0, dst_b1, w_sl, grows,
                 gsem0, gsem1,
                 agg_sh):
    c = lax.axis_index("c")
    s = lax.axis_index("s")
    fast = c == FAST_C
    base0 = jnp.where(fast, s * EPT1F, NS * EPT1F + s * EPT1S)
    npairs = jnp.where(fast, NCH1F // 2, NCH1S // 2)
    src_bufs = (src_b0, src_b1)
    dst_bufs = (dst_b0, dst_b1)
    gsems = (gsem0, gsem1)

    @pl.when(fast)
    def _():
        pltpu.sync_copy(w_hbm.at[pl.ds(base0, EPT1F)], w_sl)

    @pl.when(jnp.logical_not(fast))
    def _():
        pltpu.sync_copy(w_hbm.at[pl.ds(base0, EPT1S)],
                        w_sl.at[pl.ds(0, EPT1S)])

    _zero_shared(grows.at[0], agg_sh, s, ROWS1, C1, D)

    def load_src(g, b):
        pltpu.sync_copy(src_hbm.at[pl.ds(base0 + g * C1, C1)], src_bufs[b])

    def gather(b):
        pltpu.async_copy(feat_hbm.at[src_bufs[b]], grows.at[b], gsems[b])

    def gather_wait(b):
        pltpu.make_async_copy(feat_hbm.at[src_bufs[b]], grows.at[b],
                              gsems[b]).wait()

    load_src(0, 0)
    gather(0)
    load_src(1, 1)
    gather(1)
    plsc.subcore_barrier()

    def pair(g2, carry):
        for b in range(2):
            g = 2 * g2 + b
            pltpu.sync_copy(dst_hbm.at[pl.ds(base0 + g * C1, C1)],
                            dst_bufs[b])
            gather_wait(b)

            @plsc.parallel_loop(0, C1, unroll=4)
            def _(r):
                wb = plsc.load_gather(
                    w_sl, [jnp.full((16,), g * C1 + r, dtype=jnp.int32)])
                for j in range(D // 16):
                    grows[b, r, pl.ds(j * 16, 16)] = (
                        grows[b, r, pl.ds(j * 16, 16)] * wb)

            pltpu.sync_copy(grows.at[b], agg_sh.at[dst_bufs[b]], add=True)

            @pl.when(g2 < npairs - 1)
            def _():
                load_src(g + 2, b)
                gather(b)
        return carry

    lax.fori_loop(0, npairs, pair, 0)
    plsc.subcore_barrier()
    pltpu.sync_copy(agg_sh.at[pl.ds(s * ROWS1, ROWS1)],
                    out_hbm.at[c, pl.ds(s * ROWS1, ROWS1)])


@functools.partial(
    pl.kernel,
    out_type=jax.ShapeDtypeStruct((NC, NP, D), jnp.float32),
    mesh=_mesh,
    scratch_types=[
        pltpu.VMEM((C1,), jnp.int32),
        pltpu.VMEM((C1,), jnp.int32),
        pltpu.VMEM((C1,), jnp.int32),
        pltpu.VMEM((C1,), jnp.int32),
        pltpu.VMEM((EPT1F,), jnp.float32),
        pltpu.VMEM((2, C1, D), jnp.float32),
        pltpu.SemaphoreType.DMA,
        pltpu.SemaphoreType.DMA,
        pltpu.VMEM_SHARED((NP, D), jnp.float32),
    ],
    compiler_params=pltpu.CompilerParams(needs_layout_passes=False),
)
def _sc_agg(*refs):
    _sc_agg_body(*refs)


def _sc_pool_body(qs_f_hbm, qs_s_hbm, qd_f_hbm, qd_s_hbm, w_hbm, h_hbm,
                  out_hbm,
                  src_sl, dst_sl, w_sl, grows, srows, nd_sh,
                  gsem0, gsem1, ssem0, ssem1):
    c = lax.axis_index("c")
    s = lax.axis_index("s")
    fast = c == FAST_C
    base0 = jnp.where(fast, s * EPT2F, NS * EPT2F + s * EPT2S)
    npairs = jnp.where(fast, NCH2F // 2, NCH2S // 2)
    gsems = (gsem0, gsem1)
    ssems = (ssem0, ssem1)

    @pl.when(fast)
    def _():
        pltpu.sync_copy(qs_f_hbm.at[s], src_sl)
        pltpu.sync_copy(qd_f_hbm.at[s], dst_sl)
        pltpu.sync_copy(w_hbm.at[pl.ds(base0, EPT2F)], w_sl)

    @pl.when(jnp.logical_not(fast))
    def _():
        pltpu.sync_copy(qs_s_hbm.at[s], src_sl.at[pl.ds(0, NCH2S)])
        pltpu.sync_copy(qd_s_hbm.at[s], dst_sl.at[pl.ds(0, NCH2S)])
        pltpu.sync_copy(w_hbm.at[pl.ds(base0, EPT2S)],
                        w_sl.at[pl.ds(0, EPT2S)])

    _zero_shared(srows.at[0], nd_sh, s, ROWS2, C2, DW)
    plsc.subcore_barrier()

    def gather(g, b):
        pltpu.async_copy(h_hbm.at[src_sl.at[g]], grows.at[b], gsems[b])

    def gather_wait(g, b):
        pltpu.make_async_copy(h_hbm.at[src_sl.at[g]], grows.at[b],
                              gsems[b]).wait()

    def scatter(g, b):
        pltpu.async_copy(srows.at[b], nd_sh.at[dst_sl.at[g]], ssems[b],
                         add=True)

    def scatter_wait(g, b):
        pltpu.make_async_copy(srows.at[b], nd_sh.at[dst_sl.at[g]],
                              ssems[b]).wait()

    gather(0, 0)
    gather(1, 1)

    def pair(g2, carry):
        for b in range(2):
            g = 2 * g2 + b
            gather_wait(g, b)

            @pl.when(g2 >= 1)
            def _():
                scatter_wait(g - 2, b)

            _scale_chunk(grows, srows, b, w_sl, g * C2, C2, extra_w=True)

            @pl.when(g2 < npairs - 1)
            def _():
                gather(g + 2, b)

            scatter(g, b)
        return carry

    lax.fori_loop(0, npairs, pair, 0)
    scatter_wait(2 * npairs - 2, 0)
    scatter_wait(2 * npairs - 1, 1)
    plsc.subcore_barrier()
    pltpu.sync_copy(nd_sh.at[pl.ds(s * ROWS2, ROWS2)],
                    out_hbm.at[c, pl.ds(s * ROWS2, ROWS2)])


@functools.partial(
    pl.kernel,
    out_type=jax.ShapeDtypeStruct((NC, MP, DW), jnp.float32),
    mesh=_mesh,
    scratch_types=[
        pltpu.VMEM((NCH2F, C2), jnp.int32),
        pltpu.VMEM((NCH2F, C2), jnp.int32),
        pltpu.VMEM((EPT2F,), jnp.float32),
        pltpu.VMEM((2, C2, D), jnp.float32),
        pltpu.VMEM((2, C2, DW), jnp.float32),
        pltpu.VMEM_SHARED((MP, DW), jnp.float32),
        pltpu.SemaphoreType.DMA,
        pltpu.SemaphoreType.DMA,
        pltpu.SemaphoreType.DMA,
        pltpu.SemaphoreType.DMA,
    ],
    compiler_params=pltpu.CompilerParams(needs_layout_passes=False,
                                         use_tc_tiling_on_sc=False),
)
def _sc_pool(*refs):
    _sc_pool_body(*refs)


def _tc_h_body(feat_ref, a0_ref, a1_ref, w_ref, b_ref, out_ref):
    x = feat_ref[...] + a0_ref[0] + a1_ref[0]
    y = jnp.dot(x, w_ref[...], preferred_element_type=jnp.float32) + b_ref[...]
    out_ref[...] = y * jax.nn.sigmoid(y)


def _tc_h(feat, agg, w, b):
    bn = 1000
    grid = N // bn
    return pl.pallas_call(
        _tc_h_body,
        grid=(grid,),
        in_specs=[
            pl.BlockSpec((bn, D), lambda i: (i, 0)),
            pl.BlockSpec((1, bn, D), lambda i: (0, i, 0)),
            pl.BlockSpec((1, bn, D), lambda i: (1, i, 0)),
            pl.BlockSpec((D, D), lambda i: (0, 0)),
            pl.BlockSpec((1, D), lambda i: (0, 0)),
        ],
        out_specs=pl.BlockSpec((bn, D), lambda i: (i, 0)),
        out_shape=jax.ShapeDtypeStruct((N, D), jnp.float32),
    )(feat, agg, agg, w, b)


def _tc_head_body(nd_ref, wtf_ref, wwf_ref, gam_ref, bet_ref,
                  wl_ref, wb_ref, field_ref, wout_ref):
    nd = nd_ref[0] + nd_ref[1]
    num = nd[:, :D]
    den = nd[:, D:D + 1] + 1e-8
    pooled = num / den
    field_ref[...] = jnp.dot(pooled, wtf_ref[...],
                             preferred_element_type=jnp.float32)
    wf = jnp.dot(pooled, wwf_ref[...], preferred_element_type=jnp.float32)
    mu = jnp.mean(wf, axis=-1, keepdims=True)
    var = jnp.mean((wf - mu) ** 2, axis=-1, keepdims=True)
    ln = (wf - mu) * lax.rsqrt(var + 1e-5) * gam_ref[...] + bet_ref[...]
    sl = ln * jax.nn.sigmoid(ln)
    wout_ref[...] = jax.nn.sigmoid(
        jnp.dot(sl, wl_ref[...], preferred_element_type=jnp.float32)
        + wb_ref[...])


def _tc_head(nd, wtf, wwf, gam, bet, wl, wb):
    return pl.pallas_call(
        _tc_head_body,
        out_shape=(
            jax.ShapeDtypeStruct((MP, D), jnp.float32),
            jax.ShapeDtypeStruct((MP, 1), jnp.float32),
        ),
    )(nd, wtf, wwf, gam, bet, wl, wb)


def kernel(pos, feat, batch, edge_index, q_src, q_dst, W_extract, b_extract,
           W_tf, W_wf, ln_gamma, ln_beta, w_lin, w_bias):
    px = pos[:, 0]
    py = pos[:, 1]
    pz = pos[:, 2]
    src = edge_index[0]
    dst = edge_index[1]

    qpos = pos.reshape(M, N // M, 3)[:, 0, :]
    qx = jnp.pad(qpos[:, 0], (0, MP - M))
    qy = jnp.pad(qpos[:, 1], (0, MP - M))
    qz = jnp.pad(qpos[:, 2], (0, MP - M))
    srcp = jnp.pad(src, (0, EP1 - E))
    dstp = jnp.pad(dst, (0, EP1 - E), constant_values=NP - 1)
    qsp = jnp.pad(q_src, (0, EQP - EQ))
    qdp = jnp.pad(q_dst, (0, EQP - EQ), constant_values=MP - 1)

    w_edge, w_query = _sc_w(px, py, pz, qx, qy, qz, srcp, dstp, qsp, qdp)
    agg = _sc_agg(srcp, dstp, w_edge, feat)

    h = _tc_h(feat, agg, W_extract, b_extract.reshape(1, D))

    cut = NS * EPT2F
    qs_f = qsp[:cut].reshape(NS, NCH2F, C2)
    qs_s = qsp[cut:].reshape(NS, NCH2S, C2)
    qd_f = qdp[:cut].reshape(NS, NCH2F, C2)
    qd_s = qdp[cut:].reshape(NS, NCH2S, C2)

    nd = _sc_pool(qs_f, qs_s, qd_f, qd_s, w_query, h)

    field_p, w_p = _tc_head(nd, W_tf, W_wf,
                            ln_gamma.reshape(1, D), ln_beta.reshape(1, D),
                            w_lin, w_bias.reshape(1, 1))
    return qpos, field_p[:M], w_p[:M, 0]

# --- scband reference (transcript-rebuilt; emitter-appended) ---
"""Pipeline reference for scband-keypoint-extractor-22299470201392 (READ-ONLY COPY).

The authoritative reference and input builder live on the scoring server;
editing this copy changes nothing except your own understanding.
"""

import jax, jax.numpy as jnp
import numpy as np

N = 10000
E = 320000
M = 2500
EQ = 80000
D = 128


def setup_inputs(seed: int = 0):
    key = jax.random.key(seed)
    ks = jax.random.split(key, 14)
    pos = jax.random.uniform(ks[0], (N, 3), dtype=jnp.float32)
    feat = jax.random.normal(ks[1], (N, D), dtype=jnp.float32)
    batch = jnp.zeros((N,), dtype=jnp.int32)
    edge_index = jax.random.randint(ks[2], (2, E), 0, N)
    q_src = jax.random.randint(ks[3], (EQ,), 0, N)
    q_dst = jnp.sort(jax.random.randint(ks[4], (EQ,), 0, M))
    W_extract = jax.random.normal(ks[5], (D, D), dtype=jnp.float32) * 0.05
    b_extract = jnp.zeros((D,), dtype=jnp.float32)
    W_tf = jax.random.normal(ks[6], (D, D), dtype=jnp.float32) * 0.05
    W_wf = jax.random.normal(ks[7], (D, D), dtype=jnp.float32) * 0.05
    ln_gamma = jnp.ones((D,), dtype=jnp.float32)
    ln_beta = jnp.zeros((D,), dtype=jnp.float32)
    w_lin = jax.random.normal(ks[8], (D, 1), dtype=jnp.float32) * 0.05
    w_bias = jnp.zeros((1,), dtype=jnp.float32)
    return {"pos": pos, "feat": feat, "batch": batch, "edge_index": edge_index,
            "q_src": q_src, "q_dst": q_dst, "W_extract": W_extract, "b_extract": b_extract,
            "W_tf": W_tf, "W_wf": W_wf, "ln_gamma": ln_gamma, "ln_beta": ln_beta,
            "w_lin": w_lin, "w_bias": w_bias}


def _silu(x):
    return x * jax.nn.sigmoid(x)


def reference(pos, feat, batch, edge_index, q_src, q_dst, W_extract, b_extract,
              W_tf, W_wf, ln_gamma, ln_beta, w_lin, w_bias):
    # --- feature extractor (distance-weighted message passing, one U-Net scale) ---
    src = edge_index[0]
    dst = edge_index[1]
    rel = pos[src] - pos[dst]
    w_e = jnp.exp(-jnp.sum(rel * rel, axis=-1, keepdims=True))
    agg = jax.ops.segment_sum(feat[src] * w_e, dst, num_segments=N)
    h = _silu((feat + agg) @ W_extract + b_extract)
    # --- query points: deterministic farthest-point-style pooling (pool_ratio=0.25) ---
    q_idx = jnp.arange(0, N, N // M)
    qpos = pos[q_idx]
    # --- tensor field: gather src features to query points with radial weights ---
    rel_q = pos[q_src] - qpos[q_dst]
    w_q = jnp.exp(-jnp.sum(rel_q * rel_q, axis=-1, keepdims=True))
    num = jax.ops.segment_sum(h[q_src] * w_q, q_dst, num_segments=M)
    den = jax.ops.segment_sum(w_q, q_dst, num_segments=M) + 1e-8
    pooled = num / den
    field = pooled @ W_tf
    # --- weight field + weight_post head (LayerNorm -> SiLU -> Linear -> Sigmoid) ---
    wfeat = pooled @ W_wf
    mu = jnp.mean(wfeat, axis=-1, keepdims=True)
    var = jnp.var(wfeat, axis=-1, keepdims=True)
    ln = (wfeat - mu) / jnp.sqrt(var + 1e-5) * ln_gamma + ln_beta
    weights = jax.nn.sigmoid(_silu(ln) @ w_lin + w_bias).squeeze(-1)
    return qpos, field, weights

if __name__ == "__main__":
    import jax
    _d = setup_inputs()
    print(jax.jit(kernel)(*tuple(_d.values())))

</pallas_src>

<mosaic_0001>
#map = affine_map<(d0, d1) -> (0)>
#map1 = affine_map<(d0, d1) -> (0, 0)>
#map2 = affine_map<(d0, d1) -> (0, 0, 0)>
module attributes {stable_mosaic.version = 14 : i64} {
  func.func @_sc_agg(%arg0: i32, %arg1: i32, %arg2: memref<327680xi32, #tpu.memory_space<hbm>>, %arg3: memref<327680xi32, #tpu.memory_space<hbm>>, %arg4: memref<327680xf32, #tpu.memory_space<hbm>>, %arg5: memref<10000x128xf32, #tpu.memory_space<hbm>>, %arg6: memref<2x10240x128xf32, #tpu.memory_space<hbm>>, %arg7: memref<128xi32, #tpu.memory_space<vmem>>, %arg8: memref<128xi32, #tpu.memory_space<vmem>>, %arg9: memref<128xi32, #tpu.memory_space<vmem>>, %arg10: memref<128xi32, #tpu.memory_space<vmem>>, %arg11: memref<13568xf32, #tpu.memory_space<vmem>>, %arg12: memref<2x128x128xf32, #tpu.memory_space<vmem>>, %arg13: memref<!tpu.dma_semaphore, #tpu.memory_space<semaphore_mem>>, %arg14: memref<!tpu.dma_semaphore, #tpu.memory_space<semaphore_mem>>, %arg15: memref<10240x128xf32, #tpu.memory_space<vmem_shared>>) attributes {dimension_semantics = [#tpu.dimension_semantics<core_parallel>, #tpu.dimension_semantics<subcore_parallel>], iteration_bounds = array<i64: 2, 16>, scalar_prefetch = 0 : i64, scratch_operands = 9 : i64, tpu.core_type = #tpu.core_type<sc_vector_subcore>, window_params = [{transform_indices = #map}, {transform_indices = #map}, {transform_indices = #map}, {transform_indices = #map1}, {transform_indices = #map2}]} {
    %eq3A = arith.constant 0 : i32
    %eq3A_0 = arith.cmpi eq, %arg0, %eq3A : i32
    %mul3A = arith.constant 13568 : i32
    %mul3A_1 = arith.muli %arg1, %mul3A : i32
    %mul3A_2 = arith.constant 6912 : i32
    %mul3A_3 = arith.muli %arg1, %mul3A_2 : i32
    %add3A = arith.constant 217088 : i32
    %add3A_4 = arith.addi %add3A, %mul3A_3 : i32
    %select_n3A = arith.select %eq3A_0, %mul3A_1, %add3A_4 : i32
    %jit3A = arith.constant 53 : i32
    %jit3A_5 = arith.constant 27 : i32
    %select_n3A_6 = arith.select %eq3A_0, %jit3A, %jit3A_5 : i32
    %convert_element_type3A = arith.extui %eq3A_0 : i1 to i32
    %cond3A = arith.constant 0 : i32
    %cond3A_7 = arith.cmpi ne, %convert_element_type3A, %cond3A : i32
    scf.if %cond3A_7 {
      "tpu.region"() ({
        %run_scoped3A_68 = tpu.sem_alloc : memref<!tpu.dma_semaphore, #tpu.memory_space<semaphore_mem>>
        %dma_start3A_69 = tpu.memref_slice %arg4[%select_n3A] : memref<327680xf32, #tpu.memory_space<hbm>> -> memref<13568xf32, #tpu.memory_space<hbm>>
        %dma_start3A_70 = tpu.memref_slice %arg4[%select_n3A] : memref<327680xf32, #tpu.memory_space<hbm>> -> memref<13568xf32, #tpu.memory_space<hbm>>
        tpu.enqueue_dma source(%dma_start3A_70 : memref<13568xf32, #tpu.memory_space<hbm>>) target(%arg11 : memref<13568xf32, #tpu.memory_space<vmem>>) target_semaphore(%run_scoped3A_68 : memref<!tpu.dma_semaphore, #tpu.memory_space<semaphore_mem>>)
        %dma_wait3A = tpu.memref_slice %arg4[%select_n3A] : memref<327680xf32, #tpu.memory_space<hbm>> -> memref<13568xf32, #tpu.memory_space<hbm>>
        %dma_wait3A_71 = tpu.memref_slice %arg4[%select_n3A] : memref<327680xf32, #tpu.memory_space<hbm>> -> memref<13568xf32, #tpu.memory_space<hbm>>
        tpu.wait_dma2 semaphore(%run_scoped3A_68 : memref<!tpu.dma_semaphore, #tpu.memory_space<semaphore_mem>>) src(%dma_wait3A_71 : memref<13568xf32, #tpu.memory_space<hbm>>) dst(%arg11 : memref<13568xf32, #tpu.memory_space<vmem>>)
        tpu.yield
      }) : () -> ()
    } else {
    }
    %not3A = arith.constant true
    %not3A_8 = arith.xori %eq3A_0, %not3A : i1
    %convert_element_type3A_9 = arith.extui %not3A_8 : i1 to i32
    %cond3A_10 = arith.constant 0 : i32
    %cond3A_11 = arith.cmpi ne, %convert_element_type3A_9, %cond3A_10 : i32
    scf.if %cond3A_11 {
      "tpu.region"() ({
        %run_scoped3A_68 = tpu.sem_alloc : memref<!tpu.dma_semaphore, #tpu.memory_space<semaphore_mem>>
        %dma_start3A_69 = arith.constant 0 : i32
        %dma_start3A_70 = tpu.memref_slice %arg11[%dma_start3A_69] : memref<13568xf32, #tpu.memory_space<vmem>> -> memref<6912xf32, #tpu.memory_space<vmem>>
        %dma_start3A_71 = tpu.memref_slice %arg4[%select_n3A] : memref<327680xf32, #tpu.memory_space<hbm>> -> memref<6912xf32, #tpu.memory_space<hbm>>
        %dma_start3A_72 = arith.constant 0 : i32
        %dma_start3A_73 = tpu.memref_slice %arg11[%dma_start3A_72] : memref<13568xf32, #tpu.memory_space<vmem>> -> memref<6912xf32, #tpu.memory_space<vmem>>
        %dma_start3A_74 = tpu.memref_slice %arg4[%select_n3A] : memref<327680xf32, #tpu.memory_space<hbm>> -> memref<6912xf32, #tpu.memory_space<hbm>>
        tpu.enqueue_dma source(%dma_start3A_74 : memref<6912xf32, #tpu.memory_space<hbm>>) target(%dma_start3A_73 : memref<6912xf32, #tpu.memory_space<vmem>>) target_semaphore(%run_scoped3A_68 : memref<!tpu.dma_semaphore, #tpu.memory_space<semaphore_mem>>)
        %dma_wait3A = arith.constant 0 : i32
        %dma_wait3A_75 = tpu.memref_slice %arg11[%dma_wait3A] : memref<13568xf32, #tpu.memory_space<vmem>> -> memref<6912xf32, #tpu.memory_space<vmem>>
        %dma_wait3A_76 = tpu.memref_slice %arg4[%select_n3A] : memref<327680xf32, #tpu.memory_space<hbm>> -> memref<6912xf32, #tpu.memory_space<hbm>>
        %dma_wait3A_77 = arith.constant 0 : i32
        %dma_wait3A_78 = tpu.memref_slice %arg11[%dma_wait3A_77] : memref<13568xf32, #tpu.memory_space<vmem>> -> memref<6912xf32, #tpu.memory_space<vmem>>
        %dma_wait3A_79 = tpu.memref_slice %arg4[%select_n3A] : memref<327680xf32, #tpu.memory_space<hbm>> -> memref<6912xf32, #tpu.memory_space<hbm>>
        tpu.wait_dma2 semaphore(%run_scoped3A_68 : memref<!tpu.dma_semaphore, #tpu.memory_space<semaphore_mem>>) src(%dma_wait3A_79 : memref<6912xf32, #tpu.memory_space<hbm>>) dst(%dma_wait3A_78 : memref<6912xf32, #tpu.memory_space<vmem>>)
        tpu.yield
      }) : () -> ()
    } else {
    }
    %broadcast_in_dim3A = arith.constant 0.000000e+00 : f32
    %broadcast_in_dim3A_12 = vector.broadcast %broadcast_in_dim3A : f32 to vector<16xf32>
    %scan3A = arith.constant 0 : i32
    %scan3A_13 = arith.constant 0 : i32
    %scan3A_14 = arith.constant 0 : i32
    %scan3A_15 = arith.constant 128 : i32
    %scan3A_16 = arith.addi %scan3A_14, %scan3A_15 : i32
    %scan3A_17 = arith.constant 1 : i32
    scf.for %scan3A_68 = %scan3A_14 to %scan3A_16 step %scan3A_17  : i32 {
      %swap3A = arith.constant 0 : i32
      %swap3A_69 = arith.constant 0 : i32
      %swap3A_70 = tpu.memref_slice %arg12[%scan3A_13, %swap3A, %swap3A_69] : memref<2x128x128xf32, #tpu.memory_space<vmem>> -> memref<1x128x128xf32, #tpu.memory_space<vmem>>
      %swap3A_71 = tpu.memref_squeeze %swap3A_70 : memref<1x128x128xf32, #tpu.memory_space<vmem>> -> memref<128x128xf32, #tpu.memory_space<vmem>>
      %swap3A_72 = arith.index_cast %scan3A_68 : i32 to index
      %swap3A_73 = arith.constant 0 : index
      %swap3A_74 = tpu.vector_load %swap3A_71[%swap3A_72, %swap3A_73] {strides = array<i32>} : memref<128x128xf32, #tpu.memory_space<vmem>>, vector<16xf32>,
      tpu.vector_store %swap3A_71[%swap3A_72, %swap3A_73], %broadcast_in_dim3A_12 {strides = array<i32>} : memref<128x128xf32, #tpu.memory_space<vmem>>, vector<16xf32>,
      %swap3A_75 = arith.constant 0 : i32
      %swap3A_76 = arith.constant 0 : i32
      %swap3A_77 = tpu.memref_slice %arg12[%scan3A_13, %swap3A_75, %swap3A_76] : memref<2x128x128xf32, #tpu.memory_space<vmem>> -> memref<1x128x128xf32, #tpu.memory_space<vmem>>
      %swap3A_78 = tpu.memref_squeeze %swap3A_77 : memref<1x128x128xf32, #tpu.memory_space<vmem>> -> memref<128x128xf32, #tpu.memory_space<vmem>>
      %swap3A_79 = arith.index_cast %scan3A_68 : i32 to index
      %swap3A_80 = arith.constant 16 : index
      %swap3A_81 = tpu.vector_load %swap3A_78[%swap3A_79, %swap3A_80] {strides = array<i32>} : memref<128x128xf32, #tpu.memory_space<vmem>>, vector<16xf32>,
      tpu.vector_store %swap3A_78[%swap3A_79, %swap3A_80], %broadcast_in_dim3A_12 {strides = array<i32>} : memref<128x128xf32, #tpu.memory_space<vmem>>, vector<16xf32>,
      %swap3A_82 = arith.constant 0 : i32
      %swap3A_83 = arith.constant 0 : i32
      %swap3A_84 = tpu.memref_slice %arg12[%scan3A_13, %swap3A_82, %swap3A_83] : memref<2x128x128xf32, #tpu.memory_space<vmem>> -> memref<1x128x128xf32, #tpu.memory_space<vmem>>
      %swap3A_85 = tpu.memref_squeeze %swap3A_84 : memref<1x128x128xf32, #tpu.memory_space<vmem>> -> memref<128x128xf32, #tpu.memory_space<vmem>>
      %swap3A_86 = arith.index_cast %scan3A_68 : i32 to index
      %swap3A_87 = arith.constant 32 : index
      %swap3A_88 = tpu.vector_load %swap3A_85[%swap3A_86, %swap3A_87] {strides = array<i32>} : memref<128x128xf32, #tpu.memory_space<vmem>>, vector<16xf32>,
      tpu.vector_store %swap3A_85[%swap3A_86, %swap3A_87], %broadcast_in_dim3A_12 {strides = array<i32>} : memref<128x128xf32, #tpu.memory_space<vmem>>, vector<16xf32>,
      %swap3A_89 = arith.constant 0 : i32
      %swap3A_90 = arith.constant 0 : i32
      %swap3A_91 = tpu.memref_slice %arg12[%scan3A_13, %swap3A_89, %swap3A_90] : memref<2x128x128xf32, #tpu.memory_space<vmem>> -> memref<1x128x128xf32, #tpu.memory_space<vmem>>
      %swap3A_92 = tpu.memref_squeeze %swap3A_91 : memref<1x128x128xf32, #tpu.memory_space<vmem>> -> memref<128x128xf32, #tpu.memory_space<vmem>>
      %swap3A_93 = arith.index_cast %scan3A_68 : i32 to index
      %swap3A_94 = arith.constant 48 : index
      %swap3A_95 = tpu.vector_load %swap3A_92[%swap3A_93, %swap3A_94] {strides = array<i32>} : memref<128x128xf32, #tpu.memory_space<vmem>>, vector<16xf32>,
      tpu.vector_store %swap3A_92[%swap3A_93, %swap3A_94], %broadcast_in_dim3A_12 {strides = array<i32>} : memref<128x128xf32, #tpu.memory_space<vmem>>, vector<16xf32>,
      %swap3A_96 = arith.constant 0 : i32
      %swap3A_97 = arith.constant 0 : i32
      %swap3A_98 = tpu.memref_slice %arg12[%scan3A_13, %swap3A_96, %swap3A_97] : memref<2x128x128xf32, #tpu.memory_space<vmem>> -> memref<1x128x128xf32, #tpu.memory_space<vmem>>
      %swap3A_99 = tpu.memref_squeeze %swap3A_98 : memref<1x128x128xf32, #tpu.memory_space<vmem>> -> memref<128x128xf32, #tpu.memory_space<vmem>>
      %swap3A_100 = arith.index_cast %scan3A_68 : i32 to index
      %swap3A_101 = arith.constant 64 : index
      %swap3A_102 = tpu.vector_load %swap3A_99[%swap3A_100, %swap3A_101] {strides = array<i32>} : memref<128x128xf32, #tpu.memory_space<vmem>>, vector<16xf32>,
      tpu.vector_store %swap3A_99[%swap3A_100, %swap3A_101], %broadcast_in_dim3A_12 {strides = array<i32>} : memref<128x128xf32, #tpu.memory_space<vmem>>, vector<16xf32>,
      %swap3A_103 = arith.constant 0 : i32
      %swap3A_104 = arith.constant 0 : i32
      %swap3A_105 = tpu.memref_slice %arg12[%scan3A_13, %swap3A_103, %swap3A_104] : memref<2x128x128xf32, #tpu.memory_space<vmem>> -> memref<1x128x128xf32, #tpu.memory_space<vmem>>
      %swap3A_106 = tpu.memref_squeeze %swap3A_105 : memref<1x128x128xf32, #tpu.memory_space<vmem>> -> memref<128x128xf32, #tpu.memory_space<vmem>>
      %swap3A_107 = arith.index_cast %scan3A_68 : i32 to index
      %swap3A_108 = arith.constant 80 : index
      %swap3A_109 = tpu.vector_load %swap3A_106[%swap3A_107, %swap3A_108] {strides = array<i32>} : memref<128x128xf32, #tpu.memory_space<vmem>>, vector<16xf32>,
      tpu.vector_store %swap3A_106[%swap3A_107, %swap3A_108], %broadcast_in_dim3A_12 {strides = array<i32>} : memref<128x128xf32, #tpu.memory_space<vmem>>, vector<16xf32>,
      %swap3A_110 = arith.constant 0 : i32
      %swap3A_111 = arith.constant 0 : i32
      %swap3A_112 = tpu.memref_slice %arg12[%scan3A_13, %swap3A_110, %swap3A_111] : memref<2x128x128xf32, #tpu.memory_space<vmem>> -> memref<1x128x128xf32, #tpu.memory_space<vmem>>
      %swap3A_113 = tpu.memref_squeeze %swap3A_112 : memref<1x128x128xf32, #tpu.memory_space<vmem>> -> memref<128x128xf32, #tpu.memory_space<vmem>>
      %swap3A_114 = arith.index_cast %scan3A_68 : i32 to index
      %swap3A_115 = arith.constant 96 : index
      %swap3A_116 = tpu.vector_load %swap3A_113[%swap3A_114, %swap3A_115] {strides = array<i32>} : memref<128x128xf32, #tpu.memory_space<vmem>>, vector<16xf32>,
      tpu.vector_store %swap3A_113[%swap3A_114, %swap3A_115], %broadcast_in_dim3A_12 {strides = array<i32>} : memref<128x128xf32, #tpu.memory_space<vmem>>, vector<16xf32>,
      %swap3A_117 = arith.constant 0 : i32
      %swap3A_118 = arith.constant 0 : i32
      %swap3A_119 = tpu.memref_slice %arg12[%scan3A_13, %swap3A_117, %swap3A_118] : memref<2x128x128xf32, #tpu.memory_space<vmem>> -> memref<1x128x128xf32, #tpu.memory_space<vmem>>
      %swap3A_120 = tpu.memref_squeeze %swap3A_119 : memref<1x128x128xf32, #tpu.memory_space<vmem>> -> memref<128x128xf32, #tpu.memory_space<vmem>>
      %swap3A_121 = arith.index_cast %scan3A_68 : i32 to index
      %swap3A_122 = arith.constant 112 : index
      %swap3A_123 = tpu.vector_load %swap3A_120[%swap3A_121, %swap3A_122] {strides = array<i32>} : memref<128x128xf32, #tpu.memory_space<vmem>>, vector<16xf32>,
      tpu.vector_store %swap3A_120[%swap3A_121, %swap3A_122], %broadcast_in_dim3A_12 {strides = array<i32>} : memref<128x128xf32, #tpu.memory_space<vmem>>, vector<16xf32>,
    }
    %scan3A_18 = arith.constant 128 : i32
    %mul3A_19 = arith.constant 640 : i32
    %mul3A_20 = arith.muli %arg1, %mul3A_19 : i32
    %add3A_21 = arith.constant 0 : i32
    %add3A_22 = arith.addi %mul3A_20, %add3A_21 : i32
    %run_scoped3A = arith.constant 0 : i32
    "tpu.region"() ({
      %run_scoped3A_68 = tpu.sem_alloc : memref<!tpu.dma_semaphore, #tpu.memory_space<semaphore_mem>>
      %dma_start3A_69 = arith.constant 0 : i32
      %dma_start3A_70 = arith.constant 0 : i32
      %dma_start3A_71 = tpu.memref_slice %arg12[%run_scoped3A, %dma_start3A_69, %dma_start3A_70] : memref<2x128x128xf32, #tpu.memory_space<vmem>> -> memref<1x128x128xf32, #tpu.memory_space<vmem>>
      %dma_start3A_72 = tpu.memref_squeeze %dma_start3A_71 : memref<1x128x128xf32, #tpu.memory_space<vmem>> -> memref<128x128xf32, #tpu.memory_space<vmem>>
      %dma_start3A_73 = arith.constant 0 : i32
      %dma_start3A_74 = tpu.memref_slice %arg15[%add3A_22, %dma_start3A_73] : memref<10240x128xf32, #tpu.memory_space<vmem_shared>> -> memref<128x128xf32, #tpu.memory_space<vmem_shared>>
      %dma_start3A_75 = arith.constant 0 : i32
      %dma_start3A_76 = tpu.memref_slice %arg15[%add3A_22, %dma_start3A_75] : memref<10240x128xf32, #tpu.memory_space<vmem_shared>> -> memref<128x128xf32, #tpu.memory_space<vmem_shared>>
      %dma_start3A_77 = arith.constant 0 : i32
      %dma_start3A_78 = arith.constant 0 : i32
      %dma_start3A_79 = tpu.memref_slice %arg12[%run_scoped3A, %dma_start3A_77, %dma_start3A_78] : memref<2x128x128xf32, #tpu.memory_space<vmem>> -> memref<1x128x128xf32, #tpu.memory_space<vmem>>
      %dma_start3A_80 = tpu.memref_squeeze %dma_start3A_79 : memref<1x128x128xf32, #tpu.memory_space<vmem>> -> memref<128x128xf32, #tpu.memory_space<vmem>>
      tpu.enqueue_dma source(%dma_start3A_80 : memref<128x128xf32, #tpu.memory_space<vmem>>) target(%dma_start3A_76 : memref<128x128xf32, #tpu.memory_space<vmem_shared>>) target_semaphore(%run_scoped3A_68 : memref<!tpu.dma_semaphore, #tpu.memory_space<semaphore_mem>>)
      %dma_wait3A = arith.constant 0 : i32
      %dma_wait3A_81 = arith.constant 0 : i32
      %dma_wait3A_82 = tpu.memref_slice %arg12[%run_scoped3A, %dma_wait3A, %dma_wait3A_81] : memref<2x128x128xf32, #tpu.memory_space<vmem>> -> memref<1x128x128xf32, #tpu.memory_space<vmem>>
      %dma_wait3A_83 = tpu.memref_squeeze %dma_wait3A_82 : memref<1x128x128xf32, #tpu.memory_space<vmem>> -> memref<128x128xf32, #tpu.memory_space<vmem>>
      %dma_wait3A_84 = arith.constant 0 : i32
      %dma_wait3A_85 = tpu.memref_slice %arg15[%add3A_22, %dma_wait3A_84] : memref<10240x128xf32, #tpu.memory_space<vmem_shared>> -> memref<128x128xf32, #tpu.memory_space<vmem_shared>>
      %dma_wait3A_86 = arith.constant 0 : i32
      %dma_wait3A_87 = tpu.memref_slice %arg15[%add3A_22, %dma_wait3A_86] : memref<10240x128xf32, #tpu.memory_space<vmem_shared>> -> memref<128x128xf32, #tpu.memory_space<vmem_shared>>
      %dma_wait3A_88 = arith.constant 0 : i32
      %dma_wait3A_89 = arith.constant 0 : i32
      %dma_wait3A_90 = tpu.memref_slice %arg12[%run_scoped3A, %dma_wait3A_88, %dma_wait3A_89] : memref<2x128x128xf32, #tpu.memory_space<vmem>> -> memref<1x128x128xf32, #tpu.memory_space<vmem>>
      %dma_wait3A_91 = tpu.memref_squeeze %dma_wait3A_90 : memref<1x128x128xf32, #tpu.memory_space<vmem>> -> memref<128x128xf32, #tpu.memory_space<vmem>>
      tpu.wait_dma2 semaphore(%run_scoped3A_68 : memref<!tpu.dma_semaphore, #tpu.memory_space<semaphore_mem>>) src(%dma_wait3A_91 : memref<128x128xf32, #tpu.memory_space<vmem>>) dst(%dma_wait3A_87 : memref<128x128xf32, #tpu.memory_space<vmem_shared>>)
      tpu.yield
    }) : () -> ()
    %add3A_23 = arith.constant 128 : i32
    %add3A_24 = arith.addi %mul3A_20, %add3A_23 : i32
    %run_scoped3A_25 = arith.constant 0 : i32
    "tpu.region"() ({
      %run_scoped3A_68 = tpu.sem_alloc : memref<!tpu.dma_semaphore, #tpu.memory_space<semaphore_mem>>
      %dma_start3A_69 = arith.constant 0 : i32
      %dma_start3A_70 = arith.constant 0 : i32
      %dma_start3A_71 = tpu.memref_slice %arg12[%run_scoped3A_25, %dma_start3A_69, %dma_start3A_70] : memref<2x128x128xf32, #tpu.memory_space<vmem>> -> memref<1x128x128xf32, #tpu.memory_space<vmem>>
      %dma_start3A_72 = tpu.memref_squeeze %dma_start3A_71 : memref<1x128x128xf32, #tpu.memory_space<vmem>> -> memref<128x128xf32, #tpu.memory_space<vmem>>
      %dma_start3A_73 = arith.constant 0 : i32
      %dma_start3A_74 = tpu.memref_slice %arg15[%add3A_24, %dma_start3A_73] : memref<10240x128xf32, #tpu.memory_space<vmem_shared>> -> memref<128x128xf32, #tpu.memory_space<vmem_shared>>
      %dma_start3A_75 = arith.constant 0 : i32
      %dma_start3A_76 = tpu.memref_slice %arg15[%add3A_24, %dma_start3A_75] : memref<10240x128xf32, #tpu.memory_space<vmem_shared>> -> memref<128x128xf32, #tpu.memory_space<vmem_shared>>
      %dma_start3A_77 = arith.constant 0 : i32
      %dma_start3A_78 = arith.constant 0 : i32
      %dma_start3A_79 = tpu.memref_slice %arg12[%run_scoped3A_25, %dma_start3A_77, %dma_start3A_78] : memref<2x128x128xf32, #tpu.memory_space<vmem>> -> memref<1x128x128xf32, #tpu.memory_space<vmem>>
      %dma_start3A_80 = tpu.memref_squeeze %dma_start3A_79 : memref<1x128x128xf32, #tpu.memory_space<vmem>> -> memref<128x128xf32, #tpu.memory_space<vmem>>
      tpu.enqueue_dma source(%dma_start3A_80 : memref<128x128xf32, #tpu.memory_space<vmem>>) target(%dma_start3A_76 : memref<128x128xf32, #tpu.memory_space<vmem_shared>>) target_semaphore(%run_scoped3A_68 : memref<!tpu.dma_semaphore, #tpu.memory_space<semaphore_mem>>)
      %dma_wait3A = arith.constant 0 : i32
      %dma_wait3A_81 = arith.constant 0 : i32
      %dma_wait3A_82 = tpu.memref_slice %arg12[%run_scoped3A_25, %dma_wait3A, %dma_wait3A_81] : memref<2x128x128xf32, #tpu.memory_space<vmem>> -> memref<1x128x128xf32, #tpu.memory_space<vmem>>
      %dma_wait3A_83 = tpu.memref_squeeze %dma_wait3A_82 : memref<1x128x128xf32, #tpu.memory_space<vmem>> -> memref<128x128xf32, #tpu.memory_space<vmem>>
      %dma_wait3A_84 = arith.constant 0 : i32
      %dma_wait3A_85 = tpu.memref_slice %arg15[%add3A_24, %dma_wait3A_84] : memref<10240x128xf32, #tpu.memory_space<vmem_shared>> -> memref<128x128xf32, #tpu.memory_space<vmem_shared>>
      %dma_wait3A_86 = arith.constant 0 : i32
      %dma_wait3A_87 = tpu.memref_slice %arg15[%add3A_24, %dma_wait3A_86] : memref<10240x128xf32, #tpu.memory_space<vmem_shared>> -> memref<128x128xf32, #tpu.memory_space<vmem_shared>>
      %dma_wait3A_88 = arith.constant 0 : i32
      %dma_wait3A_89 = arith.constant 0 : i32
      %dma_wait3A_90 = tpu.memref_slice %arg12[%run_scoped3A_25, %dma_wait3A_88, %dma_wait3A_89] : memref<2x128x128xf32, #tpu.memory_space<vmem>> -> memref<1x128x128xf32, #tpu.memory_space<vmem>>
      %dma_wait3A_91 = tpu.memref_squeeze %dma_wait3A_90 : memref<1x128x128xf32, #tpu.memory_space<vmem>> -> memref<128x128xf32, #tpu.memory_space<vmem>>
      tpu.wait_dma2 semaphore(%run_scoped3A_68 : memref<!tpu.dma_semaphore, #tpu.memory_space<semaphore_mem>>) src(%dma_wait3A_91 : memref<128x128xf32, #tpu.memory_space<vmem>>) dst(%dma_wait3A_87 : memref<128x128xf32, #tpu.memory_space<vmem_shared>>)
      tpu.yield
    }) : () -> ()
    %add3A_26 = arith.constant 256 : i32
    %add3A_27 = arith.addi %mul3A_20, %add3A_26 : i32
    %run_scoped3A_28 = arith.constant 0 : i32
    "tpu.region"() ({
      %run_scoped3A_68 = tpu.sem_alloc : memref<!tpu.dma_semaphore, #tpu.memory_space<semaphore_mem>>
      %dma_start3A_69 = arith.constant 0 : i32
      %dma_start3A_70 = arith.constant 0 : i32
      %dma_start3A_71 = tpu.memref_slice %arg12[%run_scoped3A_28, %dma_start3A_69, %dma_start3A_70] : memref<2x128x128xf32, #tpu.memory_space<vmem>> -> memref<1x128x128xf32, #tpu.memory_space<vmem>>
      %dma_start3A_72 = tpu.memref_squeeze %dma_start3A_71 : memref<1x128x128xf32, #tpu.memory_space<vmem>> -> memref<128x128xf32, #tpu.memory_space<vmem>>
      %dma_start3A_73 = arith.constant 0 : i32
      %dma_start3A_74 = tpu.memref_slice %arg15[%add3A_27, %dma_start3A_73] : memref<10240x128xf32, #tpu.memory_space<vmem_shared>> -> memref<128x128xf32, #tpu.memory_space<vmem_shared>>
      %dma_start3A_75 = arith.constant 0 : i32
      %dma_start3A_76 = tpu.memref_slice %arg15[%add3A_27, %dma_start3A_75] : memref<10240x128xf32, #tpu.memory_space<vmem_shared>> -> memref<128x128xf32, #tpu.memory_space<vmem_shared>>
      %dma_start3A_77 = arith.constant 0 : i32
      %dma_start3A_78 = arith.constant 0 : i32
      %dma_start3A_79 = tpu.memref_slice %arg12[%run_scoped3A_28, %dma_start3A_77, %dma_start3A_78] : memref<2x128x128xf32, #tpu.memory_space<vmem>> -> memref<1x128x128xf32, #tpu.memory_space<vmem>>
      %dma_start3A_80 = tpu.memref_squeeze %dma_start3A_79 : memref<1x128x128xf32, #tpu.memory_space<vmem>> -> memref<128x128xf32, #tpu.memory_space<vmem>>
      tpu.enqueue_dma source(%dma_start3A_80 : memref<128x128xf32, #tpu.memory_space<vmem>>) target(%dma_start3A_76 : memref<128x128xf32, #tpu.memory_space<vmem_shared>>) target_semaphore(%run_scoped3A_68 : memref<!tpu.dma_semaphore, #tpu.memory_space<semaphore_mem>>)
      %dma_wait3A = arith.constant 0 : i32
      %dma_wait3A_81 = arith.constant 0 : i32
      %dma_wait3A_82 = tpu.memref_slice %arg12[%run_scoped3A_28, %dma_wait3A, %dma_wait3A_81] : memref<2x128x128xf32, #tpu.memory_space<vmem>> -> memref<1x128x128xf32, #tpu.memory_space<vmem>>
      %dma_wait3A_83 = tpu.memref_squeeze %dma_wait3A_82 : memref<1x128x128xf32, #tpu.memory_space<vmem>> -> memref<128x128xf32, #tpu.memory_space<vmem>>
      %dma_wait3A_84 = arith.constant 0 : i32
      %dma_wait3A_85 = tpu.memref_slice %arg15[%add3A_27, %dma_wait3A_84] : memref<10240x128xf32, #tpu.memory_space<vmem_shared>> -> memref<128x128xf32, #tpu.memory_space<vmem_shared>>
      %dma_wait3A_86 = arith.constant 0 : i32
      %dma_wait3A_87 = tpu.memref_slice %arg15[%add3A_27, %dma_wait3A_86] : memref<10240x128xf32, #tpu.memory_space<vmem_shared>> -> memref<128x128xf32, #tpu.memory_space<vmem_shared>>
      %dma_wait3A_88 = arith.constant 0 : i32
      %dma_wait3A_89 = arith.constant 0 : i32
      %dma_wait3A_90 = tpu.memref_slice %arg12[%run_scoped3A_28, %dma_wait3A_88, %dma_wait3A_89] : memref<2x128x128xf32, #tpu.memory_space<vmem>> -> memref<1x128x128xf32, #tpu.memory_space<vmem>>
      %dma_wait3A_91 = tpu.memref_squeeze %dma_wait3A_90 : memref<1x128x128xf32, #tpu.memory_space<vmem>> -> memref<128x128xf32, #tpu.memory_space<vmem>>
      tpu.wait_dma2 semaphore(%run_scoped3A_68 : memref<!tpu.dma_semaphore, #tpu.memory_space<semaphore_mem>>) src(%dma_wait3A_91 : memref<128x128xf32, #tpu.memory_space<vmem>>) dst(%dma_wait3A_87 : memref<128x128xf32, #tpu.memory_space<vmem_shared>>)
      tpu.yield
    }) : () -> ()
    %add3A_29 = arith.constant 384 : i32
    %add3A_30 = arith.addi %mul3A_20, %add3A_29 : i32
    %run_scoped3A_31 = arith.constant 0 : i32
    "tpu.region"() ({
      %run_scoped3A_68 = tpu.sem_alloc : memref<!tpu.dma_semaphore, #tpu.memory_space<semaphore_mem>>
      %dma_start3A_69 = arith.constant 0 : i32
      %dma_start3A_70 = arith.constant 0 : i32
      %dma_start3A_71 = tpu.memref_slice %arg12[%run_scoped3A_31, %dma_start3A_69, %dma_start3A_70] : memref<2x128x128xf32, #tpu.memory_space<vmem>> -> memref<1x128x128xf32, #tpu.memory_space<vmem>>
      %dma_start3A_72 = tpu.memref_squeeze %dma_start3A_71 : memref<1x128x128xf32, #tpu.memory_space<vmem>> -> memref<128x128xf32, #tpu.memory_space<vmem>>
      %dma_start3A_73 = arith.constant 0 : i32
      %dma_start3A_74 = tpu.memref_slice %arg15[%add3A_30, %dma_start3A_73] : memref<10240x128xf32, #tpu.memory_space<vmem_shared>> -> memref<128x128xf32, #tpu.memory_space<vmem_shared>>
      %dma_start3A_75 = arith.constant 0 : i32
      %dma_start3A_76 = tpu.memref_slice %arg15[%add3A_30, %dma_start3A_75] : memref<10240x128xf32, #tpu.memory_space<vmem_shared>> -> memref<128x128xf32, #tpu.memory_space<vmem_shared>>
      %dma_start3A_77 = arith.constant 0 : i32
      %dma_start3A_78 = arith.constant 0 : i32
      %dma_start3A_79 = tpu.memref_slice %arg12[%run_scoped3A_31, %dma_start3A_77, %dma_start3A_78] : memref<2x128x128xf32, #tpu.memory_space<vmem>> -> memref<1x128x128xf32, #tpu.memory_space<vmem>>
      %dma_start3A_80 = tpu.memref_squeeze %dma_start3A_79 : memref<1x128x128xf32, #tpu.memory_space<vmem>> -> memref<128x128xf32, #tpu.memory_space<vmem>>
      tpu.enqueue_dma source(%dma_start3A_80 : memref<128x128xf32, #tpu.memory_space<vmem>>) target(%dma_start3A_76 : memref<128x128xf32, #tpu.memory_space<vmem_shared>>) target_semaphore(%run_scoped3A_68 : memref<!tpu.dma_semaphore, #tpu.memory_space<semaphore_mem>>)
      %dma_wait3A = arith.constant 0 : i32
      %dma_wait3A_81 = arith.constant 0 : i32
      %dma_wait3A_82 = tpu.memref_slice %arg12[%run_scoped3A_31, %dma_wait3A, %dma_wait3A_81] : memref<2x128x128xf32, #tpu.memory_space<vmem>> -> memref<1x128x128xf32, #tpu.memory_space<vmem>>
      %dma_wait3A_83 = tpu.memref_squeeze %dma_wait3A_82 : memref<1x128x128xf32, #tpu.memory_space<vmem>> -> memref<128x128xf32, #tpu.memory_space<vmem>>
      %dma_wait3A_84 = arith.constant 0 : i32
      %dma_wait3A_85 = tpu.memref_slice %arg15[%add3A_30, %dma_wait3A_84] : memref<10240x128xf32, #tpu.memory_space<vmem_shared>> -> memref<128x128xf32, #tpu.memory_space<vmem_shared>>
      %dma_wait3A_86 = arith.constant 0 : i32
      %dma_wait3A_87 = tpu.memref_slice %arg15[%add3A_30, %dma_wait3A_86] : memref<10240x128xf32, #tpu.memory_space<vmem_shared>> -> memref<128x128xf32, #tpu.memory_space<vmem_shared>>
      %dma_wait3A_88 = arith.constant 0 : i32
      %dma_wait3A_89 = arith.constant 0 : i32
      %dma_wait3A_90 = tpu.memref_slice %arg12[%run_scoped3A_31, %dma_wait3A_88, %dma_wait3A_89] : memref<2x128x128xf32, #tpu.memory_space<vmem>> -> memref<1x128x128xf32, #tpu.memory_space<vmem>>
      %dma_wait3A_91 = tpu.memref_squeeze %dma_wait3A_90 : memref<1x128x128xf32, #tpu.memory_space<vmem>> -> memref<128x128xf32, #tpu.memory_space<vmem>>
      tpu.wait_dma2 semaphore(%run_scoped3A_68 : memref<!tpu.dma_semaphore, #tpu.memory_space<semaphore_mem>>) src(%dma_wait3A_91 : memref<128x128xf32, #tpu.memory_space<vmem>>) dst(%dma_wait3A_87 : memref<128x128xf32, #tpu.memory_space<vmem_shared>>)
      tpu.yield
    }) : () -> ()
    %add3A_32 = arith.constant 512 : i32
    %add3A_33 = arith.addi %mul3A_20, %add3A_32 : i32
    %run_scoped3A_34 = arith.constant 0 : i32
    "tpu.region"() ({
      %run_scoped3A_68 = tpu.sem_alloc : memref<!tpu.dma_semaphore, #tpu.memory_space<semaphore_mem>>
      %dma_start3A_69 = arith.constant 0 : i32
      %dma_start3A_70 = arith.constant 0 : i32
      %dma_start3A_71 = tpu.memref_slice %arg12[%run_scoped3A_34, %dma_start3A_69, %dma_start3A_70] : memref<2x128x128xf32, #tpu.memory_space<vmem>> -> memref<1x128x128xf32, #tpu.memory_space<vmem>>
      %dma_start3A_72 = tpu.memref_squeeze %dma_start3A_71 : memref<1x128x128xf32, #tpu.memory_space<vmem>> -> memref<128x128xf32, #tpu.memory_space<vmem>>
      %dma_start3A_73 = arith.constant 0 : i32
      %dma_start3A_74 = tpu.memref_slice %arg15[%add3A_33, %dma_start3A_73] : memref<10240x128xf32, #tpu.memory_space<vmem_shared>> -> memref<128x128xf32, #tpu.memory_space<vmem_shared>>
      %dma_start3A_75 = arith.constant 0 : i32
      %dma_start3A_76 = tpu.memref_slice %arg15[%add3A_33, %dma_start3A_75] : memref<10240x128xf32, #tpu.memory_space<vmem_shared>> -> memref<128x128xf32, #tpu.memory_space<vmem_shared>>
      %dma_start3A_77 = arith.constant 0 : i32
      %dma_start3A_78 = arith.constant 0 : i32
      %dma_start3A_79 = tpu.memref_slice %arg12[%run_scoped3A_34, %dma_start3A_77, %dma_start3A_78] : memref<2x128x128xf32, #tpu.memory_space<vmem>> -> memref<1x128x128xf32, #tpu.memory_space<vmem>>
      %dma_start3A_80 = tpu.memref_squeeze %dma_start3A_79 : memref<1x128x128xf32, #tpu.memory_space<vmem>> -> memref<128x128xf32, #tpu.memory_space<vmem>>
      tpu.enqueue_dma source(%dma_start3A_80 : memref<128x128xf32, #tpu.memory_space<vmem>>) target(%dma_start3A_76 : memref<128x128xf32, #tpu.memory_space<vmem_shared>>) target_semaphore(%run_scoped3A_68 : memref<!tpu.dma_semaphore, #tpu.memory_space<semaphore_mem>>)
      %dma_wait3A = arith.constant 0 : i32
      %dma_wait3A_81 = arith.constant 0 : i32
      %dma_wait3A_82 = tpu.memref_slice %arg12[%run_scoped3A_34, %dma_wait3A, %dma_wait3A_81] : memref<2x128x128xf32, #tpu.memory_space<vmem>> -> memref<1x128x128xf32, #tpu.memory_space<vmem>>
      %dma_wait3A_83 = tpu.memref_squeeze %dma_wait3A_82 : memref<1x128x128xf32, #tpu.memory_space<vmem>> -> memref<128x128xf32, #tpu.memory_space<vmem>>
      %dma_wait3A_84 = arith.constant 0 : i32
      %dma_wait3A_85 = tpu.memref_slice %arg15[%add3A_33, %dma_wait3A_84] : memref<10240x128xf32, #tpu.memory_space<vmem_shared>> -> memref<128x128xf32, #tpu.memory_space<vmem_shared>>
      %dma_wait3A_86 = arith.constant 0 : i32
      %dma_wait3A_87 = tpu.memref_slice %arg15[%add3A_33, %dma_wait3A_86] : memref<10240x128xf32, #tpu.memory_space<vmem_shared>> -> memref<128x128xf32, #tpu.memory_space<vmem_shared>>
      %dma_wait3A_88 = arith.constant 0 : i32
      %dma_wait3A_89 = arith.constant 0 : i32
      %dma_wait3A_90 = tpu.memref_slice %arg12[%run_scoped3A_34, %dma_wait3A_88, %dma_wait3A_89] : memref<2x128x128xf32, #tpu.memory_space<vmem>> -> memref<1x128x128xf32, #tpu.memory_space<vmem>>
      %dma_wait3A_91 = tpu.memref_squeeze %dma_wait3A_90 : memref<1x128x128xf32, #tpu.memory_space<vmem>> -> memref<128x128xf32, #tpu.memory_space<vmem>>
      tpu.wait_dma2 semaphore(%run_scoped3A_68 : memref<!tpu.dma_semaphore, #tpu.memory_space<semaphore_mem>>) src(%dma_wait3A_91 : memref<128x128xf32, #tpu.memory_space<vmem>>) dst(%dma_wait3A_87 : memref<128x128xf32, #tpu.memory_space<vmem_shared>>)
      tpu.yield
    }) : () -> ()
    %add3A_35 = arith.constant 0 : i32
    %add3A_36 = arith.addi %select_n3A, %add3A_35 : i32
    "tpu.region"() ({
      %run_scoped3A_68 = tpu.sem_alloc : memref<!tpu.dma_semaphore, #tpu.memory_space<semaphore_mem>>
      %dma_start3A_69 = tpu.memref_slice %arg2[%add3A_36] : memref<327680xi32, #tpu.memory_space<hbm>> -> memref<128xi32, #tpu.memory_space<hbm>>
      %dma_start3A_70 = tpu.memref_slice %arg2[%add3A_36] : memref<327680xi32, #tpu.memory_space<hbm>> -> memref<128xi32, #tpu.memory_space<hbm>>
      tpu.enqueue_dma source(%dma_start3A_70 : memref<128xi32, #tpu.memory_space<hbm>>) target(%arg7 : memref<128xi32, #tpu.memory_space<vmem>>) target_semaphore(%run_scoped3A_68 : memref<!tpu.dma_semaphore, #tpu.memory_space<semaphore_mem>>)
      %dma_wait3A = tpu.memref_slice %arg2[%add3A_36] : memref<327680xi32, #tpu.memory_space<hbm>> -> memref<128xi32, #tpu.memory_space<hbm>>
      %dma_wait3A_71 = tpu.memref_slice %arg2[%add3A_36] : memref<327680xi32, #tpu.memory_space<hbm>> -> memref<128xi32, #tpu.memory_space<hbm>>
      tpu.wait_dma2 semaphore(%run_scoped3A_68 : memref<!tpu.dma_semaphore, #tpu.memory_space<semaphore_mem>>) src(%dma_wait3A_71 : memref<128xi32, #tpu.memory_space<hbm>>) dst(%arg7 : memref<128xi32, #tpu.memory_space<vmem>>)
      tpu.yield
    }) : () -> ()
    %dma_start3A = arith.constant 0 : i32
    %dma_start3A_37 = arith.constant 0 : i32
    %dma_start3A_38 = arith.constant 0 : i32
    %dma_start3A_39 = tpu.memref_slice %arg12[%dma_start3A, %dma_start3A_37, %dma_start3A_38] : memref<2x128x128xf32, #tpu.memory_space<vmem>> -> memref<1x128x128xf32, #tpu.memory_space<vmem>>
    %dma_start3A_40 = tpu.memref_squeeze %dma_start3A_39 : memref<1x128x128xf32, #tpu.memory_space<vmem>> -> memref<128x128xf32, #tpu.memory_space<vmem>>
    %dma_start3A_41 = arith.constant 0 : i32
    %dma_start3A_42 = arith.constant 0 : i32
    %dma_start3A_43 = tpu.memref_slice %arg5[%dma_start3A_41, %dma_start3A_42] : memref<10000x128xf32, #tpu.memory_space<hbm>> -> memref<10000x128xf32, #tpu.memory_space<hbm>>
    tpu.enqueue_indirect_dma source(%dma_start3A_43 : memref<10000x128xf32, #tpu.memory_space<hbm>>) target(%dma_start3A_40 : memref<128x128xf32, #tpu.memory_space<vmem>>) offsets(%arg7 : memref<128xi32, #tpu.memory_space<vmem>>) semaphore(%arg13 : memref<!tpu.dma_semaphore, #tpu.memory_space<semaphore_mem>>)
    %add3A_44 = arith.constant 128 : i32
    %add3A_45 = arith.addi %select_n3A, %add3A_44 : i32
    "tpu.region"() ({
      %run_scoped3A_68 = tpu.sem_alloc : memref<!tpu.dma_semaphore, #tpu.memory_space<semaphore_mem>>
      %dma_start3A_69 = tpu.memref_slice %arg2[%add3A_45] : memref<327680xi32, #tpu.memory_space<hbm>> -> memref<128xi32, #tpu.memory_space<hbm>>
      %dma_start3A_70 = tpu.memref_slice %arg2[%add3A_45] : memref<327680xi32, #tpu.memory_space<hbm>> -> memref<128xi32, #tpu.memory_space<hbm>>
      tpu.enqueue_dma source(%dma_start3A_70 : memref<128xi32, #tpu.memory_space<hbm>>) target(%arg8 : memref<128xi32, #tpu.memory_space<vmem>>) target_semaphore(%run_scoped3A_68 : memref<!tpu.dma_semaphore, #tpu.memory_space<semaphore_mem>>)
      %dma_wait3A = tpu.memref_slice %arg2[%add3A_45] : memref<327680xi32, #tpu.memory_space<hbm>> -> memref<128xi32, #tpu.memory_space<hbm>>
      %dma_wait3A_71 = tpu.memref_slice %arg2[%add3A_45] : memref<327680xi32, #tpu.memory_space<hbm>> -> memref<128xi32, #tpu.memory_space<hbm>>
      tpu.wait_dma2 semaphore(%run_scoped3A_68 : memref<!tpu.dma_semaphore, #tpu.memory_space<semaphore_mem>>) src(%dma_wait3A_71 : memref<128xi32, #tpu.memory_space<hbm>>) dst(%arg8 : memref<128xi32, #tpu.memory_space<vmem>>)
      tpu.yield
    }) : () -> ()
    %dma_start3A_46 = arith.constant 1 : i32
    %dma_start3A_47 = arith.constant 0 : i32
    %dma_start3A_48 = arith.constant 0 : i32
    %dma_start3A_49 = tpu.memref_slice %arg12[%dma_start3A_46, %dma_start3A_47, %dma_start3A_48] : memref<2x128x128xf32, #tpu.memory_space<vmem>> -> memref<1x128x128xf32, #tpu.memory_space<vmem>>
    %dma_start3A_50 = tpu.memref_squeeze %dma_start3A_49 : memref<1x128x128xf32, #tpu.memory_space<vmem>> -> memref<128x128xf32, #tpu.memory_space<vmem>>
    %dma_start3A_51 = arith.constant 0 : i32
    %dma_start3A_52 = arith.constant 0 : i32
    %dma_start3A_53 = tpu.memref_slice %arg5[%dma_start3A_51, %dma_start3A_52] : memref<10000x128xf32, #tpu.memory_space<hbm>> -> memref<10000x128xf32, #tpu.memory_space<hbm>>
    tpu.enqueue_indirect_dma source(%dma_start3A_53 : memref<10000x128xf32, #tpu.memory_space<hbm>>) target(%dma_start3A_50 : memref<128x128xf32, #tpu.memory_space<vmem>>) offsets(%arg8 : memref<128xi32, #tpu.memory_space<vmem>>) semaphore(%arg14 : memref<!tpu.dma_semaphore, #tpu.memory_space<semaphore_mem>>)
    %barrier3A = arith.constant 0 : index
    tpu.barrier barrier_id(%barrier3A)
    %while3A = arith.constant 0 : i32
    %while3A_54 = arith.constant 0 : i32
    %while3A_55 = arith.subi %select_n3A_6, %while3A_54 : i32
    %while3A_56 = arith.addi %while3A_54, %while3A_55 : i32
    %while3A_57 = arith.constant 1 : i32
    %while3A_58 = arith.divsi %while3A_55, %while3A_57 : i32
    %while3A_59 = arith.muli %while3A_58, %while3A_57 : i32
    %while3A_60 = arith.addi %while3A_54, %while3A_59 : i32
    %while3A_61 = arith.constant 1 : i32
    scf.for %while3A_68 = %while3A_54 to %while3A_60 step %while3A_61  : i32 {
      %mul3A_69 = arith.constant 2 : i32
      %mul3A_70 = arith.muli %mul3A_69, %while3A_68 : i32
      %add3A_71 = arith.constant 0 : i32
      %add3A_72 = arith.addi %mul3A_70, %add3A_71 : i32
      %mul3A_73 = arith.constant 128 : i32
      %mul3A_74 = arith.muli %add3A_72, %mul3A_73 : i32
      %add3A_75 = arith.addi %select_n3A, %mul3A_74 : i32
      "tpu.region"() ({
        %run_scoped3A_115 = tpu.sem_alloc : memref<!tpu.dma_semaphore, #tpu.memory_space<semaphore_mem>>
        %dma_start3A_116 = tpu.memref_slice %arg3[%add3A_75] : memref<327680xi32, #tpu.memory_space<hbm>> -> memref<128xi32, #tpu.memory_space<hbm>>
        %dma_start3A_117 = tpu.memref_slice %arg3[%add3A_75] : memref<327680xi32, #tpu.memory_space<hbm>> -> memref<128xi32, #tpu.memory_space<hbm>>
        tpu.enqueue_dma source(%dma_start3A_117 : memref<128xi32, #tpu.memory_space<hbm>>) target(%arg9 : memref<128xi32, #tpu.memory_space<vmem>>) target_semaphore(%run_scoped3A_115 : memref<!tpu.dma_semaphore, #tpu.memory_space<semaphore_mem>>)
        %dma_wait3A_118 = tpu.memref_slice %arg3[%add3A_75] : memref<327680xi32, #tpu.memory_space<hbm>> -> memref<128xi32, #tpu.memory_space<hbm>>
        %dma_wait3A_119 = tpu.memref_slice %arg3[%add3A_75] : memref<327680xi32, #tpu.memory_space<hbm>> -> memref<128xi32, #tpu.memory_space<hbm>>
        tpu.wait_dma2 semaphore(%run_scoped3A_115 : memref<!tpu.dma_semaphore, #tpu.memory_space<semaphore_mem>>) src(%dma_wait3A_119 : memref<128xi32, #tpu.memory_space<hbm>>) dst(%arg9 : memref<128xi32, #tpu.memory_space<vmem>>)
        tpu.yield
      }) : () -> ()
      %dma_wait3A = arith.constant 0 : i32
      %dma_wait3A_76 = arith.constant 0 : i32
      %dma_wait3A_77 = arith.constant 0 : i32
      %dma_wait3A_78 = tpu.memref_slice %arg12[%dma_wait3A, %dma_wait3A_76, %dma_wait3A_77] : memref<2x128x128xf32, #tpu.memory_space<vmem>> -> memref<1x128x128xf32, #tpu.memory_space<vmem>>
      %dma_wait3A_79 = tpu.memref_squeeze %dma_wait3A_78 : memref<1x128x128xf32, #tpu.memory_space<vmem>> -> memref<128x128xf32, #tpu.memory_space<vmem>>
      %dma_wait3A_80 = arith.constant 0 : i32
      %dma_wait3A_81 = arith.constant 0 : i32
      %dma_wait3A_82 = tpu.memref_slice %arg5[%dma_wait3A_80, %dma_wait3A_81] : memref<10000x128xf32, #tpu.memory_space<hbm>> -> memref<10000x128xf32, #tpu.memory_space<hbm>>
      tpu.wait_indirect_dma semaphore(%arg13 : memref<!tpu.dma_semaphore, #tpu.memory_space<semaphore_mem>>) src(%dma_wait3A_82 : memref<10000x128xf32, #tpu.memory_space<hbm>>) dst(%dma_wait3A_79 : memref<128x128xf32, #tpu.memory_space<vmem>>)
      %parallel_loop3A = arith.constant 0 : i32
      %parallel_loop3A_83 = arith.constant 128 : i32
      %parallel_loop3A_84 = arith.constant 1 : i32
      scf.for %parallel_loop3A_115 = %parallel_loop3A to %parallel_loop3A_83 step %parallel_loop3A_84  : i32 {
        %parallel_loop3A_116 = arith.constant 128 : i32
        %parallel_loop3A_117 = arith.muli %add3A_72, %parallel_loop3A_116 : i32
        %parallel_loop3A_118 = arith.addi %parallel_loop3A_117, %parallel_loop3A_115 : i32
        %parallel_loop3A_119 = vector.broadcast %parallel_loop3A_118 : i32 to vector<16xi32>
        %parallel_loop3A_120 = tpu.vector_load_idx %arg11[%parallel_loop3A_119] : memref<13568xf32, #tpu.memory_space<vmem>>[vector<16xi32>], vector<16xf32>,
        %parallel_loop3A_121 = arith.constant 0 : i32
        %parallel_loop3A_122 = arith.index_cast %parallel_loop3A_121 : i32 to index
        %parallel_loop3A_123 = arith.index_cast %parallel_loop3A_115 : i32 to index
        %parallel_loop3A_124 = arith.constant 0 : index
        %parallel_loop3A_125 = tpu.vector_load %arg12[%parallel_loop3A_122, %parallel_loop3A_123, %parallel_loop3A_124] {strides = array<i32>} : memref<2x128x128xf32, #tpu.memory_space<vmem>>, vector<16xf32>,
        %parallel_loop3A_126 = arith.mulf %parallel_loop3A_125, %parallel_loop3A_120 : vector<16xf32>
        %parallel_loop3A_127 = arith.constant 0 : i32
        %parallel_loop3A_128 = arith.index_cast %parallel_loop3A_127 : i32 to index
        %parallel_loop3A_129 = arith.index_cast %parallel_loop3A_115 : i32 to index
        %parallel_loop3A_130 = arith.constant 0 : index
        %parallel_loop3A_131 = tpu.vector_load %arg12[%parallel_loop3A_128, %parallel_loop3A_129, %parallel_loop3A_130] {strides = array<i32>} : memref<2x128x128xf32, #tpu.memory_space<vmem>>, vector<16xf32>,
        tpu.vector_store %arg12[%parallel_loop3A_128, %parallel_loop3A_129, %parallel_loop3A_130], %parallel_loop3A_126 {strides = array<i32>} : memref<2x128x128xf32, #tpu.memory_space<vmem>>, vector<16xf32>,
        %parallel_loop3A_132 = arith.constant 0 : i32
        %parallel_loop3A_133 = arith.index_cast %parallel_loop3A_132 : i32 to index
        %parallel_loop3A_134 = arith.index_cast %parallel_loop3A_115 : i32 to index
        %parallel_loop3A_135 = arith.constant 16 : index
        %parallel_loop3A_136 = tpu.vector_load %arg12[%parallel_loop3A_133, %parallel_loop3A_134, %parallel_loop3A_135] {strides = array<i32>} : memref<2x128x128xf32, #tpu.memory_space<vmem>>, vector<16xf32>,
        %parallel_loop3A_137 = arith.mulf %parallel_loop3A_136, %parallel_loop3A_120 : vector<16xf32>
        %parallel_loop3A_138 = arith.constant 0 : i32
        %parallel_loop3A_139 = arith.index_cast %parallel_loop3A_138 : i32 to index
        %parallel_loop3A_140 = arith.index_cast %parallel_loop3A_115 : i32 to index
        %parallel_loop3A_141 = arith.constant 16 : index
        %parallel_loop3A_142 = tpu.vector_load %arg12[%parallel_loop3A_139, %parallel_loop3A_140, %parallel_loop3A_141] {strides = array<i32>} : memref<2x128x128xf32, #tpu.memory_space<vmem>>, vector<16xf32>,
        tpu.vector_store %arg12[%parallel_loop3A_139, %parallel_loop3A_140, %parallel_loop3A_141], %parallel_loop3A_137 {strides = array<i32>} : memref<2x128x128xf32, #tpu.memory_space<vmem>>, vector<16xf32>,
        %parallel_loop3A_143 = arith.constant 0 : i32
        %parallel_loop3A_144 = arith.index_cast %parallel_loop3A_143 : i32 to index
        %parallel_loop3A_145 = arith.index_cast %parallel_loop3A_115 : i32 to index
        %parallel_loop3A_146 = arith.constant 32 : index
        %parallel_loop3A_147 = tpu.vector_load %arg12[%parallel_loop3A_144, %parallel_loop3A_145, %parallel_loop3A_146] {strides = array<i32>} : memref<2x128x128xf32, #tpu.memory_space<vmem>>, vector<16xf32>,
        %parallel_loop3A_148 = arith.mulf %parallel_loop3A_147, %parallel_loop3A_120 : vector<16xf32>
        %parallel_loop3A_149 = arith.constant 0 : i32
        %parallel_loop3A_150 = arith.index_cast %parallel_loop3A_149 : i32 to index
        %parallel_loop3A_151 = arith.index_cast %parallel_loop3A_115 : i32 to index
        %parallel_loop3A_152 = arith.constant 32 : index
        %parallel_loop3A_153 = tpu.vector_load %arg12[%parallel_loop3A_150, %parallel_loop3A_151, %parallel_loop3A_152] {strides = array<i32>} : memref<2x128x128xf32, #tpu.memory_space<vmem>>, vector<16xf32>,
        tpu.vector_store %arg12[%parallel_loop3A_150, %parallel_loop3A_151, %parallel_loop3A_152], %parallel_loop3A_148 {strides = array<i32>} : memref<2x128x128xf32, #tpu.memory_space<vmem>>, vector<16xf32>,
        %parallel_loop3A_154 = arith.constant 0 : i32
        %parallel_loop3A_155 = arith.index_cast %parallel_loop3A_154 : i32 to index
        %parallel_loop3A_156 = arith.index_cast %parallel_loop3A_115 : i32 to index
        %parallel_loop3A_157 = arith.constant 48 : index
        %parallel_loop3A_158 = tpu.vector_load %arg12[%parallel_loop3A_155, %parallel_loop3A_156, %parallel_loop3A_157] {strides = array<i32>} : memref<2x128x128xf32, #tpu.memory_space<vmem>>, vector<16xf32>,
        %parallel_loop3A_159 = arith.mulf %parallel_loop3A_158, %parallel_loop3A_120 : vector<16xf32>
        %parallel_loop3A_160 = arith.constant 0 : i32
        %parallel_loop3A_161 = arith.index_cast %parallel_loop3A_160 : i32 to index
        %parallel_loop3A_162 = arith.index_cast %parallel_loop3A_115 : i32 to index
        %parallel_loop3A_163 = arith.constant 48 : index
        %parallel_loop3A_164 = tpu.vector_load %arg12[%parallel_loop3A_161, %parallel_loop3A_162, %parallel_loop3A_163] {strides = array<i32>} : memref<2x128x128xf32, #tpu.memory_space<vmem>>, vector<16xf32>,
        tpu.vector_store %arg12[%parallel_loop3A_161, %parallel_loop3A_162, %parallel_loop3A_163], %parallel_loop3A_159 {strides = array<i32>} : memref<2x128x128xf32, #tpu.memory_space<vmem>>, vector<16xf32>,
        %parallel_loop3A_165 = arith.constant 0 : i32
        %parallel_loop3A_166 = arith.index_cast %parallel_loop3A_165 : i32 to index
        %parallel_loop3A_167 = arith.index_cast %parallel_loop3A_115 : i32 to index
        %parallel_loop3A_168 = arith.constant 64 : index
        %parallel_loop3A_169 = tpu.vector_load %arg12[%parallel_loop3A_166, %parallel_loop3A_167, %parallel_loop3A_168] {strides = array<i32>} : memref<2x128x128xf32, #tpu.memory_space<vmem>>, vector<16xf32>,
        %parallel_loop3A_170 = arith.mulf %parallel_loop3A_169, %parallel_loop3A_120 : vector<16xf32>
        %parallel_loop3A_171 = arith.constant 0 : i32
        %parallel_loop3A_172 = arith.index_cast %parallel_loop3A_171 : i32 to index
        %parallel_loop3A_173 = arith.index_cast %parallel_loop3A_115 : i32 to index
        %parallel_loop3A_174 = arith.constant 64 : index
        %parallel_loop3A_175 = tpu.vector_load %arg12[%parallel_loop3A_172, %parallel_loop3A_173, %parallel_loop3A_174] {strides = array<i32>} : memref<2x128x128xf32, #tpu.memory_space<vmem>>, vector<16xf32>,
        tpu.vector_store %arg12[%parallel_loop3A_172, %parallel_loop3A_173, %parallel_loop3A_174], %parallel_loop3A_170 {strides = array<i32>} : memref<2x128x128xf32, #tpu.memory_space<vmem>>, vector<16xf32>,
        %parallel_loop3A_176 = arith.constant 0 : i32
        %parallel_loop3A_177 = arith.index_cast %parallel_loop3A_176 : i32 to index
        %parallel_loop3A_178 = arith.index_cast %parallel_loop3A_115 : i32 to index
        %parallel_loop3A_179 = arith.constant 80 : index
        %parallel_loop3A_180 = tpu.vector_load %arg12[%parallel_loop3A_177, %parallel_loop3A_178, %parallel_loop3A_179] {strides = array<i32>} : memref<2x128x128xf32, #tpu.memory_space<vmem>>, vector<16xf32>,
        %parallel_loop3A_181 = arith.mulf %parallel_loop3A_180, %parallel_loop3A_120 : vector<16xf32>
        %parallel_loop3A_182 = arith.constant 0 : i32
        %parallel_loop3A_183 = arith.index_cast %parallel_loop3A_182 : i32 to index
        %parallel_loop3A_184 = arith.index_cast %parallel_loop3A_115 : i32 to index
        %parallel_loop3A_185 = arith.constant 80 : index
        %parallel_loop3A_186 = tpu.vector_load %arg12[%parallel_loop3A_183, %parallel_loop3A_184, %parallel_loop3A_185] {strides = array<i32>} : memref<2x128x128xf32, #tpu.memory_space<vmem>>, vector<16xf32>,
        tpu.vector_store %arg12[%parallel_loop3A_183, %parallel_loop3A_184, %parallel_loop3A_185], %parallel_loop3A_181 {strides = array<i32>} : memref<2x128x128xf32, #tpu.memory_space<vmem>>, vector<16xf32>,
        %parallel_loop3A_187 = arith.constant 0 : i32
        %parallel_loop3A_188 = arith.index_cast %parallel_loop3A_187 : i32 to index
        %parallel_loop3A_189 = arith.index_cast %parallel_loop3A_115 : i32 to index
        %parallel_loop3A_190 = arith.constant 96 : index
        %parallel_loop3A_191 = tpu.vector_load %arg12[%parallel_loop3A_188, %parallel_loop3A_189, %parallel_loop3A_190] {strides = array<i32>} : memref<2x128x128xf32, #tpu.memory_space<vmem>>, vector<16xf32>,
        %parallel_loop3A_192 = arith.mulf %parallel_loop3A_191, %parallel_loop3A_120 : vector<16xf32>
        %parallel_loop3A_193 = arith.constant 0 : i32
        %parallel_loop3A_194 = arith.index_cast %parallel_loop3A_193 : i32 to index
        %parallel_loop3A_195 = arith.index_cast %parallel_loop3A_115 : i32 to index
        %parallel_loop3A_196 = arith.constant 96 : index
        %parallel_loop3A_197 = tpu.vector_load %arg12[%parallel_loop3A_194, %parallel_loop3A_195, %parallel_loop3A_196] {strides = array<i32>} : memref<2x128x128xf32, #tpu.memory_space<vmem>>, vector<16xf32>,
        tpu.vector_store %arg12[%parallel_loop3A_194, %parallel_loop3A_195, %parallel_loop3A_196], %parallel_loop3A_192 {strides = array<i32>} : memref<2x128x128xf32, #tpu.memory_space<vmem>>, vector<16xf32>,
        %parallel_loop3A_198 = arith.constant 0 : i32
        %parallel_loop3A_199 = arith.index_cast %parallel_loop3A_198 : i32 to index
        %parallel_loop3A_200 = arith.index_cast %parallel_loop3A_115 : i32 to index
        %parallel_loop3A_201 = arith.constant 112 : index
        %parallel_loop3A_202 = tpu.vector_load %arg12[%parallel_loop3A_199, %parallel_loop3A_200, %parallel_loop3A_201] {strides = array<i32>} : memref<2x128x128xf32, #tpu.memory_space<vmem>>, vector<16xf32>,
        %parallel_loop3A_203 = arith.mulf %parallel_loop3A_202, %parallel_loop3A_120 : vector<16xf32>
        %parallel_loop3A_204 = arith.constant 0 : i32
        %parallel_loop3A_205 = arith.index_cast %parallel_loop3A_204 : i32 to index
        %parallel_loop3A_206 = arith.index_cast %parallel_loop3A_115 : i32 to index
        %parallel_loop3A_207 = arith.constant 112 : index
        %parallel_loop3A_208 = tpu.vector_load %arg12[%parallel_loop3A_205, %parallel_loop3A_206, %parallel_loop3A_207] {strides = array<i32>} : memref<2x128x128xf32, #tpu.memory_space<vmem>>, vector<16xf32>,
        tpu.vector_store %arg12[%parallel_loop3A_205, %parallel_loop3A_206, %parallel_loop3A_207], %parallel_loop3A_203 {strides = array<i32>} : memref<2x128x128xf32, #tpu.memory_space<vmem>>, vector<16xf32>,
      } {sc.loop_unroll_factor = 4 : i64, sc.parallel_access}
      %run_scoped3A_85 = arith.constant 0 : i32
      "tpu.region"() ({
        %run_scoped3A_115 = tpu.sem_alloc : memref<!tpu.dma_semaphore, #tpu.memory_space<semaphore_mem>>
        %dma_start3A_116 = arith.constant 0 : i32
        %dma_start3A_117 = arith.constant 0 : i32
        %dma_start3A_118 = tpu.memref_slice %arg12[%run_scoped3A_85, %dma_start3A_116, %dma_start3A_117] : memref<2x128x128xf32, #tpu.memory_space<vmem>> -> memref<1x128x128xf32, #tpu.memory_space<vmem>>
        %dma_start3A_119 = tpu.memref_squeeze %dma_start3A_118 : memref<1x128x128xf32, #tpu.memory_space<vmem>> -> memref<128x128xf32, #tpu.memory_space<vmem>>
        %dma_start3A_120 = arith.constant 0 : i32
        %dma_start3A_121 = arith.constant 0 : i32
        %dma_start3A_122 = tpu.memref_slice %arg15[%dma_start3A_120, %dma_start3A_121] : memref<10240x128xf32, #tpu.memory_space<vmem_shared>> -> memref<10240x128xf32, #tpu.memory_space<vmem_shared>>
        tpu.enqueue_indirect_dma source(%dma_start3A_119 : memref<128x128xf32, #tpu.memory_space<vmem>>) target(%dma_start3A_122 : memref<10240x128xf32, #tpu.memory_space<vmem_shared>>) offsets(%arg9 : memref<128xi32, #tpu.memory_space<vmem>>) semaphore(%run_scoped3A_115 : memref<!tpu.dma_semaphore, #tpu.memory_space<semaphore_mem>>) {add = true}
        %dma_wait3A_123 = arith.constant 0 : i32
        %dma_wait3A_124 = arith.constant 0 : i32
        %dma_wait3A_125 = tpu.memref_slice %arg12[%run_scoped3A_85, %dma_wait3A_123, %dma_wait3A_124] : memref<2x128x128xf32, #tpu.memory_space<vmem>> -> memref<1x128x128xf32, #tpu.memory_space<vmem>>
        %dma_wait3A_126 = tpu.memref_squeeze %dma_wait3A_125 : memref<1x128x128xf32, #tpu.memory_space<vmem>> -> memref<128x128xf32, #tpu.memory_space<vmem>>
        %dma_wait3A_127 = arith.constant 0 : i32
        %dma_wait3A_128 = arith.constant 0 : i32
        %dma_wait3A_129 = tpu.memref_slice %arg15[%dma_wait3A_127, %dma_wait3A_128] : memref<10240x128xf32, #tpu.memory_space<vmem_shared>> -> memref<10240x128xf32, #tpu.memory_space<vmem_shared>>
        tpu.wait_indirect_dma semaphore(%run_scoped3A_115 : memref<!tpu.dma_semaphore, #tpu.memory_space<semaphore_mem>>) src(%dma_wait3A_126 : memref<128x128xf32, #tpu.memory_space<vmem>>) dst(%dma_wait3A_129 : memref<10240x128xf32, #tpu.memory_space<vmem_shared>>)
        tpu.yield
      }) : () -> ()
      %sub3A = arith.constant 1 : i32
      %sub3A_86 = arith.subi %select_n3A_6, %sub3A : i32
      %lt3A = arith.cmpi slt, %while3A_68, %sub3A_86 : i32
      %convert_element_type3A_87 = arith.extui %lt3A : i1 to i32
      %cond3A_88 = arith.constant 0 : i32
      %cond3A_89 = arith.cmpi ne, %convert_element_type3A_87, %cond3A_88 : i32
      scf.if %cond3A_89 {
        %add3A_115 = arith.constant 2 : i32
        %add3A_116 = arith.addi %add3A_72, %add3A_115 : i32
        %mul3A_117 = arith.constant 128 : i32
        %mul3A_118 = arith.muli %add3A_116, %mul3A_117 : i32
        %add3A_119 = arith.addi %select_n3A, %mul3A_118 : i32
        "tpu.region"() ({
          %run_scoped3A_128 = tpu.sem_alloc : memref<!tpu.dma_semaphore, #tpu.memory_space<semaphore_mem>>
          %dma_start3A_129 = tpu.memref_slice %arg2[%add3A_119] : memref<327680xi32, #tpu.memory_space<hbm>> -> memref<128xi32, #tpu.memory_space<hbm>>
          %dma_start3A_130 = tpu.memref_slice %arg2[%add3A_119] : memref<327680xi32, #tpu.memory_space<hbm>> -> memref<128xi32, #tpu.memory_space<hbm>>
          tpu.enqueue_dma source(%dma_start3A_130 : memref<128xi32, #tpu.memory_space<hbm>>) target(%arg7 : memref<128xi32, #tpu.memory_space<vmem>>) target_semaphore(%run_scoped3A_128 : memref<!tpu.dma_semaphore, #tpu.memory_space<semaphore_mem>>)
          %dma_wait3A_131 = tpu.memref_slice %arg2[%add3A_119] : memref<327680xi32, #tpu.memory_space<hbm>> -> memref<128xi32, #tpu.memory_space<hbm>>
          %dma_wait3A_132 = tpu.memref_slice %arg2[%add3A_119] : memref<327680xi32, #tpu.memory_space<hbm>> -> memref<128xi32, #tpu.memory_space<hbm>>
          tpu.wait_dma2 semaphore(%run_scoped3A_128 : memref<!tpu.dma_semaphore, #tpu.memory_space<semaphore_mem>>) src(%dma_wait3A_132 : memref<128xi32, #tpu.memory_space<hbm>>) dst(%arg7 : memref<128xi32, #tpu.memory_space<vmem>>)
          tpu.yield
        }) : () -> ()
        %dma_start3A_120 = arith.constant 0 : i32
        %dma_start3A_121 = arith.constant 0 : i32
        %dma_start3A_122 = arith.constant 0 : i32
        %dma_start3A_123 = tpu.memref_slice %arg12[%dma_start3A_120, %dma_start3A_121, %dma_start3A_122] : memref<2x128x128xf32, #tpu.memory_space<vmem>> -> memref<1x128x128xf32, #tpu.memory_space<vmem>>
        %dma_start3A_124 = tpu.memref_squeeze %dma_start3A_123 : memref<1x128x128xf32, #tpu.memory_space<vmem>> -> memref<128x128xf32, #tpu.memory_space<vmem>>
        %dma_start3A_125 = arith.constant 0 : i32
        %dma_start3A_126 = arith.constant 0 : i32
        %dma_start3A_127 = tpu.memref_slice %arg5[%dma_start3A_125, %dma_start3A_126] : memref<10000x128xf32, #tpu.memory_space<hbm>> -> memref<10000x128xf32, #tpu.memory_space<hbm>>
        tpu.enqueue_indirect_dma source(%dma_start3A_127 : memref<10000x128xf32, #tpu.memory_space<hbm>>) target(%dma_start3A_124 : memref<128x128xf32, #tpu.memory_space<vmem>>) offsets(%arg7 : memref<128xi32, #tpu.memory_space<vmem>>) semaphore(%arg13 : memref<!tpu.dma_semaphore, #tpu.memory_space<semaphore_mem>>)
      } else {
      }
      %mul3A_90 = arith.constant 2 : i32
      %mul3A_91 = arith.muli %mul3A_90, %while3A_68 : i32
      %add3A_92 = arith.constant 1 : i32
      %add3A_93 = arith.addi %mul3A_91, %add3A_92 : i32
      %mul3A_94 = arith.constant 128 : i32
      %mul3A_95 = arith.muli %add3A_93, %mul3A_94 : i32
      %add3A_96 = arith.addi %select_n3A, %mul3A_95 : i32
      "tpu.region"() ({
        %run_scoped3A_115 = tpu.sem_alloc : memref<!tpu.dma_semaphore, #tpu.memory_space<semaphore_mem>>
        %dma_start3A_116 = tpu.memref_slice %arg3[%add3A_96] : memref<327680xi32, #tpu.memory_space<hbm>> -> memref<128xi32, #tpu.memory_space<hbm>>
        %dma_start3A_117 = tpu.memref_slice %arg3[%add3A_96] : memref<327680xi32, #tpu.memory_space<hbm>> -> memref<128xi32, #tpu.memory_space<hbm>>
        tpu.enqueue_dma source(%dma_start3A_117 : memref<128xi32, #tpu.memory_space<hbm>>) target(%arg10 : memref<128xi32, #tpu.memory_space<vmem>>) target_semaphore(%run_scoped3A_115 : memref<!tpu.dma_semaphore, #tpu.memory_space<semaphore_mem>>)
        %dma_wait3A_118 = tpu.memref_slice %arg3[%add3A_96] : memref<327680xi32, #tpu.memory_space<hbm>> -> memref<128xi32, #tpu.memory_space<hbm>>
        %dma_wait3A_119 = tpu.memref_slice %arg3[%add3A_96] : memref<327680xi32, #tpu.memory_space<hbm>> -> memref<128xi32, #tpu.memory_space<hbm>>
        tpu.wait_dma2 semaphore(%run_scoped3A_115 : memref<!tpu.dma_semaphore, #tpu.memory_space<semaphore_mem>>) src(%dma_wait3A_119 : memref<128xi32, #tpu.memory_space<hbm>>) dst(%arg10 : memref<128xi32, #tpu.memory_space<vmem>>)
        tpu.yield
      }) : () -> ()
      %dma_wait3A_97 = arith.constant 1 : i32
      %dma_wait3A_98 = arith.constant 0 : i32
      %dma_wait3A_99 = arith.constant 0 : i32
      %dma_wait3A_100 = tpu.memref_slice %arg12[%dma_wait3A_97, %dma_wait3A_98, %dma_wait3A_99] : memref<2x128x128xf32, #tpu.memory_space<vmem>> -> memref<1x128x128xf32, #tpu.memory_space<vmem>>
      %dma_wait3A_101 = tpu.memref_squeeze %dma_wait3A_100 : memref<1x128x128xf32, #tpu.memory_space<vmem>> -> memref<128x128xf32, #tpu.memory_space<vmem>>
      %dma_wait3A_102 = arith.constant 0 : i32
      %dma_wait3A_103 = arith.constant 0 : i32
      %dma_wait3A_104 = tpu.memref_slice %arg5[%dma_wait3A_102, %dma_wait3A_103] : memref<10000x128xf32, #tpu.memory_space<hbm>> -> memref<10000x128xf32, #tpu.memory_space<hbm>>
      tpu.wait_indirect_dma semaphore(%arg14 : memref<!tpu.dma_semaphore, #tpu.memory_space<semaphore_mem>>) src(%dma_wait3A_104 : memref<10000x128xf32, #tpu.memory_space<hbm>>) dst(%dma_wait3A_101 : memref<128x128xf32, #tpu.memory_space<vmem>>)
      %parallel_loop3A_105 = arith.constant 0 : i32
      %parallel_loop3A_106 = arith.constant 128 : i32
      %parallel_loop3A_107 = arith.constant 1 : i32
      scf.for %parallel_loop3A_115 = %parallel_loop3A_105 to %parallel_loop3A_106 step %parallel_loop3A_107  : i32 {
        %parallel_loop3A_116 = arith.constant 128 : i32
        %parallel_loop3A_117 = arith.muli %add3A_93, %parallel_loop3A_116 : i32
        %parallel_loop3A_118 = arith.addi %parallel_loop3A_117, %parallel_loop3A_115 : i32
        %parallel_loop3A_119 = vector.broadcast %parallel_loop3A_118 : i32 to vector<16xi32>
        %parallel_loop3A_120 = tpu.vector_load_idx %arg11[%parallel_loop3A_119] : memref<13568xf32, #tpu.memory_space<vmem>>[vector<16xi32>], vector<16xf32>,
        %parallel_loop3A_121 = arith.constant 1 : i32
        %parallel_loop3A_122 = arith.index_cast %parallel_loop3A_121 : i32 to index
        %parallel_loop3A_123 = arith.index_cast %parallel_loop3A_115 : i32 to index
        %parallel_loop3A_124 = arith.constant 0 : index
        %parallel_loop3A_125 = tpu.vector_load %arg12[%parallel_loop3A_122, %parallel_loop3A_123, %parallel_loop3A_124] {strides = array<i32>} : memref<2x128x128xf32, #tpu.memory_space<vmem>>, vector<16xf32>,
        %parallel_loop3A_126 = arith.mulf %parallel_loop3A_125, %parallel_loop3A_120 : vector<16xf32>
        %parallel_loop3A_127 = arith.constant 1 : i32
        %parallel_loop3A_128 = arith.index_cast %parallel_loop3A_127 : i32 to index
        %parallel_loop3A_129 = arith.index_cast %parallel_loop3A_115 : i32 to index
        %parallel_loop3A_130 = arith.constant 0 : index
        %parallel_loop3A_131 = tpu.vector_load %arg12[%parallel_loop3A_128, %parallel_loop3A_129, %parallel_loop3A_130] {strides = array<i32>} : memref<2x128x128xf32, #tpu.memory_space<vmem>>, vector<16xf32>,
        tpu.vector_store %arg12[%parallel_loop3A_128, %parallel_loop3A_129, %parallel_loop3A_130], %parallel_loop3A_126 {strides = array<i32>} : memref<2x128x128xf32, #tpu.memory_space<vmem>>, vector<16xf32>,
        %parallel_loop3A_132 = arith.constant 1 : i32
        %parallel_loop3A_133 = arith.index_cast %parallel_loop3A_132 : i32 to index
        %parallel_loop3A_134 = arith.index_cast %parallel_loop3A_115 : i32 to index
        %parallel_loop3A_135 = arith.constant 16 : index
        %parallel_loop3A_136 = tpu.vector_load %arg12[%parallel_loop3A_133, %parallel_loop3A_134, %parallel_loop3A_135] {strides = array<i32>} : memref<2x128x128xf32, #tpu.memory_space<vmem>>, vector<16xf32>,
        %parallel_loop3A_137 = arith.mulf %parallel_loop3A_136, %parallel_loop3A_120 : vector<16xf32>
        %parallel_loop3A_138 = arith.constant 1 : i32
        %parallel_loop3A_139 = arith.index_cast %parallel_loop3A_138 : i32 to index
        %parallel_loop3A_140 = arith.index_cast %parallel_loop3A_115 : i32 to index
        %parallel_loop3A_141 = arith.constant 16 : index
        %parallel_loop3A_142 = tpu.vector_load %arg12[%parallel_loop3A_139, %parallel_loop3A_140, %parallel_loop3A_141] {strides = array<i32>} : memref<2x128x128xf32, #tpu.memory_space<vmem>>, vector<16xf32>,
        tpu.vector_store %arg12[%parallel_loop3A_139, %parallel_loop3A_140, %parallel_loop3A_141], %parallel_loop3A_137 {strides = array<i32>} : memref<2x128x128xf32, #tpu.memory_space<vmem>>, vector<16xf32>,
        %parallel_loop3A_143 = arith.constant 1 : i32
        %parallel_loop3A_144 = arith.index_cast %parallel_loop3A_143 : i32 to index
        %parallel_loop3A_145 = arith.index_cast %parallel_loop3A_115 : i32 to index
        %parallel_loop3A_146 = arith.constant 32 : index
        %parallel_loop3A_147 = tpu.vector_load %arg12[%parallel_loop3A_144, %parallel_loop3A_145, %parallel_loop3A_146] {strides = array<i32>} : memref<2x128x128xf32, #tpu.memory_space<vmem>>, vector<16xf32>,
        %parallel_loop3A_148 = arith.mulf %parallel_loop3A_147, %parallel_loop3A_120 : vector<16xf32>
        %parallel_loop3A_149 = arith.constant 1 : i32
        %parallel_loop3A_150 = arith.index_cast %parallel_loop3A_149 : i32 to index
        %parallel_loop3A_151 = arith.index_cast %parallel_loop3A_115 : i32 to index
        %parallel_loop3A_152 = arith.constant 32 : index
        %parallel_loop3A_153 = tpu.vector_load %arg12[%parallel_loop3A_150, %parallel_loop3A_151, %parallel_loop3A_152] {strides = array<i32>} : memref<2x128x128xf32, #tpu.memory_space<vmem>>, vector<16xf32>,
        tpu.vector_store %arg12[%parallel_loop3A_150, %parallel_loop3A_151, %parallel_loop3A_152], %parallel_loop3A_148 {strides = array<i32>} : memref<2x128x128xf32, #tpu.memory_space<vmem>>, vector<16xf32>,
        %parallel_loop3A_154 = arith.constant 1 : i32
        %parallel_loop3A_155 = arith.index_cast %parallel_loop3A_154 : i32 to index
        %parallel_loop3A_156 = arith.index_cast %parallel_loop3A_115 : i32 to index
        %parallel_loop3A_157 = arith.constant 48 : index
        %parallel_loop3A_158 = tpu.vector_load %arg12[%parallel_loop3A_155, %parallel_loop3A_156, %parallel_loop3A_157] {strides = array<i32>} : memref<2x128x128xf32, #tpu.memory_space<vmem>>, vector<16xf32>,
        %parallel_loop3A_159 = arith.mulf %parallel_loop3A_158, %parallel_loop3A_120 : vector<16xf32>
        %parallel_loop3A_160 = arith.constant 1 : i32
        %parallel_loop3A_161 = arith.index_cast %parallel_loop3A_160 : i32 to index
        %parallel_loop3A_162 = arith.index_cast %parallel_loop3A_115 : i32 to index
        %parallel_loop3A_163 = arith.constant 48 : index
        %parallel_loop3A_164 = tpu.vector_load %arg12[%parallel_loop3A_161, %parallel_loop3A_162, %parallel_loop3A_163] {strides = array<i32>} : memref<2x128x128xf32, #tpu.memory_space<vmem>>, vector<16xf32>,
        tpu.vector_store %arg12[%parallel_loop3A_161, %parallel_loop3A_162, %parallel_loop3A_163], %parallel_loop3A_159 {strides = array<i32>} : memref<2x128x128xf32, #tpu.memory_space<vmem>>, vector<16xf32>,
        %parallel_loop3A_165 = arith.constant 1 : i32
        %parallel_loop3A_166 = arith.index_cast %parallel_loop3A_165 : i32 to index
        %parallel_loop3A_167 = arith.index_cast %parallel_loop3A_115 : i32 to index
        %parallel_loop3A_168 = arith.constant 64 : index
        %parallel_loop3A_169 = tpu.vector_load %arg12[%parallel_loop3A_166, %parallel_loop3A_167, %parallel_loop3A_168] {strides = array<i32>} : memref<2x128x128xf32, #tpu.memory_space<vmem>>, vector<16xf32>,
        %parallel_loop3A_170 = arith.mulf %parallel_loop3A_169, %parallel_loop3A_120 : vector<16xf32>
        %parallel_loop3A_171 = arith.constant 1 : i32
        %parallel_loop3A_172 = arith.index_cast %parallel_loop3A_171 : i32 to index
        %parallel_loop3A_173 = arith.index_cast %parallel_loop3A_115 : i32 to index
        %parallel_loop3A_174 = arith.constant 64 : index
        %parallel_loop3A_175 = tpu.vector_load %arg12[%parallel_loop3A_172, %parallel_loop3A_173, %parallel_loop3A_174] {strides = array<i32>} : memref<2x128x128xf32, #tpu.memory_space<vmem>>, vector<16xf32>,
        tpu.vector_store %arg12[%parallel_loop3A_172, %parallel_loop3A_173, %parallel_loop3A_174], %parallel_loop3A_170 {strides = array<i32>} : memref<2x128x128xf32, #tpu.memory_space<vmem>>, vector<16xf32>,
        %parallel_loop3A_176 = arith.constant 1 : i32
        %parallel_loop3A_177 = arith.index_cast %parallel_loop3A_176 : i32 to index
        %parallel_loop3A_178 = arith.index_cast %parallel_loop3A_115 : i32 to index
        %parallel_loop3A_179 = arith.constant 80 : index
        %parallel_loop3A_180 = tpu.vector_load %arg12[%parallel_loop3A_177, %parallel_loop3A_178, %parallel_loop3A_179] {strides = array<i32>} : memref<2x128x128xf32, #tpu.memory_space<vmem>>, vector<16xf32>,
        %parallel_loop3A_181 = arith.mulf %parallel_loop3A_180, %parallel_loop3A_120 : vector<16xf32>
        %parallel_loop3A_182 = arith.constant 1 : i32
        %parallel_loop3A_183 = arith.index_cast %parallel_loop3A_182 : i32 to index
        %parallel_loop3A_184 = arith.index_cast %parallel_loop3A_115 : i32 to index
        %parallel_loop3A_185 = arith.constant 80 : index
        %parallel_loop3A_186 = tpu.vector_load %arg12[%parallel_loop3A_183, %parallel_loop3A_184, %parallel_loop3A_185] {strides = array<i32>} : memref<2x128x128xf32, #tpu.memory_space<vmem>>, vector<16xf32>,
        tpu.vector_store %arg12[%parallel_loop3A_183, %parallel_loop3A_184, %parallel_loop3A_185], %parallel_loop3A_181 {strides = array<i32>} : memref<2x128x128xf32, #tpu.memory_space<vmem>>, vector<16xf32>,
        %parallel_loop3A_187 = arith.constant 1 : i32
        %parallel_loop3A_188 = arith.index_cast %parallel_loop3A_187 : i32 to index
        %parallel_loop3A_189 = arith.index_cast %parallel_loop3A_115 : i32 to index
        %parallel_loop3A_190 = arith.constant 96 : index
        %parallel_loop3A_191 = tpu.vector_load %arg12[%parallel_loop3A_188, %parallel_loop3A_189, %parallel_loop3A_190] {strides = array<i32>} : memref<2x128x128xf32, #tpu.memory_space<vmem>>, vector<16xf32>,
        %parallel_loop3A_192 = arith.mulf %parallel_loop3A_191, %parallel_loop3A_120 : vector<16xf32>
        %parallel_loop3A_193 = arith.constant 1 : i32
        %parallel_loop3A_194 = arith.index_cast %parallel_loop3A_193 : i32 to index
        %parallel_loop3A_195 = arith.index_cast %parallel_loop3A_115 : i32 to index
        %parallel_loop3A_196 = arith.constant 96 : index
        %parallel_loop3A_197 = tpu.vector_load %arg12[%parallel_loop3A_194, %parallel_loop3A_195, %parallel_loop3A_196] {strides = array<i32>} : memref<2x128x128xf32, #tpu.memory_space<vmem>>, vector<16xf32>,
        tpu.vector_store %arg12[%parallel_loop3A_194, %parallel_loop3A_195, %parallel_loop3A_196], %parallel_loop3A_192 {strides = array<i32>} : memref<2x128x128xf32, #tpu.memory_space<vmem>>, vector<16xf32>,
        %parallel_loop3A_198 = arith.constant 1 : i32
        %parallel_loop3A_199 = arith.index_cast %parallel_loop3A_198 : i32 to index
        %parallel_loop3A_200 = arith.index_cast %parallel_loop3A_115 : i32 to index
        %parallel_loop3A_201 = arith.constant 112 : index
        %parallel_loop3A_202 = tpu.vector_load %arg12[%parallel_loop3A_199, %parallel_loop3A_200, %parallel_loop3A_201] {strides = array<i32>} : memref<2x128x128xf32, #tpu.memory_space<vmem>>, vector<16xf32>,
        %parallel_loop3A_203 = arith.mulf %parallel_loop3A_202, %parallel_loop3A_120 : vector<16xf32>
        %parallel_loop3A_204 = arith.constant 1 : i32
        %parallel_loop3A_205 = arith.index_cast %parallel_loop3A_204 : i32 to index
        %parallel_loop3A_206 = arith.index_cast %parallel_loop3A_115 : i32 to index
        %parallel_loop3A_207 = arith.constant 112 : index
        %parallel_loop3A_208 = tpu.vector_load %arg12[%parallel_loop3A_205, %parallel_loop3A_206, %parallel_loop3A_207] {strides = array<i32>} : memref<2x128x128xf32, #tpu.memory_space<vmem>>, vector<16xf32>,
        tpu.vector_store %arg12[%parallel_loop3A_205, %parallel_loop3A_206, %parallel_loop3A_207], %parallel_loop3A_203 {strides = array<i32>} : memref<2x128x128xf32, #tpu.memory_space<vmem>>, vector<16xf32>,
      } {sc.loop_unroll_factor = 4 : i64, sc.parallel_access}
      %run_scoped3A_108 = arith.constant 1 : i32
      "tpu.region"() ({
        %run_scoped3A_115 = tpu.sem_alloc : memref<!tpu.dma_semaphore, #tpu.memory_space<semaphore_mem>>
        %dma_start3A_116 = arith.constant 0 : i32
        %dma_start3A_117 = arith.constant 0 : i32
        %dma_start3A_118 = tpu.memref_slice %arg12[%run_scoped3A_108, %dma_start3A_116, %dma_start3A_117] : memref<2x128x128xf32, #tpu.memory_space<vmem>> -> memref<1x128x128xf32, #tpu.memory_space<vmem>>
        %dma_start3A_119 = tpu.memref_squeeze %dma_start3A_118 : memref<1x128x128xf32, #tpu.memory_space<vmem>> -> memref<128x128xf32, #tpu.memory_space<vmem>>
        %dma_start3A_120 = arith.constant 0 : i32
        %dma_start3A_121 = arith.constant 0 : i32
        %dma_start3A_122 = tpu.memref_slice %arg15[%dma_start3A_120, %dma_start3A_121] : memref<10240x128xf32, #tpu.memory_space<vmem_shared>> -> memref<10240x128xf32, #tpu.memory_space<vmem_shared>>
        tpu.enqueue_indirect_dma source(%dma_start3A_119 : memref<128x128xf32, #tpu.memory_space<vmem>>) target(%dma_start3A_122 : memref<10240x128xf32, #tpu.memory_space<vmem_shared>>) offsets(%arg10 : memref<128xi32, #tpu.memory_space<vmem>>) semaphore(%run_scoped3A_115 : memref<!tpu.dma_semaphore, #tpu.memory_space<semaphore_mem>>) {add = true}
        %dma_wait3A_123 = arith.constant 0 : i32
        %dma_wait3A_124 = arith.constant 0 : i32
        %dma_wait3A_125 = tpu.memref_slice %arg12[%run_scoped3A_108, %dma_wait3A_123, %dma_wait3A_124] : memref<2x128x128xf32, #tpu.memory_space<vmem>> -> memref<1x128x128xf32, #tpu.memory_space<vmem>>
        %dma_wait3A_126 = tpu.memref_squeeze %dma_wait3A_125 : memref<1x128x128xf32, #tpu.memory_space<vmem>> -> memref<128x128xf32, #tpu.memory_space<vmem>>
        %dma_wait3A_127 = arith.constant 0 : i32
        %dma_wait3A_128 = arith.constant 0 : i32
        %dma_wait3A_129 = tpu.memref_slice %arg15[%dma_wait3A_127, %dma_wait3A_128] : memref<10240x128xf32, #tpu.memory_space<vmem_shared>> -> memref<10240x128xf32, #tpu.memory_space<vmem_shared>>
        tpu.wait_indirect_dma semaphore(%run_scoped3A_115 : memref<!tpu.dma_semaphore, #tpu.memory_space<semaphore_mem>>) src(%dma_wait3A_126 : memref<128x128xf32, #tpu.memory_space<vmem>>) dst(%dma_wait3A_129 : memref<10240x128xf32, #tpu.memory_space<vmem_shared>>)
        tpu.yield
      }) : () -> ()
      %sub3A_109 = arith.constant 1 : i32
      %sub3A_110 = arith.subi %select_n3A_6, %sub3A_109 : i32
      %lt3A_111 = arith.cmpi slt, %while3A_68, %sub3A_110 : i32
      %convert_element_type3A_112 = arith.extui %lt3A_111 : i1 to i32
      %cond3A_113 = arith.constant 0 : i32
      %cond3A_114 = arith.cmpi ne, %convert_element_type3A_112, %cond3A_113 : i32
      scf.if %cond3A_114 {
        %add3A_115 = arith.constant 2 : i32
        %add3A_116 = arith.addi %add3A_93, %add3A_115 : i32
        %mul3A_117 = arith.constant 128 : i32
        %mul3A_118 = arith.muli %add3A_116, %mul3A_117 : i32
        %add3A_119 = arith.addi %select_n3A, %mul3A_118 : i32
        "tpu.region"() ({
          %run_scoped3A_128 = tpu.sem_alloc : memref<!tpu.dma_semaphore, #tpu.memory_space<semaphore_mem>>
          %dma_start3A_129 = tpu.memref_slice %arg2[%add3A_119] : memref<327680xi32, #tpu.memory_space<hbm>> -> memref<128xi32, #tpu.memory_space<hbm>>
          %dma_start3A_130 = tpu.memref_slice %arg2[%add3A_119] : memref<327680xi32, #tpu.memory_space<hbm>> -> memref<128xi32, #tpu.memory_space<hbm>>
          tpu.enqueue_dma source(%dma_start3A_130 : memref<128xi32, #tpu.memory_space<hbm>>) target(%arg8 : memref<128xi32, #tpu.memory_space<vmem>>) target_semaphore(%run_scoped3A_128 : memref<!tpu.dma_semaphore, #tpu.memory_space<semaphore_mem>>)
          %dma_wait3A_131 = tpu.memref_slice %arg2[%add3A_119] : memref<327680xi32, #tpu.memory_space<hbm>> -> memref<128xi32, #tpu.memory_space<hbm>>
          %dma_wait3A_132 = tpu.memref_slice %arg2[%add3A_119] : memref<327680xi32, #tpu.memory_space<hbm>> -> memref<128xi32, #tpu.memory_space<hbm>>
          tpu.wait_dma2 semaphore(%run_scoped3A_128 : memref<!tpu.dma_semaphore, #tpu.memory_space<semaphore_mem>>) src(%dma_wait3A_132 : memref<128xi32, #tpu.memory_space<hbm>>) dst(%arg8 : memref<128xi32, #tpu.memory_space<vmem>>)
          tpu.yield
        }) : () -> ()
        %dma_start3A_120 = arith.constant 1 : i32
        %dma_start3A_121 = arith.constant 0 : i32
        %dma_start3A_122 = arith.constant 0 : i32
        %dma_start3A_123 = tpu.memref_slice %arg12[%dma_start3A_120, %dma_start3A_121, %dma_start3A_122] : memref<2x128x128xf32, #tpu.memory_space<vmem>> -> memref<1x128x128xf32, #tpu.memory_space<vmem>>
        %dma_start3A_124 = tpu.memref_squeeze %dma_start3A_123 : memref<1x128x128xf32, #tpu.memory_space<vmem>> -> memref<128x128xf32, #tpu.memory_space<vmem>>
        %dma_start3A_125 = arith.constant 0 : i32
        %dma_start3A_126 = arith.constant 0 : i32
        %dma_start3A_127 = tpu.memref_slice %arg5[%dma_start3A_125, %dma_start3A_126] : memref<10000x128xf32, #tpu.memory_space<hbm>> -> memref<10000x128xf32, #tpu.memory_space<hbm>>
        tpu.enqueue_indirect_dma source(%dma_start3A_127 : memref<10000x128xf32, #tpu.memory_space<hbm>>) target(%dma_start3A_124 : memref<128x128xf32, #tpu.memory_space<vmem>>) offsets(%arg8 : memref<128xi32, #tpu.memory_space<vmem>>) semaphore(%arg14 : memref<!tpu.dma_semaphore, #tpu.memory_space<semaphore_mem>>)
      } else {
      }
    }
    %while3A_62 = arith.constant 1 : i32
    scf.for %while3A_68 = %while3A_60 to %while3A_56 step %while3A_62  : i32 {
      %mul3A_69 = arith.constant 2 : i32
      %mul3A_70 = arith.muli %mul3A_69, %while3A_68 : i32
      %add3A_71 = arith.constant 0 : i32
      %add3A_72 = arith.addi %mul3A_70, %add3A_71 : i32
      %mul3A_73 = arith.constant 128 : i32
      %mul3A_74 = arith.muli %add3A_72, %mul3A_73 : i32
      %add3A_75 = arith.addi %select_n3A, %mul3A_74 : i32
      "tpu.region"() ({
        %run_scoped3A_115 = tpu.sem_alloc : memref<!tpu.dma_semaphore, #tpu.memory_space<semaphore_mem>>
        %dma_start3A_116 = tpu.memref_slice %arg3[%add3A_75] : memref<327680xi32, #tpu.memory_space<hbm>> -> memref<128xi32, #tpu.memory_space<hbm>>
        %dma_start3A_117 = tpu.memref_slice %arg3[%add3A_75] : memref<327680xi32, #tpu.memory_space<hbm>> -> memref<128xi32, #tpu.memory_space<hbm>>
        tpu.enqueue_dma source(%dma_start3A_117 : memref<128xi32, #tpu.memory_space<hbm>>) target(%arg9 : memref<128xi32, #tpu.memory_space<vmem>>) target_semaphore(%run_scoped3A_115 : memref<!tpu.dma_semaphore, #tpu.memory_space<semaphore_mem>>)
        %dma_wait3A_118 = tpu.memref_slice %arg3[%add3A_75] : memref<327680xi32, #tpu.memory_space<hbm>> -> memref<128xi32, #tpu.memory_space<hbm>>
        %dma_wait3A_119 = tpu.memref_slice %arg3[%add3A_75] : memref<327680xi32, #tpu.memory_space<hbm>> -> memref<128xi32, #tpu.memory_space<hbm>>
        tpu.wait_dma2 semaphore(%run_scoped3A_115 : memref<!tpu.dma_semaphore, #tpu.memory_space<semaphore_mem>>) src(%dma_wait3A_119 : memref<128xi32, #tpu.memory_space<hbm>>) dst(%arg9 : memref<128xi32, #tpu.memory_space<vmem>>)
        tpu.yield
      }) : () -> ()
      %dma_wait3A = arith.constant 0 : i32
      %dma_wait3A_76 = arith.constant 0 : i32
      %dma_wait3A_77 = arith.constant 0 : i32
      %dma_wait3A_78 = tpu.memref_slice %arg12[%dma_wait3A, %dma_wait3A_76, %dma_wait3A_77] : memref<2x128x128xf32, #tpu.memory_space<vmem>> -> memref<1x128x128xf32, #tpu.memory_space<vmem>>
      %dma_wait3A_79 = tpu.memref_squeeze %dma_wait3A_78 : memref<1x128x128xf32, #tpu.memory_space<vmem>> -> memref<128x128xf32, #tpu.memory_space<vmem>>
      %dma_wait3A_80 = arith.constant 0 : i32
      %dma_wait3A_81 = arith.constant 0 : i32
      %dma_wait3A_82 = tpu.memref_slice %arg5[%dma_wait3A_80, %dma_wait3A_81] : memref<10000x128xf32, #tpu.memory_space<hbm>> -> memref<10000x128xf32, #tpu.memory_space<hbm>>
      tpu.wait_indirect_dma semaphore(%arg13 : memref<!tpu.dma_semaphore, #tpu.memory_space<semaphore_mem>>) src(%dma_wait3A_82 : memref<10000x128xf32, #tpu.memory_space<hbm>>) dst(%dma_wait3A_79 : memref<128x128xf32, #tpu.memory_space<vmem>>)
      %parallel_loop3A = arith.constant 0 : i32
      %parallel_loop3A_83 = arith.constant 128 : i32
      %parallel_loop3A_84 = arith.constant 1 : i32
      scf.for %parallel_loop3A_115 = %parallel_loop3A to %parallel_loop3A_83 step %parallel_loop3A_84  : i32 {
        %parallel_loop3A_116 = arith.constant 128 : i32
        %parallel_loop3A_117 = arith.muli %add3A_72, %parallel_loop3A_116 : i32
        %parallel_loop3A_118 = arith.addi %parallel_loop3A_117, %parallel_loop3A_115 : i32
        %parallel_loop3A_119 = vector.broadcast %parallel_loop3A_118 : i32 to vector<16xi32>
        %parallel_loop3A_120 = tpu.vector_load_idx %arg11[%parallel_loop3A_119] : memref<13568xf32, #tpu.memory_space<vmem>>[vector<16xi32>], vector<16xf32>,
        %parallel_loop3A_121 = arith.constant 0 : i32
        %parallel_loop3A_122 = arith.index_cast %parallel_loop3A_121 : i32 to index
        %parallel_loop3A_123 = arith.index_cast %parallel_loop3A_115 : i32 to index
        %parallel_loop3A_124 = arith.constant 0 : index
        %parallel_loop3A_125 = tpu.vector_load %arg12[%parallel_loop3A_122, %parallel_loop3A_123, %parallel_loop3A_124] {strides = array<i32>} : memref<2x128x128xf32, #tpu.memory_space<vmem>>, vector<16xf32>,
        %parallel_loop3A_126 = arith.mulf %parallel_loop3A_125, %parallel_loop3A_120 : vector<16xf32>
        %parallel_loop3A_127 = arith.constant 0 : i32
        %parallel_loop3A_128 = arith.index_cast %parallel_loop3A_127 : i32 to index
        %parallel_loop3A_129 = arith.index_cast %parallel_loop3A_115 : i32 to index
        %parallel_loop3A_130 = arith.constant 0 : index
        %parallel_loop3A_131 = tpu.vector_load %arg12[%parallel_loop3A_128, %parallel_loop3A_129, %parallel_loop3A_130] {strides = array<i32>} : memref<2x128x128xf32, #tpu.memory_space<vmem>>, vector<16xf32>,
        tpu.vector_store %arg12[%parallel_loop3A_128, %parallel_loop3A_129, %parallel_loop3A_130], %parallel_loop3A_126 {strides = array<i32>} : memref<2x128x128xf32, #tpu.memory_space<vmem>>, vector<16xf32>,
        %parallel_loop3A_132 = arith.constant 0 : i32
        %parallel_loop3A_133 = arith.index_cast %parallel_loop3A_132 : i32 to index
        %parallel_loop3A_134 = arith.index_cast %parallel_loop3A_115 : i32 to index
        %parallel_loop3A_135 = arith.constant 16 : index
        %parallel_loop3A_136 = tpu.vector_load %arg12[%parallel_loop3A_133, %parallel_loop3A_134, %parallel_loop3A_135] {strides = array<i32>} : memref<2x128x128xf32, #tpu.memory_space<vmem>>, vector<16xf32>,
        %parallel_loop3A_137 = arith.mulf %parallel_loop3A_136, %parallel_loop3A_120 : vector<16xf32>
        %parallel_loop3A_138 = arith.constant 0 : i32
        %parallel_loop3A_139 = arith.index_cast %parallel_loop3A_138 : i32 to index
        %parallel_loop3A_140 = arith.index_cast %parallel_loop3A_115 : i32 to index
        %parallel_loop3A_141 = arith.constant 16 : index
        %parallel_loop3A_142 = tpu.vector_load %arg12[%parallel_loop3A_139, %parallel_loop3A_140, %parallel_loop3A_141] {strides = array<i32>} : memref<2x128x128xf32, #tpu.memory_space<vmem>>, vector<16xf32>,
        tpu.vector_store %arg12[%parallel_loop3A_139, %parallel_loop3A_140, %parallel_loop3A_141], %parallel_loop3A_137 {strides = array<i32>} : memref<2x128x128xf32, #tpu.memory_space<vmem>>, vector<16xf32>,
        %parallel_loop3A_143 = arith.constant 0 : i32
        %parallel_loop3A_144 = arith.index_cast %parallel_loop3A_143 : i32 to index
        %parallel_loop3A_145 = arith.index_cast %parallel_loop3A_115 : i32 to index
        %parallel_loop3A_146 = arith.constant 32 : index
        %parallel_loop3A_147 = tpu.vector_load %arg12[%parallel_loop3A_144, %parallel_loop3A_145, %parallel_loop3A_146] {strides = array<i32>} : memref<2x128x128xf32, #tpu.memory_space<vmem>>, vector<16xf32>,
        %parallel_loop3A_148 = arith.mulf %parallel_loop3A_147, %parallel_loop3A_120 : vector<16xf32>
        %parallel_loop3A_149 = arith.constant 0 : i32
        %parallel_loop3A_150 = arith.index_cast %parallel_loop3A_149 : i32 to index
        %parallel_loop3A_151 = arith.index_cast %parallel_loop3A_115 : i32 to index
        %parallel_loop3A_152 = arith.constant 32 : index
        %parallel_loop3A_153 = tpu.vector_load %arg12[%parallel_loop3A_150, %parallel_loop3A_151, %parallel_loop3A_152] {strides = array<i32>} : memref<2x128x128xf32, #tpu.memory_space<vmem>>, vector<16xf32>,
        tpu.vector_store %arg12[%parallel_loop3A_150, %parallel_loop3A_151, %parallel_loop3A_152], %parallel_loop3A_148 {strides = array<i32>} : memref<2x128x128xf32, #tpu.memory_space<vmem>>, vector<16xf32>,
        %parallel_loop3A_154 = arith.constant 0 : i32
        %parallel_loop3A_155 = arith.index_cast %parallel_loop3A_154 : i32 to index
        %parallel_loop3A_156 = arith.index_cast %parallel_loop3A_115 : i32 to index
        %parallel_loop3A_157 = arith.constant 48 : index
        %parallel_loop3A_158 = tpu.vector_load %arg12[%parallel_loop3A_155, %parallel_loop3A_156, %parallel_loop3A_157] {strides = array<i32>} : memref<2x128x128xf32, #tpu.memory_space<vmem>>, vector<16xf32>,
        %parallel_loop3A_159 = arith.mulf %parallel_loop3A_158, %parallel_loop3A_120 : vector<16xf32>
        %parallel_loop3A_160 = arith.constant 0 : i32
        %parallel_loop3A_161 = arith.index_cast %parallel_loop3A_160 : i32 to index
        %parallel_loop3A_162 = arith.index_cast %parallel_loop3A_115 : i32 to index
        %parallel_loop3A_163 = arith.constant 48 : index
        %parallel_loop3A_164 = tpu.vector_load %arg12[%parallel_loop3A_161, %parallel_loop3A_162, %parallel_loop3A_163] {strides = array<i32>} : memref<2x128x128xf32, #tpu.memory_space<vmem>>, vector<16xf32>,
        tpu.vector_store %arg12[%parallel_loop3A_161, %parallel_loop3A_162, %parallel_loop3A_163], %parallel_loop3A_159 {strides = array<i32>} : memref<2x128x128xf32, #tpu.memory_space<vmem>>, vector<16xf32>,
        %parallel_loop3A_165 = arith.constant 0 : i32
        %parallel_loop3A_166 = arith.index_cast %parallel_loop3A_165 : i32 to index
        %parallel_loop3A_167 = arith.index_cast %parallel_loop3A_115 : i32 to index
        %parallel_loop3A_168 = arith.constant 64 : index
        %parallel_loop3A_169 = tpu.vector_load %arg12[%parallel_loop3A_166, %parallel_loop3A_167, %parallel_loop3A_168] {strides = array<i32>} : memref<2x128x128xf32, #tpu.memory_space<vmem>>, vector<16xf32>,
        %parallel_loop3A_170 = arith.mulf %parallel_loop3A_169, %parallel_loop3A_120 : vector<16xf32>
        %parallel_loop3A_171 = arith.constant 0 : i32
        %parallel_loop3A_172 = arith.index_cast %parallel_loop3A_171 : i32 to index
        %parallel_loop3A_173 = arith.index_cast %parallel_loop3A_115 : i32 to index
        %parallel_loop3A_174 = arith.constant 64 : index
        %parallel_loop3A_175 = tpu.vector_load %arg12[%parallel_loop3A_172, %parallel_loop3A_173, %parallel_loop3A_174] {strides = array<i32>} : memref<2x128x128xf32, #tpu.memory_space<vmem>>, vector<16xf32>,
        tpu.vector_store %arg12[%parallel_loop3A_172, %parallel_loop3A_173, %parallel_loop3A_174], %parallel_loop3A_170 {strides = array<i32>} : memref<2x128x128xf32, #tpu.memory_space<vmem>>, vector<16xf32>,
        %parallel_loop3A_176 = arith.constant 0 : i32
        %parallel_loop3A_177 = arith.index_cast %parallel_loop3A_176 : i32 to index
        %parallel_loop3A_178 = arith.index_cast %parallel_loop3A_115 : i32 to index
        %parallel_loop3A_179 = arith.constant 80 : index
        %parallel_loop3A_180 = tpu.vector_load %arg12[%parallel_loop3A_177, %parallel_loop3A_178, %parallel_loop3A_179] {strides = array<i32>} : memref<2x128x128xf32, #tpu.memory_space<vmem>>, vector<16xf32>,
        %parallel_loop3A_181 = arith.mulf %parallel_loop3A_180, %parallel_loop3A_120 : vector<16xf32>
        %parallel_loop3A_182 = arith.constant 0 : i32
        %parallel_loop3A_183 = arith.index_cast %parallel_loop3A_182 : i32 to index
        %parallel_loop3A_184 = arith.index_cast %parallel_loop3A_115 : i32 to index
        %parallel_loop3A_185 = arith.constant 80 : index
        %parallel_loop3A_186 = tpu.vector_load %arg12[%parallel_loop3A_183, %parallel_loop3A_184, %parallel_loop3A_185] {strides = array<i32>} : memref<2x128x128xf32, #tpu.memory_space<vmem>>, vector<16xf32>,
        tpu.vector_store %arg12[%parallel_loop3A_183, %parallel_loop3A_184, %parallel_loop3A_185], %parallel_loop3A_181 {strides = array<i32>} : memref<2x128x128xf32, #tpu.memory_space<vmem>>, vector<16xf32>,
        %parallel_loop3A_187 = arith.constant 0 : i32
        %parallel_loop3A_188 = arith.index_cast %parallel_loop3A_187 : i32 to index
        %parallel_loop3A_189 = arith.index_cast %parallel_loop3A_115 : i32 to index
        %parallel_loop3A_190 = arith.constant 96 : index
        %parallel_loop3A_191 = tpu.vector_load %arg12[%parallel_loop3A_188, %parallel_loop3A_189, %parallel_loop3A_190] {strides = array<i32>} : memref<2x128x128xf32, #tpu.memory_space<vmem>>, vector<16xf32>,
        %parallel_loop3A_192 = arith.mulf %parallel_loop3A_191, %parallel_loop3A_120 : vector<16xf32>
        %parallel_loop3A_193 = arith.constant 0 : i32
        %parallel_loop3A_194 = arith.index_cast %parallel_loop3A_193 : i32 to index
        %parallel_loop3A_195 = arith.index_cast %parallel_loop3A_115 : i32 to index
        %parallel_loop3A_196 = arith.constant 96 : index
        %parallel_loop3A_197 = tpu.vector_load %arg12[%parallel_loop3A_194, %parallel_loop3A_195, %parallel_loop3A_196] {strides = array<i32>} : memref<2x128x128xf32, #tpu.memory_space<vmem>>, vector<16xf32>,
        tpu.vector_store %arg12[%parallel_loop3A_194, %parallel_loop3A_195, %parallel_loop3A_196], %parallel_loop3A_192 {strides = array<i32>} : memref<2x128x128xf32, #tpu.memory_space<vmem>>, vector<16xf32>,
        %parallel_loop3A_198 = arith.constant 0 : i32
        %parallel_loop3A_199 = arith.index_cast %parallel_loop3A_198 : i32 to index
        %parallel_loop3A_200 = arith.index_cast %parallel_loop3A_115 : i32 to index
        %parallel_loop3A_201 = arith.constant 112 : index
        %parallel_loop3A_202 = tpu.vector_load %arg12[%parallel_loop3A_199, %parallel_loop3A_200, %parallel_loop3A_201] {strides = array<i32>} : memref<2x128x128xf32, #tpu.memory_space<vmem>>, vector<16xf32>,
        %parallel_loop3A_203 = arith.mulf %parallel_loop3A_202, %parallel_loop3A_120 : vector<16xf32>
        %parallel_loop3A_204 = arith.constant 0 : i32
        %parallel_loop3A_205 = arith.index_cast %parallel_loop3A_204 : i32 to index
        %parallel_loop3A_206 = arith.index_cast %parallel_loop3A_115 : i32 to index
        %parallel_loop3A_207 = arith.constant 112 : index
        %parallel_loop3A_208 = tpu.vector_load %arg12[%parallel_loop3A_205, %parallel_loop3A_206, %parallel_loop3A_207] {strides = array<i32>} : memref<2x128x128xf32, #tpu.memory_space<vmem>>, vector<16xf32>,
        tpu.vector_store %arg12[%parallel_loop3A_205, %parallel_loop3A_206, %parallel_loop3A_207], %parallel_loop3A_203 {strides = array<i32>} : memref<2x128x128xf32, #tpu.memory_space<vmem>>, vector<16xf32>,
      } {sc.loop_unroll_factor = 4 : i64, sc.parallel_access}
      %run_scoped3A_85 = arith.constant 0 : i32
      "tpu.region"() ({
        %run_scoped3A_115 = tpu.sem_alloc : memref<!tpu.dma_semaphore, #tpu.memory_space<semaphore_mem>>
        %dma_start3A_116 = arith.constant 0 : i32
        %dma_start3A_117 = arith.constant 0 : i32
        %dma_start3A_118 = tpu.memref_slice %arg12[%run_scoped3A_85, %dma_start3A_116, %dma_start3A_117] : memref<2x128x128xf32, #tpu.memory_space<vmem>> -> memref<1x128x128xf32, #tpu.memory_space<vmem>>
        %dma_start3A_119 = tpu.memref_squeeze %dma_start3A_118 : memref<1x128x128xf32, #tpu.memory_space<vmem>> -> memref<128x128xf32, #tpu.memory_space<vmem>>
        %dma_start3A_120 = arith.constant 0 : i32
        %dma_start3A_121 = arith.constant 0 : i32
        %dma_start3A_122 = tpu.memref_slice %arg15[%dma_start3A_120, %dma_start3A_121] : memref<10240x128xf32, #tpu.memory_space<vmem_shared>> -> memref<10240x128xf32, #tpu.memory_space<vmem_shared>>
        tpu.enqueue_indirect_dma source(%dma_start3A_119 : memref<128x128xf32, #tpu.memory_space<vmem>>) target(%dma_start3A_122 : memref<10240x128xf32, #tpu.memory_space<vmem_shared>>) offsets(%arg9 : memref<128xi32, #tpu.memory_space<vmem>>) semaphore(%run_scoped3A_115 : memref<!tpu.dma_semaphore, #tpu.memory_space<semaphore_mem>>) {add = true}
        %dma_wait3A_123 = arith.constant 0 : i32
        %dma_wait3A_124 = arith.constant 0 : i32
        %dma_wait3A_125 = tpu.memref_slice %arg12[%run_scoped3A_85, %dma_wait3A_123, %dma_wait3A_124] : memref<2x128x128xf32, #tpu.memory_space<vmem>> -> memref<1x128x128xf32, #tpu.memory_space<vmem>>
        %dma_wait3A_126 = tpu.memref_squeeze %dma_wait3A_125 : memref<1x128x128xf32, #tpu.memory_space<vmem>> -> memref<128x128xf32, #tpu.memory_space<vmem>>
        %dma_wait3A_127 = arith.constant 0 : i32
        %dma_wait3A_128 = arith.constant 0 : i32
        %dma_wait3A_129 = tpu.memref_slice %arg15[%dma_wait3A_127, %dma_wait3A_128] : memref<10240x128xf32, #tpu.memory_space<vmem_shared>> -> memref<10240x128xf32, #tpu.memory_space<vmem_shared>>
        tpu.wait_indirect_dma semaphore(%run_scoped3A_115 : memref<!tpu.dma_semaphore, #tpu.memory_space<semaphore_mem>>) src(%dma_wait3A_126 : memref<128x128xf32, #tpu.memory_space<vmem>>) dst(%dma_wait3A_129 : memref<10240x128xf32, #tpu.memory_space<vmem_shared>>)
        tpu.yield
      }) : () -> ()
      %sub3A = arith.constant 1 : i32
      %sub3A_86 = arith.subi %select_n3A_6, %sub3A : i32
      %lt3A = arith.cmpi slt, %while3A_68, %sub3A_86 : i32
      %convert_element_type3A_87 = arith.extui %lt3A : i1 to i32
      %cond3A_88 = arith.constant 0 : i32
      %cond3A_89 = arith.cmpi ne, %convert_element_type3A_87, %cond3A_88 : i32
      scf.if %cond3A_89 {
        %add3A_115 = arith.constant 2 : i32
        %add3A_116 = arith.addi %add3A_72, %add3A_115 : i32
        %mul3A_117 = arith.constant 128 : i32
        %mul3A_118 = arith.muli %add3A_116, %mul3A_117 : i32
        %add3A_119 = arith.addi %select_n3A, %mul3A_118 : i32
        "tpu.region"() ({
          %run_scoped3A_128 = tpu.sem_alloc : memref<!tpu.dma_semaphore, #tpu.memory_space<semaphore_mem>>
          %dma_start3A_129 = tpu.memref_slice %arg2[%add3A_119] : memref<327680xi32, #tpu.memory_space<hbm>> -> memref<128xi32, #tpu.memory_space<hbm>>
          %dma_start3A_130 = tpu.memref_slice %arg2[%add3A_119] : memref<327680xi32, #tpu.memory_space<hbm>> -> memref<128xi32, #tpu.memory_space<hbm>>
          tpu.enqueue_dma source(%dma_start3A_130 : memref<128xi32, #tpu.memory_space<hbm>>) target(%arg7 : memref<128xi32, #tpu.memory_space<vmem>>) target_semaphore(%run_scoped3A_128 : memref<!tpu.dma_semaphore, #tpu.memory_space<semaphore_mem>>)
          %dma_wait3A_131 = tpu.memref_slice %arg2[%add3A_119] : memref<327680xi32, #tpu.memory_space<hbm>> -> memref<128xi32, #tpu.memory_space<hbm>>
          %dma_wait3A_132 = tpu.memref_slice %arg2[%add3A_119] : memref<327680xi32, #tpu.memory_space<hbm>> -> memref<128xi32, #tpu.memory_space<hbm>>
          tpu.wait_dma2 semaphore(%run_scoped3A_128 : memref<!tpu.dma_semaphore, #tpu.memory_space<semaphore_mem>>) src(%dma_wait3A_132 : memref<128xi32, #tpu.memory_space<hbm>>) dst(%arg7 : memref<128xi32, #tpu.memory_space<vmem>>)
          tpu.yield
        }) : () -> ()
        %dma_start3A_120 = arith.constant 0 : i32
        %dma_start3A_121 = arith.constant 0 : i32
        %dma_start3A_122 = arith.constant 0 : i32
        %dma_start3A_123 = tpu.memref_slice %arg12[%dma_start3A_120, %dma_start3A_121, %dma_start3A_122] : memref<2x128x128xf32, #tpu.memory_space<vmem>> -> memref<1x128x128xf32, #tpu.memory_space<vmem>>
        %dma_start3A_124 = tpu.memref_squeeze %dma_start3A_123 : memref<1x128x128xf32, #tpu.memory_space<vmem>> -> memref<128x128xf32, #tpu.memory_space<vmem>>
        %dma_start3A_125 = arith.constant 0 : i32
        %dma_start3A_126 = arith.constant 0 : i32
        %dma_start3A_127 = tpu.memref_slice %arg5[%dma_start3A_125, %dma_start3A_126] : memref<10000x128xf32, #tpu.memory_space<hbm>> -> memref<10000x128xf32, #tpu.memory_space<hbm>>
        tpu.enqueue_indirect_dma source(%dma_start3A_127 : memref<10000x128xf32, #tpu.memory_space<hbm>>) target(%dma_start3A_124 : memref<128x128xf32, #tpu.memory_space<vmem>>) offsets(%arg7 : memref<128xi32, #tpu.memory_space<vmem>>) semaphore(%arg13 : memref<!tpu.dma_semaphore, #tpu.memory_space<semaphore_mem>>)
      } else {
      }
      %mul3A_90 = arith.constant 2 : i32
      %mul3A_91 = arith.muli %mul3A_90, %while3A_68 : i32
      %add3A_92 = arith.constant 1 : i32
      %add3A_93 = arith.addi %mul3A_91, %add3A_92 : i32
      %mul3A_94 = arith.constant 128 : i32
      %mul3A_95 = arith.muli %add3A_93, %mul3A_94 : i32
      %add3A_96 = arith.addi %select_n3A, %mul3A_95 : i32
      "tpu.region"() ({
        %run_scoped3A_115 = tpu.sem_alloc : memref<!tpu.dma_semaphore, #tpu.memory_space<semaphore_mem>>
        %dma_start3A_116 = tpu.memref_slice %arg3[%add3A_96] : memref<327680xi32, #tpu.memory_space<hbm>> -> memref<128xi32, #tpu.memory_space<hbm>>
        %dma_start3A_117 = tpu.memref_slice %arg3[%add3A_96] : memref<327680xi32, #tpu.memory_space<hbm>> -> memref<128xi32, #tpu.memory_space<hbm>>
        tpu.enqueue_dma source(%dma_start3A_117 : memref<128xi32, #tpu.memory_space<hbm>>) target(%arg10 : memref<128xi32, #tpu.memory_space<vmem>>) target_semaphore(%run_scoped3A_115 : memref<!tpu.dma_semaphore, #tpu.memory_space<semaphore_mem>>)
        %dma_wait3A_118 = tpu.memref_slice %arg3[%add3A_96] : memref<327680xi32, #tpu.memory_space<hbm>> -> memref<128xi32, #tpu.memory_space<hbm>>
        %dma_wait3A_119 = tpu.memref_slice %arg3[%add3A_96] : memref<327680xi32, #tpu.memory_space<hbm>> -> memref<128xi32, #tpu.memory_space<hbm>>
        tpu.wait_dma2 semaphore(%run_scoped3A_115 : memref<!tpu.dma_semaphore, #tpu.memory_space<semaphore_mem>>) src(%dma_wait3A_119 : memref<128xi32, #tpu.memory_space<hbm>>) dst(%arg10 : memref<128xi32, #tpu.memory_space<vmem>>)
        tpu.yield
      }) : () -> ()
      %dma_wait3A_97 = arith.constant 1 : i32
      %dma_wait3A_98 = arith.constant 0 : i32
      %dma_wait3A_99 = arith.constant 0 : i32
      %dma_wait3A_100 = tpu.memref_slice %arg12[%dma_wait3A_97, %dma_wait3A_98, %dma_wait3A_99] : memref<2x128x128xf32, #tpu.memory_space<vmem>> -> memref<1x128x128xf32, #tpu.memory_space<vmem>>
      %dma_wait3A_101 = tpu.memref_squeeze %dma_wait3A_100 : memref<1x128x128xf32, #tpu.memory_space<vmem>> -> memref<128x128xf32, #tpu.memory_space<vmem>>
      %dma_wait3A_102 = arith.constant 0 : i32
      %dma_wait3A_103 = arith.constant 0 : i32
      %dma_wait3A_104 = tpu.memref_slice %arg5[%dma_wait3A_102, %dma_wait3A_103] : memref<10000x128xf32, #tpu.memory_space<hbm>> -> memref<10000x128xf32, #tpu.memory_space<hbm>>
      tpu.wait_indirect_dma semaphore(%arg14 : memref<!tpu.dma_semaphore, #tpu.memory_space<semaphore_mem>>) src(%dma_wait3A_104 : memref<10000x128xf32, #tpu.memory_space<hbm>>) dst(%dma_wait3A_101 : memref<128x128xf32, #tpu.memory_space<vmem>>)
      %parallel_loop3A_105 = arith.constant 0 : i32
      %parallel_loop3A_106 = arith.constant 128 : i32
      %parallel_loop3A_107 = arith.constant 1 : i32
      scf.for %parallel_loop3A_115 = %parallel_loop3A_105 to %parallel_loop3A_106 step %parallel_loop3A_107  : i32 {
        %parallel_loop3A_116 = arith.constant 128 : i32
        %parallel_loop3A_117 = arith.muli %add3A_93, %parallel_loop3A_116 : i32
        %parallel_loop3A_118 = arith.addi %parallel_loop3A_117, %parallel_loop3A_115 : i32
        %parallel_loop3A_119 = vector.broadcast %parallel_loop3A_118 : i32 to vector<16xi32>
        %parallel_loop3A_120 = tpu.vector_load_idx %arg11[%parallel_loop3A_119] : memref<13568xf32, #tpu.memory_space<vmem>>[vector<16xi32>], vector<16xf32>,
        %parallel_loop3A_121 = arith.constant 1 : i32
        %parallel_loop3A_122 = arith.index_cast %parallel_loop3A_121 : i32 to index
        %parallel_loop3A_123 = arith.index_cast %parallel_loop3A_115 : i32 to index
        %parallel_loop3A_124 = arith.constant 0 : index
        %parallel_loop3A_125 = tpu.vector_load %arg12[%parallel_loop3A_122, %parallel_loop3A_123, %parallel_loop3A_124] {strides = array<i32>} : memref<2x128x128xf32, #tpu.memory_space<vmem>>, vector<16xf32>,
        %parallel_loop3A_126 = arith.mulf %parallel_loop3A_125, %parallel_loop3A_120 : vector<16xf32>
        %parallel_loop3A_127 = arith.constant 1 : i32
        %parallel_loop3A_128 = arith.index_cast %parallel_loop3A_127 : i32 to index
        %parallel_loop3A_129 = arith.index_cast %parallel_loop3A_115 : i32 to index
        %parallel_loop3A_130 = arith.constant 0 : index
        %parallel_loop3A_131 = tpu.vector_load %arg12[%parallel_loop3A_128, %parallel_loop3A_129, %parallel_loop3A_130] {strides = array<i32>} : memref<2x128x128xf32, #tpu.memory_space<vmem>>, vector<16xf32>,
        tpu.vector_store %arg12[%parallel_loop3A_128, %parallel_loop3A_129, %parallel_loop3A_130], %parallel_loop3A_126 {strides = array<i32>} : memref<2x128x128xf32, #tpu.memory_space<vmem>>, vector<16xf32>,
        %parallel_loop3A_132 = arith.constant 1 : i32
        %parallel_loop3A_133 = arith.index_cast %parallel_loop3A_132 : i32 to index
        %parallel_loop3A_134 = arith.index_cast %parallel_loop3A_115 : i32 to index
        %parallel_loop3A_135 = arith.constant 16 : index
        %parallel_loop3A_136 = tpu.vector_load %arg12[%parallel_loop3A_133, %parallel_loop3A_134, %parallel_loop3A_135] {strides = array<i32>} : memref<2x128x128xf32, #tpu.memory_space<vmem>>, vector<16xf32>,
        %parallel_loop3A_137 = arith.mulf %parallel_loop3A_136, %parallel_loop3A_120 : vector<16xf32>
        %parallel_loop3A_138 = arith.constant 1 : i32
        %parallel_loop3A_139 = arith.index_cast %parallel_loop3A_138 : i32 to index
        %parallel_loop3A_140 = arith.index_cast %parallel_loop3A_115 : i32 to index
        %parallel_loop3A_141 = arith.constant 16 : index
        %parallel_loop3A_142 = tpu.vector_load %arg12[%parallel_loop3A_139, %parallel_loop3A_140, %parallel_loop3A_141] {strides = array<i32>} : memref<2x128x128xf32, #tpu.memory_space<vmem>>, vector<16xf32>,
        tpu.vector_store %arg12[%parallel_loop3A_139, %parallel_loop3A_140, %parallel_loop3A_141], %parallel_loop3A_137 {strides = array<i32>} : memref<2x128x128xf32, #tpu.memory_space<vmem>>, vector<16xf32>,
        %parallel_loop3A_143 = arith.constant 1 : i32
        %parallel_loop3A_144 = arith.index_cast %parallel_loop3A_143 : i32 to index
        %parallel_loop3A_145 = arith.index_cast %parallel_loop3A_115 : i32 to index
        %parallel_loop3A_146 = arith.constant 32 : index
        %parallel_loop3A_147 = tpu.vector_load %arg12[%parallel_loop3A_144, %parallel_loop3A_145, %parallel_loop3A_146] {strides = array<i32>} : memref<2x128x128xf32, #tpu.memory_space<vmem>>, vector<16xf32>,
        %parallel_loop3A_148 = arith.mulf %parallel_loop3A_147, %parallel_loop3A_120 : vector<16xf32>
        %parallel_loop3A_149 = arith.constant 1 : i32
        %parallel_loop3A_150 = arith.index_cast %parallel_loop3A_149 : i32 to index
        %parallel_loop3A_151 = arith.index_cast %parallel_loop3A_115 : i32 to index
        %parallel_loop3A_152 = arith.constant 32 : index
        %parallel_loop3A_153 = tpu.vector_load %arg12[%parallel_loop3A_150, %parallel_loop3A_151, %parallel_loop3A_152] {strides = array<i32>} : memref<2x128x128xf32, #tpu.memory_space<vmem>>, vector<16xf32>,
        tpu.vector_store %arg12[%parallel_loop3A_150, %parallel_loop3A_151, %parallel_loop3A_152], %parallel_loop3A_148 {strides = array<i32>} : memref<2x128x128xf32, #tpu.memory_space<vmem>>, vector<16xf32>,
        %parallel_loop3A_154 = arith.constant 1 : i32
        %parallel_loop3A_155 = arith.index_cast %parallel_loop3A_154 : i32 to index
        %parallel_loop3A_156 = arith.index_cast %parallel_loop3A_115 : i32 to index
        %parallel_loop3A_157 = arith.constant 48 : index
        %parallel_loop3A_158 = tpu.vector_load %arg12[%parallel_loop3A_155, %parallel_loop3A_156, %parallel_loop3A_157] {strides = array<i32>} : memref<2x128x128xf32, #tpu.memory_space<vmem>>, vector<16xf32>,
        %parallel_loop3A_159 = arith.mulf %parallel_loop3A_158, %parallel_loop3A_120 : vector<16xf32>
        %parallel_loop3A_160 = arith.constant 1 : i32
        %parallel_loop3A_161 = arith.index_cast %parallel_loop3A_160 : i32 to index
        %parallel_loop3A_162 = arith.index_cast %parallel_loop3A_115 : i32 to index
        %parallel_loop3A_163 = arith.constant 48 : index
        %parallel_loop3A_164 = tpu.vector_load %arg12[%parallel_loop3A_161, %parallel_loop3A_162, %parallel_loop3A_163] {strides = array<i32>} : memref<2x128x128xf32, #tpu.memory_space<vmem>>, vector<16xf32>,
        tpu.vector_store %arg12[%parallel_loop3A_161, %parallel_loop3A_162, %parallel_loop3A_163], %parallel_loop3A_159 {strides = array<i32>} : memref<2x128x128xf32, #tpu.memory_space<vmem>>, vector<16xf32>,
        %parallel_loop3A_165 = arith.constant 1 : i32
        %parallel_loop3A_166 = arith.index_cast %parallel_loop3A_165 : i32 to index
        %parallel_loop3A_167 = arith.index_cast %parallel_loop3A_115 : i32 to index
        %parallel_loop3A_168 = arith.constant 64 : index
        %parallel_loop3A_169 = tpu.vector_load %arg12[%parallel_loop3A_166, %parallel_loop3A_167, %parallel_loop3A_168] {strides = array<i32>} : memref<2x128x128xf32, #tpu.memory_space<vmem>>, vector<16xf32>,
        %parallel_loop3A_170 = arith.mulf %parallel_loop3A_169, %parallel_loop3A_120 : vector<16xf32>
        %parallel_loop3A_171 = arith.constant 1 : i32
        %parallel_loop3A_172 = arith.index_cast %parallel_loop3A_171 : i32 to index
        %parallel_loop3A_173 = arith.index_cast %parallel_loop3A_115 : i32 to index
        %parallel_loop3A_174 = arith.constant 64 : index
        %parallel_loop3A_175 = tpu.vector_load %arg12[%parallel_loop3A_172, %parallel_loop3A_173, %parallel_loop3A_174] {strides = array<i32>} : memref<2x128x128xf32, #tpu.memory_space<vmem>>, vector<16xf32>,
        tpu.vector_store %arg12[%parallel_loop3A_172, %parallel_loop3A_173, %parallel_loop3A_174], %parallel_loop3A_170 {strides = array<i32>} : memref<2x128x128xf32, #tpu.memory_space<vmem>>, vector<16xf32>,
        %parallel_loop3A_176 = arith.constant 1 : i32
        %parallel_loop3A_177 = arith.index_cast %parallel_loop3A_176 : i32 to index
        %parallel_loop3A_178 = arith.index_cast %parallel_loop3A_115 : i32 to index
        %parallel_loop3A_179 = arith.constant 80 : index
        %parallel_loop3A_180 = tpu.vector_load %arg12[%parallel_loop3A_177, %parallel_loop3A_178, %parallel_loop3A_179] {strides = array<i32>} : memref<2x128x128xf32, #tpu.memory_space<vmem>>, vector<16xf32>,
        %parallel_loop3A_181 = arith.mulf %parallel_loop3A_180, %parallel_loop3A_120 : vector<16xf32>
        %parallel_loop3A_182 = arith.constant 1 : i32
        %parallel_loop3A_183 = arith.index_cast %parallel_loop3A_182 : i32 to index
        %parallel_loop3A_184 = arith.index_cast %parallel_loop3A_115 : i32 to index
        %parallel_loop3A_185 = arith.constant 80 : index
        %parallel_loop3A_186 = tpu.vector_load %arg12[%parallel_loop3A_183, %parallel_loop3A_184, %parallel_loop3A_185] {strides = array<i32>} : memref<2x128x128xf32, #tpu.memory_space<vmem>>, vector<16xf32>,
        tpu.vector_store %arg12[%parallel_loop3A_183, %parallel_loop3A_184, %parallel_loop3A_185], %parallel_loop3A_181 {strides = array<i32>} : memref<2x128x128xf32, #tpu.memory_space<vmem>>, vector<16xf32>,
        %parallel_loop3A_187 = arith.constant 1 : i32
        %parallel_loop3A_188 = arith.index_cast %parallel_loop3A_187 : i32 to index
        %parallel_loop3A_189 = arith.index_cast %parallel_loop3A_115 : i32 to index
        %parallel_loop3A_190 = arith.constant 96 : index
        %parallel_loop3A_191 = tpu.vector_load %arg12[%parallel_loop3A_188, %parallel_loop3A_189, %parallel_loop3A_190] {strides = array<i32>} : memref<2x128x128xf32, #tpu.memory_space<vmem>>, vector<16xf32>,
        %parallel_loop3A_192 = arith.mulf %parallel_loop3A_191, %parallel_loop3A_120 : vector<16xf32>
        %parallel_loop3A_193 = arith.constant 1 : i32
        %parallel_loop3A_194 = arith.index_cast %parallel_loop3A_193 : i32 to index
        %parallel_loop3A_195 = arith.index_cast %parallel_loop3A_115 : i32 to index
        %parallel_loop3A_196 = arith.constant 96 : index
        %parallel_loop3A_197 = tpu.vector_load %arg12[%parallel_loop3A_194, %parallel_loop3A_195, %parallel_loop3A_196] {strides = array<i32>} : memref<2x128x128xf32, #tpu.memory_space<vmem>>, vector<16xf32>,
        tpu.vector_store %arg12[%parallel_loop3A_194, %parallel_loop3A_195, %parallel_loop3A_196], %parallel_loop3A_192 {strides = array<i32>} : memref<2x128x128xf32, #tpu.memory_space<vmem>>, vector<16xf32>,
        %parallel_loop3A_198 = arith.constant 1 : i32
        %parallel_loop3A_199 = arith.index_cast %parallel_loop3A_198 : i32 to index
        %parallel_loop3A_200 = arith.index_cast %parallel_loop3A_115 : i32 to index
        %parallel_loop3A_201 = arith.constant 112 : index
        %parallel_loop3A_202 = tpu.vector_load %arg12[%parallel_loop3A_199, %parallel_loop3A_200, %parallel_loop3A_201] {strides = array<i32>} : memref<2x128x128xf32, #tpu.memory_space<vmem>>, vector<16xf32>,
        %parallel_loop3A_203 = arith.mulf %parallel_loop3A_202, %parallel_loop3A_120 : vector<16xf32>
        %parallel_loop3A_204 = arith.constant 1 : i32
        %parallel_loop3A_205 = arith.index_cast %parallel_loop3A_204 : i32 to index
        %parallel_loop3A_206 = arith.index_cast %parallel_loop3A_115 : i32 to index
        %parallel_loop3A_207 = arith.constant 112 : index
        %parallel_loop3A_208 = tpu.vector_load %arg12[%parallel_loop3A_205, %parallel_loop3A_206, %parallel_loop3A_207] {strides = array<i32>} : memref<2x128x128xf32, #tpu.memory_space<vmem>>, vector<16xf32>,
        tpu.vector_store %arg12[%parallel_loop3A_205, %parallel_loop3A_206, %parallel_loop3A_207], %parallel_loop3A_203 {strides = array<i32>} : memref<2x128x128xf32, #tpu.memory_space<vmem>>, vector<16xf32>,
      } {sc.loop_unroll_factor = 4 : i64, sc.parallel_access}
      %run_scoped3A_108 = arith.constant 1 : i32
      "tpu.region"() ({
        %run_scoped3A_115 = tpu.sem_alloc : memref<!tpu.dma_semaphore, #tpu.memory_space<semaphore_mem>>
        %dma_start3A_116 = arith.constant 0 : i32
        %dma_start3A_117 = arith.constant 0 : i32
        %dma_start3A_118 = tpu.memref_slice %arg12[%run_scoped3A_108, %dma_start3A_116, %dma_start3A_117] : memref<2x128x128xf32, #tpu.memory_space<vmem>> -> memref<1x128x128xf32, #tpu.memory_space<vmem>>
        %dma_start3A_119 = tpu.memref_squeeze %dma_start3A_118 : memref<1x128x128xf32, #tpu.memory_space<vmem>> -> memref<128x128xf32, #tpu.memory_space<vmem>>
        %dma_start3A_120 = arith.constant 0 : i32
        %dma_start3A_121 = arith.constant 0 : i32
        %dma_start3A_122 = tpu.memref_slice %arg15[%dma_start3A_120, %dma_start3A_121] : memref<10240x128xf32, #tpu.memory_space<vmem_shared>> -> memref<10240x128xf32, #tpu.memory_space<vmem_shared>>
        tpu.enqueue_indirect_dma source(%dma_start3A_119 : memref<128x128xf32, #tpu.memory_space<vmem>>) target(%dma_start3A_122 : memref<10240x128xf32, #tpu.memory_space<vmem_shared>>) offsets(%arg10 : memref<128xi32, #tpu.memory_space<vmem>>) semaphore(%run_scoped3A_115 : memref<!tpu.dma_semaphore, #tpu.memory_space<semaphore_mem>>) {add = true}
        %dma_wait3A_123 = arith.constant 0 : i32
        %dma_wait3A_124 = arith.constant 0 : i32
        %dma_wait3A_125 = tpu.memref_slice %arg12[%run_scoped3A_108, %dma_wait3A_123, %dma_wait3A_124] : memref<2x128x128xf32, #tpu.memory_space<vmem>> -> memref<1x128x128xf32, #tpu.memory_space<vmem>>
        %dma_wait3A_126 = tpu.memref_squeeze %dma_wait3A_125 : memref<1x128x128xf32, #tpu.memory_space<vmem>> -> memref<128x128xf32, #tpu.memory_space<vmem>>
        %dma_wait3A_127 = arith.constant 0 : i32
        %dma_wait3A_128 = arith.constant 0 : i32
        %dma_wait3A_129 = tpu.memref_slice %arg15[%dma_wait3A_127, %dma_wait3A_128] : memref<10240x128xf32, #tpu.memory_space<vmem_shared>> -> memref<10240x128xf32, #tpu.memory_space<vmem_shared>>
        tpu.wait_indirect_dma semaphore(%run_scoped3A_115 : memref<!tpu.dma_semaphore, #tpu.memory_space<semaphore_mem>>) src(%dma_wait3A_126 : memref<128x128xf32, #tpu.memory_space<vmem>>) dst(%dma_wait3A_129 : memref<10240x128xf32, #tpu.memory_space<vmem_shared>>)
        tpu.yield
      }) : () -> ()
      %sub3A_109 = arith.constant 1 : i32
      %sub3A_110 = arith.subi %select_n3A_6, %sub3A_109 : i32
      %lt3A_111 = arith.cmpi slt, %while3A_68, %sub3A_110 : i32
      %convert_element_type3A_112 = arith.extui %lt3A_111 : i1 to i32
      %cond3A_113 = arith.constant 0 : i32
      %cond3A_114 = arith.cmpi ne, %convert_element_type3A_112, %cond3A_113 : i32
      scf.if %cond3A_114 {
        %add3A_115 = arith.constant 2 : i32
        %add3A_116 = arith.addi %add3A_93, %add3A_115 : i32
        %mul3A_117 = arith.constant 128 : i32
        %mul3A_118 = arith.muli %add3A_116, %mul3A_117 : i32
        %add3A_119 = arith.addi %select_n3A, %mul3A_118 : i32
        "tpu.region"() ({
          %run_scoped3A_128 = tpu.sem_alloc : memref<!tpu.dma_semaphore, #tpu.memory_space<semaphore_mem>>
          %dma_start3A_129 = tpu.memref_slice %arg2[%add3A_119] : memref<327680xi32, #tpu.memory_space<hbm>> -> memref<128xi32, #tpu.memory_space<hbm>>
          %dma_start3A_130 = tpu.memref_slice %arg2[%add3A_119] : memref<327680xi32, #tpu.memory_space<hbm>> -> memref<128xi32, #tpu.memory_space<hbm>>
          tpu.enqueue_dma source(%dma_start3A_130 : memref<128xi32, #tpu.memory_space<hbm>>) target(%arg8 : memref<128xi32, #tpu.memory_space<vmem>>) target_semaphore(%run_scoped3A_128 : memref<!tpu.dma_semaphore, #tpu.memory_space<semaphore_mem>>)
          %dma_wait3A_131 = tpu.memref_slice %arg2[%add3A_119] : memref<327680xi32, #tpu.memory_space<hbm>> -> memref<128xi32, #tpu.memory_space<hbm>>
          %dma_wait3A_132 = tpu.memref_slice %arg2[%add3A_119] : memref<327680xi32, #tpu.memory_space<hbm>> -> memref<128xi32, #tpu.memory_space<hbm>>
          tpu.wait_dma2 semaphore(%run_scoped3A_128 : memref<!tpu.dma_semaphore, #tpu.memory_space<semaphore_mem>>) src(%dma_wait3A_132 : memref<128xi32, #tpu.memory_space<hbm>>) dst(%arg8 : memref<128xi32, #tpu.memory_space<vmem>>)
          tpu.yield
        }) : () -> ()
        %dma_start3A_120 = arith.constant 1 : i32
        %dma_start3A_121 = arith.constant 0 : i32
        %dma_start3A_122 = arith.constant 0 : i32
        %dma_start3A_123 = tpu.memref_slice %arg12[%dma_start3A_120, %dma_start3A_121, %dma_start3A_122] : memref<2x128x128xf32, #tpu.memory_space<vmem>> -> memref<1x128x128xf32, #tpu.memory_space<vmem>>
        %dma_start3A_124 = tpu.memref_squeeze %dma_start3A_123 : memref<1x128x128xf32, #tpu.memory_space<vmem>> -> memref<128x128xf32, #tpu.memory_space<vmem>>
        %dma_start3A_125 = arith.constant 0 : i32
        %dma_start3A_126 = arith.constant 0 : i32
        %dma_start3A_127 = tpu.memref_slice %arg5[%dma_start3A_125, %dma_start3A_126] : memref<10000x128xf32, #tpu.memory_space<hbm>> -> memref<10000x128xf32, #tpu.memory_space<hbm>>
        tpu.enqueue_indirect_dma source(%dma_start3A_127 : memref<10000x128xf32, #tpu.memory_space<hbm>>) target(%dma_start3A_124 : memref<128x128xf32, #tpu.memory_space<vmem>>) offsets(%arg8 : memref<128xi32, #tpu.memory_space<vmem>>) semaphore(%arg14 : memref<!tpu.dma_semaphore, #tpu.memory_space<semaphore_mem>>)
      } else {
      }
    }
    %barrier3A_63 = arith.constant 0 : index
    tpu.barrier barrier_id(%barrier3A_63)
    %mul3A_64 = arith.constant 640 : i32
    %mul3A_65 = arith.muli %arg1, %mul3A_64 : i32
    %mul3A_66 = arith.constant 640 : i32
    %mul3A_67 = arith.muli %arg1, %mul3A_66 : i32
    "tpu.region"() ({
      %run_scoped3A_68 = tpu.sem_alloc : memref<!tpu.dma_semaphore, #tpu.memory_space<semaphore_mem>>
      %dma_start3A_69 = arith.constant 0 : i32
      %dma_start3A_70 = tpu.memref_slice %arg6[%arg0, %mul3A_67, %dma_start3A_69] : memref<2x10240x128xf32, #tpu.memory_space<hbm>> -> memref<1x640x128xf32, #tpu.memory_space<hbm>>
      %dma_start3A_71 = tpu.memref_squeeze %dma_start3A_70 : memref<1x640x128xf32, #tpu.memory_space<hbm>> -> memref<640x128xf32, #tpu.memory_space<hbm>>
      %dma_start3A_72 = arith.constant 0 : i32
      %dma_start3A_73 = tpu.memref_slice %arg15[%mul3A_65, %dma_start3A_72] : memref<10240x128xf32, #tpu.memory_space<vmem_shared>> -> memref<640x128xf32, #tpu.memory_space<vmem_shared>>
      tpu.enqueue_dma source(%dma_start3A_73 : memref<640x128xf32, #tpu.memory_space<vmem_shared>>) target(%dma_start3A_71 : memref<640x128xf32, #tpu.memory_space<hbm>>) target_semaphore(%run_scoped3A_68 : memref<!tpu.dma_semaphore, #tpu.memory_space<semaphore_mem>>)
      %dma_wait3A = arith.constant 0 : i32
      %dma_wait3A_74 = tpu.memref_slice %arg6[%arg0, %mul3A_67, %dma_wait3A] : memref<2x10240x128xf32, #tpu.memory_space<hbm>> -> memref<1x640x128xf32, #tpu.memory_space<hbm>>
      %dma_wait3A_75 = tpu.memref_squeeze %dma_wait3A_74 : memref<1x640x128xf32, #tpu.memory_space<hbm>> -> memref<640x128xf32, #tpu.memory_space<hbm>>
      %dma_wait3A_76 = arith.constant 0 : i32
      %dma_wait3A_77 = tpu.memref_slice %arg15[%mul3A_65, %dma_wait3A_76] : memref<10240x128xf32, #tpu.memory_space<vmem_shared>> -> memref<640x128xf32, #tpu.memory_space<vmem_shared>>
      tpu.wait_dma2 semaphore(%run_scoped3A_68 : memref<!tpu.dma_semaphore, #tpu.memory_space<semaphore_mem>>) src(%dma_wait3A_77 : memref<640x128xf32, #tpu.memory_space<vmem_shared>>) dst(%dma_wait3A_75 : memref<640x128xf32, #tpu.memory_space<hbm>>)
      tpu.yield
    }) : () -> ()
    return
  }
}

#map = affine_map<(d0, d1) -> (0)>
module attributes {stable_mosaic.version = 14 : i64} {
  func.func @_sc_w(%arg0: i32, %arg1: i32, %arg2: memref<10000xf32, #tpu.memory_space<hbm>>, %arg3: memref<10000xf32, #tpu.memory_space<hbm>>, %arg4: memref<10000xf32, #tpu.memory_space<hbm>>, %arg5: memref<2560xf32, #tpu.memory_space<hbm>>, %arg6: memref<2560xf32, #tpu.memory_space<hbm>>, %arg7: memref<2560xf32, #tpu.memory_space<hbm>>, %arg8: memref<327680xi32, #tpu.memory_space<hbm>>, %arg9: memref<327680xi32, #tpu.memory_space<hbm>>, %arg10: memref<81920xi32, #tpu.memory_space<hbm>>, %arg11: memref<81920xi32, #tpu.memory_space<hbm>>, %arg12: memref<327680xf32, #tpu.memory_space<hbm>>, %arg13: memref<81920xf32, #tpu.memory_space<hbm>>, %arg14: memref<10000xf32, #tpu.memory_space<vmem>>, %arg15: memref<10000xf32, #tpu.memory_space<vmem>>, %arg16: memref<10000xf32, #tpu.memory_space<vmem>>, %arg17: memref<2560xf32, #tpu.memory_space<vmem>>, %arg18: memref<2560xf32, #tpu.memory_space<vmem>>, %arg19: memref<2560xf32, #tpu.memory_space<vmem>>, %arg20: memref<10240xi32, #tpu.memory_space<vmem>>, %arg21: memref<10240xi32, #tpu.memory_space<vmem>>, %arg22: memref<10240xf32, #tpu.memory_space<vmem>>, %arg23: memref<2560xi32, #tpu.memory_space<vmem>>, %arg24: memref<2560xi32, #tpu.memory_space<vmem>>, %arg25: memref<2560xf32, #tpu.memory_space<vmem>>) attributes {dimension_semantics = [#tpu.dimension_semantics<core_parallel>, #tpu.dimension_semantics<subcore_parallel>], iteration_bounds = array<i64: 2, 16>, scalar_prefetch = 0 : i64, scratch_operands = 12 : i64, tpu.core_type = #tpu.core_type<sc_vector_subcore>, window_params = [{transform_indices = #map}, {transform_indices = #map}, {transform_indices = #map}, {transform_indices = #map}, {transform_indices = #map}, {transform_indices = #map}, {transform_indices = #map}, {transform_indices = #map}, {transform_indices = #map}, {transform_indices = #map}, {transform_indices = #map}, {transform_indices = #map}]} {
    %mul3A = arith.constant 16 : i32
    %mul3A_0 = arith.muli %arg0, %mul3A : i32
    %add3A = arith.addi %mul3A_0, %arg1 : i32
    "tpu.region"() ({
      %run_scoped3A = tpu.sem_alloc : memref<!tpu.dma_semaphore, #tpu.memory_space<semaphore_mem>>
      tpu.enqueue_dma source(%arg2 : memref<10000xf32, #tpu.memory_space<hbm>>) target(%arg14 : memref<10000xf32, #tpu.memory_space<vmem>>) target_semaphore(%run_scoped3A : memref<!tpu.dma_semaphore, #tpu.memory_space<semaphore_mem>>)
      tpu.wait_dma2 semaphore(%run_scoped3A : memref<!tpu.dma_semaphore, #tpu.memory_space<semaphore_mem>>) src(%arg2 : memref<10000xf32, #tpu.memory_space<hbm>>) dst(%arg14 : memref<10000xf32, #tpu.memory_space<vmem>>)
      tpu.yield
    }) : () -> ()
    "tpu.region"() ({
      %run_scoped3A = tpu.sem_alloc : memref<!tpu.dma_semaphore, #tpu.memory_space<semaphore_mem>>
      tpu.enqueue_dma source(%arg3 : memref<10000xf32, #tpu.memory_space<hbm>>) target(%arg15 : memref<10000xf32, #tpu.memory_space<vmem>>) target_semaphore(%run_scoped3A : memref<!tpu.dma_semaphore, #tpu.memory_space<semaphore_mem>>)
      tpu.wait_dma2 semaphore(%run_scoped3A : memref<!tpu.dma_semaphore, #tpu.memory_space<semaphore_mem>>) src(%arg3 : memref<10000xf32, #tpu.memory_space<hbm>>) dst(%arg15 : memref<10000xf32, #tpu.memory_space<vmem>>)
      tpu.yield
    }) : () -> ()
    "tpu.region"() ({
      %run_scoped3A = tpu.sem_alloc : memref<!tpu.dma_semaphore, #tpu.memory_space<semaphore_mem>>
      tpu.enqueue_dma source(%arg4 : memref<10000xf32, #tpu.memory_space<hbm>>) target(%arg16 : memref<10000xf32, #tpu.memory_space<vmem>>) target_semaphore(%run_scoped3A : memref<!tpu.dma_semaphore, #tpu.memory_space<semaphore_mem>>)
      tpu.wait_dma2 semaphore(%run_scoped3A : memref<!tpu.dma_semaphore, #tpu.memory_space<semaphore_mem>>) src(%arg4 : memref<10000xf32, #tpu.memory_space<hbm>>) dst(%arg16 : memref<10000xf32, #tpu.memory_space<vmem>>)
      tpu.yield
    }) : () -> ()
    "tpu.region"() ({
      %run_scoped3A = tpu.sem_alloc : memref<!tpu.dma_semaphore, #tpu.memory_space<semaphore_mem>>
      tpu.enqueue_dma source(%arg5 : memref<2560xf32, #tpu.memory_space<hbm>>) target(%arg17 : memref<2560xf32, #tpu.memory_space<vmem>>) target_semaphore(%run_scoped3A : memref<!tpu.dma_semaphore, #tpu.memory_space<semaphore_mem>>)
      tpu.wait_dma2 semaphore(%run_scoped3A : memref<!tpu.dma_semaphore, #tpu.memory_space<semaphore_mem>>) src(%arg5 : memref<2560xf32, #tpu.memory_space<hbm>>) dst(%arg17 : memref<2560xf32, #tpu.memory_space<vmem>>)
      tpu.yield
    }) : () -> ()
    "tpu.region"() ({
      %run_scoped3A = tpu.sem_alloc : memref<!tpu.dma_semaphore, #tpu.memory_space<semaphore_mem>>
      tpu.enqueue_dma source(%arg6 : memref<2560xf32, #tpu.memory_space<hbm>>) target(%arg18 : memref<2560xf32, #tpu.memory_space<vmem>>) target_semaphore(%run_scoped3A : memref<!tpu.dma_semaphore, #tpu.memory_space<semaphore_mem>>)
      tpu.wait_dma2 semaphore(%run_scoped3A : memref<!tpu.dma_semaphore, #tpu.memory_space<semaphore_mem>>) src(%arg6 : memref<2560xf32, #tpu.memory_space<hbm>>) dst(%arg18 : memref<2560xf32, #tpu.memory_space<vmem>>)
      tpu.yield
    }) : () -> ()
    "tpu.region"() ({
      %run_scoped3A = tpu.sem_alloc : memref<!tpu.dma_semaphore, #tpu.memory_space<semaphore_mem>>
      tpu.enqueue_dma source(%arg7 : memref<2560xf32, #tpu.memory_space<hbm>>) target(%arg19 : memref<2560xf32, #tpu.memory_space<vmem>>) target_semaphore(%run_scoped3A : memref<!tpu.dma_semaphore, #tpu.memory_space<semaphore_mem>>)
      tpu.wait_dma2 semaphore(%run_scoped3A : memref<!tpu.dma_semaphore, #tpu.memory_space<semaphore_mem>>) src(%arg7 : memref<2560xf32, #tpu.memory_space<hbm>>) dst(%arg19 : memref<2560xf32, #tpu.memory_space<vmem>>)
      tpu.yield
    }) : () -> ()
    %mul3A_1 = arith.constant 10240 : i32
    %mul3A_2 = arith.muli %add3A, %mul3A_1 : i32
    "tpu.region"() ({
      %run_scoped3A = tpu.sem_alloc : memref<!tpu.dma_semaphore, #tpu.memory_space<semaphore_mem>>
      %dma_start3A = tpu.memref_slice %arg8[%mul3A_2] : memref<327680xi32, #tpu.memory_space<hbm>> -> memref<10240xi32, #tpu.memory_space<hbm>>
      %dma_start3A_18 = tpu.memref_slice %arg8[%mul3A_2] : memref<327680xi32, #tpu.memory_space<hbm>> -> memref<10240xi32, #tpu.memory_space<hbm>>
      tpu.enqueue_dma source(%dma_start3A_18 : memref<10240xi32, #tpu.memory_space<hbm>>) target(%arg20 : memref<10240xi32, #tpu.memory_space<vmem>>) target_semaphore(%run_scoped3A : memref<!tpu.dma_semaphore, #tpu.memory_space<semaphore_mem>>)
      %dma_wait3A = tpu.memref_slice %arg8[%mul3A_2] : memref<327680xi32, #tpu.memory_space<hbm>> -> memref<10240xi32, #tpu.memory_space<hbm>>
      %dma_wait3A_19 = tpu.memref_slice %arg8[%mul3A_2] : memref<327680xi32, #tpu.memory_space<hbm>> -> memref<10240xi32, #tpu.memory_space<hbm>>
      tpu.wait_dma2 semaphore(%run_scoped3A : memref<!tpu.dma_semaphore, #tpu.memory_space<semaphore_mem>>) src(%dma_wait3A_19 : memref<10240xi32, #tpu.memory_space<hbm>>) dst(%arg20 : memref<10240xi32, #tpu.memory_space<vmem>>)
      tpu.yield
    }) : () -> ()
    %mul3A_3 = arith.constant 10240 : i32
    %mul3A_4 = arith.muli %add3A, %mul3A_3 : i32
    "tpu.region"() ({
      %run_scoped3A = tpu.sem_alloc : memref<!tpu.dma_semaphore, #tpu.memory_space<semaphore_mem>>
      %dma_start3A = tpu.memref_slice %arg9[%mul3A_4] : memref<327680xi32, #tpu.memory_space<hbm>> -> memref<10240xi32, #tpu.memory_space<hbm>>
      %dma_start3A_18 = tpu.memref_slice %arg9[%mul3A_4] : memref<327680xi32, #tpu.memory_space<hbm>> -> memref<10240xi32, #tpu.memory_space<hbm>>
      tpu.enqueue_dma source(%dma_start3A_18 : memref<10240xi32, #tpu.memory_space<hbm>>) target(%arg21 : memref<10240xi32, #tpu.memory_space<vmem>>) target_semaphore(%run_scoped3A : memref<!tpu.dma_semaphore, #tpu.memory_space<semaphore_mem>>)
      %dma_wait3A = tpu.memref_slice %arg9[%mul3A_4] : memref<327680xi32, #tpu.memory_space<hbm>> -> memref<10240xi32, #tpu.memory_space<hbm>>
      %dma_wait3A_19 = tpu.memref_slice %arg9[%mul3A_4] : memref<327680xi32, #tpu.memory_space<hbm>> -> memref<10240xi32, #tpu.memory_space<hbm>>
      tpu.wait_dma2 semaphore(%run_scoped3A : memref<!tpu.dma_semaphore, #tpu.memory_space<semaphore_mem>>) src(%dma_wait3A_19 : memref<10240xi32, #tpu.memory_space<hbm>>) dst(%arg21 : memref<10240xi32, #tpu.memory_space<vmem>>)
      tpu.yield
    }) : () -> ()
    %mul3A_5 = arith.constant 2560 : i32
    %mul3A_6 = arith.muli %add3A, %mul3A_5 : i32
    "tpu.region"() ({
      %run_scoped3A = tpu.sem_alloc : memref<!tpu.dma_semaphore, #tpu.memory_space<semaphore_mem>>
      %dma_start3A = tpu.memref_slice %arg10[%mul3A_6] : memref<81920xi32, #tpu.memory_space<hbm>> -> memref<2560xi32, #tpu.memory_space<hbm>>
      %dma_start3A_18 = tpu.memref_slice %arg10[%mul3A_6] : memref<81920xi32, #tpu.memory_space<hbm>> -> memref<2560xi32, #tpu.memory_space<hbm>>
      tpu.enqueue_dma source(%dma_start3A_18 : memref<2560xi32, #tpu.memory_space<hbm>>) target(%arg23 : memref<2560xi32, #tpu.memory_space<vmem>>) target_semaphore(%run_scoped3A : memref<!tpu.dma_semaphore, #tpu.memory_space<semaphore_mem>>)
      %dma_wait3A = tpu.memref_slice %arg10[%mul3A_6] : memref<81920xi32, #tpu.memory_space<hbm>> -> memref<2560xi32, #tpu.memory_space<hbm>>
      %dma_wait3A_19 = tpu.memref_slice %arg10[%mul3A_6] : memref<81920xi32, #tpu.memory_space<hbm>> -> memref<2560xi32, #tpu.memory_space<hbm>>
      tpu.wait_dma2 semaphore(%run_scoped3A : memref<!tpu.dma_semaphore, #tpu.memory_space<semaphore_mem>>) src(%dma_wait3A_19 : memref<2560xi32, #tpu.memory_space<hbm>>) dst(%arg23 : memref<2560xi32, #tpu.memory_space<vmem>>)
      tpu.yield
    }) : () -> ()
    %mul3A_7 = arith.constant 2560 : i32
    %mul3A_8 = arith.muli %add3A, %mul3A_7 : i32
    "tpu.region"() ({
      %run_scoped3A = tpu.sem_alloc : memref<!tpu.dma_semaphore, #tpu.memory_space<semaphore_mem>>
      %dma_start3A = tpu.memref_slice %arg11[%mul3A_8] : memref<81920xi32, #tpu.memory_space<hbm>> -> memref<2560xi32, #tpu.memory_space<hbm>>
      %dma_start3A_18 = tpu.memref_slice %arg11[%mul3A_8] : memref<81920xi32, #tpu.memory_space<hbm>> -> memref<2560xi32, #tpu.memory_space<hbm>>
      tpu.enqueue_dma source(%dma_start3A_18 : memref<2560xi32, #tpu.memory_space<hbm>>) target(%arg24 : memref<2560xi32, #tpu.memory_space<vmem>>) target_semaphore(%run_scoped3A : memref<!tpu.dma_semaphore, #tpu.memory_space<semaphore_mem>>)
      %dma_wait3A = tpu.memref_slice %arg11[%mul3A_8] : memref<81920xi32, #tpu.memory_space<hbm>> -> memref<2560xi32, #tpu.memory_space<hbm>>
      %dma_wait3A_19 = tpu.memref_slice %arg11[%mul3A_8] : memref<81920xi32, #tpu.memory_space<hbm>> -> memref<2560xi32, #tpu.memory_space<hbm>>
      tpu.wait_dma2 semaphore(%run_scoped3A : memref<!tpu.dma_semaphore, #tpu.memory_space<semaphore_mem>>) src(%dma_wait3A_19 : memref<2560xi32, #tpu.memory_space<hbm>>) dst(%arg24 : memref<2560xi32, #tpu.memory_space<vmem>>)
      tpu.yield
    }) : () -> ()
    %parallel_loop3A = arith.constant 0 : i32
    %parallel_loop3A_9 = arith.constant 640 : i32
    %parallel_loop3A_10 = arith.constant 1 : i32
    scf.for %parallel_loop3A_18 = %parallel_loop3A to %parallel_loop3A_9 step %parallel_loop3A_10  : i32 {
      %parallel_loop3A_19 = arith.constant 16 : i32
      %parallel_loop3A_20 = arith.muli %parallel_loop3A_18, %parallel_loop3A_19 : i32
      %parallel_loop3A_21 = arith.index_cast %parallel_loop3A_20 : i32 to index
      %parallel_loop3A_22 = tpu.vector_load %arg20[%parallel_loop3A_21] {strides = array<i32>} : memref<10240xi32, #tpu.memory_space<vmem>>, vector<16xi32>,
      %parallel_loop3A_23 = arith.index_cast %parallel_loop3A_20 : i32 to index
      %parallel_loop3A_24 = tpu.vector_load %arg21[%parallel_loop3A_23] {strides = array<i32>} : memref<10240xi32, #tpu.memory_space<vmem>>, vector<16xi32>,
      %parallel_loop3A_25 = tpu.vector_load_idx %arg14[%parallel_loop3A_22] : memref<10000xf32, #tpu.memory_space<vmem>>[vector<16xi32>], vector<16xf32>,
      %parallel_loop3A_26 = tpu.vector_load_idx %arg14[%parallel_loop3A_24] : memref<10000xf32, #tpu.memory_space<vmem>>[vector<16xi32>], vector<16xf32>,
      %parallel_loop3A_27 = arith.subf %parallel_loop3A_25, %parallel_loop3A_26 : vector<16xf32>
      %parallel_loop3A_28 = tpu.vector_load_idx %arg15[%parallel_loop3A_22] : memref<10000xf32, #tpu.memory_space<vmem>>[vector<16xi32>], vector<16xf32>,
      %parallel_loop3A_29 = tpu.vector_load_idx %arg15[%parallel_loop3A_24] : memref<10000xf32, #tpu.memory_space<vmem>>[vector<16xi32>], vector<16xf32>,
      %parallel_loop3A_30 = arith.subf %parallel_loop3A_28, %parallel_loop3A_29 : vector<16xf32>
      %parallel_loop3A_31 = tpu.vector_load_idx %arg16[%parallel_loop3A_22] : memref<10000xf32, #tpu.memory_space<vmem>>[vector<16xi32>], vector<16xf32>,
      %parallel_loop3A_32 = tpu.vector_load_idx %arg16[%parallel_loop3A_24] : memref<10000xf32, #tpu.memory_space<vmem>>[vector<16xi32>], vector<16xf32>,
      %parallel_loop3A_33 = arith.subf %parallel_loop3A_31, %parallel_loop3A_32 : vector<16xf32>
      %parallel_loop3A_34 = arith.mulf %parallel_loop3A_27, %parallel_loop3A_27 : vector<16xf32>
      %parallel_loop3A_35 = arith.mulf %parallel_loop3A_30, %parallel_loop3A_30 : vector<16xf32>
      %parallel_loop3A_36 = arith.addf %parallel_loop3A_34, %parallel_loop3A_35 : vector<16xf32>
      %parallel_loop3A_37 = arith.mulf %parallel_loop3A_33, %parallel_loop3A_33 : vector<16xf32>
      %parallel_loop3A_38 = arith.addf %parallel_loop3A_36, %parallel_loop3A_37 : vector<16xf32>
      %parallel_loop3A_39 = arith.constant 0.000000e+00 : f32
      %parallel_loop3A_40 = vector.broadcast %parallel_loop3A_39 : f32 to vector<16xf32>
      %parallel_loop3A_41 = arith.subf %parallel_loop3A_40, %parallel_loop3A_38 : vector<16xf32>
      %parallel_loop3A_42 = math.exp %parallel_loop3A_41 : vector<16xf32>
      %parallel_loop3A_43 = arith.index_cast %parallel_loop3A_20 : i32 to index
      %parallel_loop3A_44 = tpu.vector_load %arg22[%parallel_loop3A_43] {strides = array<i32>} : memref<10240xf32, #tpu.memory_space<vmem>>, vector<16xf32>,
      tpu.vector_store %arg22[%parallel_loop3A_43], %parallel_loop3A_42 {strides = array<i32>} : memref<10240xf32, #tpu.memory_space<vmem>>, vector<16xf32>,
    } {sc.loop_unroll_factor = 4 : i64, sc.parallel_access}
    %mul3A_11 = arith.constant 10240 : i32
    %mul3A_12 = arith.muli %add3A, %mul3A_11 : i32
    "tpu.region"() ({
      %run_scoped3A = tpu.sem_alloc : memref<!tpu.dma_semaphore, #tpu.memory_space<semaphore_mem>>
      %dma_start3A = tpu.memref_slice %arg12[%mul3A_12] : memref<327680xf32, #tpu.memory_space<hbm>> -> memref<10240xf32, #tpu.memory_space<hbm>>
      %dma_start3A_18 = tpu.memref_slice %arg12[%mul3A_12] : memref<327680xf32, #tpu.memory_space<hbm>> -> memref<10240xf32, #tpu.memory_space<hbm>>
      tpu.enqueue_dma source(%arg22 : memref<10240xf32, #tpu.memory_space<vmem>>) target(%dma_start3A_18 : memref<10240xf32, #tpu.memory_space<hbm>>) target_semaphore(%run_scoped3A : memref<!tpu.dma_semaphore, #tpu.memory_space<semaphore_mem>>)
      %dma_wait3A = tpu.memref_slice %arg12[%mul3A_12] : memref<327680xf32, #tpu.memory_space<hbm>> -> memref<10240xf32, #tpu.memory_space<hbm>>
      %dma_wait3A_19 = tpu.memref_slice %arg12[%mul3A_12] : memref<327680xf32, #tpu.memory_space<hbm>> -> memref<10240xf32, #tpu.memory_space<hbm>>
      tpu.wait_dma2 semaphore(%run_scoped3A : memref<!tpu.dma_semaphore, #tpu.memory_space<semaphore_mem>>) src(%arg22 : memref<10240xf32, #tpu.memory_space<vmem>>) dst(%dma_wait3A_19 : memref<10240xf32, #tpu.memory_space<hbm>>)
      tpu.yield
    }) : () -> ()
    %parallel_loop3A_13 = arith.constant 0 : i32
    %parallel_loop3A_14 = arith.constant 160 : i32
    %parallel_loop3A_15 = arith.constant 1 : i32
    scf.for %parallel_loop3A_18 = %parallel_loop3A_13 to %parallel_loop3A_14 step %parallel_loop3A_15  : i32 {
      %parallel_loop3A_19 = arith.constant 16 : i32
      %parallel_loop3A_20 = arith.muli %parallel_loop3A_18, %parallel_loop3A_19 : i32
      %parallel_loop3A_21 = arith.index_cast %parallel_loop3A_20 : i32 to index
      %parallel_loop3A_22 = tpu.vector_load %arg23[%parallel_loop3A_21] {strides = array<i32>} : memref<2560xi32, #tpu.memory_space<vmem>>, vector<16xi32>,
      %parallel_loop3A_23 = arith.index_cast %parallel_loop3A_20 : i32 to index
      %parallel_loop3A_24 = tpu.vector_load %arg24[%parallel_loop3A_23] {strides = array<i32>} : memref<2560xi32, #tpu.memory_space<vmem>>, vector<16xi32>,
      %parallel_loop3A_25 = tpu.vector_load_idx %arg14[%parallel_loop3A_22] : memref<10000xf32, #tpu.memory_space<vmem>>[vector<16xi32>], vector<16xf32>,
      %parallel_loop3A_26 = tpu.vector_load_idx %arg17[%parallel_loop3A_24] : memref<2560xf32, #tpu.memory_space<vmem>>[vector<16xi32>], vector<16xf32>,
      %parallel_loop3A_27 = arith.subf %parallel_loop3A_25, %parallel_loop3A_26 : vector<16xf32>
      %parallel_loop3A_28 = tpu.vector_load_idx %arg15[%parallel_loop3A_22] : memref<10000xf32, #tpu.memory_space<vmem>>[vector<16xi32>], vector<16xf32>,
      %parallel_loop3A_29 = tpu.vector_load_idx %arg18[%parallel_loop3A_24] : memref<2560xf32, #tpu.memory_space<vmem>>[vector<16xi32>], vector<16xf32>,
      %parallel_loop3A_30 = arith.subf %parallel_loop3A_28, %parallel_loop3A_29 : vector<16xf32>
      %parallel_loop3A_31 = tpu.vector_load_idx %arg16[%parallel_loop3A_22] : memref<10000xf32, #tpu.memory_space<vmem>>[vector<16xi32>], vector<16xf32>,
      %parallel_loop3A_32 = tpu.vector_load_idx %arg19[%parallel_loop3A_24] : memref<2560xf32, #tpu.memory_space<vmem>>[vector<16xi32>], vector<16xf32>,
      %parallel_loop3A_33 = arith.subf %parallel_loop3A_31, %parallel_loop3A_32 : vector<16xf32>
      %parallel_loop3A_34 = arith.mulf %parallel_loop3A_27, %parallel_loop3A_27 : vector<16xf32>
      %parallel_loop3A_35 = arith.mulf %parallel_loop3A_30, %parallel_loop3A_30 : vector<16xf32>
      %parallel_loop3A_36 = arith.addf %parallel_loop3A_34, %parallel_loop3A_35 : vector<16xf32>
      %parallel_loop3A_37 = arith.mulf %parallel_loop3A_33, %parallel_loop3A_33 : vector<16xf32>
      %parallel_loop3A_38 = arith.addf %parallel_loop3A_36, %parallel_loop3A_37 : vector<16xf32>
      %parallel_loop3A_39 = arith.constant 0.000000e+00 : f32
      %parallel_loop3A_40 = vector.broadcast %parallel_loop3A_39 : f32 to vector<16xf32>
      %parallel_loop3A_41 = arith.subf %parallel_loop3A_40, %parallel_loop3A_38 : vector<16xf32>
      %parallel_loop3A_42 = math.exp %parallel_loop3A_41 : vector<16xf32>
      %parallel_loop3A_43 = arith.index_cast %parallel_loop3A_20 : i32 to index
      %parallel_loop3A_44 = tpu.vector_load %arg25[%parallel_loop3A_43] {strides = array<i32>} : memref<2560xf32, #tpu.memory_space<vmem>>, vector<16xf32>,
      tpu.vector_store %arg25[%parallel_loop3A_43], %parallel_loop3A_42 {strides = array<i32>} : memref<2560xf32, #tpu.memory_space<vmem>>, vector<16xf32>,
    } {sc.loop_unroll_factor = 4 : i64, sc.parallel_access}
    %mul3A_16 = arith.constant 2560 : i32
    %mul3A_17 = arith.muli %add3A, %mul3A_16 : i32
    "tpu.region"() ({
      %run_scoped3A = tpu.sem_alloc : memref<!tpu.dma_semaphore, #tpu.memory_space<semaphore_mem>>
      %dma_start3A = tpu.memref_slice %arg13[%mul3A_17] : memref<81920xf32, #tpu.memory_space<hbm>> -> memref<2560xf32, #tpu.memory_space<hbm>>
      %dma_start3A_18 = tpu.memref_slice %arg13[%mul3A_17] : memref<81920xf32, #tpu.memory_space<hbm>> -> memref<2560xf32, #tpu.memory_space<hbm>>
      tpu.enqueue_dma source(%arg25 : memref<2560xf32, #tpu.memory_space<vmem>>) target(%dma_start3A_18 : memref<2560xf32, #tpu.memory_space<hbm>>) target_semaphore(%run_scoped3A : memref<!tpu.dma_semaphore, #tpu.memory_space<semaphore_mem>>)
      %dma_wait3A = tpu.memref_slice %arg13[%mul3A_17] : memref<81920xf32, #tpu.memory_space<hbm>> -> memref<2560xf32, #tpu.memory_space<hbm>>
      %dma_wait3A_19 = tpu.memref_slice %arg13[%mul3A_17] : memref<81920xf32, #tpu.memory_space<hbm>> -> memref<2560xf32, #tpu.memory_space<hbm>>
      tpu.wait_dma2 semaphore(%run_scoped3A : memref<!tpu.dma_semaphore, #tpu.memory_space<semaphore_mem>>) src(%arg25 : memref<2560xf32, #tpu.memory_space<vmem>>) dst(%dma_wait3A_19 : memref<2560xf32, #tpu.memory_space<hbm>>)
      tpu.yield
    }) : () -> ()
    return
  }
}

#map = affine_map<(d0, d1) -> (0, 0, 0)>
#map1 = affine_map<(d0, d1) -> (0)>
#map2 = affine_map<(d0, d1) -> (0, 0)>
module attributes {stable_mosaic.version = 14 : i64} {
  func.func @_sc_pool(%arg0: i32, %arg1: i32, %arg2: memref<16x26x128xi32, #tpu.memory_space<hbm>>, %arg3: memref<16x14x128xi32, #tpu.memory_space<hbm>>, %arg4: memref<16x26x128xi32, #tpu.memory_space<hbm>>, %arg5: memref<16x14x128xi32, #tpu.memory_space<hbm>>, %arg6: memref<81920xf32, #tpu.memory_space<hbm>>, %arg7: memref<10000x128xf32, #tpu.memory_space<hbm>>, %arg8: memref<2x2560x144xf32, #tpu.memory_space<hbm>>, %arg9: memref<26x128xi32, #tpu.memory_space<vmem>>, %arg10: memref<26x128xi32, #tpu.memory_space<vmem>>, %arg11: memref<3328xf32, #tpu.memory_space<vmem>>, %arg12: memref<2x128x128xf32, #tpu.memory_space<vmem>>, %arg13: memref<2x128x144xf32, #tpu.memory_space<vmem>>, %arg14: memref<2560x144xf32, #tpu.memory_space<vmem_shared>>, %arg15: memref<!tpu.dma_semaphore, #tpu.memory_space<semaphore_mem>>, %arg16: memref<!tpu.dma_semaphore, #tpu.memory_space<semaphore_mem>>, %arg17: memref<!tpu.dma_semaphore, #tpu.memory_space<semaphore_mem>>, %arg18: memref<!tpu.dma_semaphore, #tpu.memory_space<semaphore_mem>>) attributes {dimension_semantics = [#tpu.dimension_semantics<core_parallel>, #tpu.dimension_semantics<subcore_parallel>], iteration_bounds = array<i64: 2, 16>, scalar_prefetch = 0 : i64, scratch_operands = 10 : i64, tpu.core_type = #tpu.core_type<sc_vector_subcore>, window_params = [{transform_indices = #map}, {transform_indices = #map}, {transform_indices = #map}, {transform_indices = #map}, {transform_indices = #map1}, {transform_indices = #map2}, {transform_indices = #map}]} {
    %eq3A = arith.constant 0 : i32
    %eq3A_0 = arith.cmpi eq, %arg0, %eq3A : i32
    %mul3A = arith.constant 3328 : i32
    %mul3A_1 = arith.muli %arg1, %mul3A : i32
    %mul3A_2 = arith.constant 1792 : i32
    %mul3A_3 = arith.muli %arg1, %mul3A_2 : i32
    %add3A = arith.constant 53248 : i32
    %add3A_4 = arith.addi %add3A, %mul3A_3 : i32
    %select_n3A = arith.select %eq3A_0, %mul3A_1, %add3A_4 : i32
    %jit3A = arith.constant 13 : i32
    %jit3A_5 = arith.constant 7 : i32
    %select_n3A_6 = arith.select %eq3A_0, %jit3A, %jit3A_5 : i32
    %convert_element_type3A = arith.extui %eq3A_0 : i1 to i32
    %cond3A = arith.constant 0 : i32
    %cond3A_7 = arith.cmpi ne, %convert_element_type3A, %cond3A : i32
    scf.if %cond3A_7 {
      "tpu.region"() ({
        %run_scoped3A_91 = tpu.sem_alloc : memref<!tpu.dma_semaphore, #tpu.memory_space<semaphore_mem>>
        %dma_start3A_92 = arith.constant 0 : i32
        %dma_start3A_93 = arith.constant 0 : i32
        %dma_start3A_94 = tpu.memref_slice %arg2[%arg1, %dma_start3A_92, %dma_start3A_93] : memref<16x26x128xi32, #tpu.memory_space<hbm>> -> memref<1x26x128xi32, #tpu.memory_space<hbm>>
        %dma_start3A_95 = tpu.memref_squeeze %dma_start3A_94 : memref<1x26x128xi32, #tpu.memory_space<hbm>> -> memref<26x128xi32, #tpu.memory_space<hbm>>
        %dma_start3A_96 = arith.constant 0 : i32
        %dma_start3A_97 = arith.constant 0 : i32
        %dma_start3A_98 = tpu.memref_slice %arg2[%arg1, %dma_start3A_96, %dma_start3A_97] : memref<16x26x128xi32, #tpu.memory_space<hbm>> -> memref<1x26x128xi32, #tpu.memory_space<hbm>>
        %dma_start3A_99 = tpu.memref_squeeze %dma_start3A_98 : memref<1x26x128xi32, #tpu.memory_space<hbm>> -> memref<26x128xi32, #tpu.memory_space<hbm>>
        tpu.enqueue_dma source(%dma_start3A_99 : memref<26x128xi32, #tpu.memory_space<hbm>>) target(%arg9 : memref<26x128xi32, #tpu.memory_space<vmem>>) target_semaphore(%run_scoped3A_91 : memref<!tpu.dma_semaphore, #tpu.memory_space<semaphore_mem>>)
        %dma_wait3A_100 = arith.constant 0 : i32
        %dma_wait3A_101 = arith.constant 0 : i32
        %dma_wait3A_102 = tpu.memref_slice %arg2[%arg1, %dma_wait3A_100, %dma_wait3A_101] : memref<16x26x128xi32, #tpu.memory_space<hbm>> -> memref<1x26x128xi32, #tpu.memory_space<hbm>>
        %dma_wait3A_103 = tpu.memref_squeeze %dma_wait3A_102 : memref<1x26x128xi32, #tpu.memory_space<hbm>> -> memref<26x128xi32, #tpu.memory_space<hbm>>
        %dma_wait3A_104 = arith.constant 0 : i32
        %dma_wait3A_105 = arith.constant 0 : i32
        %dma_wait3A_106 = tpu.memref_slice %arg2[%arg1, %dma_wait3A_104, %dma_wait3A_105] : memref<16x26x128xi32, #tpu.memory_space<hbm>> -> memref<1x26x128xi32, #tpu.memory_space<hbm>>
        %dma_wait3A_107 = tpu.memref_squeeze %dma_wait3A_106 : memref<1x26x128xi32, #tpu.memory_space<hbm>> -> memref<26x128xi32, #tpu.memory_space<hbm>>
        tpu.wait_dma2 semaphore(%run_scoped3A_91 : memref<!tpu.dma_semaphore, #tpu.memory_space<semaphore_mem>>) src(%dma_wait3A_107 : memref<26x128xi32, #tpu.memory_space<hbm>>) dst(%arg9 : memref<26x128xi32, #tpu.memory_space<vmem>>)
        tpu.yield
      }) : () -> ()
      "tpu.region"() ({
        %run_scoped3A_91 = tpu.sem_alloc : memref<!tpu.dma_semaphore, #tpu.memory_space<semaphore_mem>>
        %dma_start3A_92 = arith.constant 0 : i32
        %dma_start3A_93 = arith.constant 0 : i32
        %dma_start3A_94 = tpu.memref_slice %arg4[%arg1, %dma_start3A_92, %dma_start3A_93] : memref<16x26x128xi32, #tpu.memory_space<hbm>> -> memref<1x26x128xi32, #tpu.memory_space<hbm>>
        %dma_start3A_95 = tpu.memref_squeeze %dma_start3A_94 : memref<1x26x128xi32, #tpu.memory_space<hbm>> -> memref<26x128xi32, #tpu.memory_space<hbm>>
        %dma_start3A_96 = arith.constant 0 : i32
        %dma_start3A_97 = arith.constant 0 : i32
        %dma_start3A_98 = tpu.memref_slice %arg4[%arg1, %dma_start3A_96, %dma_start3A_97] : memref<16x26x128xi32, #tpu.memory_space<hbm>> -> memref<1x26x128xi32, #tpu.memory_space<hbm>>
        %dma_start3A_99 = tpu.memref_squeeze %dma_start3A_98 : memref<1x26x128xi32, #tpu.memory_space<hbm>> -> memref<26x128xi32, #tpu.memory_space<hbm>>
        tpu.enqueue_dma source(%dma_start3A_99 : memref<26x128xi32, #tpu.memory_space<hbm>>) target(%arg10 : memref<26x128xi32, #tpu.memory_space<vmem>>) target_semaphore(%run_scoped3A_91 : memref<!tpu.dma_semaphore, #tpu.memory_space<semaphore_mem>>)
        %dma_wait3A_100 = arith.constant 0 : i32
        %dma_wait3A_101 = arith.constant 0 : i32
        %dma_wait3A_102 = tpu.memref_slice %arg4[%arg1, %dma_wait3A_100, %dma_wait3A_101] : memref<16x26x128xi32, #tpu.memory_space<hbm>> -> memref<1x26x128xi32, #tpu.memory_space<hbm>>
        %dma_wait3A_103 = tpu.memref_squeeze %dma_wait3A_102 : memref<1x26x128xi32, #tpu.memory_space<hbm>> -> memref<26x128xi32, #tpu.memory_space<hbm>>
        %dma_wait3A_104 = arith.constant 0 : i32
        %dma_wait3A_105 = arith.constant 0 : i32
        %dma_wait3A_106 = tpu.memref_slice %arg4[%arg1, %dma_wait3A_104, %dma_wait3A_105] : memref<16x26x128xi32, #tpu.memory_space<hbm>> -> memref<1x26x128xi32, #tpu.memory_space<hbm>>
        %dma_wait3A_107 = tpu.memref_squeeze %dma_wait3A_106 : memref<1x26x128xi32, #tpu.memory_space<hbm>> -> memref<26x128xi32, #tpu.memory_space<hbm>>
        tpu.wait_dma2 semaphore(%run_scoped3A_91 : memref<!tpu.dma_semaphore, #tpu.memory_space<semaphore_mem>>) src(%dma_wait3A_107 : memref<26x128xi32, #tpu.memory_space<hbm>>) dst(%arg10 : memref<26x128xi32, #tpu.memory_space<vmem>>)
        tpu.yield
      }) : () -> ()
      "tpu.region"() ({
        %run_scoped3A_91 = tpu.sem_alloc : memref<!tpu.dma_semaphore, #tpu.memory_space<semaphore_mem>>
        %dma_start3A_92 = tpu.memref_slice %arg6[%select_n3A] : memref<81920xf32, #tpu.memory_space<hbm>> -> memref<3328xf32, #tpu.memory_space<hbm>>
        %dma_start3A_93 = tpu.memref_slice %arg6[%select_n3A] : memref<81920xf32, #tpu.memory_space<hbm>> -> memref<3328xf32, #tpu.memory_space<hbm>>
        tpu.enqueue_dma source(%dma_start3A_93 : memref<3328xf32, #tpu.memory_space<hbm>>) target(%arg11 : memref<3328xf32, #tpu.memory_space<vmem>>) target_semaphore(%run_scoped3A_91 : memref<!tpu.dma_semaphore, #tpu.memory_space<semaphore_mem>>)
        %dma_wait3A_94 = tpu.memref_slice %arg6[%select_n3A] : memref<81920xf32, #tpu.memory_space<hbm>> -> memref<3328xf32, #tpu.memory_space<hbm>>
        %dma_wait3A_95 = tpu.memref_slice %arg6[%select_n3A] : memref<81920xf32, #tpu.memory_space<hbm>> -> memref<3328xf32, #tpu.memory_space<hbm>>
        tpu.wait_dma2 semaphore(%run_scoped3A_91 : memref<!tpu.dma_semaphore, #tpu.memory_space<semaphore_mem>>) src(%dma_wait3A_95 : memref<3328xf32, #tpu.memory_space<hbm>>) dst(%arg11 : memref<3328xf32, #tpu.memory_space<vmem>>)
        tpu.yield
      }) : () -> ()
    } else {
    }
    %not3A = arith.constant true
    %not3A_8 = arith.xori %eq3A_0, %not3A : i1
    %convert_element_type3A_9 = arith.extui %not3A_8 : i1 to i32
    %cond3A_10 = arith.constant 0 : i32
    %cond3A_11 = arith.cmpi ne, %convert_element_type3A_9, %cond3A_10 : i32
    scf.if %cond3A_11 {
      "tpu.region"() ({
        %run_scoped3A_91 = tpu.sem_alloc : memref<!tpu.dma_semaphore, #tpu.memory_space<semaphore_mem>>
        %dma_start3A_92 = arith.constant 0 : i32
        %dma_start3A_93 = arith.constant 0 : i32
        %dma_start3A_94 = tpu.memref_slice %arg9[%dma_start3A_92, %dma_start3A_93] : memref<26x128xi32, #tpu.memory_space<vmem>> -> memref<14x128xi32, #tpu.memory_space<vmem>>
        %dma_start3A_95 = arith.constant 0 : i32
        %dma_start3A_96 = arith.constant 0 : i32
        %dma_start3A_97 = tpu.memref_slice %arg3[%arg1, %dma_start3A_95, %dma_start3A_96] : memref<16x14x128xi32, #tpu.memory_space<hbm>> -> memref<1x14x128xi32, #tpu.memory_space<hbm>>
        %dma_start3A_98 = tpu.memref_squeeze %dma_start3A_97 : memref<1x14x128xi32, #tpu.memory_space<hbm>> -> memref<14x128xi32, #tpu.memory_space<hbm>>
        %dma_start3A_99 = arith.constant 0 : i32
        %dma_start3A_100 = arith.constant 0 : i32
        %dma_start3A_101 = tpu.memref_slice %arg9[%dma_start3A_99, %dma_start3A_100] : memref<26x128xi32, #tpu.memory_space<vmem>> -> memref<14x128xi32, #tpu.memory_space<vmem>>
        %dma_start3A_102 = arith.constant 0 : i32
        %dma_start3A_103 = arith.constant 0 : i32
        %dma_start3A_104 = tpu.memref_slice %arg3[%arg1, %dma_start3A_102, %dma_start3A_103] : memref<16x14x128xi32, #tpu.memory_space<hbm>> -> memref<1x14x128xi32, #tpu.memory_space<hbm>>
        %dma_start3A_105 = tpu.memref_squeeze %dma_start3A_104 : memref<1x14x128xi32, #tpu.memory_space<hbm>> -> memref<14x128xi32, #tpu.memory_space<hbm>>
        tpu.enqueue_dma source(%dma_start3A_105 : memref<14x128xi32, #tpu.memory_space<hbm>>) target(%dma_start3A_101 : memref<14x128xi32, #tpu.memory_space<vmem>>) target_semaphore(%run_scoped3A_91 : memref<!tpu.dma_semaphore, #tpu.memory_space<semaphore_mem>>)
        %dma_wait3A_106 = arith.constant 0 : i32
        %dma_wait3A_107 = arith.constant 0 : i32
        %dma_wait3A_108 = tpu.memref_slice %arg9[%dma_wait3A_106, %dma_wait3A_107] : memref<26x128xi32, #tpu.memory_space<vmem>> -> memref<14x128xi32, #tpu.memory_space<vmem>>
        %dma_wait3A_109 = arith.constant 0 : i32
        %dma_wait3A_110 = arith.constant 0 : i32
        %dma_wait3A_111 = tpu.memref_slice %arg3[%arg1, %dma_wait3A_109, %dma_wait3A_110] : memref<16x14x128xi32, #tpu.memory_space<hbm>> -> memref<1x14x128xi32, #tpu.memory_space<hbm>>
        %dma_wait3A_112 = tpu.memref_squeeze %dma_wait3A_111 : memref<1x14x128xi32, #tpu.memory_space<hbm>> -> memref<14x128xi32, #tpu.memory_space<hbm>>
        %dma_wait3A_113 = arith.constant 0 : i32
        %dma_wait3A_114 = arith.constant 0 : i32
        %dma_wait3A_115 = tpu.memref_slice %arg9[%dma_wait3A_113, %dma_wait3A_114] : memref<26x128xi32, #tpu.memory_space<vmem>> -> memref<14x128xi32, #tpu.memory_space<vmem>>
        %dma_wait3A_116 = arith.constant 0 : i32
        %dma_wait3A_117 = arith.constant 0 : i32
        %dma_wait3A_118 = tpu.memref_slice %arg3[%arg1, %dma_wait3A_116, %dma_wait3A_117] : memref<16x14x128xi32, #tpu.memory_space<hbm>> -> memref<1x14x128xi32, #tpu.memory_space<hbm>>
        %dma_wait3A_119 = tpu.memref_squeeze %dma_wait3A_118 : memref<1x14x128xi32, #tpu.memory_space<hbm>> -> memref<14x128xi32, #tpu.memory_space<hbm>>
        tpu.wait_dma2 semaphore(%run_scoped3A_91 : memref<!tpu.dma_semaphore, #tpu.memory_space<semaphore_mem>>) src(%dma_wait3A_119 : memref<14x128xi32, #tpu.memory_space<hbm>>) dst(%dma_wait3A_115 : memref<14x128xi32, #tpu.memory_space<vmem>>)
        tpu.yield
      }) : () -> ()
      "tpu.region"() ({
        %run_scoped3A_91 = tpu.sem_alloc : memref<!tpu.dma_semaphore, #tpu.memory_space<semaphore_mem>>
        %dma_start3A_92 = arith.constant 0 : i32
        %dma_start3A_93 = arith.constant 0 : i32
        %dma_start3A_94 = tpu.memref_slice %arg10[%dma_start3A_92, %dma_start3A_93] : memref<26x128xi32, #tpu.memory_space<vmem>> -> memref<14x128xi32, #tpu.memory_space<vmem>>
        %dma_start3A_95 = arith.constant 0 : i32
        %dma_start3A_96 = arith.constant 0 : i32
        %dma_start3A_97 = tpu.memref_slice %arg5[%arg1, %dma_start3A_95, %dma_start3A_96] : memref<16x14x128xi32, #tpu.memory_space<hbm>> -> memref<1x14x128xi32, #tpu.memory_space<hbm>>
        %dma_start3A_98 = tpu.memref_squeeze %dma_start3A_97 : memref<1x14x128xi32, #tpu.memory_space<hbm>> -> memref<14x128xi32, #tpu.memory_space<hbm>>
        %dma_start3A_99 = arith.constant 0 : i32
        %dma_start3A_100 = arith.constant 0 : i32
        %dma_start3A_101 = tpu.memref_slice %arg10[%dma_start3A_99, %dma_start3A_100] : memref<26x128xi32, #tpu.memory_space<vmem>> -> memref<14x128xi32, #tpu.memory_space<vmem>>
        %dma_start3A_102 = arith.constant 0 : i32
        %dma_start3A_103 = arith.constant 0 : i32
        %dma_start3A_104 = tpu.memref_slice %arg5[%arg1, %dma_start3A_102, %dma_start3A_103] : memref<16x14x128xi32, #tpu.memory_space<hbm>> -> memref<1x14x128xi32, #tpu.memory_space<hbm>>
        %dma_start3A_105 = tpu.memref_squeeze %dma_start3A_104 : memref<1x14x128xi32, #tpu.memory_space<hbm>> -> memref<14x128xi32, #tpu.memory_space<hbm>>
        tpu.enqueue_dma source(%dma_start3A_105 : memref<14x128xi32, #tpu.memory_space<hbm>>) target(%dma_start3A_101 : memref<14x128xi32, #tpu.memory_space<vmem>>) target_semaphore(%run_scoped3A_91 : memref<!tpu.dma_semaphore, #tpu.memory_space<semaphore_mem>>)
        %dma_wait3A_106 = arith.constant 0 : i32
        %dma_wait3A_107 = arith.constant 0 : i32
        %dma_wait3A_108 = tpu.memref_slice %arg10[%dma_wait3A_106, %dma_wait3A_107] : memref<26x128xi32, #tpu.memory_space<vmem>> -> memref<14x128xi32, #tpu.memory_space<vmem>>
        %dma_wait3A_109 = arith.constant 0 : i32
        %dma_wait3A_110 = arith.constant 0 : i32
        %dma_wait3A_111 = tpu.memref_slice %arg5[%arg1, %dma_wait3A_109, %dma_wait3A_110] : memref<16x14x128xi32, #tpu.memory_space<hbm>> -> memref<1x14x128xi32, #tpu.memory_space<hbm>>
        %dma_wait3A_112 = tpu.memref_squeeze %dma_wait3A_111 : memref<1x14x128xi32, #tpu.memory_space<hbm>> -> memref<14x128xi32, #tpu.memory_space<hbm>>
        %dma_wait3A_113 = arith.constant 0 : i32
        %dma_wait3A_114 = arith.constant 0 : i32
        %dma_wait3A_115 = tpu.memref_slice %arg10[%dma_wait3A_113, %dma_wait3A_114] : memref<26x128xi32, #tpu.memory_space<vmem>> -> memref<14x128xi32, #tpu.memory_space<vmem>>
        %dma_wait3A_116 = arith.constant 0 : i32
        %dma_wait3A_117 = arith.constant 0 : i32
        %dma_wait3A_118 = tpu.memref_slice %arg5[%arg1, %dma_wait3A_116, %dma_wait3A_117] : memref<16x14x128xi32, #tpu.memory_space<hbm>> -> memref<1x14x128xi32, #tpu.memory_space<hbm>>
        %dma_wait3A_119 = tpu.memref_squeeze %dma_wait3A_118 : memref<1x14x128xi32, #tpu.memory_space<hbm>> -> memref<14x128xi32, #tpu.memory_space<hbm>>
        tpu.wait_dma2 semaphore(%run_scoped3A_91 : memref<!tpu.dma_semaphore, #tpu.memory_space<semaphore_mem>>) src(%dma_wait3A_119 : memref<14x128xi32, #tpu.memory_space<hbm>>) dst(%dma_wait3A_115 : memref<14x128xi32, #tpu.memory_space<vmem>>)
        tpu.yield
      }) : () -> ()
      "tpu.region"() ({
        %run_scoped3A_91 = tpu.sem_alloc : memref<!tpu.dma_semaphore, #tpu.memory_space<semaphore_mem>>
        %dma_start3A_92 = arith.constant 0 : i32
        %dma_start3A_93 = tpu.memref_slice %arg11[%dma_start3A_92] : memref<3328xf32, #tpu.memory_space<vmem>> -> memref<1792xf32, #tpu.memory_space<vmem>>
        %dma_start3A_94 = tpu.memref_slice %arg6[%select_n3A] : memref<81920xf32, #tpu.memory_space<hbm>> -> memref<1792xf32, #tpu.memory_space<hbm>>
        %dma_start3A_95 = arith.constant 0 : i32
        %dma_start3A_96 = tpu.memref_slice %arg11[%dma_start3A_95] : memref<3328xf32, #tpu.memory_space<vmem>> -> memref<1792xf32, #tpu.memory_space<vmem>>
        %dma_start3A_97 = tpu.memref_slice %arg6[%select_n3A] : memref<81920xf32, #tpu.memory_space<hbm>> -> memref<1792xf32, #tpu.memory_space<hbm>>
        tpu.enqueue_dma source(%dma_start3A_97 : memref<1792xf32, #tpu.memory_space<hbm>>) target(%dma_start3A_96 : memref<1792xf32, #tpu.memory_space<vmem>>) target_semaphore(%run_scoped3A_91 : memref<!tpu.dma_semaphore, #tpu.memory_space<semaphore_mem>>)
        %dma_wait3A_98 = arith.constant 0 : i32
        %dma_wait3A_99 = tpu.memref_slice %arg11[%dma_wait3A_98] : memref<3328xf32, #tpu.memory_space<vmem>> -> memref<1792xf32, #tpu.memory_space<vmem>>
        %dma_wait3A_100 = tpu.memref_slice %arg6[%select_n3A] : memref<81920xf32, #tpu.memory_space<hbm>> -> memref<1792xf32, #tpu.memory_space<hbm>>
        %dma_wait3A_101 = arith.constant 0 : i32
        %dma_wait3A_102 = tpu.memref_slice %arg11[%dma_wait3A_101] : memref<3328xf32, #tpu.memory_space<vmem>> -> memref<1792xf32, #tpu.memory_space<vmem>>
        %dma_wait3A_103 = tpu.memref_slice %arg6[%select_n3A] : memref<81920xf32, #tpu.memory_space<hbm>> -> memref<1792xf32, #tpu.memory_space<hbm>>
        tpu.wait_dma2 semaphore(%run_scoped3A_91 : memref<!tpu.dma_semaphore, #tpu.memory_space<semaphore_mem>>) src(%dma_wait3A_103 : memref<1792xf32, #tpu.memory_space<hbm>>) dst(%dma_wait3A_102 : memref<1792xf32, #tpu.memory_space<vmem>>)
        tpu.yield
      }) : () -> ()
    } else {
    }
    %broadcast_in_dim3A = arith.constant 0.000000e+00 : f32
    %broadcast_in_dim3A_12 = vector.broadcast %broadcast_in_dim3A : f32 to vector<16xf32>
    %scan3A = arith.constant 0 : i32
    %scan3A_13 = arith.constant 0 : i32
    %scan3A_14 = arith.constant 0 : i32
    %scan3A_15 = arith.constant 128 : i32
    %scan3A_16 = arith.addi %scan3A_14, %scan3A_15 : i32
    %scan3A_17 = arith.constant 1 : i32
    scf.for %scan3A_91 = %scan3A_14 to %scan3A_16 step %scan3A_17  : i32 {
      %swap3A = arith.constant 0 : i32
      %swap3A_92 = arith.constant 0 : i32
      %swap3A_93 = tpu.memref_slice %arg13[%scan3A_13, %swap3A, %swap3A_92] : memref<2x128x144xf32, #tpu.memory_space<vmem>> -> memref<1x128x144xf32, #tpu.memory_space<vmem>>
      %swap3A_94 = tpu.memref_squeeze %swap3A_93 : memref<1x128x144xf32, #tpu.memory_space<vmem>> -> memref<128x144xf32, #tpu.memory_space<vmem>>
      %swap3A_95 = arith.index_cast %scan3A_91 : i32 to index
      %swap3A_96 = arith.constant 0 : index
      %swap3A_97 = tpu.vector_load %swap3A_94[%swap3A_95, %swap3A_96] {strides = array<i32>} : memref<128x144xf32, #tpu.memory_space<vmem>>, vector<16xf32>,
      tpu.vector_store %swap3A_94[%swap3A_95, %swap3A_96], %broadcast_in_dim3A_12 {strides = array<i32>} : memref<128x144xf32, #tpu.memory_space<vmem>>, vector<16xf32>,
      %swap3A_98 = arith.constant 0 : i32
      %swap3A_99 = arith.constant 0 : i32
      %swap3A_100 = tpu.memref_slice %arg13[%scan3A_13, %swap3A_98, %swap3A_99] : memref<2x128x144xf32, #tpu.memory_space<vmem>> -> memref<1x128x144xf32, #tpu.memory_space<vmem>>
      %swap3A_101 = tpu.memref_squeeze %swap3A_100 : memref<1x128x144xf32, #tpu.memory_space<vmem>> -> memref<128x144xf32, #tpu.memory_space<vmem>>
      %swap3A_102 = arith.index_cast %scan3A_91 : i32 to index
      %swap3A_103 = arith.constant 16 : index
      %swap3A_104 = tpu.vector_load %swap3A_101[%swap3A_102, %swap3A_103] {strides = array<i32>} : memref<128x144xf32, #tpu.memory_space<vmem>>, vector<16xf32>,
      tpu.vector_store %swap3A_101[%swap3A_102, %swap3A_103], %broadcast_in_dim3A_12 {strides = array<i32>} : memref<128x144xf32, #tpu.memory_space<vmem>>, vector<16xf32>,
      %swap3A_105 = arith.constant 0 : i32
      %swap3A_106 = arith.constant 0 : i32
      %swap3A_107 = tpu.memref_slice %arg13[%scan3A_13, %swap3A_105, %swap3A_106] : memref<2x128x144xf32, #tpu.memory_space<vmem>> -> memref<1x128x144xf32, #tpu.memory_space<vmem>>
      %swap3A_108 = tpu.memref_squeeze %swap3A_107 : memref<1x128x144xf32, #tpu.memory_space<vmem>> -> memref<128x144xf32, #tpu.memory_space<vmem>>
      %swap3A_109 = arith.index_cast %scan3A_91 : i32 to index
      %swap3A_110 = arith.constant 32 : index
      %swap3A_111 = tpu.vector_load %swap3A_108[%swap3A_109, %swap3A_110] {strides = array<i32>} : memref<128x144xf32, #tpu.memory_space<vmem>>, vector<16xf32>,
      tpu.vector_store %swap3A_108[%swap3A_109, %swap3A_110], %broadcast_in_dim3A_12 {strides = array<i32>} : memref<128x144xf32, #tpu.memory_space<vmem>>, vector<16xf32>,
      %swap3A_112 = arith.constant 0 : i32
      %swap3A_113 = arith.constant 0 : i32
      %swap3A_114 = tpu.memref_slice %arg13[%scan3A_13, %swap3A_112, %swap3A_113] : memref<2x128x144xf32, #tpu.memory_space<vmem>> -> memref<1x128x144xf32, #tpu.memory_space<vmem>>
      %swap3A_115 = tpu.memref_squeeze %swap3A_114 : memref<1x128x144xf32, #tpu.memory_space<vmem>> -> memref<128x144xf32, #tpu.memory_space<vmem>>
      %swap3A_116 = arith.index_cast %scan3A_91 : i32 to index
      %swap3A_117 = arith.constant 48 : index
      %swap3A_118 = tpu.vector_load %swap3A_115[%swap3A_116, %swap3A_117] {strides = array<i32>} : memref<128x144xf32, #tpu.memory_space<vmem>>, vector<16xf32>,
      tpu.vector_store %swap3A_115[%swap3A_116, %swap3A_117], %broadcast_in_dim3A_12 {strides = array<i32>} : memref<128x144xf32, #tpu.memory_space<vmem>>, vector<16xf32>,
      %swap3A_119 = arith.constant 0 : i32
      %swap3A_120 = arith.constant 0 : i32
      %swap3A_121 = tpu.memref_slice %arg13[%scan3A_13, %swap3A_119, %swap3A_120] : memref<2x128x144xf32, #tpu.memory_space<vmem>> -> memref<1x128x144xf32, #tpu.memory_space<vmem>>
      %swap3A_122 = tpu.memref_squeeze %swap3A_121 : memref<1x128x144xf32, #tpu.memory_space<vmem>> -> memref<128x144xf32, #tpu.memory_space<vmem>>
      %swap3A_123 = arith.index_cast %scan3A_91 : i32 to index
      %swap3A_124 = arith.constant 64 : index
      %swap3A_125 = tpu.vector_load %swap3A_122[%swap3A_123, %swap3A_124] {strides = array<i32>} : memref<128x144xf32, #tpu.memory_space<vmem>>, vector<16xf32>,
      tpu.vector_store %swap3A_122[%swap3A_123, %swap3A_124], %broadcast_in_dim3A_12 {strides = array<i32>} : memref<128x144xf32, #tpu.memory_space<vmem>>, vector<16xf32>,
      %swap3A_126 = arith.constant 0 : i32
      %swap3A_127 = arith.constant 0 : i32
      %swap3A_128 = tpu.memref_slice %arg13[%scan3A_13, %swap3A_126, %swap3A_127] : memref<2x128x144xf32, #tpu.memory_space<vmem>> -> memref<1x128x144xf32, #tpu.memory_space<vmem>>
      %swap3A_129 = tpu.memref_squeeze %swap3A_128 : memref<1x128x144xf32, #tpu.memory_space<vmem>> -> memref<128x144xf32, #tpu.memory_space<vmem>>
      %swap3A_130 = arith.index_cast %scan3A_91 : i32 to index
      %swap3A_131 = arith.constant 80 : index
      %swap3A_132 = tpu.vector_load %swap3A_129[%swap3A_130, %swap3A_131] {strides = array<i32>} : memref<128x144xf32, #tpu.memory_space<vmem>>, vector<16xf32>,
      tpu.vector_store %swap3A_129[%swap3A_130, %swap3A_131], %broadcast_in_dim3A_12 {strides = array<i32>} : memref<128x144xf32, #tpu.memory_space<vmem>>, vector<16xf32>,
      %swap3A_133 = arith.constant 0 : i32
      %swap3A_134 = arith.constant 0 : i32
      %swap3A_135 = tpu.memref_slice %arg13[%scan3A_13, %swap3A_133, %swap3A_134] : memref<2x128x144xf32, #tpu.memory_space<vmem>> -> memref<1x128x144xf32, #tpu.memory_space<vmem>>
      %swap3A_136 = tpu.memref_squeeze %swap3A_135 : memref<1x128x144xf32, #tpu.memory_space<vmem>> -> memref<128x144xf32, #tpu.memory_space<vmem>>
      %swap3A_137 = arith.index_cast %scan3A_91 : i32 to index
      %swap3A_138 = arith.constant 96 : index
      %swap3A_139 = tpu.vector_load %swap3A_136[%swap3A_137, %swap3A_138] {strides = array<i32>} : memref<128x144xf32, #tpu.memory_space<vmem>>, vector<16xf32>,
      tpu.vector_store %swap3A_136[%swap3A_137, %swap3A_138], %broadcast_in_dim3A_12 {strides = array<i32>} : memref<128x144xf32, #tpu.memory_space<vmem>>, vector<16xf32>,
      %swap3A_140 = arith.constant 0 : i32
      %swap3A_141 = arith.constant 0 : i32
      %swap3A_142 = tpu.memref_slice %arg13[%scan3A_13, %swap3A_140, %swap3A_141] : memref<2x128x144xf32, #tpu.memory_space<vmem>> -> memref<1x128x144xf32, #tpu.memory_space<vmem>>
      %swap3A_143 = tpu.memref_squeeze %swap3A_142 : memref<1x128x144xf32, #tpu.memory_space<vmem>> -> memref<128x144xf32, #tpu.memory_space<vmem>>
      %swap3A_144 = arith.index_cast %scan3A_91 : i32 to index
      %swap3A_145 = arith.constant 112 : index
      %swap3A_146 = tpu.vector_load %swap3A_143[%swap3A_144, %swap3A_145] {strides = array<i32>} : memref<128x144xf32, #tpu.memory_space<vmem>>, vector<16xf32>,
      tpu.vector_store %swap3A_143[%swap3A_144, %swap3A_145], %broadcast_in_dim3A_12 {strides = array<i32>} : memref<128x144xf32, #tpu.memory_space<vmem>>, vector<16xf32>,
      %swap3A_147 = arith.constant 0 : i32
      %swap3A_148 = arith.constant 0 : i32
      %swap3A_149 = tpu.memref_slice %arg13[%scan3A_13, %swap3A_147, %swap3A_148] : memref<2x128x144xf32, #tpu.memory_space<vmem>> -> memref<1x128x144xf32, #tpu.memory_space<vmem>>
      %swap3A_150 = tpu.memref_squeeze %swap3A_149 : memref<1x128x144xf32, #tpu.memory_space<vmem>> -> memref<128x144xf32, #tpu.memory_space<vmem>>
      %swap3A_151 = arith.index_cast %scan3A_91 : i32 to index
      %swap3A_152 = arith.constant 128 : index
      %swap3A_153 = tpu.vector_load %swap3A_150[%swap3A_151, %swap3A_152] {strides = array<i32>} : memref<128x144xf32, #tpu.memory_space<vmem>>, vector<16xf32>,
      tpu.vector_store %swap3A_150[%swap3A_151, %swap3A_152], %broadcast_in_dim3A_12 {strides = array<i32>} : memref<128x144xf32, #tpu.memory_space<vmem>>, vector<16xf32>,
    }
    %scan3A_18 = arith.constant 128 : i32
    %mul3A_19 = arith.constant 160 : i32
    %mul3A_20 = arith.muli %arg1, %mul3A_19 : i32
    %add3A_21 = arith.constant 0 : i32
    %add3A_22 = arith.addi %mul3A_20, %add3A_21 : i32
    %run_scoped3A = arith.constant 0 : i32
    "tpu.region"() ({
      %run_scoped3A_91 = tpu.sem_alloc : memref<!tpu.dma_semaphore, #tpu.memory_space<semaphore_mem>>
      %dma_start3A_92 = arith.constant 0 : i32
      %dma_start3A_93 = arith.constant 0 : i32
      %dma_start3A_94 = tpu.memref_slice %arg13[%run_scoped3A, %dma_start3A_92, %dma_start3A_93] : memref<2x128x144xf32, #tpu.memory_space<vmem>> -> memref<1x128x144xf32, #tpu.memory_space<vmem>>
      %dma_start3A_95 = tpu.memref_squeeze %dma_start3A_94 : memref<1x128x144xf32, #tpu.memory_space<vmem>> -> memref<128x144xf32, #tpu.memory_space<vmem>>
      %dma_start3A_96 = arith.constant 0 : i32
      %dma_start3A_97 = tpu.memref_slice %arg14[%add3A_22, %dma_start3A_96] : memref<2560x144xf32, #tpu.memory_space<vmem_shared>> -> memref<128x144xf32, #tpu.memory_space<vmem_shared>>
      %dma_start3A_98 = arith.constant 0 : i32
      %dma_start3A_99 = tpu.memref_slice %arg14[%add3A_22, %dma_start3A_98] : memref<2560x144xf32, #tpu.memory_space<vmem_shared>> -> memref<128x144xf32, #tpu.memory_space<vmem_shared>>
      %dma_start3A_100 = arith.constant 0 : i32
      %dma_start3A_101 = arith.constant 0 : i32
      %dma_start3A_102 = tpu.memref_slice %arg13[%run_scoped3A, %dma_start3A_100, %dma_start3A_101] : memref<2x128x144xf32, #tpu.memory_space<vmem>> -> memref<1x128x144xf32, #tpu.memory_space<vmem>>
      %dma_start3A_103 = tpu.memref_squeeze %dma_start3A_102 : memref<1x128x144xf32, #tpu.memory_space<vmem>> -> memref<128x144xf32, #tpu.memory_space<vmem>>
      tpu.enqueue_dma source(%dma_start3A_103 : memref<128x144xf32, #tpu.memory_space<vmem>>) target(%dma_start3A_99 : memref<128x144xf32, #tpu.memory_space<vmem_shared>>) target_semaphore(%run_scoped3A_91 : memref<!tpu.dma_semaphore, #tpu.memory_space<semaphore_mem>>)
      %dma_wait3A_104 = arith.constant 0 : i32
      %dma_wait3A_105 = arith.constant 0 : i32
      %dma_wait3A_106 = tpu.memref_slice %arg13[%run_scoped3A, %dma_wait3A_104, %dma_wait3A_105] : memref<2x128x144xf32, #tpu.memory_space<vmem>> -> memref<1x128x144xf32, #tpu.memory_space<vmem>>
      %dma_wait3A_107 = tpu.memref_squeeze %dma_wait3A_106 : memref<1x128x144xf32, #tpu.memory_space<vmem>> -> memref<128x144xf32, #tpu.memory_space<vmem>>
      %dma_wait3A_108 = arith.constant 0 : i32
      %dma_wait3A_109 = tpu.memref_slice %arg14[%add3A_22, %dma_wait3A_108] : memref<2560x144xf32, #tpu.memory_space<vmem_shared>> -> memref<128x144xf32, #tpu.memory_space<vmem_shared>>
      %dma_wait3A_110 = arith.constant 0 : i32
      %dma_wait3A_111 = tpu.memref_slice %arg14[%add3A_22, %dma_wait3A_110] : memref<2560x144xf32, #tpu.memory_space<vmem_shared>> -> memref<128x144xf32, #tpu.memory_space<vmem_shared>>
      %dma_wait3A_112 = arith.constant 0 : i32
      %dma_wait3A_113 = arith.constant 0 : i32
      %dma_wait3A_114 = tpu.memref_slice %arg13[%run_scoped3A, %dma_wait3A_112, %dma_wait3A_113] : memref<2x128x144xf32, #tpu.memory_space<vmem>> -> memref<1x128x144xf32, #tpu.memory_space<vmem>>
      %dma_wait3A_115 = tpu.memref_squeeze %dma_wait3A_114 : memref<1x128x144xf32, #tpu.memory_space<vmem>> -> memref<128x144xf32, #tpu.memory_space<vmem>>
      tpu.wait_dma2 semaphore(%run_scoped3A_91 : memref<!tpu.dma_semaphore, #tpu.memory_space<semaphore_mem>>) src(%dma_wait3A_115 : memref<128x144xf32, #tpu.memory_space<vmem>>) dst(%dma_wait3A_111 : memref<128x144xf32, #tpu.memory_space<vmem_shared>>)
      tpu.yield
    }) : () -> ()
    %add3A_23 = arith.constant 128 : i32
    %add3A_24 = arith.addi %mul3A_20, %add3A_23 : i32
    %run_scoped3A_25 = arith.constant 0 : i32
    "tpu.region"() ({
      %run_scoped3A_91 = tpu.sem_alloc : memref<!tpu.dma_semaphore, #tpu.memory_space<semaphore_mem>>
      %dma_start3A_92 = arith.constant 0 : i32
      %dma_start3A_93 = arith.constant 0 : i32
      %dma_start3A_94 = tpu.memref_slice %arg13[%run_scoped3A_25, %dma_start3A_92, %dma_start3A_93] : memref<2x128x144xf32, #tpu.memory_space<vmem>> -> memref<1x128x144xf32, #tpu.memory_space<vmem>>
      %dma_start3A_95 = tpu.memref_squeeze %dma_start3A_94 : memref<1x128x144xf32, #tpu.memory_space<vmem>> -> memref<128x144xf32, #tpu.memory_space<vmem>>
      %dma_start3A_96 = arith.constant 0 : i32
      %dma_start3A_97 = arith.constant 0 : i32
      %dma_start3A_98 = tpu.memref_slice %dma_start3A_95[%dma_start3A_96, %dma_start3A_97] : memref<128x144xf32, #tpu.memory_space<vmem>> -> memref<32x144xf32, #tpu.memory_space<vmem>>
      %dma_start3A_99 = arith.constant 0 : i32
      %dma_start3A_100 = tpu.memref_slice %arg14[%add3A_24, %dma_start3A_99] : memref<2560x144xf32, #tpu.memory_space<vmem_shared>> -> memref<32x144xf32, #tpu.memory_space<vmem_shared>>
      %dma_start3A_101 = arith.constant 0 : i32
      %dma_start3A_102 = tpu.memref_slice %arg14[%add3A_24, %dma_start3A_101] : memref<2560x144xf32, #tpu.memory_space<vmem_shared>> -> memref<32x144xf32, #tpu.memory_space<vmem_shared>>
      %dma_start3A_103 = arith.constant 0 : i32
      %dma_start3A_104 = arith.constant 0 : i32
      %dma_start3A_105 = tpu.memref_slice %arg13[%run_scoped3A_25, %dma_start3A_103, %dma_start3A_104] : memref<2x128x144xf32, #tpu.memory_space<vmem>> -> memref<1x128x144xf32, #tpu.memory_space<vmem>>
      %dma_start3A_106 = tpu.memref_squeeze %dma_start3A_105 : memref<1x128x144xf32, #tpu.memory_space<vmem>> -> memref<128x144xf32, #tpu.memory_space<vmem>>
      %dma_start3A_107 = arith.constant 0 : i32
      %dma_start3A_108 = arith.constant 0 : i32
      %dma_start3A_109 = tpu.memref_slice %dma_start3A_106[%dma_start3A_107, %dma_start3A_108] : memref<128x144xf32, #tpu.memory_space<vmem>> -> memref<32x144xf32, #tpu.memory_space<vmem>>
      tpu.enqueue_dma source(%dma_start3A_109 : memref<32x144xf32, #tpu.memory_space<vmem>>) target(%dma_start3A_102 : memref<32x144xf32, #tpu.memory_space<vmem_shared>>) target_semaphore(%run_scoped3A_91 : memref<!tpu.dma_semaphore, #tpu.memory_space<semaphore_mem>>)
      %dma_wait3A_110 = arith.constant 0 : i32
      %dma_wait3A_111 = arith.constant 0 : i32
      %dma_wait3A_112 = tpu.memref_slice %arg13[%run_scoped3A_25, %dma_wait3A_110, %dma_wait3A_111] : memref<2x128x144xf32, #tpu.memory_space<vmem>> -> memref<1x128x144xf32, #tpu.memory_space<vmem>>
      %dma_wait3A_113 = tpu.memref_squeeze %dma_wait3A_112 : memref<1x128x144xf32, #tpu.memory_space<vmem>> -> memref<128x144xf32, #tpu.memory_space<vmem>>
      %dma_wait3A_114 = arith.constant 0 : i32
      %dma_wait3A_115 = arith.constant 0 : i32
      %dma_wait3A_116 = tpu.memref_slice %dma_wait3A_113[%dma_wait3A_114, %dma_wait3A_115] : memref<128x144xf32, #tpu.memory_space<vmem>> -> memref<32x144xf32, #tpu.memory_space<vmem>>
      %dma_wait3A_117 = arith.constant 0 : i32
      %dma_wait3A_118 = tpu.memref_slice %arg14[%add3A_24, %dma_wait3A_117] : memref<2560x144xf32, #tpu.memory_space<vmem_shared>> -> memref<32x144xf32, #tpu.memory_space<vmem_shared>>
      %dma_wait3A_119 = arith.constant 0 : i32
      %dma_wait3A_120 = tpu.memref_slice %arg14[%add3A_24, %dma_wait3A_119] : memref<2560x144xf32, #tpu.memory_space<vmem_shared>> -> memref<32x144xf32, #tpu.memory_space<vmem_shared>>
      %dma_wait3A_121 = arith.constant 0 : i32
      %dma_wait3A_122 = arith.constant 0 : i32
      %dma_wait3A_123 = tpu.memref_slice %arg13[%run_scoped3A_25, %dma_wait3A_121, %dma_wait3A_122] : memref<2x128x144xf32, #tpu.memory_space<vmem>> -> memref<1x128x144xf32, #tpu.memory_space<vmem>>
      %dma_wait3A_124 = tpu.memref_squeeze %dma_wait3A_123 : memref<1x128x144xf32, #tpu.memory_space<vmem>> -> memref<128x144xf32, #tpu.memory_space<vmem>>
      %dma_wait3A_125 = arith.constant 0 : i32
      %dma_wait3A_126 = arith.constant 0 : i32
      %dma_wait3A_127 = tpu.memref_slice %dma_wait3A_124[%dma_wait3A_125, %dma_wait3A_126] : memref<128x144xf32, #tpu.memory_space<vmem>> -> memref<32x144xf32, #tpu.memory_space<vmem>>
      tpu.wait_dma2 semaphore(%run_scoped3A_91 : memref<!tpu.dma_semaphore, #tpu.memory_space<semaphore_mem>>) src(%dma_wait3A_127 : memref<32x144xf32, #tpu.memory_space<vmem>>) dst(%dma_wait3A_120 : memref<32x144xf32, #tpu.memory_space<vmem_shared>>)
      tpu.yield
    }) : () -> ()
    %barrier3A = arith.constant 0 : index
    tpu.barrier barrier_id(%barrier3A)
    %dma_start3A = arith.constant 0 : i32
    %dma_start3A_26 = arith.constant 0 : i32
    %dma_start3A_27 = arith.constant 0 : i32
    %dma_start3A_28 = arith.constant 0 : i32
    %dma_start3A_29 = tpu.memref_slice %arg12[%dma_start3A_26, %dma_start3A_27, %dma_start3A_28] : memref<2x128x128xf32, #tpu.memory_space<vmem>> -> memref<1x128x128xf32, #tpu.memory_space<vmem>>
    %dma_start3A_30 = tpu.memref_squeeze %dma_start3A_29 : memref<1x128x128xf32, #tpu.memory_space<vmem>> -> memref<128x128xf32, #tpu.memory_space<vmem>>
    %dma_start3A_31 = arith.constant 0 : i32
    %dma_start3A_32 = tpu.memref_slice %arg9[%dma_start3A, %dma_start3A_31] : memref<26x128xi32, #tpu.memory_space<vmem>> -> memref<1x128xi32, #tpu.memory_space<vmem>>
    %dma_start3A_33 = tpu.memref_squeeze %dma_start3A_32 : memref<1x128xi32, #tpu.memory_space<vmem>> -> memref<128xi32, #tpu.memory_space<vmem>>
    %dma_start3A_34 = arith.constant 0 : i32
    %dma_start3A_35 = arith.constant 0 : i32
    %dma_start3A_36 = tpu.memref_slice %arg7[%dma_start3A_34, %dma_start3A_35] : memref<10000x128xf32, #tpu.memory_space<hbm>> -> memref<10000x128xf32, #tpu.memory_space<hbm>>
    tpu.enqueue_indirect_dma source(%dma_start3A_36 : memref<10000x128xf32, #tpu.memory_space<hbm>>) target(%dma_start3A_30 : memref<128x128xf32, #tpu.memory_space<vmem>>) offsets(%dma_start3A_33 : memref<128xi32, #tpu.memory_space<vmem>>) semaphore(%arg15 : memref<!tpu.dma_semaphore, #tpu.memory_space<semaphore_mem>>)
    %dma_start3A_37 = arith.constant 1 : i32
    %dma_start3A_38 = arith.constant 1 : i32
    %dma_start3A_39 = arith.constant 0 : i32
    %dma_start3A_40 = arith.constant 0 : i32
    %dma_start3A_41 = tpu.memref_slice %arg12[%dma_start3A_38, %dma_start3A_39, %dma_start3A_40] : memref<2x128x128xf32, #tpu.memory_space<vmem>> -> memref<1x128x128xf32, #tpu.memory_space<vmem>>
    %dma_start3A_42 = tpu.memref_squeeze %dma_start3A_41 : memref<1x128x128xf32, #tpu.memory_space<vmem>> -> memref<128x128xf32, #tpu.memory_space<vmem>>
    %dma_start3A_43 = arith.constant 0 : i32
    %dma_start3A_44 = tpu.memref_slice %arg9[%dma_start3A_37, %dma_start3A_43] : memref<26x128xi32, #tpu.memory_space<vmem>> -> memref<1x128xi32, #tpu.memory_space<vmem>>
    %dma_start3A_45 = tpu.memref_squeeze %dma_start3A_44 : memref<1x128xi32, #tpu.memory_space<vmem>> -> memref<128xi32, #tpu.memory_space<vmem>>
    %dma_start3A_46 = arith.constant 0 : i32
    %dma_start3A_47 = arith.constant 0 : i32
    %dma_start3A_48 = tpu.memref_slice %arg7[%dma_start3A_46, %dma_start3A_47] : memref<10000x128xf32, #tpu.memory_space<hbm>> -> memref<10000x128xf32, #tpu.memory_space<hbm>>
    tpu.enqueue_indirect_dma source(%dma_start3A_48 : memref<10000x128xf32, #tpu.memory_space<hbm>>) target(%dma_start3A_42 : memref<128x128xf32, #tpu.memory_space<vmem>>) offsets(%dma_start3A_45 : memref<128xi32, #tpu.memory_space<vmem>>) semaphore(%arg16 : memref<!tpu.dma_semaphore, #tpu.memory_space<semaphore_mem>>)
    %while3A = arith.constant 0 : i32
    %while3A_49 = arith.constant 0 : i32
    %while3A_50 = arith.subi %select_n3A_6, %while3A_49 : i32
    %while3A_51 = arith.addi %while3A_49, %while3A_50 : i32
    %while3A_52 = arith.constant 1 : i32
    %while3A_53 = arith.divsi %while3A_50, %while3A_52 : i32
    %while3A_54 = arith.muli %while3A_53, %while3A_52 : i32
    %while3A_55 = arith.addi %while3A_49, %while3A_54 : i32
    %while3A_56 = arith.constant 1 : i32
    scf.for %while3A_91 = %while3A_49 to %while3A_55 step %while3A_56  : i32 {
      %mul3A_92 = arith.constant 2 : i32
      %mul3A_93 = arith.muli %mul3A_92, %while3A_91 : i32
      %add3A_94 = arith.constant 0 : i32
      %add3A_95 = arith.addi %mul3A_93, %add3A_94 : i32
      %dma_wait3A_96 = arith.constant 0 : i32
      %dma_wait3A_97 = arith.constant 0 : i32
      %dma_wait3A_98 = arith.constant 0 : i32
      %dma_wait3A_99 = tpu.memref_slice %arg12[%dma_wait3A_96, %dma_wait3A_97, %dma_wait3A_98] : memref<2x128x128xf32, #tpu.memory_space<vmem>> -> memref<1x128x128xf32, #tpu.memory_space<vmem>>
      %dma_wait3A_100 = tpu.memref_squeeze %dma_wait3A_99 : memref<1x128x128xf32, #tpu.memory_space<vmem>> -> memref<128x128xf32, #tpu.memory_space<vmem>>
      %dma_wait3A_101 = arith.constant 0 : i32
      %dma_wait3A_102 = tpu.memref_slice %arg9[%add3A_95, %dma_wait3A_101] : memref<26x128xi32, #tpu.memory_space<vmem>> -> memref<1x128xi32, #tpu.memory_space<vmem>>
      %dma_wait3A_103 = tpu.memref_squeeze %dma_wait3A_102 : memref<1x128xi32, #tpu.memory_space<vmem>> -> memref<128xi32, #tpu.memory_space<vmem>>
      %dma_wait3A_104 = arith.constant 0 : i32
      %dma_wait3A_105 = arith.constant 0 : i32
      %dma_wait3A_106 = tpu.memref_slice %arg7[%dma_wait3A_104, %dma_wait3A_105] : memref<10000x128xf32, #tpu.memory_space<hbm>> -> memref<10000x128xf32, #tpu.memory_space<hbm>>
      tpu.wait_indirect_dma semaphore(%arg15 : memref<!tpu.dma_semaphore, #tpu.memory_space<semaphore_mem>>) src(%dma_wait3A_106 : memref<10000x128xf32, #tpu.memory_space<hbm>>) dst(%dma_wait3A_100 : memref<128x128xf32, #tpu.memory_space<vmem>>)
      %ge3A = arith.constant 1 : i32
      %ge3A_107 = arith.cmpi sge, %while3A_91, %ge3A : i32
      %convert_element_type3A_108 = arith.extui %ge3A_107 : i1 to i32
      %cond3A_109 = arith.constant 0 : i32
      %cond3A_110 = arith.cmpi ne, %convert_element_type3A_108, %cond3A_109 : i32
      scf.if %cond3A_110 {
        %sub3A_180 = arith.constant 2 : i32
        %sub3A_181 = arith.subi %add3A_95, %sub3A_180 : i32
        %dma_wait3A_182 = arith.constant 0 : i32
        %dma_wait3A_183 = arith.constant 0 : i32
        %dma_wait3A_184 = arith.constant 0 : i32
        %dma_wait3A_185 = tpu.memref_slice %arg13[%dma_wait3A_182, %dma_wait3A_183, %dma_wait3A_184] : memref<2x128x144xf32, #tpu.memory_space<vmem>> -> memref<1x128x144xf32, #tpu.memory_space<vmem>>
        %dma_wait3A_186 = tpu.memref_squeeze %dma_wait3A_185 : memref<1x128x144xf32, #tpu.memory_space<vmem>> -> memref<128x144xf32, #tpu.memory_space<vmem>>
        %dma_wait3A_187 = arith.constant 0 : i32
        %dma_wait3A_188 = tpu.memref_slice %arg10[%sub3A_181, %dma_wait3A_187] : memref<26x128xi32, #tpu.memory_space<vmem>> -> memref<1x128xi32, #tpu.memory_space<vmem>>
        %dma_wait3A_189 = tpu.memref_squeeze %dma_wait3A_188 : memref<1x128xi32, #tpu.memory_space<vmem>> -> memref<128xi32, #tpu.memory_space<vmem>>
        %dma_wait3A_190 = arith.constant 0 : i32
        %dma_wait3A_191 = arith.constant 0 : i32
        %dma_wait3A_192 = tpu.memref_slice %arg14[%dma_wait3A_190, %dma_wait3A_191] : memref<2560x144xf32, #tpu.memory_space<vmem_shared>> -> memref<2560x144xf32, #tpu.memory_space<vmem_shared>>
        tpu.wait_indirect_dma semaphore(%arg17 : memref<!tpu.dma_semaphore, #tpu.memory_space<semaphore_mem>>) src(%dma_wait3A_186 : memref<128x144xf32, #tpu.memory_space<vmem>>) dst(%dma_wait3A_192 : memref<2560x144xf32, #tpu.memory_space<vmem_shared>>)
      } else {
      }
      %mul3A_111 = arith.constant 128 : i32
      %mul3A_112 = arith.muli %add3A_95, %mul3A_111 : i32
      %iota3A = tpu.iota {dimensions = array<i32: 0>} : vector<16xi32>
      %eq3A_113 = arith.constant 0 : i32
      %eq3A_114 = vector.broadcast %eq3A_113 : i32 to vector<16xi32>
      %eq3A_115 = arith.cmpi eq, %iota3A, %eq3A_114 : vector<16xi32>
      %parallel_loop3A = arith.constant 0 : i32
      %parallel_loop3A_116 = arith.constant 128 : i32
      %parallel_loop3A_117 = arith.constant 1 : i32
      scf.for %parallel_loop3A_180 = %parallel_loop3A to %parallel_loop3A_116 step %parallel_loop3A_117  : i32 {
        %parallel_loop3A_181 = arith.addi %mul3A_112, %parallel_loop3A_180 : i32
        %parallel_loop3A_182 = vector.broadcast %parallel_loop3A_181 : i32 to vector<16xi32>
        %parallel_loop3A_183 = tpu.vector_load_idx %arg11[%parallel_loop3A_182] : memref<3328xf32, #tpu.memory_space<vmem>>[vector<16xi32>], vector<16xf32>,
        %parallel_loop3A_184 = arith.constant 0 : i32
        %parallel_loop3A_185 = arith.index_cast %parallel_loop3A_184 : i32 to index
        %parallel_loop3A_186 = arith.index_cast %parallel_loop3A_180 : i32 to index
        %parallel_loop3A_187 = arith.constant 0 : index
        %parallel_loop3A_188 = tpu.vector_load %arg12[%parallel_loop3A_185, %parallel_loop3A_186, %parallel_loop3A_187] {strides = array<i32>} : memref<2x128x128xf32, #tpu.memory_space<vmem>>, vector<16xf32>,
        %parallel_loop3A_189 = arith.mulf %parallel_loop3A_188, %parallel_loop3A_183 : vector<16xf32>
        %parallel_loop3A_190 = arith.constant 0 : i32
        %parallel_loop3A_191 = arith.index_cast %parallel_loop3A_190 : i32 to index
        %parallel_loop3A_192 = arith.index_cast %parallel_loop3A_180 : i32 to index
        %parallel_loop3A_193 = arith.constant 0 : index
        %parallel_loop3A_194 = tpu.vector_load %arg13[%parallel_loop3A_191, %parallel_loop3A_192, %parallel_loop3A_193] {strides = array<i32>} : memref<2x128x144xf32, #tpu.memory_space<vmem>>, vector<16xf32>,
        tpu.vector_store %arg13[%parallel_loop3A_191, %parallel_loop3A_192, %parallel_loop3A_193], %parallel_loop3A_189 {strides = array<i32>} : memref<2x128x144xf32, #tpu.memory_space<vmem>>, vector<16xf32>,
        %parallel_loop3A_195 = arith.constant 0 : i32
        %parallel_loop3A_196 = arith.index_cast %parallel_loop3A_195 : i32 to index
        %parallel_loop3A_197 = arith.index_cast %parallel_loop3A_180 : i32 to index
        %parallel_loop3A_198 = arith.constant 16 : index
        %parallel_loop3A_199 = tpu.vector_load %arg12[%parallel_loop3A_196, %parallel_loop3A_197, %parallel_loop3A_198] {strides = array<i32>} : memref<2x128x128xf32, #tpu.memory_space<vmem>>, vector<16xf32>,
        %parallel_loop3A_200 = arith.mulf %parallel_loop3A_199, %parallel_loop3A_183 : vector<16xf32>
        %parallel_loop3A_201 = arith.constant 0 : i32
        %parallel_loop3A_202 = arith.index_cast %parallel_loop3A_201 : i32 to index
        %parallel_loop3A_203 = arith.index_cast %parallel_loop3A_180 : i32 to index
        %parallel_loop3A_204 = arith.constant 16 : index
        %parallel_loop3A_205 = tpu.vector_load %arg13[%parallel_loop3A_202, %parallel_loop3A_203, %parallel_loop3A_204] {strides = array<i32>} : memref<2x128x144xf32, #tpu.memory_space<vmem>>, vector<16xf32>,
        tpu.vector_store %arg13[%parallel_loop3A_202, %parallel_loop3A_203, %parallel_loop3A_204], %parallel_loop3A_200 {strides = array<i32>} : memref<2x128x144xf32, #tpu.memory_space<vmem>>, vector<16xf32>,
        %parallel_loop3A_206 = arith.constant 0 : i32
        %parallel_loop3A_207 = arith.index_cast %parallel_loop3A_206 : i32 to index
        %parallel_loop3A_208 = arith.index_cast %parallel_loop3A_180 : i32 to index
        %parallel_loop3A_209 = arith.constant 32 : index
        %parallel_loop3A_210 = tpu.vector_load %arg12[%parallel_loop3A_207, %parallel_loop3A_208, %parallel_loop3A_209] {strides = array<i32>} : memref<2x128x128xf32, #tpu.memory_space<vmem>>, vector<16xf32>,
        %parallel_loop3A_211 = arith.mulf %parallel_loop3A_210, %parallel_loop3A_183 : vector<16xf32>
        %parallel_loop3A_212 = arith.constant 0 : i32
        %parallel_loop3A_213 = arith.index_cast %parallel_loop3A_212 : i32 to index
        %parallel_loop3A_214 = arith.index_cast %parallel_loop3A_180 : i32 to index
        %parallel_loop3A_215 = arith.constant 32 : index
        %parallel_loop3A_216 = tpu.vector_load %arg13[%parallel_loop3A_213, %parallel_loop3A_214, %parallel_loop3A_215] {strides = array<i32>} : memref<2x128x144xf32, #tpu.memory_space<vmem>>, vector<16xf32>,
        tpu.vector_store %arg13[%parallel_loop3A_213, %parallel_loop3A_214, %parallel_loop3A_215], %parallel_loop3A_211 {strides = array<i32>} : memref<2x128x144xf32, #tpu.memory_space<vmem>>, vector<16xf32>,
        %parallel_loop3A_217 = arith.constant 0 : i32
        %parallel_loop3A_218 = arith.index_cast %parallel_loop3A_217 : i32 to index
        %parallel_loop3A_219 = arith.index_cast %parallel_loop3A_180 : i32 to index
        %parallel_loop3A_220 = arith.constant 48 : index
        %parallel_loop3A_221 = tpu.vector_load %arg12[%parallel_loop3A_218, %parallel_loop3A_219, %parallel_loop3A_220] {strides = array<i32>} : memref<2x128x128xf32, #tpu.memory_space<vmem>>, vector<16xf32>,
        %parallel_loop3A_222 = arith.mulf %parallel_loop3A_221, %parallel_loop3A_183 : vector<16xf32>
        %parallel_loop3A_223 = arith.constant 0 : i32
        %parallel_loop3A_224 = arith.index_cast %parallel_loop3A_223 : i32 to index
        %parallel_loop3A_225 = arith.index_cast %parallel_loop3A_180 : i32 to index
        %parallel_loop3A_226 = arith.constant 48 : index
        %parallel_loop3A_227 = tpu.vector_load %arg13[%parallel_loop3A_224, %parallel_loop3A_225, %parallel_loop3A_226] {strides = array<i32>} : memref<2x128x144xf32, #tpu.memory_space<vmem>>, vector<16xf32>,
        tpu.vector_store %arg13[%parallel_loop3A_224, %parallel_loop3A_225, %parallel_loop3A_226], %parallel_loop3A_222 {strides = array<i32>} : memref<2x128x144xf32, #tpu.memory_space<vmem>>, vector<16xf32>,
        %parallel_loop3A_228 = arith.constant 0 : i32
        %parallel_loop3A_229 = arith.index_cast %parallel_loop3A_228 : i32 to index
        %parallel_loop3A_230 = arith.index_cast %parallel_loop3A_180 : i32 to index
        %parallel_loop3A_231 = arith.constant 64 : index
        %parallel_loop3A_232 = tpu.vector_load %arg12[%parallel_loop3A_229, %parallel_loop3A_230, %parallel_loop3A_231] {strides = array<i32>} : memref<2x128x128xf32, #tpu.memory_space<vmem>>, vector<16xf32>,
        %parallel_loop3A_233 = arith.mulf %parallel_loop3A_232, %parallel_loop3A_183 : vector<16xf32>
        %parallel_loop3A_234 = arith.constant 0 : i32
        %parallel_loop3A_235 = arith.index_cast %parallel_loop3A_234 : i32 to index
        %parallel_loop3A_236 = arith.index_cast %parallel_loop3A_180 : i32 to index
        %parallel_loop3A_237 = arith.constant 64 : index
        %parallel_loop3A_238 = tpu.vector_load %arg13[%parallel_loop3A_235, %parallel_loop3A_236, %parallel_loop3A_237] {strides = array<i32>} : memref<2x128x144xf32, #tpu.memory_space<vmem>>, vector<16xf32>,
        tpu.vector_store %arg13[%parallel_loop3A_235, %parallel_loop3A_236, %parallel_loop3A_237], %parallel_loop3A_233 {strides = array<i32>} : memref<2x128x144xf32, #tpu.memory_space<vmem>>, vector<16xf32>,
        %parallel_loop3A_239 = arith.constant 0 : i32
        %parallel_loop3A_240 = arith.index_cast %parallel_loop3A_239 : i32 to index
        %parallel_loop3A_241 = arith.index_cast %parallel_loop3A_180 : i32 to index
        %parallel_loop3A_242 = arith.constant 80 : index
        %parallel_loop3A_243 = tpu.vector_load %arg12[%parallel_loop3A_240, %parallel_loop3A_241, %parallel_loop3A_242] {strides = array<i32>} : memref<2x128x128xf32, #tpu.memory_space<vmem>>, vector<16xf32>,
        %parallel_loop3A_244 = arith.mulf %parallel_loop3A_243, %parallel_loop3A_183 : vector<16xf32>
        %parallel_loop3A_245 = arith.constant 0 : i32
        %parallel_loop3A_246 = arith.index_cast %parallel_loop3A_245 : i32 to index
        %parallel_loop3A_247 = arith.index_cast %parallel_loop3A_180 : i32 to index
        %parallel_loop3A_248 = arith.constant 80 : index
        %parallel_loop3A_249 = tpu.vector_load %arg13[%parallel_loop3A_246, %parallel_loop3A_247, %parallel_loop3A_248] {strides = array<i32>} : memref<2x128x144xf32, #tpu.memory_space<vmem>>, vector<16xf32>,
        tpu.vector_store %arg13[%parallel_loop3A_246, %parallel_loop3A_247, %parallel_loop3A_248], %parallel_loop3A_244 {strides = array<i32>} : memref<2x128x144xf32, #tpu.memory_space<vmem>>, vector<16xf32>,
        %parallel_loop3A_250 = arith.constant 0 : i32
        %parallel_loop3A_251 = arith.index_cast %parallel_loop3A_250 : i32 to index
        %parallel_loop3A_252 = arith.index_cast %parallel_loop3A_180 : i32 to index
        %parallel_loop3A_253 = arith.constant 96 : index
        %parallel_loop3A_254 = tpu.vector_load %arg12[%parallel_loop3A_251, %parallel_loop3A_252, %parallel_loop3A_253] {strides = array<i32>} : memref<2x128x128xf32, #tpu.memory_space<vmem>>, vector<16xf32>,
        %parallel_loop3A_255 = arith.mulf %parallel_loop3A_254, %parallel_loop3A_183 : vector<16xf32>
        %parallel_loop3A_256 = arith.constant 0 : i32
        %parallel_loop3A_257 = arith.index_cast %parallel_loop3A_256 : i32 to index
        %parallel_loop3A_258 = arith.index_cast %parallel_loop3A_180 : i32 to index
        %parallel_loop3A_259 = arith.constant 96 : index
        %parallel_loop3A_260 = tpu.vector_load %arg13[%parallel_loop3A_257, %parallel_loop3A_258, %parallel_loop3A_259] {strides = array<i32>} : memref<2x128x144xf32, #tpu.memory_space<vmem>>, vector<16xf32>,
        tpu.vector_store %arg13[%parallel_loop3A_257, %parallel_loop3A_258, %parallel_loop3A_259], %parallel_loop3A_255 {strides = array<i32>} : memref<2x128x144xf32, #tpu.memory_space<vmem>>, vector<16xf32>,
        %parallel_loop3A_261 = arith.constant 0 : i32
        %parallel_loop3A_262 = arith.index_cast %parallel_loop3A_261 : i32 to index
        %parallel_loop3A_263 = arith.index_cast %parallel_loop3A_180 : i32 to index
        %parallel_loop3A_264 = arith.constant 112 : index
        %parallel_loop3A_265 = tpu.vector_load %arg12[%parallel_loop3A_262, %parallel_loop3A_263, %parallel_loop3A_264] {strides = array<i32>} : memref<2x128x128xf32, #tpu.memory_space<vmem>>, vector<16xf32>,
        %parallel_loop3A_266 = arith.mulf %parallel_loop3A_265, %parallel_loop3A_183 : vector<16xf32>
        %parallel_loop3A_267 = arith.constant 0 : i32
        %parallel_loop3A_268 = arith.index_cast %parallel_loop3A_267 : i32 to index
        %parallel_loop3A_269 = arith.index_cast %parallel_loop3A_180 : i32 to index
        %parallel_loop3A_270 = arith.constant 112 : index
        %parallel_loop3A_271 = tpu.vector_load %arg13[%parallel_loop3A_268, %parallel_loop3A_269, %parallel_loop3A_270] {strides = array<i32>} : memref<2x128x144xf32, #tpu.memory_space<vmem>>, vector<16xf32>,
        tpu.vector_store %arg13[%parallel_loop3A_268, %parallel_loop3A_269, %parallel_loop3A_270], %parallel_loop3A_266 {strides = array<i32>} : memref<2x128x144xf32, #tpu.memory_space<vmem>>, vector<16xf32>,
        %parallel_loop3A_272 = arith.constant 0.000000e+00 : f32
        %parallel_loop3A_273 = vector.broadcast %parallel_loop3A_272 : f32 to vector<16xf32>
        %parallel_loop3A_274 = arith.select %eq3A_115, %parallel_loop3A_183, %parallel_loop3A_273 : vector<16xi1>, vector<16xf32>
        %parallel_loop3A_275 = arith.constant 0 : i32
        %parallel_loop3A_276 = arith.index_cast %parallel_loop3A_275 : i32 to index
        %parallel_loop3A_277 = arith.index_cast %parallel_loop3A_180 : i32 to index
        %parallel_loop3A_278 = arith.constant 128 : index
        %parallel_loop3A_279 = tpu.vector_load %arg13[%parallel_loop3A_276, %parallel_loop3A_277, %parallel_loop3A_278] {strides = array<i32>} : memref<2x128x144xf32, #tpu.memory_space<vmem>>, vector<16xf32>,
        tpu.vector_store %arg13[%parallel_loop3A_276, %parallel_loop3A_277, %parallel_loop3A_278], %parallel_loop3A_274 {strides = array<i32>} : memref<2x128x144xf32, #tpu.memory_space<vmem>>, vector<16xf32>,
      } {sc.loop_unroll_factor = 4 : i64, sc.parallel_access}
      %sub3A_118 = arith.constant 1 : i32
      %sub3A_119 = arith.subi %select_n3A_6, %sub3A_118 : i32
      %lt3A = arith.cmpi slt, %while3A_91, %sub3A_119 : i32
      %convert_element_type3A_120 = arith.extui %lt3A : i1 to i32
      %cond3A_121 = arith.constant 0 : i32
      %cond3A_122 = arith.cmpi ne, %convert_element_type3A_120, %cond3A_121 : i32
      scf.if %cond3A_122 {
        %add3A_180 = arith.constant 2 : i32
        %add3A_181 = arith.addi %add3A_95, %add3A_180 : i32
        %dma_start3A_182 = arith.constant 0 : i32
        %dma_start3A_183 = arith.constant 0 : i32
        %dma_start3A_184 = arith.constant 0 : i32
        %dma_start3A_185 = tpu.memref_slice %arg12[%dma_start3A_182, %dma_start3A_183, %dma_start3A_184] : memref<2x128x128xf32, #tpu.memory_space<vmem>> -> memref<1x128x128xf32, #tpu.memory_space<vmem>>
        %dma_start3A_186 = tpu.memref_squeeze %dma_start3A_185 : memref<1x128x128xf32, #tpu.memory_space<vmem>> -> memref<128x128xf32, #tpu.memory_space<vmem>>
        %dma_start3A_187 = arith.constant 0 : i32
        %dma_start3A_188 = tpu.memref_slice %arg9[%add3A_181, %dma_start3A_187] : memref<26x128xi32, #tpu.memory_space<vmem>> -> memref<1x128xi32, #tpu.memory_space<vmem>>
        %dma_start3A_189 = tpu.memref_squeeze %dma_start3A_188 : memref<1x128xi32, #tpu.memory_space<vmem>> -> memref<128xi32, #tpu.memory_space<vmem>>
        %dma_start3A_190 = arith.constant 0 : i32
        %dma_start3A_191 = arith.constant 0 : i32
        %dma_start3A_192 = tpu.memref_slice %arg7[%dma_start3A_190, %dma_start3A_191] : memref<10000x128xf32, #tpu.memory_space<hbm>> -> memref<10000x128xf32, #tpu.memory_space<hbm>>
        tpu.enqueue_indirect_dma source(%dma_start3A_192 : memref<10000x128xf32, #tpu.memory_space<hbm>>) target(%dma_start3A_186 : memref<128x128xf32, #tpu.memory_space<vmem>>) offsets(%dma_start3A_189 : memref<128xi32, #tpu.memory_space<vmem>>) semaphore(%arg15 : memref<!tpu.dma_semaphore, #tpu.memory_space<semaphore_mem>>)
      } else {
      }
      %dma_start3A_123 = arith.constant 0 : i32
      %dma_start3A_124 = arith.constant 0 : i32
      %dma_start3A_125 = arith.constant 0 : i32
      %dma_start3A_126 = tpu.memref_slice %arg13[%dma_start3A_123, %dma_start3A_124, %dma_start3A_125] : memref<2x128x144xf32, #tpu.memory_space<vmem>> -> memref<1x128x144xf32, #tpu.memory_space<vmem>>
      %dma_start3A_127 = tpu.memref_squeeze %dma_start3A_126 : memref<1x128x144xf32, #tpu.memory_space<vmem>> -> memref<128x144xf32, #tpu.memory_space<vmem>>
      %dma_start3A_128 = arith.constant 0 : i32
      %dma_start3A_129 = tpu.memref_slice %arg10[%add3A_95, %dma_start3A_128] : memref<26x128xi32, #tpu.memory_space<vmem>> -> memref<1x128xi32, #tpu.memory_space<vmem>>
      %dma_start3A_130 = tpu.memref_squeeze %dma_start3A_129 : memref<1x128xi32, #tpu.memory_space<vmem>> -> memref<128xi32, #tpu.memory_space<vmem>>
      %dma_start3A_131 = arith.constant 0 : i32
      %dma_start3A_132 = arith.constant 0 : i32
      %dma_start3A_133 = tpu.memref_slice %arg14[%dma_start3A_131, %dma_start3A_132] : memref<2560x144xf32, #tpu.memory_space<vmem_shared>> -> memref<2560x144xf32, #tpu.memory_space<vmem_shared>>
      tpu.enqueue_indirect_dma source(%dma_start3A_127 : memref<128x144xf32, #tpu.memory_space<vmem>>) target(%dma_start3A_133 : memref<2560x144xf32, #tpu.memory_space<vmem_shared>>) offsets(%dma_start3A_130 : memref<128xi32, #tpu.memory_space<vmem>>) semaphore(%arg17 : memref<!tpu.dma_semaphore, #tpu.memory_space<semaphore_mem>>) {add = true}
      %mul3A_134 = arith.constant 2 : i32
      %mul3A_135 = arith.muli %mul3A_134, %while3A_91 : i32
      %add3A_136 = arith.constant 1 : i32
      %add3A_137 = arith.addi %mul3A_135, %add3A_136 : i32
      %dma_wait3A_138 = arith.constant 1 : i32
      %dma_wait3A_139 = arith.constant 0 : i32
      %dma_wait3A_140 = arith.constant 0 : i32
      %dma_wait3A_141 = tpu.memref_slice %arg12[%dma_wait3A_138, %dma_wait3A_139, %dma_wait3A_140] : memref<2x128x128xf32, #tpu.memory_space<vmem>> -> memref<1x128x128xf32, #tpu.memory_space<vmem>>
      %dma_wait3A_142 = tpu.memref_squeeze %dma_wait3A_141 : memref<1x128x128xf32, #tpu.memory_space<vmem>> -> memref<128x128xf32, #tpu.memory_space<vmem>>
      %dma_wait3A_143 = arith.constant 0 : i32
      %dma_wait3A_144 = tpu.memref_slice %arg9[%add3A_137, %dma_wait3A_143] : memref<26x128xi32, #tpu.memory_space<vmem>> -> memref<1x128xi32, #tpu.memory_space<vmem>>
      %dma_wait3A_145 = tpu.memref_squeeze %dma_wait3A_144 : memref<1x128xi32, #tpu.memory_space<vmem>> -> memref<128xi32, #tpu.memory_space<vmem>>
      %dma_wait3A_146 = arith.constant 0 : i32
      %dma_wait3A_147 = arith.constant 0 : i32
      %dma_wait3A_148 = tpu.memref_slice %arg7[%dma_wait3A_146, %dma_wait3A_147] : memref<10000x128xf32, #tpu.memory_space<hbm>> -> memref<10000x128xf32, #tpu.memory_space<hbm>>
      tpu.wait_indirect_dma semaphore(%arg16 : memref<!tpu.dma_semaphore, #tpu.memory_space<semaphore_mem>>) src(%dma_wait3A_148 : memref<10000x128xf32, #tpu.memory_space<hbm>>) dst(%dma_wait3A_142 : memref<128x128xf32, #tpu.memory_space<vmem>>)
      %ge3A_149 = arith.constant 1 : i32
      %ge3A_150 = arith.cmpi sge, %while3A_91, %ge3A_149 : i32
      %convert_element_type3A_151 = arith.extui %ge3A_150 : i1 to i32
      %cond3A_152 = arith.constant 0 : i32
      %cond3A_153 = arith.cmpi ne, %convert_element_type3A_151, %cond3A_152 : i32
      scf.if %cond3A_153 {
        %sub3A_180 = arith.constant 2 : i32
        %sub3A_181 = arith.subi %add3A_137, %sub3A_180 : i32
        %dma_wait3A_182 = arith.constant 1 : i32
        %dma_wait3A_183 = arith.constant 0 : i32
        %dma_wait3A_184 = arith.constant 0 : i32
        %dma_wait3A_185 = tpu.memref_slice %arg13[%dma_wait3A_182, %dma_wait3A_183, %dma_wait3A_184] : memref<2x128x144xf32, #tpu.memory_space<vmem>> -> memref<1x128x144xf32, #tpu.memory_space<vmem>>
        %dma_wait3A_186 = tpu.memref_squeeze %dma_wait3A_185 : memref<1x128x144xf32, #tpu.memory_space<vmem>> -> memref<128x144xf32, #tpu.memory_space<vmem>>
        %dma_wait3A_187 = arith.constant 0 : i32
        %dma_wait3A_188 = tpu.memref_slice %arg10[%sub3A_181, %dma_wait3A_187] : memref<26x128xi32, #tpu.memory_space<vmem>> -> memref<1x128xi32, #tpu.memory_space<vmem>>
        %dma_wait3A_189 = tpu.memref_squeeze %dma_wait3A_188 : memref<1x128xi32, #tpu.memory_space<vmem>> -> memref<128xi32, #tpu.memory_space<vmem>>
        %dma_wait3A_190 = arith.constant 0 : i32
        %dma_wait3A_191 = arith.constant 0 : i32
        %dma_wait3A_192 = tpu.memref_slice %arg14[%dma_wait3A_190, %dma_wait3A_191] : memref<2560x144xf32, #tpu.memory_space<vmem_shared>> -> memref<2560x144xf32, #tpu.memory_space<vmem_shared>>
        tpu.wait_indirect_dma semaphore(%arg18 : memref<!tpu.dma_semaphore, #tpu.memory_space<semaphore_mem>>) src(%dma_wait3A_186 : memref<128x144xf32, #tpu.memory_space<vmem>>) dst(%dma_wait3A_192 : memref<2560x144xf32, #tpu.memory_space<vmem_shared>>)
      } else {
      }
      %mul3A_154 = arith.constant 128 : i32
      %mul3A_155 = arith.muli %add3A_137, %mul3A_154 : i32
      %iota3A_156 = tpu.iota {dimensions = array<i32: 0>} : vector<16xi32>
      %eq3A_157 = arith.constant 0 : i32
      %eq3A_158 = vector.broadcast %eq3A_157 : i32 to vector<16xi32>
      %eq3A_159 = arith.cmpi eq, %iota3A_156, %eq3A_158 : vector<16xi32>
      %parallel_loop3A_160 = arith.constant 0 : i32
      %parallel_loop3A_161 = arith.constant 128 : i32
      %parallel_loop3A_162 = arith.constant 1 : i32
      scf.for %parallel_loop3A_180 = %parallel_loop3A_160 to %parallel_loop3A_161 step %parallel_loop3A_162  : i32 {
        %parallel_loop3A_181 = arith.addi %mul3A_155, %parallel_loop3A_180 : i32
        %parallel_loop3A_182 = vector.broadcast %parallel_loop3A_181 : i32 to vector<16xi32>
        %parallel_loop3A_183 = tpu.vector_load_idx %arg11[%parallel_loop3A_182] : memref<3328xf32, #tpu.memory_space<vmem>>[vector<16xi32>], vector<16xf32>,
        %parallel_loop3A_184 = arith.constant 1 : i32
        %parallel_loop3A_185 = arith.index_cast %parallel_loop3A_184 : i32 to index
        %parallel_loop3A_186 = arith.index_cast %parallel_loop3A_180 : i32 to index
        %parallel_loop3A_187 = arith.constant 0 : index
        %parallel_loop3A_188 = tpu.vector_load %arg12[%parallel_loop3A_185, %parallel_loop3A_186, %parallel_loop3A_187] {strides = array<i32>} : memref<2x128x128xf32, #tpu.memory_space<vmem>>, vector<16xf32>,
        %parallel_loop3A_189 = arith.mulf %parallel_loop3A_188, %parallel_loop3A_183 : vector<16xf32>
        %parallel_loop3A_190 = arith.constant 1 : i32
        %parallel_loop3A_191 = arith.index_cast %parallel_loop3A_190 : i32 to index
        %parallel_loop3A_192 = arith.index_cast %parallel_loop3A_180 : i32 to index
        %parallel_loop3A_193 = arith.constant 0 : index
        %parallel_loop3A_194 = tpu.vector_load %arg13[%parallel_loop3A_191, %parallel_loop3A_192, %parallel_loop3A_193] {strides = array<i32>} : memref<2x128x144xf32, #tpu.memory_space<vmem>>, vector<16xf32>,
        tpu.vector_store %arg13[%parallel_loop3A_191, %parallel_loop3A_192, %parallel_loop3A_193], %parallel_loop3A_189 {strides = array<i32>} : memref<2x128x144xf32, #tpu.memory_space<vmem>>, vector<16xf32>,
        %parallel_loop3A_195 = arith.constant 1 : i32
        %parallel_loop3A_196 = arith.index_cast %parallel_loop3A_195 : i32 to index
        %parallel_loop3A_197 = arith.index_cast %parallel_loop3A_180 : i32 to index
        %parallel_loop3A_198 = arith.constant 16 : index
        %parallel_loop3A_199 = tpu.vector_load %arg12[%parallel_loop3A_196, %parallel_loop3A_197, %parallel_loop3A_198] {strides = array<i32>} : memref<2x128x128xf32, #tpu.memory_space<vmem>>, vector<16xf32>,
        %parallel_loop3A_200 = arith.mulf %parallel_loop3A_199, %parallel_loop3A_183 : vector<16xf32>
        %parallel_loop3A_201 = arith.constant 1 : i32
        %parallel_loop3A_202 = arith.index_cast %parallel_loop3A_201 : i32 to index
        %parallel_loop3A_203 = arith.index_cast %parallel_loop3A_180 : i32 to index
        %parallel_loop3A_204 = arith.constant 16 : index
        %parallel_loop3A_205 = tpu.vector_load %arg13[%parallel_loop3A_202, %parallel_loop3A_203, %parallel_loop3A_204] {strides = array<i32>} : memref<2x128x144xf32, #tpu.memory_space<vmem>>, vector<16xf32>,
        tpu.vector_store %arg13[%parallel_loop3A_202, %parallel_loop3A_203, %parallel_loop3A_204], %parallel_loop3A_200 {strides = array<i32>} : memref<2x128x144xf32, #tpu.memory_space<vmem>>, vector<16xf32>,
        %parallel_loop3A_206 = arith.constant 1 : i32
        %parallel_loop3A_207 = arith.index_cast %parallel_loop3A_206 : i32 to index
        %parallel_loop3A_208 = arith.index_cast %parallel_loop3A_180 : i32 to index
        %parallel_loop3A_209 = arith.constant 32 : index
        %parallel_loop3A_210 = tpu.vector_load %arg12[%parallel_loop3A_207, %parallel_loop3A_208, %parallel_loop3A_209] {strides = array<i32>} : memref<2x128x128xf32, #tpu.memory_space<vmem>>, vector<16xf32>,
        %parallel_loop3A_211 = arith.mulf %parallel_loop3A_210, %parallel_loop3A_183 : vector<16xf32>
        %parallel_loop3A_212 = arith.constant 1 : i32
        %parallel_loop3A_213 = arith.index_cast %parallel_loop3A_212 : i32 to index
        %parallel_loop3A_214 = arith.index_cast %parallel_loop3A_180 : i32 to index
        %parallel_loop3A_215 = arith.constant 32 : index
        %parallel_loop3A_216 = tpu.vector_load %arg13[%parallel_loop3A_213, %parallel_loop3A_214, %parallel_loop3A_215] {strides = array<i32>} : memref<2x128x144xf32, #tpu.memory_space<vmem>>, vector<16xf32>,
        tpu.vector_store %arg13[%parallel_loop3A_213, %parallel_loop3A_214, %parallel_loop3A_215], %parallel_loop3A_211 {strides = array<i32>} : memref<2x128x144xf32, #tpu.memory_space<vmem>>, vector<16xf32>,
        %parallel_loop3A_217 = arith.constant 1 : i32
        %parallel_loop3A_218 = arith.index_cast %parallel_loop3A_217 : i32 to index
        %parallel_loop3A_219 = arith.index_cast %parallel_loop3A_180 : i32 to index
        %parallel_loop3A_220 = arith.constant 48 : index
        %parallel_loop3A_221 = tpu.vector_load %arg12[%parallel_loop3A_218, %parallel_loop3A_219, %parallel_loop3A_220] {strides = array<i32>} : memref<2x128x128xf32, #tpu.memory_space<vmem>>, vector<16xf32>,
        %parallel_loop3A_222 = arith.mulf %parallel_loop3A_221, %parallel_loop3A_183 : vector<16xf32>
        %parallel_loop3A_223 = arith.constant 1 : i32
        %parallel_loop3A_224 = arith.index_cast %parallel_loop3A_223 : i32 to index
        %parallel_loop3A_225 = arith.index_cast %parallel_loop3A_180 : i32 to index
        %parallel_loop3A_226 = arith.constant 48 : index
        %parallel_loop3A_227 = tpu.vector_load %arg13[%parallel_loop3A_224, %parallel_loop3A_225, %parallel_loop3A_226] {strides = array<i32>} : memref<2x128x144xf32, #tpu.memory_space<vmem>>, vector<16xf32>,
        tpu.vector_store %arg13[%parallel_loop3A_224, %parallel_loop3A_225, %parallel_loop3A_226], %parallel_loop3A_222 {strides = array<i32>} : memref<2x128x144xf32, #tpu.memory_space<vmem>>, vector<16xf32>,
        %parallel_loop3A_228 = arith.constant 1 : i32
        %parallel_loop3A_229 = arith.index_cast %parallel_loop3A_228 : i32 to index
        %parallel_loop3A_230 = arith.index_cast %parallel_loop3A_180 : i32 to index
        %parallel_loop3A_231 = arith.constant 64 : index
        %parallel_loop3A_232 = tpu.vector_load %arg12[%parallel_loop3A_229, %parallel_loop3A_230, %parallel_loop3A_231] {strides = array<i32>} : memref<2x128x128xf32, #tpu.memory_space<vmem>>, vector<16xf32>,
        %parallel_loop3A_233 = arith.mulf %parallel_loop3A_232, %parallel_loop3A_183 : vector<16xf32>
        %parallel_loop3A_234 = arith.constant 1 : i32
        %parallel_loop3A_235 = arith.index_cast %parallel_loop3A_234 : i32 to index
        %parallel_loop3A_236 = arith.index_cast %parallel_loop3A_180 : i32 to index
        %parallel_loop3A_237 = arith.constant 64 : index
        %parallel_loop3A_238 = tpu.vector_load %arg13[%parallel_loop3A_235, %parallel_loop3A_236, %parallel_loop3A_237] {strides = array<i32>} : memref<2x128x144xf32, #tpu.memory_space<vmem>>, vector<16xf32>,
        tpu.vector_store %arg13[%parallel_loop3A_235, %parallel_loop3A_236, %parallel_loop3A_237], %parallel_loop3A_233 {strides = array<i32>} : memref<2x128x144xf32, #tpu.memory_space<vmem>>, vector<16xf32>,
        %parallel_loop3A_239 = arith.constant 1 : i32
        %parallel_loop3A_240 = arith.index_cast %parallel_loop3A_239 : i32 to index
        %parallel_loop3A_241 = arith.index_cast %parallel_loop3A_180 : i32 to index
        %parallel_loop3A_242 = arith.constant 80 : index
        %parallel_loop3A_243 = tpu.vector_load %arg12[%parallel_loop3A_240, %parallel_loop3A_241, %parallel_loop3A_242] {strides = array<i32>} : memref<2x128x128xf32, #tpu.memory_space<vmem>>, vector<16xf32>,
        %parallel_loop3A_244 = arith.mulf %parallel_loop3A_243, %parallel_loop3A_183 : vector<16xf32>
        %parallel_loop3A_245 = arith.constant 1 : i32
        %parallel_loop3A_246 = arith.index_cast %parallel_loop3A_245 : i32 to index
        %parallel_loop3A_247 = arith.index_cast %parallel_loop3A_180 : i32 to index
        %parallel_loop3A_248 = arith.constant 80 : index
        %parallel_loop3A_249 = tpu.vector_load %arg13[%parallel_loop3A_246, %parallel_loop3A_247, %parallel_loop3A_248] {strides = array<i32>} : memref<2x128x144xf32, #tpu.memory_space<vmem>>, vector<16xf32>,
        tpu.vector_store %arg13[%parallel_loop3A_246, %parallel_loop3A_247, %parallel_loop3A_248], %parallel_loop3A_244 {strides = array<i32>} : memref<2x128x144xf32, #tpu.memory_space<vmem>>, vector<16xf32>,
        %parallel_loop3A_250 = arith.constant 1 : i32
        %parallel_loop3A_251 = arith.index_cast %parallel_loop3A_250 : i32 to index
        %parallel_loop3A_252 = arith.index_cast %parallel_loop3A_180 : i32 to index
        %parallel_loop3A_253 = arith.constant 96 : index
        %parallel_loop3A_254 = tpu.vector_load %arg12[%parallel_loop3A_251, %parallel_loop3A_252, %parallel_loop3A_253] {strides = array<i32>} : memref<2x128x128xf32, #tpu.memory_space<vmem>>, vector<16xf32>,
        %parallel_loop3A_255 = arith.mulf %parallel_loop3A_254, %parallel_loop3A_183 : vector<16xf32>
        %parallel_loop3A_256 = arith.constant 1 : i32
        %parallel_loop3A_257 = arith.index_cast %parallel_loop3A_256 : i32 to index
        %parallel_loop3A_258 = arith.index_cast %parallel_loop3A_180 : i32 to index
        %parallel_loop3A_259 = arith.constant 96 : index
        %parallel_loop3A_260 = tpu.vector_load %arg13[%parallel_loop3A_257, %parallel_loop3A_258, %parallel_loop3A_259] {strides = array<i32>} : memref<2x128x144xf32, #tpu.memory_space<vmem>>, vector<16xf32>,
        tpu.vector_store %arg13[%parallel_loop3A_257, %parallel_loop3A_258, %parallel_loop3A_259], %parallel_loop3A_255 {strides = array<i32>} : memref<2x128x144xf32, #tpu.memory_space<vmem>>, vector<16xf32>,
        %parallel_loop3A_261 = arith.constant 1 : i32
        %parallel_loop3A_262 = arith.index_cast %parallel_loop3A_261 : i32 to index
        %parallel_loop3A_263 = arith.index_cast %parallel_loop3A_180 : i32 to index
        %parallel_loop3A_264 = arith.constant 112 : index
        %parallel_loop3A_265 = tpu.vector_load %arg12[%parallel_loop3A_262, %parallel_loop3A_263, %parallel_loop3A_264] {strides = array<i32>} : memref<2x128x128xf32, #tpu.memory_space<vmem>>, vector<16xf32>,
        %parallel_loop3A_266 = arith.mulf %parallel_loop3A_265, %parallel_loop3A_183 : vector<16xf32>
        %parallel_loop3A_267 = arith.constant 1 : i32
        %parallel_loop3A_268 = arith.index_cast %parallel_loop3A_267 : i32 to index
        %parallel_loop3A_269 = arith.index_cast %parallel_loop3A_180 : i32 to index
        %parallel_loop3A_270 = arith.constant 112 : index
        %parallel_loop3A_271 = tpu.vector_load %arg13[%parallel_loop3A_268, %parallel_loop3A_269, %parallel_loop3A_270] {strides = array<i32>} : memref<2x128x144xf32, #tpu.memory_space<vmem>>, vector<16xf32>,
        tpu.vector_store %arg13[%parallel_loop3A_268, %parallel_loop3A_269, %parallel_loop3A_270], %parallel_loop3A_266 {strides = array<i32>} : memref<2x128x144xf32, #tpu.memory_space<vmem>>, vector<16xf32>,
        %parallel_loop3A_272 = arith.constant 0.000000e+00 : f32
        %parallel_loop3A_273 = vector.broadcast %parallel_loop3A_272 : f32 to vector<16xf32>
        %parallel_loop3A_274 = arith.select %eq3A_159, %parallel_loop3A_183, %parallel_loop3A_273 : vector<16xi1>, vector<16xf32>
        %parallel_loop3A_275 = arith.constant 1 : i32
        %parallel_loop3A_276 = arith.index_cast %parallel_loop3A_275 : i32 to index
        %parallel_loop3A_277 = arith.index_cast %parallel_loop3A_180 : i32 to index
        %parallel_loop3A_278 = arith.constant 128 : index
        %parallel_loop3A_279 = tpu.vector_load %arg13[%parallel_loop3A_276, %parallel_loop3A_277, %parallel_loop3A_278] {strides = array<i32>} : memref<2x128x144xf32, #tpu.memory_space<vmem>>, vector<16xf32>,
        tpu.vector_store %arg13[%parallel_loop3A_276, %parallel_loop3A_277, %parallel_loop3A_278], %parallel_loop3A_274 {strides = array<i32>} : memref<2x128x144xf32, #tpu.memory_space<vmem>>, vector<16xf32>,
      } {sc.loop_unroll_factor = 4 : i64, sc.parallel_access}
      %sub3A_163 = arith.constant 1 : i32
      %sub3A_164 = arith.subi %select_n3A_6, %sub3A_163 : i32
      %lt3A_165 = arith.cmpi slt, %while3A_91, %sub3A_164 : i32
      %convert_element_type3A_166 = arith.extui %lt3A_165 : i1 to i32
      %cond3A_167 = arith.constant 0 : i32
      %cond3A_168 = arith.cmpi ne, %convert_element_type3A_166, %cond3A_167 : i32
      scf.if %cond3A_168 {
        %add3A_180 = arith.constant 2 : i32
        %add3A_181 = arith.addi %add3A_137, %add3A_180 : i32
        %dma_start3A_182 = arith.constant 1 : i32
        %dma_start3A_183 = arith.constant 0 : i32
        %dma_start3A_184 = arith.constant 0 : i32
        %dma_start3A_185 = tpu.memref_slice %arg12[%dma_start3A_182, %dma_start3A_183, %dma_start3A_184] : memref<2x128x128xf32, #tpu.memory_space<vmem>> -> memref<1x128x128xf32, #tpu.memory_space<vmem>>
        %dma_start3A_186 = tpu.memref_squeeze %dma_start3A_185 : memref<1x128x128xf32, #tpu.memory_space<vmem>> -> memref<128x128xf32, #tpu.memory_space<vmem>>
        %dma_start3A_187 = arith.constant 0 : i32
        %dma_start3A_188 = tpu.memref_slice %arg9[%add3A_181, %dma_start3A_187] : memref<26x128xi32, #tpu.memory_space<vmem>> -> memref<1x128xi32, #tpu.memory_space<vmem>>
        %dma_start3A_189 = tpu.memref_squeeze %dma_start3A_188 : memref<1x128xi32, #tpu.memory_space<vmem>> -> memref<128xi32, #tpu.memory_space<vmem>>
        %dma_start3A_190 = arith.constant 0 : i32
        %dma_start3A_191 = arith.constant 0 : i32
        %dma_start3A_192 = tpu.memref_slice %arg7[%dma_start3A_190, %dma_start3A_191] : memref<10000x128xf32, #tpu.memory_space<hbm>> -> memref<10000x128xf32, #tpu.memory_space<hbm>>
        tpu.enqueue_indirect_dma source(%dma_start3A_192 : memref<10000x128xf32, #tpu.memory_space<hbm>>) target(%dma_start3A_186 : memref<128x128xf32, #tpu.memory_space<vmem>>) offsets(%dma_start3A_189 : memref<128xi32, #tpu.memory_space<vmem>>) semaphore(%arg16 : memref<!tpu.dma_semaphore, #tpu.memory_space<semaphore_mem>>)
      } else {
      }
      %dma_start3A_169 = arith.constant 1 : i32
      %dma_start3A_170 = arith.constant 0 : i32
      %dma_start3A_171 = arith.constant 0 : i32
      %dma_start3A_172 = tpu.memref_slice %arg13[%dma_start3A_169, %dma_start3A_170, %dma_start3A_171] : memref<2x128x144xf32, #tpu.memory_space<vmem>> -> memref<1x128x144xf32, #tpu.memory_space<vmem>>
      %dma_start3A_173 = tpu.memref_squeeze %dma_start3A_172 : memref<1x128x144xf32, #tpu.memory_space<vmem>> -> memref<128x144xf32, #tpu.memory_space<vmem>>
      %dma_start3A_174 = arith.constant 0 : i32
      %dma_start3A_175 = tpu.memref_slice %arg10[%add3A_137, %dma_start3A_174] : memref<26x128xi32, #tpu.memory_space<vmem>> -> memref<1x128xi32, #tpu.memory_space<vmem>>
      %dma_start3A_176 = tpu.memref_squeeze %dma_start3A_175 : memref<1x128xi32, #tpu.memory_space<vmem>> -> memref<128xi32, #tpu.memory_space<vmem>>
      %dma_start3A_177 = arith.constant 0 : i32
      %dma_start3A_178 = arith.constant 0 : i32
      %dma_start3A_179 = tpu.memref_slice %arg14[%dma_start3A_177, %dma_start3A_178] : memref<2560x144xf32, #tpu.memory_space<vmem_shared>> -> memref<2560x144xf32, #tpu.memory_space<vmem_shared>>
      tpu.enqueue_indirect_dma source(%dma_start3A_173 : memref<128x144xf32, #tpu.memory_space<vmem>>) target(%dma_start3A_179 : memref<2560x144xf32, #tpu.memory_space<vmem_shared>>) offsets(%dma_start3A_176 : memref<128xi32, #tpu.memory_space<vmem>>) semaphore(%arg18 : memref<!tpu.dma_semaphore, #tpu.memory_space<semaphore_mem>>) {add = true}
    }
    %while3A_57 = arith.constant 1 : i32
    scf.for %while3A_91 = %while3A_55 to %while3A_51 step %while3A_57  : i32 {
      %mul3A_92 = arith.constant 2 : i32
      %mul3A_93 = arith.muli %mul3A_92, %while3A_91 : i32
      %add3A_94 = arith.constant 0 : i32
      %add3A_95 = arith.addi %mul3A_93, %add3A_94 : i32
      %dma_wait3A_96 = arith.constant 0 : i32
      %dma_wait3A_97 = arith.constant 0 : i32
      %dma_wait3A_98 = arith.constant 0 : i32
      %dma_wait3A_99 = tpu.memref_slice %arg12[%dma_wait3A_96, %dma_wait3A_97, %dma_wait3A_98] : memref<2x128x128xf32, #tpu.memory_space<vmem>> -> memref<1x128x128xf32, #tpu.memory_space<vmem>>
      %dma_wait3A_100 = tpu.memref_squeeze %dma_wait3A_99 : memref<1x128x128xf32, #tpu.memory_space<vmem>> -> memref<128x128xf32, #tpu.memory_space<vmem>>
      %dma_wait3A_101 = arith.constant 0 : i32
      %dma_wait3A_102 = tpu.memref_slice %arg9[%add3A_95, %dma_wait3A_101] : memref<26x128xi32, #tpu.memory_space<vmem>> -> memref<1x128xi32, #tpu.memory_space<vmem>>
      %dma_wait3A_103 = tpu.memref_squeeze %dma_wait3A_102 : memref<1x128xi32, #tpu.memory_space<vmem>> -> memref<128xi32, #tpu.memory_space<vmem>>
      %dma_wait3A_104 = arith.constant 0 : i32
      %dma_wait3A_105 = arith.constant 0 : i32
      %dma_wait3A_106 = tpu.memref_slice %arg7[%dma_wait3A_104, %dma_wait3A_105] : memref<10000x128xf32, #tpu.memory_space<hbm>> -> memref<10000x128xf32, #tpu.memory_space<hbm>>
      tpu.wait_indirect_dma semaphore(%arg15 : memref<!tpu.dma_semaphore, #tpu.memory_space<semaphore_mem>>) src(%dma_wait3A_106 : memref<10000x128xf32, #tpu.memory_space<hbm>>) dst(%dma_wait3A_100 : memref<128x128xf32, #tpu.memory_space<vmem>>)
      %ge3A = arith.constant 1 : i32
      %ge3A_107 = arith.cmpi sge, %while3A_91, %ge3A : i32
      %convert_element_type3A_108 = arith.extui %ge3A_107 : i1 to i32
      %cond3A_109 = arith.constant 0 : i32
      %cond3A_110 = arith.cmpi ne, %convert_element_type3A_108, %cond3A_109 : i32
      scf.if %cond3A_110 {
        %sub3A_180 = arith.constant 2 : i32
        %sub3A_181 = arith.subi %add3A_95, %sub3A_180 : i32
        %dma_wait3A_182 = arith.constant 0 : i32
        %dma_wait3A_183 = arith.constant 0 : i32
        %dma_wait3A_184 = arith.constant 0 : i32
        %dma_wait3A_185 = tpu.memref_slice %arg13[%dma_wait3A_182, %dma_wait3A_183, %dma_wait3A_184] : memref<2x128x144xf32, #tpu.memory_space<vmem>> -> memref<1x128x144xf32, #tpu.memory_space<vmem>>
        %dma_wait3A_186 = tpu.memref_squeeze %dma_wait3A_185 : memref<1x128x144xf32, #tpu.memory_space<vmem>> -> memref<128x144xf32, #tpu.memory_space<vmem>>
        %dma_wait3A_187 = arith.constant 0 : i32
        %dma_wait3A_188 = tpu.memref_slice %arg10[%sub3A_181, %dma_wait3A_187] : memref<26x128xi32, #tpu.memory_space<vmem>> -> memref<1x128xi32, #tpu.memory_space<vmem>>
        %dma_wait3A_189 = tpu.memref_squeeze %dma_wait3A_188 : memref<1x128xi32, #tpu.memory_space<vmem>> -> memref<128xi32, #tpu.memory_space<vmem>>
        %dma_wait3A_190 = arith.constant 0 : i32
        %dma_wait3A_191 = arith.constant 0 : i32
        %dma_wait3A_192 = tpu.memref_slice %arg14[%dma_wait3A_190, %dma_wait3A_191] : memref<2560x144xf32, #tpu.memory_space<vmem_shared>> -> memref<2560x144xf32, #tpu.memory_space<vmem_shared>>
        tpu.wait_indirect_dma semaphore(%arg17 : memref<!tpu.dma_semaphore, #tpu.memory_space<semaphore_mem>>) src(%dma_wait3A_186 : memref<128x144xf32, #tpu.memory_space<vmem>>) dst(%dma_wait3A_192 : memref<2560x144xf32, #tpu.memory_space<vmem_shared>>)
      } else {
      }
      %mul3A_111 = arith.constant 128 : i32
      %mul3A_112 = arith.muli %add3A_95, %mul3A_111 : i32
      %iota3A = tpu.iota {dimensions = array<i32: 0>} : vector<16xi32>
      %eq3A_113 = arith.constant 0 : i32
      %eq3A_114 = vector.broadcast %eq3A_113 : i32 to vector<16xi32>
      %eq3A_115 = arith.cmpi eq, %iota3A, %eq3A_114 : vector<16xi32>
      %parallel_loop3A = arith.constant 0 : i32
      %parallel_loop3A_116 = arith.constant 128 : i32
      %parallel_loop3A_117 = arith.constant 1 : i32
      scf.for %parallel_loop3A_180 = %parallel_loop3A to %parallel_loop3A_116 step %parallel_loop3A_117  : i32 {
        %parallel_loop3A_181 = arith.addi %mul3A_112, %parallel_loop3A_180 : i32
        %parallel_loop3A_182 = vector.broadcast %parallel_loop3A_181 : i32 to vector<16xi32>
        %parallel_loop3A_183 = tpu.vector_load_idx %arg11[%parallel_loop3A_182] : memref<3328xf32, #tpu.memory_space<vmem>>[vector<16xi32>], vector<16xf32>,
        %parallel_loop3A_184 = arith.constant 0 : i32
        %parallel_loop3A_185 = arith.index_cast %parallel_loop3A_184 : i32 to index
        %parallel_loop3A_186 = arith.index_cast %parallel_loop3A_180 : i32 to index
        %parallel_loop3A_187 = arith.constant 0 : index
        %parallel_loop3A_188 = tpu.vector_load %arg12[%parallel_loop3A_185, %parallel_loop3A_186, %parallel_loop3A_187] {strides = array<i32>} : memref<2x128x128xf32, #tpu.memory_space<vmem>>, vector<16xf32>,
        %parallel_loop3A_189 = arith.mulf %parallel_loop3A_188, %parallel_loop3A_183 : vector<16xf32>
        %parallel_loop3A_190 = arith.constant 0 : i32
        %parallel_loop3A_191 = arith.index_cast %parallel_loop3A_190 : i32 to index
        %parallel_loop3A_192 = arith.index_cast %parallel_loop3A_180 : i32 to index
        %parallel_loop3A_193 = arith.constant 0 : index
        %parallel_loop3A_194 = tpu.vector_load %arg13[%parallel_loop3A_191, %parallel_loop3A_192, %parallel_loop3A_193] {strides = array<i32>} : memref<2x128x144xf32, #tpu.memory_space<vmem>>, vector<16xf32>,
        tpu.vector_store %arg13[%parallel_loop3A_191, %parallel_loop3A_192, %parallel_loop3A_193], %parallel_loop3A_189 {strides = array<i32>} : memref<2x128x144xf32, #tpu.memory_space<vmem>>, vector<16xf32>,
        %parallel_loop3A_195 = arith.constant 0 : i32
        %parallel_loop3A_196 = arith.index_cast %parallel_loop3A_195 : i32 to index
        %parallel_loop3A_197 = arith.index_cast %parallel_loop3A_180 : i32 to index
        %parallel_loop3A_198 = arith.constant 16 : index
        %parallel_loop3A_199 = tpu.vector_load %arg12[%parallel_loop3A_196, %parallel_loop3A_197, %parallel_loop3A_198] {strides = array<i32>} : memref<2x128x128xf32, #tpu.memory_space<vmem>>, vector<16xf32>,
        %parallel_loop3A_200 = arith.mulf %parallel_loop3A_199, %parallel_loop3A_183 : vector<16xf32>
        %parallel_loop3A_201 = arith.constant 0 : i32
        %parallel_loop3A_202 = arith.index_cast %parallel_loop3A_201 : i32 to index
        %parallel_loop3A_203 = arith.index_cast %parallel_loop3A_180 : i32 to index
        %parallel_loop3A_204 = arith.constant 16 : index
        %parallel_loop3A_205 = tpu.vector_load %arg13[%parallel_loop3A_202, %parallel_loop3A_203, %parallel_loop3A_204] {strides = array<i32>} : memref<2x128x144xf32, #tpu.memory_space<vmem>>, vector<16xf32>,
        tpu.vector_store %arg13[%parallel_loop3A_202, %parallel_loop3A_203, %parallel_loop3A_204], %parallel_loop3A_200 {strides = array<i32>} : memref<2x128x144xf32, #tpu.memory_space<vmem>>, vector<16xf32>,
        %parallel_loop3A_206 = arith.constant 0 : i32
        %parallel_loop3A_207 = arith.index_cast %parallel_loop3A_206 : i32 to index
        %parallel_loop3A_208 = arith.index_cast %parallel_loop3A_180 : i32 to index
        %parallel_loop3A_209 = arith.constant 32 : index
        %parallel_loop3A_210 = tpu.vector_load %arg12[%parallel_loop3A_207, %parallel_loop3A_208, %parallel_loop3A_209] {strides = array<i32>} : memref<2x128x128xf32, #tpu.memory_space<vmem>>, vector<16xf32>,
        %parallel_loop3A_211 = arith.mulf %parallel_loop3A_210, %parallel_loop3A_183 : vector<16xf32>
        %parallel_loop3A_212 = arith.constant 0 : i32
        %parallel_loop3A_213 = arith.index_cast %parallel_loop3A_212 : i32 to index
        %parallel_loop3A_214 = arith.index_cast %parallel_loop3A_180 : i32 to index
        %parallel_loop3A_215 = arith.constant 32 : index
        %parallel_loop3A_216 = tpu.vector_load %arg13[%parallel_loop3A_213, %parallel_loop3A_214, %parallel_loop3A_215] {strides = array<i32>} : memref<2x128x144xf32, #tpu.memory_space<vmem>>, vector<16xf32>,
        tpu.vector_store %arg13[%parallel_loop3A_213, %parallel_loop3A_214, %parallel_loop3A_215], %parallel_loop3A_211 {strides = array<i32>} : memref<2x128x144xf32, #tpu.memory_space<vmem>>, vector<16xf32>,
        %parallel_loop3A_217 = arith.constant 0 : i32
        %parallel_loop3A_218 = arith.index_cast %parallel_loop3A_217 : i32 to index
        %parallel_loop3A_219 = arith.index_cast %parallel_loop3A_180 : i32 to index
        %parallel_loop3A_220 = arith.constant 48 : index
        %parallel_loop3A_221 = tpu.vector_load %arg12[%parallel_loop3A_218, %parallel_loop3A_219, %parallel_loop3A_220] {strides = array<i32>} : memref<2x128x128xf32, #tpu.memory_space<vmem>>, vector<16xf32>,
        %parallel_loop3A_222 = arith.mulf %parallel_loop3A_221, %parallel_loop3A_183 : vector<16xf32>
        %parallel_loop3A_223 = arith.constant 0 : i32
        %parallel_loop3A_224 = arith.index_cast %parallel_loop3A_223 : i32 to index
        %parallel_loop3A_225 = arith.index_cast %parallel_loop3A_180 : i32 to index
        %parallel_loop3A_226 = arith.constant 48 : index
        %parallel_loop3A_227 = tpu.vector_load %arg13[%parallel_loop3A_224, %parallel_loop3A_225, %parallel_loop3A_226] {strides = array<i32>} : memref<2x128x144xf32, #tpu.memory_space<vmem>>, vector<16xf32>,
        tpu.vector_store %arg13[%parallel_loop3A_224, %parallel_loop3A_225, %parallel_loop3A_226], %parallel_loop3A_222 {strides = array<i32>} : memref<2x128x144xf32, #tpu.memory_space<vmem>>, vector<16xf32>,
        %parallel_loop3A_228 = arith.constant 0 : i32
        %parallel_loop3A_229 = arith.index_cast %parallel_loop3A_228 : i32 to index
        %parallel_loop3A_230 = arith.index_cast %parallel_loop3A_180 : i32 to index
        %parallel_loop3A_231 = arith.constant 64 : index
        %parallel_loop3A_232 = tpu.vector_load %arg12[%parallel_loop3A_229, %parallel_loop3A_230, %parallel_loop3A_231] {strides = array<i32>} : memref<2x128x128xf32, #tpu.memory_space<vmem>>, vector<16xf32>,
        %parallel_loop3A_233 = arith.mulf %parallel_loop3A_232, %parallel_loop3A_183 : vector<16xf32>
        %parallel_loop3A_234 = arith.constant 0 : i32
        %parallel_loop3A_235 = arith.index_cast %parallel_loop3A_234 : i32 to index
        %parallel_loop3A_236 = arith.index_cast %parallel_loop3A_180 : i32 to index
        %parallel_loop3A_237 = arith.constant 64 : index
        %parallel_loop3A_238 = tpu.vector_load %arg13[%parallel_loop3A_235, %parallel_loop3A_236, %parallel_loop3A_237] {strides = array<i32>} : memref<2x128x144xf32, #tpu.memory_space<vmem>>, vector<16xf32>,
        tpu.vector_store %arg13[%parallel_loop3A_235, %parallel_loop3A_236, %parallel_loop3A_237], %parallel_loop3A_233 {strides = array<i32>} : memref<2x128x144xf32, #tpu.memory_space<vmem>>, vector<16xf32>,
        %parallel_loop3A_239 = arith.constant 0 : i32
        %parallel_loop3A_240 = arith.index_cast %parallel_loop3A_239 : i32 to index
        %parallel_loop3A_241 = arith.index_cast %parallel_loop3A_180 : i32 to index
        %parallel_loop3A_242 = arith.constant 80 : index
        %parallel_loop3A_243 = tpu.vector_load %arg12[%parallel_loop3A_240, %parallel_loop3A_241, %parallel_loop3A_242] {strides = array<i32>} : memref<2x128x128xf32, #tpu.memory_space<vmem>>, vector<16xf32>,
        %parallel_loop3A_244 = arith.mulf %parallel_loop3A_243, %parallel_loop3A_183 : vector<16xf32>
        %parallel_loop3A_245 = arith.constant 0 : i32
        %parallel_loop3A_246 = arith.index_cast %parallel_loop3A_245 : i32 to index
        %parallel_loop3A_247 = arith.index_cast %parallel_loop3A_180 : i32 to index
        %parallel_loop3A_248 = arith.constant 80 : index
        %parallel_loop3A_249 = tpu.vector_load %arg13[%parallel_loop3A_246, %parallel_loop3A_247, %parallel_loop3A_248] {strides = array<i32>} : memref<2x128x144xf32, #tpu.memory_space<vmem>>, vector<16xf32>,
        tpu.vector_store %arg13[%parallel_loop3A_246, %parallel_loop3A_247, %parallel_loop3A_248], %parallel_loop3A_244 {strides = array<i32>} : memref<2x128x144xf32, #tpu.memory_space<vmem>>, vector<16xf32>,
        %parallel_loop3A_250 = arith.constant 0 : i32
        %parallel_loop3A_251 = arith.index_cast %parallel_loop3A_250 : i32 to index
        %parallel_loop3A_252 = arith.index_cast %parallel_loop3A_180 : i32 to index
        %parallel_loop3A_253 = arith.constant 96 : index
        %parallel_loop3A_254 = tpu.vector_load %arg12[%parallel_loop3A_251, %parallel_loop3A_252, %parallel_loop3A_253] {strides = array<i32>} : memref<2x128x128xf32, #tpu.memory_space<vmem>>, vector<16xf32>,
        %parallel_loop3A_255 = arith.mulf %parallel_loop3A_254, %parallel_loop3A_183 : vector<16xf32>
        %parallel_loop3A_256 = arith.constant 0 : i32
        %parallel_loop3A_257 = arith.index_cast %parallel_loop3A_256 : i32 to index
        %parallel_loop3A_258 = arith.index_cast %parallel_loop3A_180 : i32 to index
        %parallel_loop3A_259 = arith.constant 96 : index
        %parallel_loop3A_260 = tpu.vector_load %arg13[%parallel_loop3A_257, %parallel_loop3A_258, %parallel_loop3A_259] {strides = array<i32>} : memref<2x128x144xf32, #tpu.memory_space<vmem>>, vector<16xf32>,
        tpu.vector_store %arg13[%parallel_loop3A_257, %parallel_loop3A_258, %parallel_loop3A_259], %parallel_loop3A_255 {strides = array<i32>} : memref<2x128x144xf32, #tpu.memory_space<vmem>>, vector<16xf32>,
        %parallel_loop3A_261 = arith.constant 0 : i32
        %parallel_loop3A_262 = arith.index_cast %parallel_loop3A_261 : i32 to index
        %parallel_loop3A_263 = arith.index_cast %parallel_loop3A_180 : i32 to index
        %parallel_loop3A_264 = arith.constant 112 : index
        %parallel_loop3A_265 = tpu.vector_load %arg12[%parallel_loop3A_262, %parallel_loop3A_263, %parallel_loop3A_264] {strides = array<i32>} : memref<2x128x128xf32, #tpu.memory_space<vmem>>, vector<16xf32>,
        %parallel_loop3A_266 = arith.mulf %parallel_loop3A_265, %parallel_loop3A_183 : vector<16xf32>
        %parallel_loop3A_267 = arith.constant 0 : i32
        %parallel_loop3A_268 = arith.index_cast %parallel_loop3A_267 : i32 to index
        %parallel_loop3A_269 = arith.index_cast %parallel_loop3A_180 : i32 to index
        %parallel_loop3A_270 = arith.constant 112 : index
        %parallel_loop3A_271 = tpu.vector_load %arg13[%parallel_loop3A_268, %parallel_loop3A_269, %parallel_loop3A_270] {strides = array<i32>} : memref<2x128x144xf32, #tpu.memory_space<vmem>>, vector<16xf32>,
        tpu.vector_store %arg13[%parallel_loop3A_268, %parallel_loop3A_269, %parallel_loop3A_270], %parallel_loop3A_266 {strides = array<i32>} : memref<2x128x144xf32, #tpu.memory_space<vmem>>, vector<16xf32>,
        %parallel_loop3A_272 = arith.constant 0.000000e+00 : f32
        %parallel_loop3A_273 = vector.broadcast %parallel_loop3A_272 : f32 to vector<16xf32>
        %parallel_loop3A_274 = arith.select %eq3A_115, %parallel_loop3A_183, %parallel_loop3A_273 : vector<16xi1>, vector<16xf32>
        %parallel_loop3A_275 = arith.constant 0 : i32
        %parallel_loop3A_276 = arith.index_cast %parallel_loop3A_275 : i32 to index
        %parallel_loop3A_277 = arith.index_cast %parallel_loop3A_180 : i32 to index
        %parallel_loop3A_278 = arith.constant 128 : index
        %parallel_loop3A_279 = tpu.vector_load %arg13[%parallel_loop3A_276, %parallel_loop3A_277, %parallel_loop3A_278] {strides = array<i32>} : memref<2x128x144xf32, #tpu.memory_space<vmem>>, vector<16xf32>,
        tpu.vector_store %arg13[%parallel_loop3A_276, %parallel_loop3A_277, %parallel_loop3A_278], %parallel_loop3A_274 {strides = array<i32>} : memref<2x128x144xf32, #tpu.memory_space<vmem>>, vector<16xf32>,
      } {sc.loop_unroll_factor = 4 : i64, sc.parallel_access}
      %sub3A_118 = arith.constant 1 : i32
      %sub3A_119 = arith.subi %select_n3A_6, %sub3A_118 : i32
      %lt3A = arith.cmpi slt, %while3A_91, %sub3A_119 : i32
      %convert_element_type3A_120 = arith.extui %lt3A : i1 to i32
      %cond3A_121 = arith.constant 0 : i32
      %cond3A_122 = arith.cmpi ne, %convert_element_type3A_120, %cond3A_121 : i32
      scf.if %cond3A_122 {
        %add3A_180 = arith.constant 2 : i32
        %add3A_181 = arith.addi %add3A_95, %add3A_180 : i32
        %dma_start3A_182 = arith.constant 0 : i32
        %dma_start3A_183 = arith.constant 0 : i32
        %dma_start3A_184 = arith.constant 0 : i32
        %dma_start3A_185 = tpu.memref_slice %arg12[%dma_start3A_182, %dma_start3A_183, %dma_start3A_184] : memref<2x128x128xf32, #tpu.memory_space<vmem>> -> memref<1x128x128xf32, #tpu.memory_space<vmem>>
        %dma_start3A_186 = tpu.memref_squeeze %dma_start3A_185 : memref<1x128x128xf32, #tpu.memory_space<vmem>> -> memref<128x128xf32, #tpu.memory_space<vmem>>
        %dma_start3A_187 = arith.constant 0 : i32
        %dma_start3A_188 = tpu.memref_slice %arg9[%add3A_181, %dma_start3A_187] : memref<26x128xi32, #tpu.memory_space<vmem>> -> memref<1x128xi32, #tpu.memory_space<vmem>>
        %dma_start3A_189 = tpu.memref_squeeze %dma_start3A_188 : memref<1x128xi32, #tpu.memory_space<vmem>> -> memref<128xi32, #tpu.memory_space<vmem>>
        %dma_start3A_190 = arith.constant 0 : i32
        %dma_start3A_191 = arith.constant 0 : i32
        %dma_start3A_192 = tpu.memref_slice %arg7[%dma_start3A_190, %dma_start3A_191] : memref<10000x128xf32, #tpu.memory_space<hbm>> -> memref<10000x128xf32, #tpu.memory_space<hbm>>
        tpu.enqueue_indirect_dma source(%dma_start3A_192 : memref<10000x128xf32, #tpu.memory_space<hbm>>) target(%dma_start3A_186 : memref<128x128xf32, #tpu.memory_space<vmem>>) offsets(%dma_start3A_189 : memref<128xi32, #tpu.memory_space<vmem>>) semaphore(%arg15 : memref<!tpu.dma_semaphore, #tpu.memory_space<semaphore_mem>>)
      } else {
      }
      %dma_start3A_123 = arith.constant 0 : i32
      %dma_start3A_124 = arith.constant 0 : i32
      %dma_start3A_125 = arith.constant 0 : i32
      %dma_start3A_126 = tpu.memref_slice %arg13[%dma_start3A_123, %dma_start3A_124, %dma_start3A_125] : memref<2x128x144xf32, #tpu.memory_space<vmem>> -> memref<1x128x144xf32, #tpu.memory_space<vmem>>
      %dma_start3A_127 = tpu.memref_squeeze %dma_start3A_126 : memref<1x128x144xf32, #tpu.memory_space<vmem>> -> memref<128x144xf32, #tpu.memory_space<vmem>>
      %dma_start3A_128 = arith.constant 0 : i32
      %dma_start3A_129 = tpu.memref_slice %arg10[%add3A_95, %dma_start3A_128] : memref<26x128xi32, #tpu.memory_space<vmem>> -> memref<1x128xi32, #tpu.memory_space<vmem>>
      %dma_start3A_130 = tpu.memref_squeeze %dma_start3A_129 : memref<1x128xi32, #tpu.memory_space<vmem>> -> memref<128xi32, #tpu.memory_space<vmem>>
      %dma_start3A_131 = arith.constant 0 : i32
      %dma_start3A_132 = arith.constant 0 : i32
      %dma_start3A_133 = tpu.memref_slice %arg14[%dma_start3A_131, %dma_start3A_132] : memref<2560x144xf32, #tpu.memory_space<vmem_shared>> -> memref<2560x144xf32, #tpu.memory_space<vmem_shared>>
      tpu.enqueue_indirect_dma source(%dma_start3A_127 : memref<128x144xf32, #tpu.memory_space<vmem>>) target(%dma_start3A_133 : memref<2560x144xf32, #tpu.memory_space<vmem_shared>>) offsets(%dma_start3A_130 : memref<128xi32, #tpu.memory_space<vmem>>) semaphore(%arg17 : memref<!tpu.dma_semaphore, #tpu.memory_space<semaphore_mem>>) {add = true}
      %mul3A_134 = arith.constant 2 : i32
      %mul3A_135 = arith.muli %mul3A_134, %while3A_91 : i32
      %add3A_136 = arith.constant 1 : i32
      %add3A_137 = arith.addi %mul3A_135, %add3A_136 : i32
      %dma_wait3A_138 = arith.constant 1 : i32
      %dma_wait3A_139 = arith.constant 0 : i32
      %dma_wait3A_140 = arith.constant 0 : i32
      %dma_wait3A_141 = tpu.memref_slice %arg12[%dma_wait3A_138, %dma_wait3A_139, %dma_wait3A_140] : memref<2x128x128xf32, #tpu.memory_space<vmem>> -> memref<1x128x128xf32, #tpu.memory_space<vmem>>
      %dma_wait3A_142 = tpu.memref_squeeze %dma_wait3A_141 : memref<1x128x128xf32, #tpu.memory_space<vmem>> -> memref<128x128xf32, #tpu.memory_space<vmem>>
      %dma_wait3A_143 = arith.constant 0 : i32
      %dma_wait3A_144 = tpu.memref_slice %arg9[%add3A_137, %dma_wait3A_143] : memref<26x128xi32, #tpu.memory_space<vmem>> -> memref<1x128xi32, #tpu.memory_space<vmem>>
      %dma_wait3A_145 = tpu.memref_squeeze %dma_wait3A_144 : memref<1x128xi32, #tpu.memory_space<vmem>> -> memref<128xi32, #tpu.memory_space<vmem>>
      %dma_wait3A_146 = arith.constant 0 : i32
      %dma_wait3A_147 = arith.constant 0 : i32
      %dma_wait3A_148 = tpu.memref_slice %arg7[%dma_wait3A_146, %dma_wait3A_147] : memref<10000x128xf32, #tpu.memory_space<hbm>> -> memref<10000x128xf32, #tpu.memory_space<hbm>>
      tpu.wait_indirect_dma semaphore(%arg16 : memref<!tpu.dma_semaphore, #tpu.memory_space<semaphore_mem>>) src(%dma_wait3A_148 : memref<10000x128xf32, #tpu.memory_space<hbm>>) dst(%dma_wait3A_142 : memref<128x128xf32, #tpu.memory_space<vmem>>)
      %ge3A_149 = arith.constant 1 : i32
      %ge3A_150 = arith.cmpi sge, %while3A_91, %ge3A_149 : i32
      %convert_element_type3A_151 = arith.extui %ge3A_150 : i1 to i32
      %cond3A_152 = arith.constant 0 : i32
      %cond3A_153 = arith.cmpi ne, %convert_element_type3A_151, %cond3A_152 : i32
      scf.if %cond3A_153 {
        %sub3A_180 = arith.constant 2 : i32
        %sub3A_181 = arith.subi %add3A_137, %sub3A_180 : i32
        %dma_wait3A_182 = arith.constant 1 : i32
        %dma_wait3A_183 = arith.constant 0 : i32
        %dma_wait3A_184 = arith.constant 0 : i32
        %dma_wait3A_185 = tpu.memref_slice %arg13[%dma_wait3A_182, %dma_wait3A_183, %dma_wait3A_184] : memref<2x128x144xf32, #tpu.memory_space<vmem>> -> memref<1x128x144xf32, #tpu.memory_space<vmem>>
        %dma_wait3A_186 = tpu.memref_squeeze %dma_wait3A_185 : memref<1x128x144xf32, #tpu.memory_space<vmem>> -> memref<128x144xf32, #tpu.memory_space<vmem>>
        %dma_wait3A_187 = arith.constant 0 : i32
        %dma_wait3A_188 = tpu.memref_slice %arg10[%sub3A_181, %dma_wait3A_187] : memref<26x128xi32, #tpu.memory_space<vmem>> -> memref<1x128xi32, #tpu.memory_space<vmem>>
        %dma_wait3A_189 = tpu.memref_squeeze %dma_wait3A_188 : memref<1x128xi32, #tpu.memory_space<vmem>> -> memref<128xi32, #tpu.memory_space<vmem>>
        %dma_wait3A_190 = arith.constant 0 : i32
        %dma_wait3A_191 = arith.constant 0 : i32
        %dma_wait3A_192 = tpu.memref_slice %arg14[%dma_wait3A_190, %dma_wait3A_191] : memref<2560x144xf32, #tpu.memory_space<vmem_shared>> -> memref<2560x144xf32, #tpu.memory_space<vmem_shared>>
        tpu.wait_indirect_dma semaphore(%arg18 : memref<!tpu.dma_semaphore, #tpu.memory_space<semaphore_mem>>) src(%dma_wait3A_186 : memref<128x144xf32, #tpu.memory_space<vmem>>) dst(%dma_wait3A_192 : memref<2560x144xf32, #tpu.memory_space<vmem_shared>>)
      } else {
      }
      %mul3A_154 = arith.constant 128 : i32
      %mul3A_155 = arith.muli %add3A_137, %mul3A_154 : i32
      %iota3A_156 = tpu.iota {dimensions = array<i32: 0>} : vector<16xi32>
      %eq3A_157 = arith.constant 0 : i32
      %eq3A_158 = vector.broadcast %eq3A_157 : i32 to vector<16xi32>
      %eq3A_159 = arith.cmpi eq, %iota3A_156, %eq3A_158 : vector<16xi32>
      %parallel_loop3A_160 = arith.constant 0 : i32
      %parallel_loop3A_161 = arith.constant 128 : i32
      %parallel_loop3A_162 = arith.constant 1 : i32
      scf.for %parallel_loop3A_180 = %parallel_loop3A_160 to %parallel_loop3A_161 step %parallel_loop3A_162  : i32 {
        %parallel_loop3A_181 = arith.addi %mul3A_155, %parallel_loop3A_180 : i32
        %parallel_loop3A_182 = vector.broadcast %parallel_loop3A_181 : i32 to vector<16xi32>
        %parallel_loop3A_183 = tpu.vector_load_idx %arg11[%parallel_loop3A_182] : memref<3328xf32, #tpu.memory_space<vmem>>[vector<16xi32>], vector<16xf32>,
        %parallel_loop3A_184 = arith.constant 1 : i32
        %parallel_loop3A_185 = arith.index_cast %parallel_loop3A_184 : i32 to index
        %parallel_loop3A_186 = arith.index_cast %parallel_loop3A_180 : i32 to index
        %parallel_loop3A_187 = arith.constant 0 : index
        %parallel_loop3A_188 = tpu.vector_load %arg12[%parallel_loop3A_185, %parallel_loop3A_186, %parallel_loop3A_187] {strides = array<i32>} : memref<2x128x128xf32, #tpu.memory_space<vmem>>, vector<16xf32>,
        %parallel_loop3A_189 = arith.mulf %parallel_loop3A_188, %parallel_loop3A_183 : vector<16xf32>
        %parallel_loop3A_190 = arith.constant 1 : i32
        %parallel_loop3A_191 = arith.index_cast %parallel_loop3A_190 : i32 to index
        %parallel_loop3A_192 = arith.index_cast %parallel_loop3A_180 : i32 to index
        %parallel_loop3A_193 = arith.constant 0 : index
        %parallel_loop3A_194 = tpu.vector_load %arg13[%parallel_loop3A_191, %parallel_loop3A_192, %parallel_loop3A_193] {strides = array<i32>} : memref<2x128x144xf32, #tpu.memory_space<vmem>>, vector<16xf32>,
        tpu.vector_store %arg13[%parallel_loop3A_191, %parallel_loop3A_192, %parallel_loop3A_193], %parallel_loop3A_189 {strides = array<i32>} : memref<2x128x144xf32, #tpu.memory_space<vmem>>, vector<16xf32>,
        %parallel_loop3A_195 = arith.constant 1 : i32
        %parallel_loop3A_196 = arith.index_cast %parallel_loop3A_195 : i32 to index
        %parallel_loop3A_197 = arith.index_cast %parallel_loop3A_180 : i32 to index
        %parallel_loop3A_198 = arith.constant 16 : index
        %parallel_loop3A_199 = tpu.vector_load %arg12[%parallel_loop3A_196, %parallel_loop3A_197, %parallel_loop3A_198] {strides = array<i32>} : memref<2x128x128xf32, #tpu.memory_space<vmem>>, vector<16xf32>,
        %parallel_loop3A_200 = arith.mulf %parallel_loop3A_199, %parallel_loop3A_183 : vector<16xf32>
        %parallel_loop3A_201 = arith.constant 1 : i32
        %parallel_loop3A_202 = arith.index_cast %parallel_loop3A_201 : i32 to index
        %parallel_loop3A_203 = arith.index_cast %parallel_loop3A_180 : i32 to index
        %parallel_loop3A_204 = arith.constant 16 : index
        %parallel_loop3A_205 = tpu.vector_load %arg13[%parallel_loop3A_202, %parallel_loop3A_203, %parallel_loop3A_204] {strides = array<i32>} : memref<2x128x144xf32, #tpu.memory_space<vmem>>, vector<16xf32>,
        tpu.vector_store %arg13[%parallel_loop3A_202, %parallel_loop3A_203, %parallel_loop3A_204], %parallel_loop3A_200 {strides = array<i32>} : memref<2x128x144xf32, #tpu.memory_space<vmem>>, vector<16xf32>,
        %parallel_loop3A_206 = arith.constant 1 : i32
        %parallel_loop3A_207 = arith.index_cast %parallel_loop3A_206 : i32 to index
        %parallel_loop3A_208 = arith.index_cast %parallel_loop3A_180 : i32 to index
        %parallel_loop3A_209 = arith.constant 32 : index
        %parallel_loop3A_210 = tpu.vector_load %arg12[%parallel_loop3A_207, %parallel_loop3A_208, %parallel_loop3A_209] {strides = array<i32>} : memref<2x128x128xf32, #tpu.memory_space<vmem>>, vector<16xf32>,
        %parallel_loop3A_211 = arith.mulf %parallel_loop3A_210, %parallel_loop3A_183 : vector<16xf32>
        %parallel_loop3A_212 = arith.constant 1 : i32
        %parallel_loop3A_213 = arith.index_cast %parallel_loop3A_212 : i32 to index
        %parallel_loop3A_214 = arith.index_cast %parallel_loop3A_180 : i32 to index
        %parallel_loop3A_215 = arith.constant 32 : index
        %parallel_loop3A_216 = tpu.vector_load %arg13[%parallel_loop3A_213, %parallel_loop3A_214, %parallel_loop3A_215] {strides = array<i32>} : memref<2x128x144xf32, #tpu.memory_space<vmem>>, vector<16xf32>,
        tpu.vector_store %arg13[%parallel_loop3A_213, %parallel_loop3A_214, %parallel_loop3A_215], %parallel_loop3A_211 {strides = array<i32>} : memref<2x128x144xf32, #tpu.memory_space<vmem>>, vector<16xf32>,
        %parallel_loop3A_217 = arith.constant 1 : i32
        %parallel_loop3A_218 = arith.index_cast %parallel_loop3A_217 : i32 to index
        %parallel_loop3A_219 = arith.index_cast %parallel_loop3A_180 : i32 to index
        %parallel_loop3A_220 = arith.constant 48 : index
        %parallel_loop3A_221 = tpu.vector_load %arg12[%parallel_loop3A_218, %parallel_loop3A_219, %parallel_loop3A_220] {strides = array<i32>} : memref<2x128x128xf32, #tpu.memory_space<vmem>>, vector<16xf32>,
        %parallel_loop3A_222 = arith.mulf %parallel_loop3A_221, %parallel_loop3A_183 : vector<16xf32>
        %parallel_loop3A_223 = arith.constant 1 : i32
        %parallel_loop3A_224 = arith.index_cast %parallel_loop3A_223 : i32 to index
        %parallel_loop3A_225 = arith.index_cast %parallel_loop3A_180 : i32 to index
        %parallel_loop3A_226 = arith.constant 48 : index
        %parallel_loop3A_227 = tpu.vector_load %arg13[%parallel_loop3A_224, %parallel_loop3A_225, %parallel_loop3A_226] {strides = array<i32>} : memref<2x128x144xf32, #tpu.memory_space<vmem>>, vector<16xf32>,
        tpu.vector_store %arg13[%parallel_loop3A_224, %parallel_loop3A_225, %parallel_loop3A_226], %parallel_loop3A_222 {strides = array<i32>} : memref<2x128x144xf32, #tpu.memory_space<vmem>>, vector<16xf32>,
        %parallel_loop3A_228 = arith.constant 1 : i32
        %parallel_loop3A_229 = arith.index_cast %parallel_loop3A_228 : i32 to index
        %parallel_loop3A_230 = arith.index_cast %parallel_loop3A_180 : i32 to index
        %parallel_loop3A_231 = arith.constant 64 : index
        %parallel_loop3A_232 = tpu.vector_load %arg12[%parallel_loop3A_229, %parallel_loop3A_230, %parallel_loop3A_231] {strides = array<i32>} : memref<2x128x128xf32, #tpu.memory_space<vmem>>, vector<16xf32>,
        %parallel_loop3A_233 = arith.mulf %parallel_loop3A_232, %parallel_loop3A_183 : vector<16xf32>
        %parallel_loop3A_234 = arith.constant 1 : i32
        %parallel_loop3A_235 = arith.index_cast %parallel_loop3A_234 : i32 to index
        %parallel_loop3A_236 = arith.index_cast %parallel_loop3A_180 : i32 to index
        %parallel_loop3A_237 = arith.constant 64 : index
        %parallel_loop3A_238 = tpu.vector_load %arg13[%parallel_loop3A_235, %parallel_loop3A_236, %parallel_loop3A_237] {strides = array<i32>} : memref<2x128x144xf32, #tpu.memory_space<vmem>>, vector<16xf32>,
        tpu.vector_store %arg13[%parallel_loop3A_235, %parallel_loop3A_236, %parallel_loop3A_237], %parallel_loop3A_233 {strides = array<i32>} : memref<2x128x144xf32, #tpu.memory_space<vmem>>, vector<16xf32>,
        %parallel_loop3A_239 = arith.constant 1 : i32
        %parallel_loop3A_240 = arith.index_cast %parallel_loop3A_239 : i32 to index
        %parallel_loop3A_241 = arith.index_cast %parallel_loop3A_180 : i32 to index
        %parallel_loop3A_242 = arith.constant 80 : index
        %parallel_loop3A_243 = tpu.vector_load %arg12[%parallel_loop3A_240, %parallel_loop3A_241, %parallel_loop3A_242] {strides = array<i32>} : memref<2x128x128xf32, #tpu.memory_space<vmem>>, vector<16xf32>,
        %parallel_loop3A_244 = arith.mulf %parallel_loop3A_243, %parallel_loop3A_183 : vector<16xf32>
        %parallel_loop3A_245 = arith.constant 1 : i32
        %parallel_loop3A_246 = arith.index_cast %parallel_loop3A_245 : i32 to index
        %parallel_loop3A_247 = arith.index_cast %parallel_loop3A_180 : i32 to index
        %parallel_loop3A_248 = arith.constant 80 : index
        %parallel_loop3A_249 = tpu.vector_load %arg13[%parallel_loop3A_246, %parallel_loop3A_247, %parallel_loop3A_248] {strides = array<i32>} : memref<2x128x144xf32, #tpu.memory_space<vmem>>, vector<16xf32>,
        tpu.vector_store %arg13[%parallel_loop3A_246, %parallel_loop3A_247, %parallel_loop3A_248], %parallel_loop3A_244 {strides = array<i32>} : memref<2x128x144xf32, #tpu.memory_space<vmem>>, vector<16xf32>,
        %parallel_loop3A_250 = arith.constant 1 : i32
        %parallel_loop3A_251 = arith.index_cast %parallel_loop3A_250 : i32 to index
        %parallel_loop3A_252 = arith.index_cast %parallel_loop3A_180 : i32 to index
        %parallel_loop3A_253 = arith.constant 96 : index
        %parallel_loop3A_254 = tpu.vector_load %arg12[%parallel_loop3A_251, %parallel_loop3A_252, %parallel_loop3A_253] {strides = array<i32>} : memref<2x128x128xf32, #tpu.memory_space<vmem>>, vector<16xf32>,
        %parallel_loop3A_255 = arith.mulf %parallel_loop3A_254, %parallel_loop3A_183 : vector<16xf32>
        %parallel_loop3A_256 = arith.constant 1 : i32
        %parallel_loop3A_257 = arith.index_cast %parallel_loop3A_256 : i32 to index
        %parallel_loop3A_258 = arith.index_cast %parallel_loop3A_180 : i32 to index
        %parallel_loop3A_259 = arith.constant 96 : index
        %parallel_loop3A_260 = tpu.vector_load %arg13[%parallel_loop3A_257, %parallel_loop3A_258, %parallel_loop3A_259] {strides = array<i32>} : memref<2x128x144xf32, #tpu.memory_space<vmem>>, vector<16xf32>,
        tpu.vector_store %arg13[%parallel_loop3A_257, %parallel_loop3A_258, %parallel_loop3A_259], %parallel_loop3A_255 {strides = array<i32>} : memref<2x128x144xf32, #tpu.memory_space<vmem>>, vector<16xf32>,
        %parallel_loop3A_261 = arith.constant 1 : i32
        %parallel_loop3A_262 = arith.index_cast %parallel_loop3A_261 : i32 to index
        %parallel_loop3A_263 = arith.index_cast %parallel_loop3A_180 : i32 to index
        %parallel_loop3A_264 = arith.constant 112 : index
        %parallel_loop3A_265 = tpu.vector_load %arg12[%parallel_loop3A_262, %parallel_loop3A_263, %parallel_loop3A_264] {strides = array<i32>} : memref<2x128x128xf32, #tpu.memory_space<vmem>>, vector<16xf32>,
        %parallel_loop3A_266 = arith.mulf %parallel_loop3A_265, %parallel_loop3A_183 : vector<16xf32>
        %parallel_loop3A_267 = arith.constant 1 : i32
        %parallel_loop3A_268 = arith.index_cast %parallel_loop3A_267 : i32 to index
        %parallel_loop3A_269 = arith.index_cast %parallel_loop3A_180 : i32 to index
        %parallel_loop3A_270 = arith.constant 112 : index
        %parallel_loop3A_271 = tpu.vector_load %arg13[%parallel_loop3A_268, %parallel_loop3A_269, %parallel_loop3A_270] {strides = array<i32>} : memref<2x128x144xf32, #tpu.memory_space<vmem>>, vector<16xf32>,
        tpu.vector_store %arg13[%parallel_loop3A_268, %parallel_loop3A_269, %parallel_loop3A_270], %parallel_loop3A_266 {strides = array<i32>} : memref<2x128x144xf32, #tpu.memory_space<vmem>>, vector<16xf32>,
        %parallel_loop3A_272 = arith.constant 0.000000e+00 : f32
        %parallel_loop3A_273 = vector.broadcast %parallel_loop3A_272 : f32 to vector<16xf32>
        %parallel_loop3A_274 = arith.select %eq3A_159, %parallel_loop3A_183, %parallel_loop3A_273 : vector<16xi1>, vector<16xf32>
        %parallel_loop3A_275 = arith.constant 1 : i32
        %parallel_loop3A_276 = arith.index_cast %parallel_loop3A_275 : i32 to index
        %parallel_loop3A_277 = arith.index_cast %parallel_loop3A_180 : i32 to index
        %parallel_loop3A_278 = arith.constant 128 : index
        %parallel_loop3A_279 = tpu.vector_load %arg13[%parallel_loop3A_276, %parallel_loop3A_277, %parallel_loop3A_278] {strides = array<i32>} : memref<2x128x144xf32, #tpu.memory_space<vmem>>, vector<16xf32>,
        tpu.vector_store %arg13[%parallel_loop3A_276, %parallel_loop3A_277, %parallel_loop3A_278], %parallel_loop3A_274 {strides = array<i32>} : memref<2x128x144xf32, #tpu.memory_space<vmem>>, vector<16xf32>,
      } {sc.loop_unroll_factor = 4 : i64, sc.parallel_access}
      %sub3A_163 = arith.constant 1 : i32
      %sub3A_164 = arith.subi %select_n3A_6, %sub3A_163 : i32
      %lt3A_165 = arith.cmpi slt, %while3A_91, %sub3A_164 : i32
      %convert_element_type3A_166 = arith.extui %lt3A_165 : i1 to i32
      %cond3A_167 = arith.constant 0 : i32
      %cond3A_168 = arith.cmpi ne, %convert_element_type3A_166, %cond3A_167 : i32
      scf.if %cond3A_168 {
        %add3A_180 = arith.constant 2 : i32
        %add3A_181 = arith.addi %add3A_137, %add3A_180 : i32
        %dma_start3A_182 = arith.constant 1 : i32
        %dma_start3A_183 = arith.constant 0 : i32
        %dma_start3A_184 = arith.constant 0 : i32
        %dma_start3A_185 = tpu.memref_slice %arg12[%dma_start3A_182, %dma_start3A_183, %dma_start3A_184] : memref<2x128x128xf32, #tpu.memory_space<vmem>> -> memref<1x128x128xf32, #tpu.memory_space<vmem>>
        %dma_start3A_186 = tpu.memref_squeeze %dma_start3A_185 : memref<1x128x128xf32, #tpu.memory_space<vmem>> -> memref<128x128xf32, #tpu.memory_space<vmem>>
        %dma_start3A_187 = arith.constant 0 : i32
        %dma_start3A_188 = tpu.memref_slice %arg9[%add3A_181, %dma_start3A_187] : memref<26x128xi32, #tpu.memory_space<vmem>> -> memref<1x128xi32, #tpu.memory_space<vmem>>
        %dma_start3A_189 = tpu.memref_squeeze %dma_start3A_188 : memref<1x128xi32, #tpu.memory_space<vmem>> -> memref<128xi32, #tpu.memory_space<vmem>>
        %dma_start3A_190 = arith.constant 0 : i32
        %dma_start3A_191 = arith.constant 0 : i32
        %dma_start3A_192 = tpu.memref_slice %arg7[%dma_start3A_190, %dma_start3A_191] : memref<10000x128xf32, #tpu.memory_space<hbm>> -> memref<10000x128xf32, #tpu.memory_space<hbm>>
        tpu.enqueue_indirect_dma source(%dma_start3A_192 : memref<10000x128xf32, #tpu.memory_space<hbm>>) target(%dma_start3A_186 : memref<128x128xf32, #tpu.memory_space<vmem>>) offsets(%dma_start3A_189 : memref<128xi32, #tpu.memory_space<vmem>>) semaphore(%arg16 : memref<!tpu.dma_semaphore, #tpu.memory_space<semaphore_mem>>)
      } else {
      }
      %dma_start3A_169 = arith.constant 1 : i32
      %dma_start3A_170 = arith.constant 0 : i32
      %dma_start3A_171 = arith.constant 0 : i32
      %dma_start3A_172 = tpu.memref_slice %arg13[%dma_start3A_169, %dma_start3A_170, %dma_start3A_171] : memref<2x128x144xf32, #tpu.memory_space<vmem>> -> memref<1x128x144xf32, #tpu.memory_space<vmem>>
      %dma_start3A_173 = tpu.memref_squeeze %dma_start3A_172 : memref<1x128x144xf32, #tpu.memory_space<vmem>> -> memref<128x144xf32, #tpu.memory_space<vmem>>
      %dma_start3A_174 = arith.constant 0 : i32
      %dma_start3A_175 = tpu.memref_slice %arg10[%add3A_137, %dma_start3A_174] : memref<26x128xi32, #tpu.memory_space<vmem>> -> memref<1x128xi32, #tpu.memory_space<vmem>>
      %dma_start3A_176 = tpu.memref_squeeze %dma_start3A_175 : memref<1x128xi32, #tpu.memory_space<vmem>> -> memref<128xi32, #tpu.memory_space<vmem>>
      %dma_start3A_177 = arith.constant 0 : i32
      %dma_start3A_178 = arith.constant 0 : i32
      %dma_start3A_179 = tpu.memref_slice %arg14[%dma_start3A_177, %dma_start3A_178] : memref<2560x144xf32, #tpu.memory_space<vmem_shared>> -> memref<2560x144xf32, #tpu.memory_space<vmem_shared>>
      tpu.enqueue_indirect_dma source(%dma_start3A_173 : memref<128x144xf32, #tpu.memory_space<vmem>>) target(%dma_start3A_179 : memref<2560x144xf32, #tpu.memory_space<vmem_shared>>) offsets(%dma_start3A_176 : memref<128xi32, #tpu.memory_space<vmem>>) semaphore(%arg18 : memref<!tpu.dma_semaphore, #tpu.memory_space<semaphore_mem>>) {add = true}
    }
    %mul3A_58 = arith.constant 2 : i32
    %mul3A_59 = arith.muli %mul3A_58, %select_n3A_6 : i32
    %sub3A = arith.constant 2 : i32
    %sub3A_60 = arith.subi %mul3A_59, %sub3A : i32
    %dma_wait3A = arith.constant 0 : i32
    %dma_wait3A_61 = arith.constant 0 : i32
    %dma_wait3A_62 = arith.constant 0 : i32
    %dma_wait3A_63 = tpu.memref_slice %arg13[%dma_wait3A, %dma_wait3A_61, %dma_wait3A_62] : memref<2x128x144xf32, #tpu.memory_space<vmem>> -> memref<1x128x144xf32, #tpu.memory_space<vmem>>
    %dma_wait3A_64 = tpu.memref_squeeze %dma_wait3A_63 : memref<1x128x144xf32, #tpu.memory_space<vmem>> -> memref<128x144xf32, #tpu.memory_space<vmem>>
    %dma_wait3A_65 = arith.constant 0 : i32
    %dma_wait3A_66 = tpu.memref_slice %arg10[%sub3A_60, %dma_wait3A_65] : memref<26x128xi32, #tpu.memory_space<vmem>> -> memref<1x128xi32, #tpu.memory_space<vmem>>
    %dma_wait3A_67 = tpu.memref_squeeze %dma_wait3A_66 : memref<1x128xi32, #tpu.memory_space<vmem>> -> memref<128xi32, #tpu.memory_space<vmem>>
    %dma_wait3A_68 = arith.constant 0 : i32
    %dma_wait3A_69 = arith.constant 0 : i32
    %dma_wait3A_70 = tpu.memref_slice %arg14[%dma_wait3A_68, %dma_wait3A_69] : memref<2560x144xf32, #tpu.memory_space<vmem_shared>> -> memref<2560x144xf32, #tpu.memory_space<vmem_shared>>
    tpu.wait_indirect_dma semaphore(%arg17 : memref<!tpu.dma_semaphore, #tpu.memory_space<semaphore_mem>>) src(%dma_wait3A_64 : memref<128x144xf32, #tpu.memory_space<vmem>>) dst(%dma_wait3A_70 : memref<2560x144xf32, #tpu.memory_space<vmem_shared>>)
    %mul3A_71 = arith.constant 2 : i32
    %mul3A_72 = arith.muli %mul3A_71, %select_n3A_6 : i32
    %sub3A_73 = arith.constant 1 : i32
    %sub3A_74 = arith.subi %mul3A_72, %sub3A_73 : i32
    %dma_wait3A_75 = arith.constant 1 : i32
    %dma_wait3A_76 = arith.constant 0 : i32
    %dma_wait3A_77 = arith.constant 0 : i32
    %dma_wait3A_78 = tpu.memref_slice %arg13[%dma_wait3A_75, %dma_wait3A_76, %dma_wait3A_77] : memref<2x128x144xf32, #tpu.memory_space<vmem>> -> memref<1x128x144xf32, #tpu.memory_space<vmem>>
    %dma_wait3A_79 = tpu.memref_squeeze %dma_wait3A_78 : memref<1x128x144xf32, #tpu.memory_space<vmem>> -> memref<128x144xf32, #tpu.memory_space<vmem>>
    %dma_wait3A_80 = arith.constant 0 : i32
    %dma_wait3A_81 = tpu.memref_slice %arg10[%sub3A_74, %dma_wait3A_80] : memref<26x128xi32, #tpu.memory_space<vmem>> -> memref<1x128xi32, #tpu.memory_space<vmem>>
    %dma_wait3A_82 = tpu.memref_squeeze %dma_wait3A_81 : memref<1x128xi32, #tpu.memory_space<vmem>> -> memref<128xi32, #tpu.memory_space<vmem>>
    %dma_wait3A_83 = arith.constant 0 : i32
    %dma_wait3A_84 = arith.constant 0 : i32
    %dma_wait3A_85 = tpu.memref_slice %arg14[%dma_wait3A_83, %dma_wait3A_84] : memref<2560x144xf32, #tpu.memory_space<vmem_shared>> -> memref<2560x144xf32, #tpu.memory_space<vmem_shared>>
    tpu.wait_indirect_dma semaphore(%arg18 : memref<!tpu.dma_semaphore, #tpu.memory_space<semaphore_mem>>) src(%dma_wait3A_79 : memref<128x144xf32, #tpu.memory_space<vmem>>) dst(%dma_wait3A_85 : memref<2560x144xf32, #tpu.memory_space<vmem_shared>>)
    %barrier3A_86 = arith.constant 0 : index
    tpu.barrier barrier_id(%barrier3A_86)
    %mul3A_87 = arith.constant 160 : i32
    %mul3A_88 = arith.muli %arg1, %mul3A_87 : i32
    %mul3A_89 = arith.constant 160 : i32
    %mul3A_90 = arith.muli %arg1, %mul3A_89 : i32
    "tpu.region"() ({
      %run_scoped3A_91 = tpu.sem_alloc : memref<!tpu.dma_semaphore, #tpu.memory_space<semaphore_mem>>
      %dma_start3A_92 = arith.constant 0 : i32
      %dma_start3A_93 = tpu.memref_slice %arg8[%arg0, %mul3A_90, %dma_start3A_92] : memref<2x2560x144xf32, #tpu.memory_space<hbm>> -> memref<1x160x144xf32, #tpu.memory_space<hbm>>
      %dma_start3A_94 = tpu.memref_squeeze %dma_start3A_93 : memref<1x160x144xf32, #tpu.memory_space<hbm>> -> memref<160x144xf32, #tpu.memory_space<hbm>>
      %dma_start3A_95 = arith.constant 0 : i32
      %dma_start3A_96 = tpu.memref_slice %arg14[%mul3A_88, %dma_start3A_95] : memref<2560x144xf32, #tpu.memory_space<vmem_shared>> -> memref<160x144xf32, #tpu.memory_space<vmem_shared>>
      tpu.enqueue_dma source(%dma_start3A_96 : memref<160x144xf32, #tpu.memory_space<vmem_shared>>) target(%dma_start3A_94 : memref<160x144xf32, #tpu.memory_space<hbm>>) target_semaphore(%run_scoped3A_91 : memref<!tpu.dma_semaphore, #tpu.memory_space<semaphore_mem>>)
      %dma_wait3A_97 = arith.constant 0 : i32
      %dma_wait3A_98 = tpu.memref_slice %arg8[%arg0, %mul3A_90, %dma_wait3A_97] : memref<2x2560x144xf32, #tpu.memory_space<hbm>> -> memref<1x160x144xf32, #tpu.memory_space<hbm>>
      %dma_wait3A_99 = tpu.memref_squeeze %dma_wait3A_98 : memref<1x160x144xf32, #tpu.memory_space<hbm>> -> memref<160x144xf32, #tpu.memory_space<hbm>>
      %dma_wait3A_100 = arith.constant 0 : i32
      %dma_wait3A_101 = tpu.memref_slice %arg14[%mul3A_88, %dma_wait3A_100] : memref<2560x144xf32, #tpu.memory_space<vmem_shared>> -> memref<160x144xf32, #tpu.memory_space<vmem_shared>>
      tpu.wait_dma2 semaphore(%run_scoped3A_91 : memref<!tpu.dma_semaphore, #tpu.memory_space<semaphore_mem>>) src(%dma_wait3A_101 : memref<160x144xf32, #tpu.memory_space<vmem_shared>>) dst(%dma_wait3A_99 : memref<160x144xf32, #tpu.memory_space<hbm>>)
      tpu.yield
    }) : () -> ()
    return
  }
}

module attributes {stable_mosaic.version = 14 : i64} {
  func.func @_tc_h_body(%arg0: i32, %arg1: memref<1000x128xf32, #tpu.memory_space<vmem>>, %arg2: memref<1x1000x128xf32, #tpu.memory_space<vmem>>, %arg3: memref<1x1000x128xf32, #tpu.memory_space<vmem>>, %arg4: memref<128x128xf32, #tpu.memory_space<vmem>>, %arg5: memref<1x128xf32, #tpu.memory_space<vmem>>, %arg6: memref<1000x128xf32, #tpu.memory_space<vmem>>) attributes {dimension_semantics = [#tpu.dimension_semantics<arbitrary>], iteration_bounds = array<i64: 10>, scalar_prefetch = 0 : i64, scratch_operands = 0 : i64, tpu.core_type = #tpu.core_type<tc>, window_params = [{transform_indices = @transform_0, window_bounds = array<i64: 1000, 128>}, {transform_indices = @transform_1, window_bounds = array<i64: 1, 1000, 128>}, {transform_indices = @transform_2, window_bounds = array<i64: 1, 1000, 128>}, {pipeline_mode = #tpu.pipeline_mode<synchronous>, transform_indices = @transform_3, window_bounds = array<i64: 128, 128>}, {pipeline_mode = #tpu.pipeline_mode<synchronous>, transform_indices = @transform_4, window_bounds = array<i64: 1, 128>}, {transform_indices = @transform_5, window_bounds = array<i64: 1000, 128>}]} {
    %get3A = arith.constant 0 : index
    %get3A_0 = arith.constant 0 : index
    %get3A_1 = vector.load %arg1[%get3A, %get3A_0] : memref<1000x128xf32, #tpu.memory_space<vmem>>, vector<1000x128xf32>
    %get3A_2 = arith.constant 0 : index
    %get3A_3 = arith.constant 0 : index
    %get3A_4 = arith.constant 0 : index
    %get3A_5 = vector.load %arg2[%get3A_2, %get3A_3, %get3A_4] : memref<1x1000x128xf32, #tpu.memory_space<vmem>>, vector<1x1000x128xf32>
    %get3A_6 = vector.shape_cast %get3A_5 : vector<1x1000x128xf32> to vector<1000x128xf32>
    %add3A = arith.addf %get3A_1, %get3A_6 : vector<1000x128xf32>
    %get3A_7 = arith.constant 0 : index
    %get3A_8 = arith.constant 0 : index
    %get3A_9 = arith.constant 0 : index
    %get3A_10 = vector.load %arg3[%get3A_7, %get3A_8, %get3A_9] : memref<1x1000x128xf32, #tpu.memory_space<vmem>>, vector<1x1000x128xf32>
    %get3A_11 = vector.shape_cast %get3A_10 : vector<1x1000x128xf32> to vector<1000x128xf32>
    %add3A_12 = arith.addf %add3A, %get3A_11 : vector<1000x128xf32>
    %get3A_13 = arith.constant 0 : index
    %get3A_14 = arith.constant 0 : index
    %get3A_15 = vector.load %arg4[%get3A_13, %get3A_14] : memref<128x128xf32, #tpu.memory_space<vmem>>, vector<128x128xf32>
    %dot_general3A = arith.constant dense<0.000000e+00> : vector<1000x128xf32>
    %dot_general3A_16 = tpu.matmul %add3A_12, %get3A_15, %dot_general3A {dimension_numbers = #tpu.dot_dimension_numbers<[1], [0], [0], [1], [0, 0, 1, 1], [], []>, transpose_lhs_hint = false} : vector<1000x128xf32>, vector<128x128xf32>, vector<1000x128xf32> -> vector<1000x128xf32>
    %get3A_17 = arith.constant 0 : index
    %get3A_18 = arith.constant 0 : index
    %get3A_19 = vector.load %arg5[%get3A_17, %get3A_18] : memref<1x128xf32, #tpu.memory_space<vmem>>, vector<1x128xf32>
    %add3A_20 = vector.broadcast %get3A_19 : vector<1x128xf32> to vector<1000x128xf32>
    %add3A_21 = arith.addf %dot_general3A_16, %add3A_20 : vector<1000x128xf32>
    %logistic3A = arith.negf %add3A_21 : vector<1000x128xf32>
    %logistic3A_22 = math.exp %logistic3A : vector<1000x128xf32>
    %logistic3A_23 = arith.constant 1.000000e+00 : f32
    %logistic3A_24 = vector.broadcast %logistic3A_23 : f32 to vector<1000x128xf32>
    %logistic3A_25 = arith.addf %logistic3A_24, %logistic3A_22 : vector<1000x128xf32>
    %logistic3A_26 = arith.divf %logistic3A_24, %logistic3A_25 : vector<1000x128xf32>
    %mul3A = arith.mulf %add3A_21, %logistic3A_26 : vector<1000x128xf32>
    %swap3A = arith.constant 0 : index
    %swap3A_27 = arith.constant 0 : index
    %swap3A_28 = vector.load %arg6[%swap3A, %swap3A_27] : memref<1000x128xf32, #tpu.memory_space<vmem>>, vector<1000x128xf32>
    tpu.vector_store %arg6[%swap3A, %swap3A_27], %mul3A {strides = array<i32>} : memref<1000x128xf32, #tpu.memory_space<vmem>>, vector<1000x128xf32>,
    return
  }
  func.func @transform_0(%arg0: i32) -> (i32, i32) {
    %c0_i32 = arith.constant 0 : i32
    %c0_i32_0 = arith.constant 0 : i32
    return %arg0, %c0_i32 : i32, i32
  }
  func.func @transform_1(%arg0: i32) -> (i32, i32, i32) {
    %c0_i32 = arith.constant 0 : i32
    %c0_i32_0 = arith.constant 0 : i32
    %c0_i32_1 = arith.constant 0 : i32
    return %c0_i32, %arg0, %c0_i32_0 : i32, i32, i32
  }
  func.func @transform_2(%arg0: i32) -> (i32, i32, i32) {
    %c1_i32 = arith.constant 1 : i32
    %c0_i32 = arith.constant 0 : i32
    %c0_i32_0 = arith.constant 0 : i32
    return %c1_i32, %arg0, %c0_i32 : i32, i32, i32
  }
  func.func @transform_3(%arg0: i32) -> (i32, i32) {
    %c0_i32 = arith.constant 0 : i32
    %c0_i32_0 = arith.constant 0 : i32
    %c0_i32_1 = arith.constant 0 : i32
    return %c0_i32, %c0_i32_0 : i32, i32
  }
  func.func @transform_4(%arg0: i32) -> (i32, i32) {
    %c0_i32 = arith.constant 0 : i32
    %c0_i32_0 = arith.constant 0 : i32
    %c0_i32_1 = arith.constant 0 : i32
    return %c0_i32, %c0_i32_0 : i32, i32
  }
  func.func @transform_5(%arg0: i32) -> (i32, i32) {
    %c0_i32 = arith.constant 0 : i32
    %c0_i32_0 = arith.constant 0 : i32
    return %arg0, %c0_i32 : i32, i32
  }
}

module attributes {stable_mosaic.version = 14 : i64} {
  func.func @_tc_head_body(%arg0: memref<2x2560x144xf32, #tpu.memory_space<vmem>>, %arg1: memref<128x128xf32, #tpu.memory_space<vmem>>, %arg2: memref<128x128xf32, #tpu.memory_space<vmem>>, %arg3: memref<1x128xf32, #tpu.memory_space<vmem>>, %arg4: memref<1x128xf32, #tpu.memory_space<vmem>>, %arg5: memref<128x1xf32, #tpu.memory_space<vmem>>, %arg6: memref<1x1xf32, #tpu.memory_space<vmem>>, %arg7: memref<2560x128xf32, #tpu.memory_space<vmem>>, %arg8: memref<2560x1xf32, #tpu.memory_space<vmem>>) attributes {dimension_semantics = [], scalar_prefetch = 0 : i64, scratch_operands = 0 : i64, tpu.core_type = #tpu.core_type<tc>} {
    %get3A = arith.constant 0 : index
    %get3A_0 = arith.constant 0 : index
    %get3A_1 = arith.constant 0 : index
    %get3A_2 = vector.load %arg0[%get3A, %get3A_0, %get3A_1] : memref<2x2560x144xf32, #tpu.memory_space<vmem>>, vector<1x2560x144xf32>
    %get3A_3 = vector.shape_cast %get3A_2 : vector<1x2560x144xf32> to vector<2560x144xf32>
    %get3A_4 = arith.constant 1 : index
    %get3A_5 = arith.constant 0 : index
    %get3A_6 = arith.constant 0 : index
    %get3A_7 = vector.load %arg0[%get3A_4, %get3A_5, %get3A_6] : memref<2x2560x144xf32, #tpu.memory_space<vmem>>, vector<1x2560x144xf32>
    %get3A_8 = vector.shape_cast %get3A_7 : vector<1x2560x144xf32> to vector<2560x144xf32>
    %add3A = arith.addf %get3A_3, %get3A_8 : vector<2560x144xf32>
    %slice3A = vector.extract_strided_slice %add3A {offsets = [0, 0], sizes = [2560, 128], strides = [1, 1]} : vector<2560x144xf32> to vector<2560x128xf32>
    %slice3A_9 = vector.extract_strided_slice %add3A {offsets = [0, 128], sizes = [2560, 1], strides = [1, 1]} : vector<2560x144xf32> to vector<2560x1xf32>
    %add3A_10 = arith.constant 9.99999993E-9 : f32
    %add3A_11 = vector.broadcast %add3A_10 : f32 to vector<2560x1xf32>
    %add3A_12 = arith.addf %slice3A_9, %add3A_11 : vector<2560x1xf32>
    %div3A = vector.broadcast %add3A_12 : vector<2560x1xf32> to vector<2560x128xf32>
    %div3A_13 = arith.divf %slice3A, %div3A : vector<2560x128xf32>
    %get3A_14 = arith.constant 0 : index
    %get3A_15 = arith.constant 0 : index
    %get3A_16 = vector.load %arg1[%get3A_14, %get3A_15] : memref<128x128xf32, #tpu.memory_space<vmem>>, vector<128x128xf32>
    %dot_general3A = arith.constant dense<0.000000e+00> : vector<2560x128xf32>
    %dot_general3A_17 = tpu.matmul %div3A_13, %get3A_16, %dot_general3A {dimension_numbers = #tpu.dot_dimension_numbers<[1], [0], [0], [1], [0, 0, 1, 1], [], []>, transpose_lhs_hint = false} : vector<2560x128xf32>, vector<128x128xf32>, vector<2560x128xf32> -> vector<2560x128xf32>
    %swap3A = arith.constant 0 : index
    %swap3A_18 = arith.constant 0 : index
    %swap3A_19 = vector.load %arg7[%swap3A, %swap3A_18] : memref<2560x128xf32, #tpu.memory_space<vmem>>, vector<2560x128xf32>
    tpu.vector_store %arg7[%swap3A, %swap3A_18], %dot_general3A_17 {strides = array<i32>} : memref<2560x128xf32, #tpu.memory_space<vmem>>, vector<2560x128xf32>,
    %get3A_20 = arith.constant 0 : index
    %get3A_21 = arith.constant 0 : index
    %get3A_22 = vector.load %arg2[%get3A_20, %get3A_21] : memref<128x128xf32, #tpu.memory_space<vmem>>, vector<128x128xf32>
    %dot_general3A_23 = arith.constant dense<0.000000e+00> : vector<2560x128xf32>
    %dot_general3A_24 = tpu.matmul %div3A_13, %get3A_22, %dot_general3A_23 {dimension_numbers = #tpu.dot_dimension_numbers<[1], [0], [0], [1], [0, 0, 1, 1], [], []>, transpose_lhs_hint = false} : vector<2560x128xf32>, vector<128x128xf32>, vector<2560x128xf32> -> vector<2560x128xf32>
    %reduce_sum3A = arith.constant dense<0.000000e+00> : vector<2560xf32>
    %reduce_sum3A_25 = vector.multi_reduction <add>, %dot_general3A_24, %reduce_sum3A [1] : vector<2560x128xf32> to vector<2560xf32>
    %broadcast_in_dim3A = vector.shape_cast %reduce_sum3A_25 : vector<2560xf32> to vector<2560x1xf32>
    %div3A_26 = arith.constant 1.280000e+02 : f32
    %div3A_27 = vector.broadcast %div3A_26 : f32 to vector<2560x1xf32>
    %div3A_28 = arith.divf %broadcast_in_dim3A, %div3A_27 : vector<2560x1xf32>
    %sub3A = vector.broadcast %div3A_28 : vector<2560x1xf32> to vector<2560x128xf32>
    %sub3A_29 = arith.subf %dot_general3A_24, %sub3A : vector<2560x128xf32>
    %integer_pow3A = arith.mulf %sub3A_29, %sub3A_29 : vector<2560x128xf32>
    %reduce_sum3A_30 = arith.constant dense<0.000000e+00> : vector<2560xf32>
    %reduce_sum3A_31 = vector.multi_reduction <add>, %integer_pow3A, %reduce_sum3A_30 [1] : vector<2560x128xf32> to vector<2560xf32>
    %broadcast_in_dim3A_32 = vector.shape_cast %reduce_sum3A_31 : vector<2560xf32> to vector<2560x1xf32>
    %div3A_33 = arith.constant 1.280000e+02 : f32
    %div3A_34 = vector.broadcast %div3A_33 : f32 to vector<2560x1xf32>
    %div3A_35 = arith.divf %broadcast_in_dim3A_32, %div3A_34 : vector<2560x1xf32>
    %sub3A_36 = vector.broadcast %div3A_28 : vector<2560x1xf32> to vector<2560x128xf32>
    %sub3A_37 = arith.subf %dot_general3A_24, %sub3A_36 : vector<2560x128xf32>
    %add3A_38 = arith.constant 9.99999974E-6 : f32
    %add3A_39 = vector.broadcast %add3A_38 : f32 to vector<2560x1xf32>
    %add3A_40 = arith.addf %div3A_35, %add3A_39 : vector<2560x1xf32>
    %rsqrt3A = math.rsqrt %add3A_40 : vector<2560x1xf32>
    %mul3A = vector.broadcast %rsqrt3A : vector<2560x1xf32> to vector<2560x128xf32>
    %mul3A_41 = arith.mulf %sub3A_37, %mul3A : vector<2560x128xf32>
    %get3A_42 = arith.constant 0 : index
    %get3A_43 = arith.constant 0 : index
    %get3A_44 = vector.load %arg3[%get3A_42, %get3A_43] : memref<1x128xf32, #tpu.memory_space<vmem>>, vector<1x128xf32>
    %mul3A_45 = vector.broadcast %get3A_44 : vector<1x128xf32> to vector<2560x128xf32>
    %mul3A_46 = arith.mulf %mul3A_41, %mul3A_45 : vector<2560x128xf32>
    %get3A_47 = arith.constant 0 : index
    %get3A_48 = arith.constant 0 : index
    %get3A_49 = vector.load %arg4[%get3A_47, %get3A_48] : memref<1x128xf32, #tpu.memory_space<vmem>>, vector<1x128xf32>
    %add3A_50 = vector.broadcast %get3A_49 : vector<1x128xf32> to vector<2560x128xf32>
    %add3A_51 = arith.addf %mul3A_46, %add3A_50 : vector<2560x128xf32>
    %logistic3A = arith.negf %add3A_51 : vector<2560x128xf32>
    %logistic3A_52 = math.exp %logistic3A : vector<2560x128xf32>
    %logistic3A_53 = arith.constant 1.000000e+00 : f32
    %logistic3A_54 = vector.broadcast %logistic3A_53 : f32 to vector<2560x128xf32>
    %logistic3A_55 = arith.addf %logistic3A_54, %logistic3A_52 : vector<2560x128xf32>
    %logistic3A_56 = arith.divf %logistic3A_54, %logistic3A_55 : vector<2560x128xf32>
    %mul3A_57 = arith.mulf %add3A_51, %logistic3A_56 : vector<2560x128xf32>
    %get3A_58 = arith.constant 0 : index
    %get3A_59 = arith.constant 0 : index
    %get3A_60 = vector.load %arg5[%get3A_58, %get3A_59] : memref<128x1xf32, #tpu.memory_space<vmem>>, vector<128x1xf32>
    %dot_general3A_61 = arith.constant dense<0.000000e+00> : vector<2560x1xf32>
    %dot_general3A_62 = tpu.matmul %mul3A_57, %get3A_60, %dot_general3A_61 {dimension_numbers = #tpu.dot_dimension_numbers<[1], [0], [0], [1], [0, 0, 1, 1], [], []>, transpose_lhs_hint = false} : vector<2560x128xf32>, vector<128x1xf32>, vector<2560x1xf32> -> vector<2560x1xf32>
    %get3A_63 = arith.constant 0 : index
    %get3A_64 = arith.constant 0 : index
    %get3A_65 = vector.load %arg6[%get3A_63, %get3A_64] : memref<1x1xf32, #tpu.memory_space<vmem>>, vector<1x1xf32>
    %add3A_66 = vector.broadcast %get3A_65 : vector<1x1xf32> to vector<2560x1xf32>
    %add3A_67 = arith.addf %dot_general3A_62, %add3A_66 : vector<2560x1xf32>
    %logistic3A_68 = arith.negf %add3A_67 : vector<2560x1xf32>
    %logistic3A_69 = math.exp %logistic3A_68 : vector<2560x1xf32>
    %logistic3A_70 = arith.constant 1.000000e+00 : f32
    %logistic3A_71 = vector.broadcast %logistic3A_70 : f32 to vector<2560x1xf32>
    %logistic3A_72 = arith.addf %logistic3A_71, %logistic3A_69 : vector<2560x1xf32>
    %logistic3A_73 = arith.divf %logistic3A_71, %logistic3A_72 : vector<2560x1xf32>
    %swap3A_74 = arith.constant 0 : index
    %swap3A_75 = arith.constant 0 : index
    %swap3A_76 = vector.load %arg8[%swap3A_74, %swap3A_75] : memref<2560x1xf32, #tpu.memory_space<vmem>>, vector<2560x1xf32>
    tpu.vector_store %arg8[%swap3A_74, %swap3A_75], %logistic3A_73 {strides = array<i32>} : memref<2560x1xf32, #tpu.memory_space<vmem>>, vector<2560x1xf32>,
    return
  }
}

</mosaic_0001>

<sc_bundles>
// kernel: kernel.10.cloned.1.call-start
scs
__scs_entry_jumppad:
0x0: {  	(pc) =	sbr.rel $0x88, $3  }
0x1: {  	(tag) =	ssettag $0x0;
	lr =	simm.s32 $0x1  }
0x2: {  	[smem:$0x3F94] =	sst lr;
	_ =	strace $0xD0000000  }
0x3: {  	_ = 	snop  }
0x4: {  	_ = 	snop  }
0x5: {  	_ = 	snop  }
0x6: {  	_ = 	snop  }
0x7: {  	_ = 	snop  }
__scs_overlays_trampoline_lowered:
0x8: {  	[smem:$0x3FA3] =	sst s0  }
0x9: {  	[smem:$0x3FA4] =	sst s1  }
0xa: {  	[smem:$0x3FA5] =	sst s2  }
0xb: {  	[smem:$0x3FA6] =	sst s3  }
0xc: {  	[smem:$0x3FA7] =	sst s4  }
0xd: {  	[smem:$0x3FA8] =	sst s5  }
0xe: {  	[smem:$0x3FA9] =	sst s6  }
0xf: {  	[smem:$0x3FAA] =	sst s7  }
0x10: {  	[smem:$0x3FAB] =	sst s8  }
0x11: {  	[smem:$0x3FAC] =	sst s9;
	s0 =	simm.s32 @!p0 $0x0  }
0x12: {  	s1 =	sld [smem:$0x3F92];
	s0 =	simm.s32 @p0 $0x1  }
0x13: {  	[smem:$0x3FAD] =	sst s0;
	s0 =	simm.s32 @!p1 $0x0  }
0x14: {  	s2 =	sld [smem:$0x3F91];
	s0 =	simm.s32 @p1 $0x1  }
0x15: {  	[smem:$0x3FAE] =	sst s0;
	s0 =	simm.s32 @!p2 $0x0  }
0x16: {  	s3 =	sld [smem:$0x3FDB];
	s0 =	simm.s32 @p2 $0x1  }
0x17: {  	s4 =	simm.s32 $0x1BF5;
	[smem:$0x3FB0] =	sst s0  }
0x18: {  	s0 =	sld [smem:$0x3F93];
	_ =	swait.ge [sflag:s4], $0x0  }
0x19: {  	s7 =	sld [smem:$0x3F94]  }
0x1a: {  	s8 =	sadd.s32 $0xFFFFE003, lr  }
0x1b: {  	s9 =	sadd.s32 $0xFFFFFEF7, lr;
	s5 =	simm.s32 $0xFFFFFFFF;
	p2 =	slt.u32 s8, $0xFFFFF086  }
0x1c: {  	p1 =	slt.u32 s9, $0xF7A;
	s5 =	simm.s32 @!p2 $0x0  }
0x1d: {  	s5 =	simm.s32 @p1 $0x1;
	p0 =	seq.s32 s7, s2  }
0x1e: {  	s7 =	smul.u32 @!p0 $0xF7A, s2;
	p2 =	seq.s32 @!p0 s5, $0x0  }
0x1f: {  	s9 =	smul.u32 $0xF7A, s1;
	s8 =	simm.s32 @!p0 $0x1BF5;
	p2 =	por !p2, p0  }
0x20: {  	[sflag:s8] =	ssyncset.s32 @!p0 $0xFFFFF086;
	s6 =	sadd.s32 @!p0 s3, s7;
	s7 =	simm.s32 @!p0 $0x108  }
0x21: {  	s3 =	sadd.s32 s3, s9;
	s6 =	sadd.s32 @!p0 $0x88, s6;
	s7 =	simm.s32 @p2 $0x1082  }
0x22: {  	[simem:s7], [sflag:s8] =	dma.local @!p0 [hbm:s6], $0xF7A  }
0x23: {  	s9 =	sor.u32 $0xD0000000, s2;
	s6 =	simm.s32 $0x108;
	_ =	swait.ge @!p0 [sflag:s8], $0x0  }
0x24: {  	s3 =	sadd.s32 $0x88, s3;
	s6 =	simm.s32 @!p1 $0x1082;
	[sflag:s4] =	ssyncset.s32 $0xFFFFF086  }
0x25: {  	[simem:s6], [sflag:s4] =	dma.local [hbm:s3], $0xF7A  }
0x26: {  	[smem:$0x3F94] =	sst s1;
	(tag) =	ssettag s2;
	_ =	strace s9  }
0x27: {  	s1 =	sld [smem:$0x3FA4]  }
0x28: {  	s2 =	sld [smem:$0x3FA5]  }
0x29: {  	s4 =	sld [smem:$0x3FA7]  }
0x2a: {  	p0 =	seq.s32 s5, $0x0;
	s5 =	sld [smem:$0x3FA8]  }
0x2b: {  	s6 =	sld [smem:$0x3FA9]  }
0x2c: {  	s7 =	sld [smem:$0x3FAA]  }
0x2d: {  	s3 =	simm.s32 $0x108;
	s8 =	sld [smem:$0x3FAB]  }
0x2e: {  	s3 =	simm.s32 @!p0 $0x1082;
	s9 =	sld [smem:$0x3FAC]  }
0x2f: {  	lr =	sadd.s32 s0, s3;
	s0 =	sld [smem:$0x3FA3]  }
0x30: {  	s3 =	sld [smem:$0x3FA6]  }
0x31: {  	[smem:$0x3FAF] =	sst s10  }
0x32: {  	s10 =	sld [smem:$0x3FAD];
	_ =	sdelay $0x3  }
0x33: {  	p0 =	seq.s32 s10, $0x1;
	s10 =	sld [smem:$0x3FAF];
	_ =	sdelay $0x3  }
0x34: {  	[smem:$0x3FAF] =	sst s10  }
0x35: {  	s10 =	sld [smem:$0x3FAE];
	_ =	sdelay $0x3  }
0x36: {  	p1 =	seq.s32 s10, $0x1;
	s10 =	sld [smem:$0x3FAF];
	_ =	sdelay $0x3  }
0x37: {  	[smem:$0x3FAF] =	sst s10  }
0x38: {  	s10 =	sld [smem:$0x3FB0]  }
0x39: {  	_ = 	snop;
	(pc) =	sbr.ind lr, $3  }
0x3a: {  	_ = 	snop  }
0x3b: {  	_ = 	snop  }
0x3c: {  	p2 =	seq.s32 s10, $0x1;
	s10 =	sld [smem:$0x3FAF]  }
0x3d: {  	_ =	shalt  }
0x3e: {  	_ =	shalt  }
0x3f: {  	_ =	shalt  }
0x40: {  	_ =	shalt  }
0x41: {  	_ =	shalt  }
0x42: {  	_ =	shalt  }
0x43: {  	_ =	shalt  }
0x44: {  	_ =	shalt  }
0x45: {  	_ =	shalt  }
0x46: {  	_ =	shalt  }
0x47: {  	_ =	shalt  }
0x48: {  	_ =	shalt  }
0x49: {  	_ =	shalt  }
0x4a: {  	_ =	shalt  }
0x4b: {  	_ =	shalt  }
0x4c: {  	_ =	shalt  }
0x4d: {  	_ =	shalt  }
0x4e: {  	_ =	shalt  }
0x4f: {  	_ =	shalt  }
0x50: {  	_ =	shalt  }
0x51: {  	_ =	shalt  }
0x52: {  	_ =	shalt  }
0x53: {  	_ =	shalt  }
0x54: {  	_ =	shalt  }
0x55: {  	_ =	shalt  }
0x56: {  	_ =	shalt  }
0x57: {  	_ =	shalt  }
0x58: {  	_ =	shalt  }
0x59: {  	_ =	shalt  }
0x5a: {  	_ =	shalt  }
0x5b: {  	_ =	shalt  }
0x5c: {  	_ =	shalt  }
0x5d: {  	_ =	shalt  }
0x5e: {  	_ =	shalt  }
0x5f: {  	_ =	shalt  }
0x60: {  	_ =	shalt  }
0x61: {  	_ =	shalt  }
0x62: {  	_ =	shalt  }
0x63: {  	_ =	shalt  }
0x64: {  	_ =	shalt  }
0x65: {  	_ =	shalt  }
0x66: {  	_ =	shalt  }
0x67: {  	_ =	shalt  }
0x68: {  	_ =	shalt  }
0x69: {  	_ =	shalt  }
0x6a: {  	_ =	shalt  }
0x6b: {  	_ =	shalt  }
0x6c: {  	_ =	shalt  }
0x6d: {  	_ =	shalt  }
0x6e: {  	_ =	shalt  }
0x6f: {  	_ =	shalt  }
0x70: {  	_ =	shalt  }
0x71: {  	_ =	shalt  }
0x72: {  	_ =	shalt  }
0x73: {  	_ =	shalt  }
0x74: {  	_ =	shalt  }
0x75: {  	_ =	shalt  }
0x76: {  	_ =	shalt  }
0x77: {  	_ =	shalt  }
0x78: {  	_ =	shalt  }
0x79: {  	_ =	shalt  }
0x7a: {  	_ =	shalt  }
0x7b: {  	_ =	shalt  }
0x7c: {  	_ =	shalt  }
0x7d: {  	_ =	shalt  }
0x7e: {  	_ =	shalt  }
0x7f: {  	_ =	shalt  }
0x80: {  	_ =	shalt  }
0x81: {  	_ =	shalt  }
0x82: {  	_ =	shalt  }
0x83: {  	_ =	shalt  }
0x84: {  	_ =	shalt  }
0x85: {  	_ =	shalt  }
0x86: {  	_ =	shalt  }
0x87: {  	_ =	shalt  }
.Lfunc_end0:
.L_simem_size_0:
called_computation.1_lowered:
.L_overlay_start_0:
0x88: {  	s2 =	sld [smem:$0x3FD9]  }
0x89: {  	s3 =	sld [smem:$0x3FFE];
	_ =	sdelay $0x1  }
0x8a: {  	s1 =	srdreg.scid  }
0x8b: {  	s0 =	sand.u32 $0x1, s1  }
0x8c: {  	s17 =	sshll.u32 s0, $0xA;
	s2 =	sadd.s32 s3, s2  }
0x8d: {  	s2 =	sadd.s32 s2, s17  }
0x8e: {  	[smem:$0x3FBB] =	sst s2  }
0x8f: {  	_ = 	snop  }
0x90: {  	s2 =	sld [smem:$0x3FC8];
	(tm) =	ssettm $0x1  }
0x91: {  	s18 =	sld [smem:$0x3FFB];
	_ =	sdelay $0x3  }
0x92: {  	_ =	strace s18  }
0x93: {  	s3 =	sld [smem:$0x3FFC];
	_ =	sdelay $0x3  }
0x94: {  	_ =	strace s3  }
0x95: {  	s3 =	sld [smem:$0x3FFD];
	_ =	sdelay $0x3  }
0x96: {  	_ =	strace s3  }
0x97: {  	_ =	strace $0x8FFFFFFF  }
0x98: {  	s19 =	sld [smem:$0x3FDB];
	_ =	sdelay $0x1  }
0x99: {  	s4 =	simm.s32 $_scs_section_size  }
0x9a: {  	s5 =	simm.s32 $_size__tile_overlayer_lowered;
	s6 =	simm.s32 $_tile_overlayer_lowered  }
0x9b: {  	s22 =	simm.s32 $0x1BFF;
	s21 =	sshll.u32 s6, $0x1;
	s3 =	sadd.s32 s4, s19  }
0x9c: {  	s7 =	simm.s32 $0x0;
	s20 =	sshll.u32 s5, $0x1;
	s5 =	sadd.s32 s21, s3  }
0x9d: {  	[timem:s7], [sflag:s22] =	dma.local [hbm:s5], s20  }
0x9e: {  	_ =	swait.ge [sflag:s22], s20  }
0x9f: {  	s4 =	ssub.s32 $0x0, s20;
	[sflag:s22] =	ssyncset.done $0x0  }
0xa0: {  	[sflag:s22] =	ssyncadd.s32 s4;
	_ =	sdelay $0x1  }
0xa1: {  	s23 =	simm.s32 $0x1B8B  }
0xa2: {  	_ =	swait.ge [sflag:s23], $0x1  }
0xa3: {  	[sflag:s23] =	ssyncset.done $0x0  }
0xa4: {  	s25 =	simm.s32 $0x1B8E;
	s24 =	sld [smem:$0x3FFE];
	[sflag:s23] =	ssyncadd.s32 $0xFFFFFFFF  }
0xa5: {  	s26 =	simm.s32 $execute0_lowered;
	[smem:$0x3FD2] =	sst s25  }
0xa6: {  	s5 =	sshll.u32 s26, $0x1;
	_ =	strace $0x80000049;
	[dreg:$0x1] =	wrdreg $0xFFFFFFFF  }
0xa7: {  	s28 =	simm.s32 $_size_execute0_lowered;
	s3 =	sadd.s32 s3, s5;
	[dreg:$0x0] =	wrdreg $0x0  }
0xa8: {  	s5 =	sshll.u32 s28, $0x1;
	[dreg:$0x2] =	wrdreg s3  }
0xa9: {  	[dreg:$0x3] =	wrdreg s5  }
0xaa: {  	[dreg:$0x4] =	wrdreg $0xC0  }
0xab: {  	_ =	task [dreg:s7], $0x5FFFF  }
0xac: {  	[dreg:$0x1] =	wrdreg $0xFFFFFFFF  }
0xad: {  	[dreg:$0x0] =	wrdreg $0x60  }
0xae: {  	[dreg:$0x2] =	wrdreg s24  }
0xaf: {  	[dreg:$0x3] =	wrdreg s2  }
0xb0: {  	[dreg:$0x4] =	wrdreg $0xB7000  }
0xb1: {  	[dreg:$0x5] =	wrdreg $0x9  }
0xb2: {  	_ =	task.clear_ibuf [dreg:s7], $0x6FFFF;
	_ =	strace $0x90000049  }
0xb3: {  	s29 =	simm.s32 $0x9;
	_ =	strace $0x8000004B  }
0xb4: {  	_ =	swait.ge [sflag:s29], $0x1  }
0xb5: {  	[sflag:s29] =	ssyncadd.s32 $0xFFFFFFFF  }
0xb6: {  	_ =	strace $0x9000004B  }
0xb7: {  	_ =	sfence  }
0xb8: {  	s30 =	sld [smem:$0x0];
	_ =	sdelay $0x2  }
0xb9: {  	s31 =	sshll.u32 s1, $0xD;
	s1 =	sshrl.u32 s1, $0x2  }
0xba: {  	s3 =	sand.u32 $0x4000, s31;
	s1 =	sadd.s32 s1, s30  }
0xbb: {  	s0 =	sor.u32 s3, s0;
	s1 =	sshll.u32 s1, $0x11  }
0xbc: {  	s0 =	sor.u32 s1, s0  }
0xbd: {  	s0 =	sadd.s32 $0x8F2B, s0  }
0xbe: {  	[sflag:s0] =	ssyncadd.remote.s32 $0x1  }
0xbf: {  	_ =	sfence.sel $0xFFFF  }
0xc0: {  	[dreg:$0x0] =	wrdreg $0xFFFFFFFF;
	(pc) =	sbr.abs _section_cstart, $3  }
0xc1: {  	[dreg:$0x1] =	wrdreg $0xFFFFFFFF  }
0xc2: {  	_ =	task.clear_ibuf [dreg:s7], $0x2FFFF;
	_ =	strace $0x9FFFFFFF  }
0xc3: {  	(tm) =	ssettm $0x7FFFFFFF  }
tec
execute0_lowered:
.L_overlay_start_1:
0x0: {  	(tag) =	ssettag $0x1  }
0x1: {  	s0 =	rddreg [dreg:$0x0]  }
0x2: {  	s1 =	rddreg [dreg:$0x1]  }
0x3: {  	s2 =	rddreg [dreg:$0x2]  }
0x4: {  	s3 =	srdreg.scid;
	s4 =	simm.s32 $0x0;
	s13 =	stileid.u32  }
0x5: {  	s28 =	simm.s32 $0x100;
	s29 =	simm.s32 $0x1;
	s8 =	smul.u32 $0x14000, s13  }
0x6: {  	s30 =	simm.s32 $0x200;
	s31 =	simm.s32 $0x180;
	s10 =	smul.u32 $0x1B00, s13  }
0x7: {  	s3 =	sand.u32 $0x1, s3;
	[smem:$0x7FF] =	sst s4;
	s11 =	smul.u32 $0x3500, s13  }
0x8: {  	s5 =	sadd.s32 $0x1800, s0;
	s6 =	sadd.s32 $0xB800, s0;
	s18 =	smul.u32 $0x50000, s13  }
0x9: {  	s9 =	sadd.s32 $0x18000, s0;
	s7 =	smul.u32 $0x140000, s3;
	s16 =	ssub.s32 $0x2, s3  }
0xa: {  	_ =	strace $0x8000004A;
	p0 =	seq.s32 s3, $0x0;
	s17 =	sshrl.u32 s16, $0x1  }
0xb: {  	s7 =	sadd.s32 s8, s7;
	s12 =	ssub.s32 s16, s17;
	s8 =	simm.s32 $0x35  }
0xc: {  	s7 =	sshrl.u32 s7, $0x3;
	s8 =	simm.s32 @!p0 $0x1B;
	s26 =	smax.u32 s12, $0x1  }
0xd: {  	s0 =	sadd.s32 s7, s0;
	s7 =	sadd.s32 $0x35000, s10;
	s10 =	sshrl.u32 s18, $0x2  }
0xe: {  	s18 =	sadd.s32 $0xFFFFFFFF, s8;
	[dreg:$0xc] =	wrdreg s26;
	s26 =	simm.s32 $0x7700  }
0xf: {  	s19 =	sshrl.u32 s7, $0x3;
	s7 =	smov.u32 @p0 s11;
	s0 =	sadd.s32 $0x24800, s0  }
0x10: {  	s11 =	sshrl.u32 s11, $0x3;
	s13 =	sadd.s32 s9, s19;
	[dreg:$0xb] =	wrdreg s0  }
0x11: {  	s10 =	sadd.s32 s10, s2;
	s9 =	sadd.s32 s9, s11;
	[dreg:$0x4] =	wrdreg s13  }
0x12: {  	p0 =	sne.s32 s3, $0x0;
	s20 =	sadd.s32 $0x4000, s10;
	[dreg:$0x5] =	wrdreg s9  }
0x13: {  	s3 =	simm.s32 $0x0;
	s22 =	sadd.s32 $0x8000, s10;
	[dreg:$0x6] =	wrdreg s20  }
0x14: {  	s21 =	sshrl.u32 s7, $0x3;
	s23 =	sadd.s32 $0xC000, s10;
	[dreg:$0x7] =	wrdreg s22  }
0x15: {  	s24 =	sadd.s32 $0x10000, s10;
	s19 =	sadd.s32 $0x100, s7;
	[dreg:$0x8] =	wrdreg s23  }
0x16: {  	s0 =	simm.s32 $0x2;
	s15 =	sadd.s32 s5, s21;
	[dreg:$0x9] =	wrdreg s24  }
0x17: {  	s20 =	sadd.s32 $0x180, s7;
	s23 =	simm.s32 $0x3700;
	s25 =	sadd.s32 $0x10, s15  }
0x18: {  	v0 =	vimm.f32 $0.0e+00;
	s24 =	simm.s32 $0x3;
	[dreg:$0xa] =	wrdreg s25;
	s25 =	simm.s32 $0x80  }
.LBB2_1:
0x19: {  	s9 =	simm.s32 @p0 $0x0;
	s11 =	simm.s32 @p0 $0x200;
	s12 =	rddreg [dreg:$0x4]  }
0x1a: {  	[tilespmem:s11], [sflag:$0x3] =	stream.linear.gather @p0 [hbm4b:s12+s9], $0x1B00, $0x38;
	[tilespmem:$0x1F700] =	vst v63  }
0x1b: {  	s9 =	simm.s32 @p0 $0x3  }
0x1c: {  	_ =	swait.ge @p0 [sflag:s9], $0x1B00  }
0x1d: {  	s11 =	simm.s32 @!p0 $0x200;
	[sflag:s9] =	ssyncset.done @p0 $0x0  }
0x1e: {  	s12 =	rddreg [dreg:$0x5];
	[sflag:s9] =	ssyncadd.s32 @p0 $0xFFFFE500;
	s9 =	simm.s32 @!p0 $0x0  }
0x1f: {  	[tilespmem:s11], [sflag:$0x3] =	stream.linear.gather @!p0 [hbm4b:s12+s9], $0x3500, $0x38;
	[tilespmem:$0x1F700] =	vst v63  }
0x20: {  	s9 =	simm.s32 @!p0 $0x3  }
0x21: {  	_ =	swait.ge @!p0 [sflag:s9], $0x3500  }
0x22: {  	[sflag:s9] =	ssyncset.done @!p0 $0x0  }
0x23: {  	s11 =	simm.s32 $0x200;
	[sflag:s9] =	ssyncadd.s32 @!p0 $0xFFFFCB00;
	s9 =	simm.s32 $0x0  }
.LBB2_2:
0x24: {  	p1 =	sne.s32 s11, $0xFE00;
	[tilespmem:s9+$0x3770] =	vst v0  }
0x25: {  	[tilespmem:s9+$0x3700] =	vst v0  }
0x26: {  	[tilespmem:s9+$0x3710] =	vst v0  }
.Ltmp0:
0x27: {  	[tilespmem:s9+$0x3720] =	vst v0;
	(pc) =	sbr.rel @p1 .LBB2_2-.Ltmp0, $4  }
0x28: {  	[tilespmem:s9+$0x3730] =	vst v0  }
0x29: {  	[tilespmem:s9+$0x3740] =	vst v0  }
0x2a: {  	[tilespmem:s9+$0x3750] =	vst v0  }
0x2b: {  	[tilespmem:s9+$0x3760] =	vst v0;
	s9 =	sshra.s32 s11, $0x2;
	s11 =	sadd.s32 $0x200, s11  }
0x2c: {  	[tilespmem:s9+$0x3770] =	vst v0  }
0x2d: {  	[tilespmem:s9+$0x3700] =	vst v0  }
0x2e: {  	[tilespmem:s9+$0x3710] =	vst v0  }
0x2f: {  	[tilespmem:s9+$0x3720] =	vst v0  }
0x30: {  	[tilespmem:s9+$0x3730] =	vst v0  }
0x31: {  	[tilespmem:s9+$0x3740] =	vst v0  }
0x32: {  	[tilespmem:s9+$0x3750] =	vst v0  }
0x33: {  	[tilespmem:s9+$0x3760] =	vst v0  }
0x34: {  	[spmem:s10] =	stream.linear.scatter [tilespmem:s23], [sflag:$0x3], $0x4000, $0x38;
	[tilespmem:$0x1F700] =	vst v63  }
0x35: {  	_ =	swait.ge [sflag:s24], $0x4000  }
0x36: {  	[sflag:s24] =	ssyncset.done $0x0  }
0x37: {  	s16 =	rddreg [dreg:$0x6];
	[sflag:s24] =	ssyncadd.s32 $0xFFFFC000  }
0x38: {  	[spmem:s16] =	stream.linear.scatter [tilespmem:s23], [sflag:$0x3], $0x4000, $0x38;
	[tilespmem:$0x1F700] =	vst v63  }
0x39: {  	_ =	swait.ge [sflag:s24], $0x4000  }
0x3a: {  	[sflag:s24] =	ssyncset.done $0x0  }
0x3b: {  	s17 =	rddreg [dreg:$0x7];
	[sflag:s24] =	ssyncadd.s32 $0xFFFFC000  }
0x3c: {  	[spmem:s17] =	stream.linear.scatter [tilespmem:s23], [sflag:$0x3], $0x4000, $0x38;
	[tilespmem:$0x1F700] =	vst v63  }
0x3d: {  	_ =	swait.ge [sflag:s24], $0x4000  }
0x3e: {  	[sflag:s24] =	ssyncset.done $0x0  }
0x3f: {  	s21 =	rddreg [dreg:$0x8];
	[sflag:s24] =	ssyncadd.s32 $0xFFFFC000  }
0x40: {  	[spmem:s21] =	stream.linear.scatter [tilespmem:s23], [sflag:$0x3], $0x4000, $0x38;
	[tilespmem:$0x1F700] =	vst v63  }
0x41: {  	_ =	swait.ge [sflag:s24], $0x4000  }
0x42: {  	[sflag:s24] =	ssyncset.done $0x0  }
0x43: {  	s22 =	rddreg [dreg:$0x9];
	[sflag:s24] =	ssyncadd.s32 $0xFFFFC000  }
0x44: {  	[spmem:s22] =	stream.linear.scatter [tilespmem:s23], [sflag:$0x3], $0x4000, $0x38;
	[tilespmem:$0x1F700] =	vst v63  }
0x45: {  	_ =	swait.ge [sflag:s24], $0x4000  }
0x46: {  	[sflag:s24] =	ssyncset.done $0x0  }
0x47: {  	s9 =	simm.s32 $0x0;
	[sflag:s24] =	ssyncadd.s32 $0xFFFFC000  }
0x48: {  	[tilespmem:s9], [sflag:$0x3] =	stream.linear.gather [hbm4b:s15+s9], $0x80, $0x38;
	[tilespmem:$0x1F700] =	vst v63  }
0x49: {  	_ =	swait.ge [sflag:s24], $0x80  }
0x4a: {  	[sflag:s24] =	ssyncset.done $0x0  }
0x4b: {  	[sflag:s24] =	ssyncadd.s32 $0xFFFFFF80  }
0x4c: {  	[tilespmem:s23], [sflag:$0x1] =	stream.indirect.gather [hbm4b:s1+s25], $0x80, s9, s25, $0xb8;
	[tilespmem:$0x1F700] =	vst v63  }
0x4d: {  	s11 =	rddreg [dreg:$0xa]  }
0x4e: {  	[tilespmem:s25], [sflag:$0x3] =	stream.linear.gather [hbm4b:s11+s9], $0x80, $0x38;
	[tilespmem:$0x1F700] =	vst v63  }
0x4f: {  	_ =	swait.ge [sflag:s24], $0x80  }
0x50: {  	[sflag:s24] =	ssyncset.done $0x0  }
0x51: {  	[sflag:s24] =	ssyncadd.s32 $0xFFFFFF80  }
0x52: {  	[tilespmem:s26], [sflag:$0x2] =	stream.indirect.gather [hbm4b:s1+s25], $0x80, s25, s25, $0xb8;
	[tilespmem:$0x1F700] =	vst v63  }
0x53: {  	s11 =	simm.s32 $0x0;
	[bflag:$0x0] =	sbarrier.arrive $0xFFFF  }
.LBB2_4:
0x54: {  	s12 =	sshll.u32 s11, $0x8  }
0x55: {  	s14 =	sadd.s32 $0xFFFFFFFC, s9;
	s13 =	sadd.s32 s7, s12  }
0x56: {  	s16 =	sadd.s32 $0x6, s14;
	s13 =	sshrl.u32 s13, $0x3  }
0x57: {  	s21 =	sadd.s32 $0x4, s14;
	v1 =	vmov s16;
	s13 =	sadd.s32 s6, s13  }
0x58: {  	v1 =	vand.u32 $0xFFFFFFFE, v1;
	[tilespmem:s28], [sflag:$0x3] =	stream.linear.gather [hbm4b:s13+s4], $0x80, $0x38;
	[tilespmem:$0x1F700] =	vst v63  }
0x59: {  	v2 =	vmov s21;
	v1 =	vbroadcast v1, $0x0;
	_ =	swait.ge [sflag:s24], $0x80  }
0x5a: {  	v2 =	vand.u32 $0xFFFFFFFC, v2;
	[sflag:s24] =	ssyncset.done $0x0  }
0x5b: {  	v2 =	vbroadcast v2, $0x0;
	[sflag:s24] =	ssyncadd.s32 $0xFFFFFF80  }
0x5c: {  	_ =	swait.ge [sflag:s29], $0x4000  }
0x5d: {  	[sflag:s29] =	ssyncset.done $0x0  }
0x5e: {  	[sflag:s29] =	ssyncadd.s32 $0xFFFFC000  }
0x5f: {  	s13 =	simm.s32 $0x3800;
	v1 =	vld.idx.msk [tilespmem:v1+s30+$0x0], $0xffff  }
0x60: {  	s22 =	sadd.s32 $0x5, s14;
	v3 =	vld [tilespmem:s13+$0x70]  }
0x61: {  	v4 =	vmov s22;
	v2 =	vld.idx.msk [tilespmem:v2+s30+$0x0], $0xffff  }
0x62: {  	v4 =	vand.u32 $0xFFFFFFFD, v4;
	v5 =	vld [tilespmem:s13+$0xFFFFFF00]  }
0x63: {  	v4 =	vbroadcast v4, $0x0;
	v6 =	vld [tilespmem:s13+$0xFFFFFF10]  }
0x64: {  	v7 =	vld [tilespmem:s13+$0xFFFFFF20]  }
0x65: {  	v8 =	vld [tilespmem:s13+$0xFFFFFF30]  }
0x66: {  	v9 =	vld [tilespmem:s13+$0xFFFFFF40]  }
0x67: {  	v10 =	vld [tilespmem:s13+$0xFFFFFF50]  }
0x68: {  	v11 =	vld [tilespmem:s13+$0xFFFFFF60];
	v5 =	vmul.f32 v5, v2  }
0x69: {  	v4 =	vld.idx.msk [tilespmem:v4+s30+$0x0], $0xffff;
	v3 =	vmul.f32 v3, v1  }
0x6a: {  	v13 =	vld [tilespmem:s13+$0xFFFFFFD0];
	[tilespmem:s13+$0xFFFFFF00] =	vst v5;
	v5 =	vmul.f32 v6, v2  }
0x6b: {  	v6 =	vld [tilespmem:s13+$0xFFFFFF70];
	[tilespmem:s13+$0x70] =	vst v3;
	v3 =	vmul.f32 v7, v2  }
0x6c: {  	s14 =	sadd.s32 $0x7, s14;
	v7 =	vld [tilespmem:s13+$0xFFFFFF80];
	[tilespmem:s13+$0xFFFFFF10] =	vst v5;
	v5 =	vmul.f32 v8, v2  }
0x6d: {  	v12 =	vmov s14;
	v8 =	vld [tilespmem:s13+$0xFFFFFF90];
	[tilespmem:s13+$0xFFFFFF20] =	vst v3;
	v3 =	vmul.f32 v9, v2  }
0x6e: {  	v9 =	vld [tilespmem:s13+$0xFFFFFFA0];
	[tilespmem:s13+$0xFFFFFF30] =	vst v5;
	v5 =	vmul.f32 v10, v2  }
0x6f: {  	v10 =	vld [tilespmem:s13+$0xFFFFFFB0];
	[tilespmem:s13+$0xFFFFFF40] =	vst v3;
	v3 =	vmul.f32 v11, v2  }
0x70: {  	v11 =	vld [tilespmem:s13+$0xFFFFFFC0];
	v6 =	vmul.f32 v6, v2;
	[tilespmem:s13+$0xFFFFFF50] =	vst v5  }
0x71: {  	v14 =	vld [tilespmem:s13+$0xFFFFFFE0];
	v5 =	vmul.f32 v7, v4;
	[tilespmem:s13+$0xFFFFFF60] =	vst v3  }
0x72: {  	v2 =	vld.idx.msk [tilespmem:v12+s30+$0x0], $0xffff;
	v3 =	vmul.f32 v8, v4;
	[tilespmem:s13+$0xFFFFFF70] =	vst v6  }
0x73: {  	v8 =	vld [tilespmem:s13+$0xFFFFFFF0];
	[tilespmem:s13+$0xFFFFFF80] =	vst v5;
	v5 =	vmul.f32 v9, v4  }
0x74: {  	v7 =	vld [tilespmem:s13+$0x0];
	[tilespmem:s13+$0xFFFFFF90] =	vst v3;
	v3 =	vmul.f32 v10, v4  }
0x75: {  	v6 =	vld [tilespmem:s13+$0x10];
	v9 =	vmul.f32 v11, v4;
	[tilespmem:s13+$0xFFFFFFA0] =	vst v5  }
0x76: {  	v10 =	vmul.f32 v13, v4;
	v5 =	vld [tilespmem:s13+$0x20];
	[tilespmem:s13+$0xFFFFFFB0] =	vst v3  }
0x77: {  	[tilespmem:s13+$0xFFFFFFC0] =	vst v9;
	v3 =	vld [tilespmem:s13+$0x30];
	v9 =	vmul.f32 v14, v4  }
0x78: {  	s16 =	simm.s32 $0x0;
	s14 =	simm.s32 $0x3800;
	[tilespmem:s13+$0xFFFFFFD0] =	vst v10;
	v8 =	vmul.f32 v8, v4;
	v4 =	vld [tilespmem:s13+$0x40]  }
.LBB2_5:
0x79: {  	s17 =	sadd.s32 s16, s9;
	s16 =	sadd.s32 $0x4, s16;
	[tilespmem:s13+$0xFFFFFFE0] =	vst v9;
	v7 =	vmul.f32 v7, v1;
	v9 =	vld [tilespmem:s13+$0x50]  }
0x7a: {  	s21 =	sadd.s32 $0x4, s17;
	s22 =	sadd.s32 $0x6, s17;
	p1 =	slt.u32 s16, $0x7C;
	[tilespmem:s13+$0xFFFFFFF0] =	vst v8;
	v6 =	vmul.f32 v6, v1;
	v8 =	vld [tilespmem:s13+$0x60]  }
0x7b: {  	v10 =	vmov s21;
	s21 =	sadd.s32 $0x5, s17;
	v11 =	vmov s22;
	s17 =	sadd.s32 $0x7, s17;
	[tilespmem:s13+$0x0] =	vst v7;
	v5 =	vmul.f32 v5, v1;
	v7 =	vld [tilespmem:s13+$0x80]  }
0x7c: {  	v10 =	vand.u32 $0xFFFFFFFC, v10;
	v12 =	vmov s21;
	v11 =	vand.u32 $0xFFFFFFFE, v11;
	[tilespmem:s13+$0x10] =	vst v6;
	v6 =	vld [tilespmem:s13+$0x90]  }
0x7d: {  	v10 =	vbroadcast v10, $0x0;
	v12 =	vand.u32 $0xFFFFFFFD, v12;
	v11 =	vbroadcast v11, $0x0;
	[tilespmem:s13+$0x20] =	vst v5;
	v5 =	vld [tilespmem:s13+$0xA0]  }
0x7e: {  	v13 =	vmov s17;
	v3 =	vmul.f32 v3, v1;
	v12 =	vbroadcast v12, $0x0;
	v14 =	vld [tilespmem:s13+$0xB0]  }
0x7f: {  	v4 =	vmul.f32 v4, v1;
	v9 =	vmul.f32 v9, v1;
	v15 =	vld [tilespmem:s13+$0xC0]  }
0x80: {  	[tilespmem:s13+$0x30] =	vst v3;
	v3 =	vmul.f32 v8, v1;
	v7 =	vmul.f32 v7, v2;
	v8 =	vld [tilespmem:s13+$0xD0]  }
0x81: {  	[tilespmem:s13+$0x40] =	vst v4;
	v4 =	vmul.f32 v6, v2;
	v6 =	vld [tilespmem:s13+$0xE0]  }
0x82: {  	[tilespmem:s13+$0x50] =	vst v9;
	v5 =	vmul.f32 v5, v2;
	v9 =	vld [tilespmem:s13+$0xF0]  }
0x83: {  	s13 =	sadd.s32 $0x200, s13;
	v1 =	vld.idx.msk [tilespmem:v11+s30+$0x0], $0xffff;
	[tilespmem:s14+$0x60] =	vst v3;
	v3 =	vmul.f32 v14, v2  }
0x84: {  	v11 =	vld [tilespmem:s13+$0x70];
	[tilespmem:s14+$0x80] =	vst v7;
	v7 =	vmul.f32 v15, v2  }
0x85: {  	v10 =	vld.idx.msk [tilespmem:v10+s30+$0x0], $0xffff;
	[tilespmem:s14+$0x90] =	vst v4;
	v4 =	vmul.f32 v8, v2  }
0x86: {  	v8 =	vld.idx.msk [tilespmem:v12+s30+$0x0], $0xffff;
	[tilespmem:s14+$0xA0] =	vst v5;
	v5 =	vmul.f32 v6, v2  }
0x87: {  	[tilespmem:s14+$0xB0] =	vst v3;
	v3 =	vmul.f32 v9, v2;
	v2 =	vld.idx.msk [tilespmem:v13+s30+$0x0], $0xffff  }
0x88: {  	v6 =	vld [tilespmem:s13+$0xFFFFFF00];
	[tilespmem:s14+$0xC0] =	vst v7  }
0x89: {  	v7 =	vld [tilespmem:s13+$0xFFFFFF10];
	v9 =	vmul.f32 v11, v1;
	[tilespmem:s14+$0xD0] =	vst v4  }
0x8a: {  	v4 =	vld [tilespmem:s13+$0xFFFFFF20];
	[tilespmem:s14+$0xE0] =	vst v5  }
0x8b: {  	v5 =	vld [tilespmem:s13+$0xFFFFFF30];
	[tilespmem:s13+$0x70] =	vst v9  }
0x8c: {  	v9 =	vld [tilespmem:s13+$0xFFFFFF40];
	[tilespmem:s14+$0xF0] =	vst v3;
	s14 =	smov.u32 s13  }
0x8d: {  	v3 =	vmul.f32 v6, v10;
	v6 =	vld [tilespmem:s13+$0xFFFFFF50]  }
0x8e: {  	v7 =	vmul.f32 v7, v10;
	v11 =	vld [tilespmem:s13+$0xFFFFFF60]  }
0x8f: {  	[tilespmem:s13+$0xFFFFFF00] =	vst v3;
	v3 =	vmul.f32 v4, v10;
	v4 =	vld [tilespmem:s13+$0xFFFFFF70]  }
0x90: {  	[tilespmem:s13+$0xFFFFFF10] =	vst v7;
	v5 =	vmul.f32 v5, v10;
	v7 =	vld [tilespmem:s13+$0xFFFFFF80]  }
0x91: {  	[tilespmem:s13+$0xFFFFFF20] =	vst v3;
	v3 =	vmul.f32 v9, v10;
	v9 =	vld [tilespmem:s13+$0xFFFFFF90]  }
0x92: {  	[tilespmem:s13+$0xFFFFFF30] =	vst v5;
	v5 =	vmul.f32 v6, v10;
	v6 =	vld [tilespmem:s13+$0xFFFFFFA0]  }
0x93: {  	[tilespmem:s13+$0xFFFFFF40] =	vst v3;
	v3 =	vmul.f32 v11, v10;
	v11 =	vld [tilespmem:s13+$0xFFFFFFB0]  }
0x94: {  	[tilespmem:s13+$0xFFFFFF50] =	vst v5;
	v4 =	vmul.f32 v4, v10;
	v5 =	vld [tilespmem:s13+$0xFFFFFFC0]  }
0x95: {  	[tilespmem:s13+$0xFFFFFF60] =	vst v3;
	v3 =	vmul.f32 v7, v8;
	v10 =	vld [tilespmem:s13+$0xFFFFFFD0]  }
0x96: {  	[tilespmem:s13+$0xFFFFFF70] =	vst v4;
	v4 =	vmul.f32 v9, v8;
	v9 =	vld [tilespmem:s13+$0xFFFFFFE0]  }
0x97: {  	[tilespmem:s13+$0xFFFFFF80] =	vst v3;
	v3 =	vmul.f32 v6, v8;
	v12 =	vld [tilespmem:s13+$0xFFFFFFF0]  }
.Ltmp1:
0x98: {  	[tilespmem:s13+$0xFFFFFF90] =	vst v4;
	v4 =	vmul.f32 v11, v8;
	v7 =	vld [tilespmem:s13+$0x0];
	(pc) =	sbr.rel @p1 .LBB2_5-.Ltmp1, $4  }
0x99: {  	[tilespmem:s13+$0xFFFFFFA0] =	vst v3;
	v3 =	vmul.f32 v5, v8;
	v6 =	vld [tilespmem:s13+$0x10]  }
0x9a: {  	[tilespmem:s13+$0xFFFFFFB0] =	vst v4;
	v4 =	vmul.f32 v10, v8;
	v5 =	vld [tilespmem:s13+$0x20]  }
0x9b: {  	[tilespmem:s13+$0xFFFFFFC0] =	vst v3;
	v9 =	vmul.f32 v9, v8;
	v3 =	vld [tilespmem:s13+$0x30]  }
0x9c: {  	[tilespmem:s13+$0xFFFFFFD0] =	vst v4;
	v8 =	vmul.f32 v12, v8;
	v4 =	vld [tilespmem:s13+$0x40]  }
0x9d: {  	v10 =	vld [tilespmem:s13+$0x50];
	[tilespmem:s13+$0xFFFFFFE0] =	vst v9;
	v7 =	vmul.f32 v7, v1  }
0x9e: {  	v9 =	vld [tilespmem:s13+$0x60];
	[tilespmem:s13+$0xFFFFFFF0] =	vst v8;
	v6 =	vmul.f32 v6, v1  }
0x9f: {  	v8 =	vld [tilespmem:s13+$0x80];
	[tilespmem:s13+$0x0] =	vst v7;
	v5 =	vmul.f32 v5, v1  }
0xa0: {  	v7 =	vld [tilespmem:s13+$0x90];
	[tilespmem:s13+$0x10] =	vst v6;
	v3 =	vmul.f32 v3, v1  }
0xa1: {  	v6 =	vld [tilespmem:s13+$0xA0];
	[tilespmem:s13+$0x20] =	vst v5;
	v4 =	vmul.f32 v4, v1  }
0xa2: {  	v5 =	vld [tilespmem:s13+$0xB0];
	v10 =	vmul.f32 v10, v1;
	[tilespmem:s13+$0x30] =	vst v3  }
0xa3: {  	v11 =	vld [tilespmem:s13+$0xC0];
	v1 =	vmul.f32 v9, v1;
	[tilespmem:s13+$0x40] =	vst v4  }
0xa4: {  	v3 =	vld [tilespmem:s13+$0xD0];
	v4 =	vmul.f32 v8, v2;
	[tilespmem:s13+$0x50] =	vst v10  }
0xa5: {  	v8 =	vld [tilespmem:s13+$0xE0];
	v7 =	vmul.f32 v7, v2;
	[tilespmem:s14+$0x60] =	vst v1  }
0xa6: {  	v9 =	vld [tilespmem:s13+$0xF0];
	v1 =	vmul.f32 v6, v2;
	[tilespmem:s14+$0x80] =	vst v4  }
0xa7: {  	v4 =	vmul.f32 v5, v2;
	[tilespmem:s14+$0x90] =	vst v7  }
0xa8: {  	v5 =	vmul.f32 v11, v2;
	[tilespmem:s14+$0xA0] =	vst v1  }
0xa9: {  	v1 =	vmul.f32 v3, v2;
	[tilespmem:s14+$0xB0] =	vst v4  }
0xaa: {  	v3 =	vmul.f32 v8, v2;
	[tilespmem:s14+$0xC0] =	vst v5  }
0xab: {  	v2 =	vmul.f32 v9, v2;
	[tilespmem:s14+$0xD0] =	vst v1  }
0xac: {  	[tilespmem:s14+$0xE0] =	vst v3  }
0xad: {  	p1 =	sge.u32 s11, s18;
	[tilespmem:s14+$0xF0] =	vst v2  }
0xae: {  	[spmem:s2] =	stream.indirect.scatter.add.f32 [tilespmem:s23], [sflag:$0x3], $0x80, s28, s25, $0xb8;
	[tilespmem:$0x1F700] =	vst v63  }
0xaf: {  	s13 =	sadd.s32 @!p1 s12, s19;
	_ =	swait.ge [sflag:s24], $0x4000  }
0xb0: {  	s13 =	sshrl.u32 @!p1 s13, $0x3;
	[sflag:s24] =	ssyncset.done $0x0  }
0xb1: {  	s13 =	sadd.s32 @!p1 s5, s13;
	s14 =	simm.s32 @!p1 $0x0;
	[sflag:s24] =	ssyncadd.s32 $0xFFFFC000  }
0xb2: {  	[tilespmem:s14], [sflag:$0x3] =	stream.linear.gather @!p1 [hbm4b:s13+s14], $0x80, $0x38;
	[tilespmem:$0x1F700] =	vst v63  }
0xb3: {  	s13 =	simm.s32 @!p1 $0x3  }
0xb4: {  	_ =	swait.ge @!p1 [sflag:s13], $0x80  }
0xb5: {  	[sflag:s13] =	ssyncset.done @!p1 $0x0  }
0xb6: {  	s16 =	simm.s32 @!p1 $0x3700;
	[sflag:s13] =	ssyncadd.s32 @!p1 $0xFFFFFF80;
	s13 =	simm.s32 @!p1 $0x80  }
0xb7: {  	[tilespmem:s16], [sflag:$0x1] =	stream.indirect.gather @!p1 [hbm4b:s1+s13], $0x80, s14, s13, $0xb8;
	[tilespmem:$0x1F700] =	vst v63  }
0xb8: {  	s16 =	sadd.s32 s12, s7  }
0xb9: {  	s14 =	sadd.s32 $0xFFFFFFFC, s9;
	s13 =	sadd.s32 $0x80, s16  }
0xba: {  	s17 =	sadd.s32 $0x86, s14;
	s13 =	sshrl.u32 s13, $0x3  }
0xbb: {  	s21 =	sadd.s32 $0x84, s14;
	v1 =	vmov s17;
	s13 =	sadd.s32 s6, s13  }
0xbc: {  	v1 =	vand.u32 $0xFFFFFFFE, v1;
	[tilespmem:s31], [sflag:$0x3] =	stream.linear.gather [hbm4b:s13+s4], $0x80, $0x38;
	[tilespmem:$0x1F700] =	vst v63  }
0xbd: {  	v2 =	vmov s21;
	v1 =	vbroadcast v1, $0x0;
	_ =	swait.ge [sflag:s24], $0x80  }
0xbe: {  	v2 =	vand.u32 $0xFFFFFFFC, v2;
	[sflag:s24] =	ssyncset.done $0x0  }
0xbf: {  	v2 =	vbroadcast v2, $0x0;
	[sflag:s24] =	ssyncadd.s32 $0xFFFFFF80  }
0xc0: {  	_ =	swait.ge [sflag:s0], $0x4000  }
0xc1: {  	[sflag:s0] =	ssyncset.done $0x0  }
0xc2: {  	[sflag:s0] =	ssyncadd.s32 $0xFFFFC000  }
0xc3: {  	s13 =	simm.s32 $0x78F0;
	v1 =	vld.idx.msk [tilespmem:v1+s30+$0x0], $0xffff  }
0xc4: {  	s22 =	sadd.s32 $0x85, s14;
	v3 =	vld [tilespmem:s13+$0xFFFFFF80]  }
0xc5: {  	v4 =	vmov s22;
	v2 =	vld.idx.msk [tilespmem:v2+s30+$0x0], $0xffff  }
0xc6: {  	v4 =	vand.u32 $0xFFFFFFFD, v4;
	v5 =	vld [tilespmem:s13+$0xFFFFFE10]  }
0xc7: {  	v4 =	vbroadcast v4, $0x0;
	v6 =	vld [tilespmem:s13+$0xFFFFFE20]  }
0xc8: {  	v7 =	vld [tilespmem:s13+$0xFFFFFE30]  }
0xc9: {  	v8 =	vld [tilespmem:s13+$0xFFFFFE40]  }
0xca: {  	v9 =	vld [tilespmem:s13+$0xFFFFFE50]  }
0xcb: {  	v10 =	vld [tilespmem:s13+$0xFFFFFE60]  }
0xcc: {  	v11 =	vld [tilespmem:s13+$0xFFFFFE70];
	v5 =	vmul.f32 v5, v2  }
0xcd: {  	v4 =	vld.idx.msk [tilespmem:v4+s30+$0x0], $0xffff;
	v3 =	vmul.f32 v3, v1  }
0xce: {  	v13 =	vld [tilespmem:s13+$0xFFFFFEE0];
	[tilespmem:s13+$0xFFFFFE10] =	vst v5;
	v5 =	vmul.f32 v6, v2  }
0xcf: {  	v6 =	vld [tilespmem:s13+$0xFFFFFE80];
	[tilespmem:s13+$0xFFFFFF80] =	vst v3;
	v3 =	vmul.f32 v7, v2  }
0xd0: {  	s14 =	sadd.s32 $0x87, s14;
	v7 =	vld [tilespmem:s13+$0xFFFFFE90];
	[tilespmem:s13+$0xFFFFFE20] =	vst v5;
	v5 =	vmul.f32 v8, v2  }
0xd1: {  	v12 =	vmov s14;
	v8 =	vld [tilespmem:s13+$0xFFFFFEA0];
	[tilespmem:s13+$0xFFFFFE30] =	vst v3;
	v3 =	vmul.f32 v9, v2  }
0xd2: {  	v9 =	vld [tilespmem:s13+$0xFFFFFEB0];
	[tilespmem:s13+$0xFFFFFE40] =	vst v5;
	v5 =	vmul.f32 v10, v2  }
0xd3: {  	v10 =	vld [tilespmem:s13+$0xFFFFFEC0];
	[tilespmem:s13+$0xFFFFFE50] =	vst v3;
	v3 =	vmul.f32 v11, v2  }
0xd4: {  	v11 =	vld [tilespmem:s13+$0xFFFFFED0];
	v6 =	vmul.f32 v6, v2;
	[tilespmem:s13+$0xFFFFFE60] =	vst v5  }
0xd5: {  	v14 =	vld [tilespmem:s13+$0xFFFFFEF0];
	v5 =	vmul.f32 v7, v4;
	[tilespmem:s13+$0xFFFFFE70] =	vst v3  }
0xd6: {  	v2 =	vld.idx.msk [tilespmem:v12+s30+$0x0], $0xffff;
	v3 =	vmul.f32 v8, v4;
	[tilespmem:s13+$0xFFFFFE80] =	vst v6  }
0xd7: {  	v8 =	vld [tilespmem:s13+$0xFFFFFF00];
	[tilespmem:s13+$0xFFFFFE90] =	vst v5;
	v5 =	vmul.f32 v9, v4  }
0xd8: {  	v7 =	vld [tilespmem:s13+$0xFFFFFF10];
	[tilespmem:s13+$0xFFFFFEA0] =	vst v3;
	v3 =	vmul.f32 v10, v4  }
0xd9: {  	v6 =	vld [tilespmem:s13+$0xFFFFFF20];
	v9 =	vmul.f32 v11, v4;
	[tilespmem:s13+$0xFFFFFEB0] =	vst v5  }
0xda: {  	v10 =	vmul.f32 v13, v4;
	v5 =	vld [tilespmem:s13+$0xFFFFFF30];
	[tilespmem:s13+$0xFFFFFEC0] =	vst v3  }
0xdb: {  	[tilespmem:s13+$0xFFFFFED0] =	vst v9;
	v3 =	vld [tilespmem:s13+$0xFFFFFF40];
	v9 =	vmul.f32 v14, v4  }
0xdc: {  	s16 =	simm.s32 $0x0;
	s14 =	simm.s32 $0x78F0;
	[tilespmem:s13+$0xFFFFFEE0] =	vst v10;
	v8 =	vmul.f32 v8, v4;
	v4 =	vld [tilespmem:s13+$0xFFFFFF50]  }
.LBB2_7:
0xdd: {  	s17 =	sadd.s32 s16, s9;
	s16 =	sadd.s32 $0x4, s16;
	[tilespmem:s13+$0xFFFFFEF0] =	vst v9;
	v7 =	vmul.f32 v7, v1;
	v9 =	vld [tilespmem:s13+$0xFFFFFF60]  }
0xde: {  	s21 =	sadd.s32 $0x84, s17;
	s22 =	sadd.s32 $0x86, s17;
	p2 =	slt.u32 s16, $0x7C;
	[tilespmem:s13+$0xFFFFFF00] =	vst v8;
	v6 =	vmul.f32 v6, v1;
	v8 =	vld [tilespmem:s13+$0xFFFFFF70]  }
0xdf: {  	v10 =	vmov s21;
	s21 =	sadd.s32 $0x85, s17;
	v11 =	vmov s22;
	s17 =	sadd.s32 $0x87, s17;
	[tilespmem:s13+$0xFFFFFF10] =	vst v7;
	v5 =	vmul.f32 v5, v1;
	v7 =	vld [tilespmem:s13+$0xFFFFFF90]  }
0xe0: {  	v10 =	vand.u32 $0xFFFFFFFC, v10;
	v12 =	vmov s21;
	v11 =	vand.u32 $0xFFFFFFFE, v11;
	[tilespmem:s13+$0xFFFFFF20] =	vst v6;
	v6 =	vld [tilespmem:s13+$0xFFFFFFA0]  }
0xe1: {  	v10 =	vbroadcast v10, $0x0;
	v12 =	vand.u32 $0xFFFFFFFD, v12;
	v11 =	vbroadcast v11, $0x0;
	[tilespmem:s13+$0xFFFFFF30] =	vst v5;
	v5 =	vld [tilespmem:s13+$0xFFFFFFB0]  }
0xe2: {  	v13 =	vmov s17;
	v3 =	vmul.f32 v3, v1;
	v12 =	vbroadcast v12, $0x0;
	v14 =	vld [tilespmem:s13+$0xFFFFFFC0]  }
0xe3: {  	v4 =	vmul.f32 v4, v1;
	v9 =	vmul.f32 v9, v1;
	v15 =	vld [tilespmem:s13+$0xFFFFFFD0]  }
0xe4: {  	[tilespmem:s13+$0xFFFFFF40] =	vst v3;
	v3 =	vmul.f32 v8, v1;
	v7 =	vmul.f32 v7, v2;
	v8 =	vld [tilespmem:s13+$0xFFFFFFE0]  }
0xe5: {  	[tilespmem:s13+$0xFFFFFF50] =	vst v4;
	v4 =	vmul.f32 v6, v2;
	v6 =	vld [tilespmem:s13+$0xFFFFFFF0]  }
0xe6: {  	[tilespmem:s13+$0xFFFFFF60] =	vst v9;
	v5 =	vmul.f32 v5, v2;
	v9 =	vld [tilespmem:s13+$0x0]  }
0xe7: {  	s13 =	sadd.s32 $0x200, s13;
	v1 =	vld.idx.msk [tilespmem:v11+s30+$0x0], $0xffff;
	[tilespmem:s14+$0xFFFFFF70] =	vst v3;
	v3 =	vmul.f32 v14, v2  }
0xe8: {  	v11 =	vld [tilespmem:s13+$0xFFFFFF80];
	[tilespmem:s14+$0xFFFFFF90] =	vst v7;
	v7 =	vmul.f32 v15, v2  }
0xe9: {  	v10 =	vld.idx.msk [tilespmem:v10+s30+$0x0], $0xffff;
	[tilespmem:s14+$0xFFFFFFA0] =	vst v4;
	v4 =	vmul.f32 v8, v2  }
0xea: {  	v8 =	vld.idx.msk [tilespmem:v12+s30+$0x0], $0xffff;
	[tilespmem:s14+$0xFFFFFFB0] =	vst v5;
	v5 =	vmul.f32 v6, v2  }
0xeb: {  	[tilespmem:s14+$0xFFFFFFC0] =	vst v3;
	v3 =	vmul.f32 v9, v2;
	v2 =	vld.idx.msk [tilespmem:v13+s30+$0x0], $0xffff  }
0xec: {  	v6 =	vld [tilespmem:s13+$0xFFFFFE10];
	[tilespmem:s14+$0xFFFFFFD0] =	vst v7  }
0xed: {  	v7 =	vld [tilespmem:s13+$0xFFFFFE20];
	v9 =	vmul.f32 v11, v1;
	[tilespmem:s14+$0xFFFFFFE0] =	vst v4  }
0xee: {  	v4 =	vld [tilespmem:s13+$0xFFFFFE30];
	[tilespmem:s14+$0xFFFFFFF0] =	vst v5  }
0xef: {  	v5 =	vld [tilespmem:s13+$0xFFFFFE40];
	[tilespmem:s13+$0xFFFFFF80] =	vst v9  }
0xf0: {  	v9 =	vld [tilespmem:s13+$0xFFFFFE50];
	[tilespmem:s14+$0x0] =	vst v3;
	s14 =	smov.u32 s13  }
0xf1: {  	v3 =	vmul.f32 v6, v10;
	v6 =	vld [tilespmem:s13+$0xFFFFFE60]  }
0xf2: {  	v7 =	vmul.f32 v7, v10;
	v11 =	vld [tilespmem:s13+$0xFFFFFE70]  }
0xf3: {  	[tilespmem:s13+$0xFFFFFE10] =	vst v3;
	v3 =	vmul.f32 v4, v10;
	v4 =	vld [tilespmem:s13+$0xFFFFFE80]  }
0xf4: {  	[tilespmem:s13+$0xFFFFFE20] =	vst v7;
	v5 =	vmul.f32 v5, v10;
	v7 =	vld [tilespmem:s13+$0xFFFFFE90]  }
0xf5: {  	[tilespmem:s13+$0xFFFFFE30] =	vst v3;
	v3 =	vmul.f32 v9, v10;
	v9 =	vld [tilespmem:s13+$0xFFFFFEA0]  }
0xf6: {  	[tilespmem:s13+$0xFFFFFE40] =	vst v5;
	v5 =	vmul.f32 v6, v10;
	v6 =	vld [tilespmem:s13+$0xFFFFFEB0]  }
0xf7: {  	[tilespmem:s13+$0xFFFFFE50] =	vst v3;
	v3 =	vmul.f32 v11, v10;
	v11 =	vld [tilespmem:s13+$0xFFFFFEC0]  }
0xf8: {  	[tilespmem:s13+$0xFFFFFE60] =	vst v5;
	v4 =	vmul.f32 v4, v10;
	v5 =	vld [tilespmem:s13+$0xFFFFFED0]  }
0xf9: {  	[tilespmem:s13+$0xFFFFFE70] =	vst v3;
	v3 =	vmul.f32 v7, v8;
	v10 =	vld [tilespmem:s13+$0xFFFFFEE0]  }
0xfa: {  	[tilespmem:s13+$0xFFFFFE80] =	vst v4;
	v4 =	vmul.f32 v9, v8;
	v9 =	vld [tilespmem:s13+$0xFFFFFEF0]  }
0xfb: {  	[tilespmem:s13+$0xFFFFFE90] =	vst v3;
	v3 =	vmul.f32 v6, v8;
	v12 =	vld [tilespmem:s13+$0xFFFFFF00]  }
.Ltmp2:
0xfc: {  	[tilespmem:s13+$0xFFFFFEA0] =	vst v4;
	v4 =	vmul.f32 v11, v8;
	v7 =	vld [tilespmem:s13+$0xFFFFFF10];
	(pc) =	sbr.rel @p2 .LBB2_7-.Ltmp2, $4  }
0xfd: {  	[tilespmem:s13+$0xFFFFFEB0] =	vst v3;
	v3 =	vmul.f32 v5, v8;
	v6 =	vld [tilespmem:s13+$0xFFFFFF20]  }
0xfe: {  	[tilespmem:s13+$0xFFFFFEC0] =	vst v4;
	v4 =	vmul.f32 v10, v8;
	v5 =	vld [tilespmem:s13+$0xFFFFFF30]  }
0xff: {  	[tilespmem:s13+$0xFFFFFED0] =	vst v3;
	v9 =	vmul.f32 v9, v8;
	v3 =	vld [tilespmem:s13+$0xFFFFFF40]  }
0x100: {  	[tilespmem:s13+$0xFFFFFEE0] =	vst v4;
	v8 =	vmul.f32 v12, v8;
	v4 =	vld [tilespmem:s13+$0xFFFFFF50]  }
0x101: {  	v10 =	vld [tilespmem:s13+$0xFFFFFF60]  }
0x102: {  	[tilespmem:s13+$0xFFFFFEF0] =	vst v9;
	v7 =	vmul.f32 v7, v1;
	v54 =	vld [tilespmem:s13+$0xFFFFFF70]  }
0x103: {  	v55 =	vld [tilespmem:s13+$0xFFFFFF90];
	[tilespmem:s13+$0xFFFFFF00] =	vst v8;
	v6 =	vmul.f32 v6, v1  }
0x104: {  	v56 =	vld [tilespmem:s13+$0xFFFFFFA0];
	[tilespmem:s13+$0xFFFFFF10] =	vst v7;
	v5 =	vmul.f32 v5, v1  }
0x105: {  	v57 =	vld [tilespmem:s13+$0xFFFFFFB0];
	[tilespmem:s13+$0xFFFFFF20] =	vst v6;
	v3 =	vmul.f32 v3, v1  }
0x106: {  	v58 =	vld [tilespmem:s13+$0xFFFFFFC0];
	[tilespmem:s13+$0xFFFFFF30] =	vst v5;
	v4 =	vmul.f32 v4, v1  }
0x107: {  	v11 =	vld [tilespmem:s13+$0xFFFFFFD0];
	v10 =	vmul.f32 v10, v1;
	[tilespmem:s13+$0xFFFFFF40] =	vst v3  }
0x108: {  	v60 =	vld [tilespmem:s13+$0xFFFFFFF0];
	v59 =	vmul.f32 v55, v2;
	[tilespmem:s13+$0xFFFFFF50] =	vst v4  }
0x109: {  	v3 =	vld [tilespmem:s13+$0xFFFFFFE0];
	v7 =	vmul.f32 v56, v2;
	[tilespmem:s13+$0xFFFFFF60] =	vst v10  }
0x10a: {  	v61 =	vld [tilespmem:s13+$0x0];
	v1 =	vmul.f32 v54, v1;
	[tilespmem:s14+$0xFFFFFF90] =	vst v59  }
0x10b: {  	v62 =	vmul.f32 v58, v2;
	[tilespmem:s14+$0xFFFFFFA0] =	vst v7  }
0x10c: {  	[tilespmem:s14+$0xFFFFFF70] =	vst v1;
	v1 =	vmul.f32 v57, v2  }
0x10d: {  	v63 =	vmul.f32 v11, v2;
	[tilespmem:s14+$0xFFFFFFC0] =	vst v62  }
0x10e: {  	[tilespmem:s14+$0xFFFFFFB0] =	vst v1;
	v1 =	vmul.f32 v3, v2  }
0x10f: {  	[tilespmem:s14+$0xFFFFFFD0] =	vst v63;
	v3 =	vmul.f32 v60, v2  }
0x110: {  	v2 =	vmul.f32 v61, v2;
	[tilespmem:s14+$0xFFFFFFE0] =	vst v1  }
0x111: {  	[tilespmem:s14+$0xFFFFFFF0] =	vst v3  }
0x112: {  	s12 =	sadd.s32 @!p1 s12, s20;
	[tilespmem:s14+$0x0] =	vst v2  }
0x113: {  	[spmem:s2] =	stream.indirect.scatter.add.f32 [tilespmem:s26], [sflag:$0x3], $0x80, s31, s25, $0xb8;
	[tilespmem:$0x1F700] =	vst v63  }
0x114: {  	s12 =	sshrl.u32 @!p1 s12, $0x3;
	_ =	swait.ge [sflag:s24], $0x4000  }
0x115: {  	s12 =	sadd.s32 @!p1 s5, s12;
	[sflag:s24] =	ssyncset.done $0x0  }
0x116: {  	s13 =	simm.s32 @!p1 $0x0;
	s14 =	simm.s32 @!p1 $0x80;
	[sflag:s24] =	ssyncadd.s32 $0xFFFFC000  }
0x117: {  	[tilespmem:s14], [sflag:$0x3] =	stream.linear.gather @!p1 [hbm4b:s12+s13], $0x80, $0x38;
	[tilespmem:$0x1F700] =	vst v63  }
0x118: {  	s12 =	simm.s32 @!p1 $0x3  }
0x119: {  	_ =	swait.ge @!p1 [sflag:s12], $0x80  }
0x11a: {  	[sflag:s12] =	ssyncset.done @!p1 $0x0  }
0x11b: {  	s11 =	sadd.s32 $0x1, s11;
	[sflag:s12] =	ssyncadd.s32 @!p1 $0xFFFFFF80;
	s12 =	simm.s32 @!p1 $0x7700  }
0x11c: {  	[tilespmem:s12], [sflag:$0x2] =	stream.indirect.gather @!p1 [hbm4b:s1+s14], $0x80, s14, s14, $0xb8;
	[tilespmem:$0x1F700] =	vst v63  }
0x11d: {  	p1 =	sne.s32 s11, s8  }
.Ltmp3:
0x11e: {  	_ = 	snop;
	(pc) =	sbr.rel @p1 .LBB2_4-.Ltmp3, $2  }
0x11f: {  	_ =	sdelay $0x2  }
0x120: {  	s9 =	sadd.s32 $0x100, s9  }
0x121: {  	s9 =	stileid.u32  }
0x122: {  	[bflag:$0x0] =	sbarrier.arrive $0xFFFF;
	s9 =	sshll.u32 s9, $0x6  }
0x123: {  	s11 =	sshrl.u32 s10, $0x3;
	s12 =	rddreg [dreg:$0xb];
	s9 =	sor.u32 $0x1C03, s9  }
0x124: {  	[hbm:s12], [sflag:s9] =	dma.local [spmem:s11], $0x2800  }
0x125: {  	_ =	swait.ge [sflag:s24], $0x2800  }
0x126: {  	s3 =	sadd.s32 $0x1, s3;
	s22 =	rddreg [dreg:$0xc]  }
0x127: {  	p1 =	sne.s32 s3, s22  }
.Ltmp4:
0x128: {  	_ = 	snop;
	(pc) =	sbr.rel @p1 .LBB2_1-.Ltmp4, $3  }
0x129: {  	_ =	sdelay $0x1  }
0x12a: {  	[sflag:s24] =	ssyncset.done $0x0  }
0x12b: {  	[sflag:s24] =	ssyncadd.s32 $0xFFFFD800  }
0x12c: {  	_ =	sfence.sel $0x180000  }
0x12d: {  	[bflag:$0x0] =	sbarrier.arrive $0xFFFF  }
0x12e: {  	_ =	strace $0x9000004A  }
0x12f: {  	s0 =	stileid.u32;
	[bflag:$0x2] =	sbarrier.arrive $0xFFFF  }
0x130: {  	p0 =	sne.s32 s0, $0x0;
	s0 =	rddreg [dreg:$0x3]  }
0x131: {  	s0 =	sadd.s32 @!p0 $0x100000, s0  }
0x132: {  	[sflag:s0] =	ssyncadd.tile.s32 @!p0 $0x1;
	_ =	shalt  }
.Lfunc_end2:
_tile_overlayer_lowered:
.L_overlay_start_2:
0x133: {  	(tag) =	ssettag $0x2  }
0x134: {  	s0 =	rddreg [dreg:$0x0];
	s2 =	stileid.u32  }
0x135: {  	s1 =	rddreg [dreg:$0x1];
	p0 =	sne.s32 s2, $0x0  }
0x136: {  	s3 =	rddreg [dreg:$0x2];
	[bflag:$0x3] =	sbarrier.arrive $0xFFFF;
	s2 =	simm.s32 @!p0 $0x1C03  }
0x137: {  	[timem:s3], [sflag:s2] =	dma.local @!p0 [hbm:s0], s1  }
0x138: {  	s0 =	simm.s32 @!p0 $0x3  }
0x139: {  	_ =	swait.ge @!p0 [sflag:s0], s1  }
0x13a: {  	s1 =	ssub.s32 @!p0 $0x0, s1;
	[sflag:s0] =	ssyncset.done @!p0 $0x0  }
0x13b: {  	[sflag:s0] =	ssyncadd.s32 @!p0 s1  }
0x13c: {  	[bflag:$0x3] =	sbarrier.arrive $0xFFFF  }
0x13d: {  	_ =	shalt  }

// kernel: kernel.13.cloned.1.call-start
scs
__scs_entry_jumppad:
0x0: {  	(pc) =	sbr.rel $0x88, $3  }
0x1: {  	(tag) =	ssettag $0x0;
	lr =	simm.s32 $0x1  }
0x2: {  	[smem:$0x3F94] =	sst lr;
	_ =	strace $0xD0000000  }
0x3: {  	_ = 	snop  }
0x4: {  	_ = 	snop  }
0x5: {  	_ = 	snop  }
0x6: {  	_ = 	snop  }
0x7: {  	_ = 	snop  }
__scs_overlays_trampoline_lowered:
0x8: {  	[smem:$0x3FA3] =	sst s0  }
0x9: {  	[smem:$0x3FA4] =	sst s1  }
0xa: {  	[smem:$0x3FA5] =	sst s2  }
0xb: {  	[smem:$0x3FA6] =	sst s3  }
0xc: {  	[smem:$0x3FA7] =	sst s4  }
0xd: {  	[smem:$0x3FA8] =	sst s5  }
0xe: {  	[smem:$0x3FA9] =	sst s6  }
0xf: {  	[smem:$0x3FAA] =	sst s7  }
0x10: {  	[smem:$0x3FAB] =	sst s8  }
0x11: {  	[smem:$0x3FAC] =	sst s9;
	s0 =	simm.s32 @!p0 $0x0  }
0x12: {  	s1 =	sld [smem:$0x3F92];
	s0 =	simm.s32 @p0 $0x1  }
0x13: {  	[smem:$0x3FAD] =	sst s0;
	s0 =	simm.s32 @!p1 $0x0  }
0x14: {  	s2 =	sld [smem:$0x3F91];
	s0 =	simm.s32 @p1 $0x1  }
0x15: {  	[smem:$0x3FAE] =	sst s0;
	s0 =	simm.s32 @!p2 $0x0  }
0x16: {  	s3 =	sld [smem:$0x3FDB];
	s0 =	simm.s32 @p2 $0x1  }
0x17: {  	s4 =	simm.s32 $0x1BF5;
	[smem:$0x3FB0] =	sst s0  }
0x18: {  	s0 =	sld [smem:$0x3F93];
	_ =	swait.ge [sflag:s4], $0x0  }
0x19: {  	s7 =	sld [smem:$0x3F94]  }
0x1a: {  	s8 =	sadd.s32 $0xFFFFE003, lr  }
0x1b: {  	s9 =	sadd.s32 $0xFFFFFEF7, lr;
	s5 =	simm.s32 $0xFFFFFFFF;
	p2 =	slt.u32 s8, $0xFFFFF086  }
0x1c: {  	p1 =	slt.u32 s9, $0xF7A;
	s5 =	simm.s32 @!p2 $0x0  }
0x1d: {  	s5 =	simm.s32 @p1 $0x1;
	p0 =	seq.s32 s7, s2  }
0x1e: {  	s7 =	smul.u32 @!p0 $0xF7A, s2;
	p2 =	seq.s32 @!p0 s5, $0x0  }
0x1f: {  	s9 =	smul.u32 $0xF7A, s1;
	s8 =	simm.s32 @!p0 $0x1BF5;
	p2 =	por !p2, p0  }
0x20: {  	[sflag:s8] =	ssyncset.s32 @!p0 $0xFFFFF086;
	s6 =	sadd.s32 @!p0 s3, s7;
	s7 =	simm.s32 @!p0 $0x108  }
0x21: {  	s3 =	sadd.s32 s3, s9;
	s6 =	sadd.s32 @!p0 $0x88, s6;
	s7 =	simm.s32 @p2 $0x1082  }
0x22: {  	[simem:s7], [sflag:s8] =	dma.local @!p0 [hbm:s6], $0xF7A  }
0x23: {  	s9 =	sor.u32 $0xD0000000, s2;
	s6 =	simm.s32 $0x108;
	_ =	swait.ge @!p0 [sflag:s8], $0x0  }
0x24: {  	s3 =	sadd.s32 $0x88, s3;
	s6 =	simm.s32 @!p1 $0x1082;
	[sflag:s4] =	ssyncset.s32 $0xFFFFF086  }
0x25: {  	[simem:s6], [sflag:s4] =	dma.local [hbm:s3], $0xF7A  }
0x26: {  	[smem:$0x3F94] =	sst s1;
	(tag) =	ssettag s2;
	_ =	strace s9  }
0x27: {  	s1 =	sld [smem:$0x3FA4]  }
0x28: {  	s2 =	sld [smem:$0x3FA5]  }
0x29: {  	s4 =	sld [smem:$0x3FA7]  }
0x2a: {  	p0 =	seq.s32 s5, $0x0;
	s5 =	sld [smem:$0x3FA8]  }
0x2b: {  	s6 =	sld [smem:$0x3FA9]  }
0x2c: {  	s7 =	sld [smem:$0x3FAA]  }
0x2d: {  	s3 =	simm.s32 $0x108;
	s8 =	sld [smem:$0x3FAB]  }
0x2e: {  	s3 =	simm.s32 @!p0 $0x1082;
	s9 =	sld [smem:$0x3FAC]  }
0x2f: {  	lr =	sadd.s32 s0, s3;
	s0 =	sld [smem:$0x3FA3]  }
0x30: {  	s3 =	sld [smem:$0x3FA6]  }
0x31: {  	[smem:$0x3FAF] =	sst s10  }
0x32: {  	s10 =	sld [smem:$0x3FAD];
	_ =	sdelay $0x3  }
0x33: {  	p0 =	seq.s32 s10, $0x1;
	s10 =	sld [smem:$0x3FAF];
	_ =	sdelay $0x3  }
0x34: {  	[smem:$0x3FAF] =	sst s10  }
0x35: {  	s10 =	sld [smem:$0x3FAE];
	_ =	sdelay $0x3  }
0x36: {  	p1 =	seq.s32 s10, $0x1;
	s10 =	sld [smem:$0x3FAF];
	_ =	sdelay $0x3  }
0x37: {  	[smem:$0x3FAF] =	sst s10  }
0x38: {  	s10 =	sld [smem:$0x3FB0]  }
0x39: {  	_ = 	snop;
	(pc) =	sbr.ind lr, $3  }
0x3a: {  	_ = 	snop  }
0x3b: {  	_ = 	snop  }
0x3c: {  	p2 =	seq.s32 s10, $0x1;
	s10 =	sld [smem:$0x3FAF]  }
0x3d: {  	_ =	shalt  }
0x3e: {  	_ =	shalt  }
0x3f: {  	_ =	shalt  }
0x40: {  	_ =	shalt  }
0x41: {  	_ =	shalt  }
0x42: {  	_ =	shalt  }
0x43: {  	_ =	shalt  }
0x44: {  	_ =	shalt  }
0x45: {  	_ =	shalt  }
0x46: {  	_ =	shalt  }
0x47: {  	_ =	shalt  }
0x48: {  	_ =	shalt  }
0x49: {  	_ =	shalt  }
0x4a: {  	_ =	shalt  }
0x4b: {  	_ =	shalt  }
0x4c: {  	_ =	shalt  }
0x4d: {  	_ =	shalt  }
0x4e: {  	_ =	shalt  }
0x4f: {  	_ =	shalt  }
0x50: {  	_ =	shalt  }
0x51: {  	_ =	shalt  }
0x52: {  	_ =	shalt  }
0x53: {  	_ =	shalt  }
0x54: {  	_ =	shalt  }
0x55: {  	_ =	shalt  }
0x56: {  	_ =	shalt  }
0x57: {  	_ =	shalt  }
0x58: {  	_ =	shalt  }
0x59: {  	_ =	shalt  }
0x5a: {  	_ =	shalt  }
0x5b: {  	_ =	shalt  }
0x5c: {  	_ =	shalt  }
0x5d: {  	_ =	shalt  }
0x5e: {  	_ =	shalt  }
0x5f: {  	_ =	shalt  }
0x60: {  	_ =	shalt  }
0x61: {  	_ =	shalt  }
0x62: {  	_ =	shalt  }
0x63: {  	_ =	shalt  }
0x64: {  	_ =	shalt  }
0x65: {  	_ =	shalt  }
0x66: {  	_ =	shalt  }
0x67: {  	_ =	shalt  }
0x68: {  	_ =	shalt  }
0x69: {  	_ =	shalt  }
0x6a: {  	_ =	shalt  }
0x6b: {  	_ =	shalt  }
0x6c: {  	_ =	shalt  }
0x6d: {  	_ =	shalt  }
0x6e: {  	_ =	shalt  }
0x6f: {  	_ =	shalt  }
0x70: {  	_ =	shalt  }
0x71: {  	_ =	shalt  }
0x72: {  	_ =	shalt  }
0x73: {  	_ =	shalt  }
0x74: {  	_ =	shalt  }
0x75: {  	_ =	shalt  }
0x76: {  	_ =	shalt  }
0x77: {  	_ =	shalt  }
0x78: {  	_ =	shalt  }
0x79: {  	_ =	shalt  }
0x7a: {  	_ =	shalt  }
0x7b: {  	_ =	shalt  }
0x7c: {  	_ =	shalt  }
0x7d: {  	_ =	shalt  }
0x7e: {  	_ =	shalt  }
0x7f: {  	_ =	shalt  }
0x80: {  	_ =	shalt  }
0x81: {  	_ =	shalt  }
0x82: {  	_ =	shalt  }
0x83: {  	_ =	shalt  }
0x84: {  	_ =	shalt  }
0x85: {  	_ =	shalt  }
0x86: {  	_ =	shalt  }
0x87: {  	_ =	shalt  }
.Lfunc_end0:
.L_simem_size_0:
called_computation.2_lowered:
.L_overlay_start_0:
0x88: {  	s2 =	sld [smem:$0x3FD9]  }
0x89: {  	s3 =	sld [smem:$0x3FFE];
	_ =	sdelay $0x1  }
0x8a: {  	s1 =	srdreg.scid  }
0x8b: {  	s0 =	sand.u32 $0x1, s1  }
0x8c: {  	s14 =	sshll.u32 s0, $0xA;
	s2 =	sadd.s32 s3, s2  }
0x8d: {  	s2 =	sadd.s32 s2, s14  }
0x8e: {  	[smem:$0x3FBB] =	sst s2  }
0x8f: {  	_ = 	snop  }
0x90: {  	s2 =	sld [smem:$0x3FD0];
	_ =	sdelay $0x2  }
0x91: {  	s15 =	simm.s32 $0xA;
	s4 =	simm.s32 $0x10  }
0x92: {  	[smem:s4], [sflag:s15] =	dma.local [hbm:s2], $0x1  }
0x93: {  	_ =	swait.eq [sflag:s15], $0x1  }
0x94: {  	[sflag:s15] =	ssyncset.done $0x0  }
0x95: {  	[sflag:s15] =	ssyncadd.s32 $0xFFFFFFFF  }
0x96: {  	s16 =	sld [smem:$0x11];
	(tm) =	ssettm $0x1  }
0x97: {  	s17 =	sld [smem:$0x3FFB];
	_ =	sdelay $0x3  }
0x98: {  	_ =	strace s17  }
0x99: {  	s3 =	sld [smem:$0x3FFC];
	_ =	sdelay $0x3  }
0x9a: {  	_ =	strace s3  }
0x9b: {  	s3 =	sld [smem:$0x3FFD];
	_ =	sdelay $0x3  }
0x9c: {  	_ =	strace s3  }
0x9d: {  	_ =	strace $0x8FFFFFFF  }
0x9e: {  	s18 =	sld [smem:$0x3FDB];
	_ =	sdelay $0x1  }
0x9f: {  	s19 =	simm.s32 $_scs_section_size  }
0xa0: {  	s5 =	simm.s32 $_size__tile_overlayer_lowered;
	s6 =	simm.s32 $_tile_overlayer_lowered  }
0xa1: {  	s22 =	simm.s32 $0x1BFF;
	s21 =	sshll.u32 s6, $0x1;
	s3 =	sadd.s32 s19, s18  }
0xa2: {  	s7 =	simm.s32 $0x0;
	s20 =	sshll.u32 s5, $0x1;
	s5 =	sadd.s32 s21, s3  }
0xa3: {  	[timem:s7], [sflag:s22] =	dma.local [hbm:s5], s20  }
0xa4: {  	_ =	swait.ge [sflag:s22], s20  }
0xa5: {  	s4 =	ssub.s32 $0x0, s20;
	[sflag:s22] =	ssyncset.done $0x0  }
0xa6: {  	[sflag:s22] =	ssyncadd.s32 s4;
	_ =	sdelay $0x1  }
0xa7: {  	s23 =	simm.s32 $0x1B8B  }
0xa8: {  	_ =	swait.ge [sflag:s23], $0x1  }
0xa9: {  	[sflag:s23] =	ssyncset.done $0x0  }
0xaa: {  	s25 =	simm.s32 $0x1B8E;
	s24 =	sld [smem:$0x3FFE];
	[sflag:s23] =	ssyncadd.s32 $0xFFFFFFFF  }
0xab: {  	s26 =	simm.s32 $execute0_lowered;
	[smem:$0x3FD2] =	sst s25  }
0xac: {  	s5 =	sshll.u32 s26, $0x1;
	_ =	strace $0x8000004C;
	[dreg:$0x1] =	wrdreg $0xFFFFFFFF  }
0xad: {  	s28 =	simm.s32 $_size_execute0_lowered;
	s3 =	sadd.s32 s3, s5;
	[dreg:$0x0] =	wrdreg $0x0  }
0xae: {  	s5 =	sshll.u32 s28, $0x1;
	[dreg:$0x2] =	wrdreg s3  }
0xaf: {  	[dreg:$0x3] =	wrdreg s5  }
0xb0: {  	[dreg:$0x4] =	wrdreg $0xC0  }
0xb1: {  	_ =	task [dreg:s7], $0x5FFFF  }
0xb2: {  	[dreg:$0x1] =	wrdreg $0xFFFFFFFF  }
0xb3: {  	[dreg:$0x0] =	wrdreg $0x60  }
0xb4: {  	[dreg:$0x2] =	wrdreg s16  }
0xb5: {  	[dreg:$0x3] =	wrdreg s24  }
0xb6: {  	[dreg:$0x4] =	wrdreg $0x137000  }
0xb7: {  	[dreg:$0x5] =	wrdreg $0x9  }
0xb8: {  	_ =	task.clear_ibuf [dreg:s7], $0x6FFFF;
	_ =	strace $0x9000004C  }
0xb9: {  	s29 =	simm.s32 $0x9;
	_ =	strace $0x8000004E  }
0xba: {  	_ =	swait.ge [sflag:s29], $0x1  }
0xbb: {  	[sflag:s29] =	ssyncadd.s32 $0xFFFFFFFF  }
0xbc: {  	_ =	strace $0x9000004E  }
0xbd: {  	_ =	sfence  }
0xbe: {  	s30 =	sld [smem:$0x0];
	_ =	sdelay $0x2  }
0xbf: {  	s31 =	sshll.u32 s1, $0xD;
	s1 =	sshrl.u32 s1, $0x2  }
0xc0: {  	s3 =	sand.u32 $0x4000, s31;
	s1 =	sadd.s32 s1, s30  }
0xc1: {  	s0 =	sor.u32 s3, s0;
	s1 =	sshll.u32 s1, $0x11  }
0xc2: {  	s0 =	sor.u32 s1, s0  }
0xc3: {  	s0 =	sadd.s32 $0x8F2B, s0  }
0xc4: {  	[sflag:s0] =	ssyncadd.remote.s32 $0x1  }
0xc5: {  	_ =	sfence.sel $0xFFFF  }
0xc6: {  	[dreg:$0x0] =	wrdreg $0xFFFFFFFF;
	(pc) =	sbr.abs _section_cstart, $3  }
0xc7: {  	[dreg:$0x1] =	wrdreg $0xFFFFFFFF  }
0xc8: {  	_ =	task.clear_ibuf [dreg:s7], $0x2FFFF;
	_ =	strace $0x9FFFFFFF  }
0xc9: {  	(tm) =	ssettm $0x7FFFFFFF  }
tec
execute0_lowered:
.L_overlay_start_1:
0x0: {  	(tag) =	ssettag $0x1  }
0x1: {  	s0 =	rddreg [dreg:$0x0]  }
0x2: {  	s1 =	rddreg [dreg:$0x1]  }
0x3: {  	s2 =	rddreg [dreg:$0x2];
	s15 =	stileid.u32  }
0x4: {  	s5 =	srdreg.scid;
	s6 =	smul.u32 $0x1A0, s15  }
0x5: {  	s3 =	simm.s32 $0x0;
	s17 =	simm.s32 $0xA700;
	s4 =	smul.u32 $0x700, s15  }
0x6: {  	s18 =	simm.s32 $0x5;
	s19 =	simm.s32 $0x80;
	s8 =	smul.u32 $0x5A00, s15  }
0x7: {  	s28 =	simm.s32 $0x4;
	s7 =	sand.u32 $0x1, s5;
	s24 =	smul.u32 $0x16800, s15  }
0x8: {  	[smem:$0x7FF] =	sst s3;
	s12 =	sadd.s32 $0x22000, s1;
	s5 =	smul.u32 $0x5A000, s7  }
0x9: {  	_ =	strace $0x8000004D;
	s23 =	ssub.s32 $0x2, s7;
	p0 =	seq.s32 s7, $0x0  }
0xa: {  	s9 =	sadd.s32 s6, s1;
	s10 =	sshrl.u32 s4, $0x3;
	s14 =	sshrl.u32 s23, $0x1  }
0xb: {  	s4 =	sadd.s32 $0x24800, s1;
	s26 =	sshrl.u32 s24, $0x2;
	s0 =	sadd.s32 s0, s6  }
0xc: {  	s6 =	sadd.s32 s12, s6;
	s24 =	simm.s32 $0x2;
	s11 =	sadd.s32 s10, s1  }
0xd: {  	s22 =	sadd.s32 s8, s5;
	s16 =	ssub.s32 s23, s14;
	s5 =	simm.s32 $0xD  }
0xe: {  	s10 =	sadd.s32 s12, s10;
	[dreg:$0x7] =	wrdreg s0;
	s29 =	sadd.s32 $0x15800, s9  }
0xf: {  	s30 =	sadd.s32 s26, s2;
	[dreg:$0x9] =	wrdreg s6;
	s12 =	sadd.s32 s8, s2  }
0x10: {  	s23 =	simm.s32 $0x1A00;
	s26 =	simm.s32 $0x3;
	s13 =	sshrl.u32 s22, $0x3  }
0x11: {  	s5 =	simm.s32 @!p0 $0x7;
	s25 =	sadd.s32 $0x200, s11;
	[dreg:$0x8] =	wrdreg s29  }
0x12: {  	s11 =	sadd.s32 $0x17200, s11;
	s10 =	sadd.s32 $0x1A00, s10;
	[dreg:$0x4] =	wrdreg s25  }
0x13: {  	s0 =	sadd.s32 $0x4800, s30;
	s16 =	smax.u32 s16, $0x1;
	[dreg:$0x5] =	wrdreg s11  }
0x14: {  	p0 =	sne.s32 s7, $0x0;
	s1 =	sadd.s32 s13, s1;
	[dreg:$0x6] =	wrdreg s10  }
0x15: {  	s22 =	simm.s32 $0x1;
	[dreg:$0xa] =	wrdreg s0;
	s31 =	sadd.s32 $0x4BA00, s1  }
0x16: {  	v0 =	vimm.f32 $0.0e+00;
	vm0 =	vmmov $0x1;
	s14 =	sadd.s32 $0xFFFFFFFF, s5;
	s25 =	simm.s32 $0xEF00;
	[dreg:$0xb] =	wrdreg s31  }
.LBB2_1:
0x17: {  	s0 =	simm.s32 @p0 $0x0;
	s1 =	rddreg [dreg:$0x4]  }
0x18: {  	[tilespmem:s0], [sflag:$0x5] =	stream.linear.gather @p0 [hbm4b:s1+s0], $0x700, $0x38;
	[tilespmem:$0x19100] =	vst v63  }
0x19: {  	s1 =	simm.s32 @p0 $0x5  }
0x1a: {  	_ =	swait.ge @p0 [sflag:s1], $0x700  }
0x1b: {  	[sflag:s1] =	ssyncset.done @p0 $0x0  }
0x1c: {  	s6 =	simm.s32 @p0 $0xD00;
	s7 =	rddreg [dreg:$0x5];
	[sflag:s1] =	ssyncadd.s32 @p0 $0xFFFFF900  }
0x1d: {  	[tilespmem:s6], [sflag:$0x5] =	stream.linear.gather @p0 [hbm4b:s7+s0], $0x700, $0x38;
	[tilespmem:$0x19100] =	vst v63  }
0x1e: {  	_ =	swait.ge @p0 [sflag:s1], $0x700  }
0x1f: {  	[sflag:s1] =	ssyncset.done @p0 $0x0  }
0x20: {  	s6 =	simm.s32 @p0 $0x1A00;
	s7 =	rddreg [dreg:$0x6];
	[sflag:s1] =	ssyncadd.s32 @p0 $0xFFFFF900  }
0x21: {  	[tilespmem:s6], [sflag:$0x5] =	stream.linear.gather @p0 [hbm4b:s7+s0], $0x700, $0x38;
	[tilespmem:$0x19100] =	vst v63  }
0x22: {  	_ =	swait.ge @p0 [sflag:s1], $0x700  }
0x23: {  	[sflag:s1] =	ssyncset.done @p0 $0x0  }
0x24: {  	s0 =	simm.s32 @!p0 $0x0;
	[sflag:s1] =	ssyncadd.s32 @p0 $0xFFFFF900;
	s1 =	rddreg [dreg:$0x7]  }
0x25: {  	[tilespmem:s0], [sflag:$0x5] =	stream.linear.gather @!p0 [hbm4b:s1+s0], $0xD00, $0x38;
	[tilespmem:$0x19100] =	vst v63  }
0x26: {  	s1 =	simm.s32 @!p0 $0x5  }
0x27: {  	_ =	swait.ge @!p0 [sflag:s1], $0xD00  }
0x28: {  	[sflag:s1] =	ssyncset.done @!p0 $0x0  }
0x29: {  	s6 =	simm.s32 @!p0 $0xD00;
	s7 =	rddreg [dreg:$0x8];
	[sflag:s1] =	ssyncadd.s32 @!p0 $0xFFFFF300  }
0x2a: {  	[tilespmem:s6], [sflag:$0x5] =	stream.linear.gather @!p0 [hbm4b:s7+s0], $0xD00, $0x38;
	[tilespmem:$0x19100] =	vst v63  }
0x2b: {  	_ =	swait.ge @!p0 [sflag:s1], $0xD00  }
0x2c: {  	[sflag:s1] =	ssyncset.done @!p0 $0x0  }
0x2d: {  	s6 =	simm.s32 @!p0 $0x1A00;
	s7 =	rddreg [dreg:$0x9];
	[sflag:s1] =	ssyncadd.s32 @!p0 $0xFFFFF300  }
0x2e: {  	[tilespmem:s6], [sflag:$0x5] =	stream.linear.gather @!p0 [hbm4b:s7+s0], $0xD00, $0x38;
	[tilespmem:$0x19100] =	vst v63  }
0x2f: {  	_ =	swait.ge @!p0 [sflag:s1], $0xD00  }
0x30: {  	[sflag:s1] =	ssyncset.done @!p0 $0x0  }
0x31: {  	s0 =	simm.s32 $0x0;
	[sflag:s1] =	ssyncadd.s32 @!p0 $0xFFFFF300;
	s1 =	simm.s32 $0x240  }
.LBB2_2:
0x32: {  	p1 =	sne.s32 s1, $0x11DC0;
	[tilespmem:s0+$0xA780] =	vst v0  }
0x33: {  	[tilespmem:s0+$0xA700] =	vst v0  }
0x34: {  	[tilespmem:s0+$0xA710] =	vst v0  }
0x35: {  	[tilespmem:s0+$0xA720] =	vst v0  }
.Ltmp0:
0x36: {  	[tilespmem:s0+$0xA730] =	vst v0;
	(pc) =	sbr.rel @p1 .LBB2_2-.Ltmp0, $4  }
0x37: {  	[tilespmem:s0+$0xA740] =	vst v0  }
0x38: {  	[tilespmem:s0+$0xA750] =	vst v0  }
0x39: {  	[tilespmem:s0+$0xA760] =	vst v0  }
0x3a: {  	[tilespmem:s0+$0xA770] =	vst v0;
	s0 =	sshra.s32 s1, $0x2;
	s1 =	sadd.s32 $0x240, s1  }
0x3b: {  	[tilespmem:s0+$0xA780] =	vst v0  }
0x3c: {  	[tilespmem:s0+$0xA700] =	vst v0  }
0x3d: {  	[tilespmem:s0+$0xA710] =	vst v0  }
0x3e: {  	[tilespmem:s0+$0xA720] =	vst v0  }
0x3f: {  	[tilespmem:s0+$0xA730] =	vst v0  }
0x40: {  	[tilespmem:s0+$0xA740] =	vst v0  }
0x41: {  	[tilespmem:s0+$0xA750] =	vst v0  }
0x42: {  	[tilespmem:s0+$0xA760] =	vst v0  }
0x43: {  	[tilespmem:s0+$0xA770] =	vst v0  }
0x44: {  	[spmem:s12] =	stream.linear.scatter [tilespmem:s17], [sflag:$0x5], $0x4800, $0x38;
	[tilespmem:$0x19100] =	vst v63  }
0x45: {  	_ =	swait.ge [sflag:s18], $0x4800  }
0x46: {  	[sflag:s18] =	ssyncset.done $0x0  }
0x47: {  	s20 =	rddreg [dreg:$0xa];
	[sflag:s18] =	ssyncadd.s32 $0xFFFFB800  }
0x48: {  	[spmem:s20] =	stream.linear.scatter [tilespmem:s17], [sflag:$0x5], $0x1200, $0x38;
	[tilespmem:$0x19100] =	vst v63  }
0x49: {  	_ =	swait.ge [sflag:s18], $0x1200  }
0x4a: {  	[sflag:s18] =	ssyncset.done $0x0  }
0x4b: {  	[sflag:s18] =	ssyncadd.s32 $0xFFFFEE00  }
0x4c: {  	s29 =	simm.s32 $0x0;
	s21 =	simm.s32 $0x2700;
	[bflag:$0x0] =	sbarrier.arrive $0xFFFF  }
0x4d: {  	[tilespmem:s21], [sflag:$0x1] =	stream.indirect.gather [hbm4b:s4+s19], $0x80, s29, s19, $0xb8;
	[tilespmem:$0x19100] =	vst v63  }
0x4e: {  	s31 =	simm.s32 $0x6700;
	s30 =	simm.s32 $0x0  }
0x4f: {  	[tilespmem:s31], [sflag:$0x2] =	stream.indirect.gather [hbm4b:s4+s19], $0x80, s19, s19, $0xb8;
	[tilespmem:$0x19100] =	vst v63  }
.LBB2_4:
0x50: {  	s0 =	sadd.s32 $0xFFFFFFFC, s29  }
0x51: {  	s1 =	sadd.s32 $0x6, s0  }
0x52: {  	v1 =	vmov s1  }
0x53: {  	_ =	swait.ge [sflag:s22], $0x4000;
	v1 =	vand.u32 $0xFFFFFFFE, v1  }
0x54: {  	p1 =	seq.s32 s30, $0x0;
	[sflag:s22] =	ssyncset.done $0x0;
	s20 =	sadd.s32 $0x4, s0;
	v1 =	vbroadcast v1, $0x0  }
0x55: {  	s6 =	simm.s32 @!p1 $0x3;
	s21 =	sadd.s32 $0x5, s0;
	[sflag:s22] =	ssyncadd.s32 $0xFFFFC000;
	v2 =	vmov s20  }
0x56: {  	v3 =	vmov s21;
	_ =	swait.ge @!p1 [sflag:s6], $0x4800;
	v2 =	vand.u32 $0xFFFFFFFC, v2  }
0x57: {  	v3 =	vand.u32 $0xFFFFFFFD, v3;
	[sflag:s6] =	ssyncset.done @!p1 $0x0;
	v2 =	vbroadcast v2, $0x0  }
0x58: {  	s20 =	simm.s32 $0x2800;
	v4 =	vbroadcast v3, $0x0;
	[sflag:s6] =	ssyncadd.s32 @!p1 $0xFFFFB800  }
0x59: {  	v5 =	vld [tilespmem:s20+$0x0]  }
0x5a: {  	v11 =	vld.idx.msk [tilespmem:v1+s23+$0x0], $0xffff;
	_ =	sdelay $0x1  }
0x5b: {  	v7 =	vld [tilespmem:s20+$0xFFFFFF00]  }
0x5c: {  	s0 =	sadd.s32 $0x7, s0;
	v3 =	vld.idx.msk [tilespmem:v2+s23+$0x0], $0xffff  }
0x5d: {  	v6 =	vmov s0;
	v1 =	vld.idx.msk [tilespmem:v4+s23+$0x0], $0xffff  }
0x5e: {  	v4 =	vmul.f32 v5, v11;
	v5 =	vld [tilespmem:s20+$0xFFFFFF80]  }
0x5f: {  	s0 =	simm.s32 $0xA820  }
0x60: {  	[tilespmem:s0+$0x0] =	vst v4  }
0x61: {  	v7 =	vmul.f32 v7, v3;
	v4 =	vld [tilespmem:s20+$0x10]  }
0x62: {  	v2 =	vld.idx.msk [tilespmem:v6+s23+$0x0], $0xffff  }
0x63: {  	v6 =	vld [tilespmem:s20+$0x80];
	[tilespmem:s0+$0xFFFFFEE0] =	vst v7;
	v5 =	vmul.f32 v5, v1  }
0x64: {  	v7 =	vld [tilespmem:s20+$0xFFFFFF10]  }
0x65: {  	[tilespmem:s0+$0xFFFFFF70] =	vst v5  }
0x66: {  	v4 =	vmul.f32 v4, v11;
	v5 =	vld [tilespmem:s20+$0xFFFFFF90];
	_ =	sdelay $0x1  }
0x67: {  	v6 =	vmul.f32 v6, v2;
	[tilespmem:s0+$0x10] =	vst v4  }
0x68: {  	v7 =	vmul.f32 v7, v3;
	v4 =	vld [tilespmem:s20+$0x20]  }
0x69: {  	[tilespmem:s0+$0x90] =	vst v6  }
0x6a: {  	s7 =	sadd.s32 $0x0, s29;
	v6 =	vld [tilespmem:s20+$0x90];
	[tilespmem:s0+$0xFFFFFEF0] =	vst v7;
	v5 =	vmul.f32 v5, v1  }
0x6b: {  	s8 =	sadd.s32 $0x6, s7;
	v7 =	vld [tilespmem:s20+$0xFFFFFF20]  }
0x6c: {  	v8 =	vmov s8;
	[tilespmem:s0+$0xFFFFFF80] =	vst v5  }
0x6d: {  	v5 =	vand.u32 $0xFFFFFFFE, v8;
	v4 =	vmul.f32 v4, v11;
	v8 =	vld [tilespmem:s20+$0xFFFFFFA0]  }
0x6e: {  	s9 =	sadd.s32 $0x4, s7  }
0x6f: {  	v9 =	vmov s9;
	v6 =	vmul.f32 v6, v2;
	[tilespmem:s0+$0x20] =	vst v4;
	v4 =	vbroadcast v5, $0x0  }
0x70: {  	v9 =	vand.u32 $0xFFFFFFFC, v9;
	v7 =	vmul.f32 v7, v3;
	v5 =	vld [tilespmem:s20+$0x30]  }
0x71: {  	s10 =	sadd.s32 $0x5, s7;
	v9 =	vbroadcast v9, $0x0;
	[tilespmem:s0+$0xA0] =	vst v6  }
0x72: {  	v10 =	vmov s10;
	v6 =	vld [tilespmem:s20+$0xA0];
	[tilespmem:s0+$0xFFFFFF00] =	vst v7;
	v8 =	vmul.f32 v8, v1  }
0x73: {  	s1 =	simm.s32 $0x2A00;
	v7 =	vand.u32 $0xFFFFFFFD, v10;
	v10 =	vld [tilespmem:s20+$0xFFFFFF30]  }
0x74: {  	v12 =	vbroadcast v7, $0x0;
	[tilespmem:s0+$0xFFFFFF90] =	vst v8;
	v8 =	vld [tilespmem:s1+$0x0]  }
0x75: {  	v5 =	vmul.f32 v5, v11;
	v7 =	vld.idx.msk [tilespmem:v4+s23+$0x0], $0xffff  }
0x76: {  	s6 =	sadd.s32 $0x7, s7;
	v14 =	vld [tilespmem:s20+$0xFFFFFFB0]  }
0x77: {  	v13 =	vmov s6;
	v4 =	vmul.f32 v6, v2;
	v6 =	vld.idx.msk [tilespmem:v9+s23+$0x0], $0xffff;
	[tilespmem:s0+$0x30] =	vst v5  }
0x78: {  	v15 =	vld [tilespmem:s20+$0x40]  }
0x79: {  	v9 =	vld [tilespmem:s1+$0xFFFFFF00]  }
0x7a: {  	[tilespmem:s0+$0xB0] =	vst v4;
	v4 =	vld.idx.msk [tilespmem:v12+s23+$0x0], $0xffff;
	v8 =	vmul.f32 v8, v7  }
0x7b: {  	s21 =	simm.s32 $0xAA60;
	v16 =	vld [tilespmem:s20+$0xB0]  }
0x7c: {  	v5 =	vld.idx.msk [tilespmem:v13+s23+$0x0], $0xffff;
	[tilespmem:s21+$0x0] =	vst v8  }
0x7d: {  	v8 =	vmul.f32 v15, v11;
	v12 =	vld [tilespmem:s1+$0x10]  }
0x7e: {  	v10 =	vmul.f32 v10, v3;
	v13 =	vld [tilespmem:s1+$0xFFFFFF80]  }
0x7f: {  	v14 =	vmul.f32 v14, v1;
	[tilespmem:s0+$0x40] =	vst v8;
	v8 =	vld [tilespmem:s1+$0x80]  }
0x80: {  	[tilespmem:s0+$0xFFFFFF10] =	vst v10;
	v10 =	vmul.f32 v16, v2;
	v15 =	vld [tilespmem:s20+$0x50]  }
0x81: {  	v9 =	vmul.f32 v9, v6;
	[tilespmem:s0+$0xFFFFFFA0] =	vst v14;
	v14 =	vld [tilespmem:s20+$0xFFFFFF40]  }
0x82: {  	[tilespmem:s0+$0xC0] =	vst v10;
	v10 =	vld [tilespmem:s20+$0xFFFFFFC0];
	v12 =	vmul.f32 v12, v7  }
0x83: {  	v13 =	vmul.f32 v13, v4;
	[tilespmem:s21+$0xFFFFFEE0] =	vst v9;
	v16 =	vld [tilespmem:s20+$0xC0]  }
0x84: {  	v9 =	vld [tilespmem:s1+$0xFFFFFF10];
	v8 =	vmul.f32 v8, v5;
	[tilespmem:s21+$0x10] =	vst v12  }
0x85: {  	[tilespmem:s21+$0xFFFFFF70] =	vst v13;
	v12 =	vmul.f32 v15, v11;
	v13 =	vld [tilespmem:s1+$0x20]  }
0x86: {  	v15 =	vld [tilespmem:s1+$0xFFFFFF90];
	[tilespmem:s21+$0x90] =	vst v8;
	v8 =	vmul.f32 v14, v3  }
0x87: {  	v10 =	vmul.f32 v10, v1;
	[tilespmem:s0+$0x50] =	vst v12;
	v12 =	vld [tilespmem:s1+$0x90]  }
0x88: {  	v14 =	vld [tilespmem:s20+$0x60];
	[tilespmem:s0+$0xFFFFFF20] =	vst v8;
	v8 =	vmul.f32 v16, v2  }
0x89: {  	v9 =	vmul.f32 v9, v6;
	[tilespmem:s0+$0xFFFFFFB0] =	vst v10;
	v16 =	vld [tilespmem:s20+$0xFFFFFF50]  }
0x8a: {  	v10 =	vld [tilespmem:s20+$0xFFFFFFD0];
	[tilespmem:s0+$0xD0] =	vst v8;
	v8 =	vmul.f32 v13, v7  }
0x8b: {  	[tilespmem:s21+$0xFFFFFEF0] =	vst v9;
	v13 =	vmul.f32 v15, v4;
	v15 =	vld [tilespmem:s20+$0xD0]  }
0x8c: {  	v9 =	vmul.f32 v12, v5;
	v12 =	vld [tilespmem:s1+$0xFFFFFF20];
	[tilespmem:s21+$0x20] =	vst v8  }
0x8d: {  	[tilespmem:s21+$0xFFFFFF80] =	vst v13;
	v8 =	vmul.f32 v14, v11;
	v13 =	vld [tilespmem:s1+$0x30]  }
0x8e: {  	v14 =	vld [tilespmem:s1+$0xFFFFFFA0];
	[tilespmem:s21+$0xA0] =	vst v9;
	v9 =	vmul.f32 v16, v3  }
0x8f: {  	s11 =	sadd.s32 $0x4, s29;
	v10 =	vmul.f32 v10, v1;
	[tilespmem:s0+$0x60] =	vst v8;
	v8 =	vld [tilespmem:s1+$0xA0]  }
0x90: {  	s15 =	sadd.s32 $0x5, s11;
	s7 =	sadd.s32 $0x6, s11;
	v16 =	vld [tilespmem:s20+$0x70];
	[tilespmem:s0+$0xFFFFFF30] =	vst v9;
	v9 =	vmul.f32 v15, v2  }
0x91: {  	s13 =	sadd.s32 $0x4, s11;
	v19 =	vmov s15;
	[tilespmem:s0+$0xFFFFFFC0] =	vst v10;
	v15 =	vmov s7;
	v17 =	vld [tilespmem:s20+$0xFFFFFF60];
	v10 =	vmul.f32 v12, v6  }
0x92: {  	v12 =	vand.u32 $0xFFFFFFFE, v15;
	v15 =	vld [tilespmem:s20+$0xFFFFFFE0];
	[tilespmem:s0+$0xE0] =	vst v9;
	v9 =	vmov s13;
	v13 =	vmul.f32 v13, v7  }
0x93: {  	v12 =	vbroadcast v12, $0x0;
	v14 =	vmul.f32 v14, v4;
	v18 =	vld [tilespmem:s20+$0xE0];
	v9 =	vand.u32 $0xFFFFFFFC, v9;
	[tilespmem:s21+$0xFFFFFF00] =	vst v10  }
0x94: {  	v10 =	vand.u32 $0xFFFFFFFD, v19;
	v19 =	vld [tilespmem:s1+$0xFFFFFF30];
	v9 =	vbroadcast v9, $0x0;
	[tilespmem:s21+$0x30] =	vst v13;
	v8 =	vmul.f32 v8, v5  }
0x95: {  	[tilespmem:s21+$0xFFFFFF90] =	vst v14;
	v13 =	vbroadcast v10, $0x0;
	v20 =	vld [tilespmem:s1+$0x40]  }
0x96: {  	s6 =	sadd.s32 $0x7, s11;
	v21 =	vld [tilespmem:s1+$0xFFFFFFB0];
	[tilespmem:s21+$0xB0] =	vst v8  }
0x97: {  	v8 =	vmov s6;
	s6 =	simm.s32 $0x2C00;
	v22 =	vld [tilespmem:s1+$0xB0]  }
0x98: {  	v10 =	vmul.f32 v16, v11;
	v16 =	vld [tilespmem:s6+$0x0]  }
0x99: {  	v14 =	vld.idx.msk [tilespmem:v12+s23+$0x0], $0xffff;
	v12 =	vmul.f32 v17, v3  }
0x9a: {  	[tilespmem:s0+$0x70] =	vst v10;
	v10 =	vld.idx.msk [tilespmem:v9+s23+$0x0], $0xffff;
	v17 =	vmul.f32 v20, v7  }
0x9b: {  	v15 =	vmul.f32 v15, v1;
	[tilespmem:s0+$0xFFFFFF40] =	vst v12;
	v9 =	vld.idx.msk [tilespmem:v13+s23+$0x0], $0xffff  }
0x9c: {  	v12 =	vmul.f32 v19, v6;
	v8 =	vld.idx.msk [tilespmem:v8+s23+$0x0], $0xffff;
	[tilespmem:s21+$0x40] =	vst v17  }
0x9d: {  	[tilespmem:s0+$0xFFFFFFD0] =	vst v15;
	v13 =	vmul.f32 v21, v4;
	v15 =	vld [tilespmem:s1+$0x50]  }
0x9e: {  	[tilespmem:s21+$0xFFFFFF10] =	vst v12;
	v12 =	vld [tilespmem:s6+$0xFFFFFF00];
	v16 =	vmul.f32 v16, v14  }
0x9f: {  	s8 =	simm.s32 $0xACA0;
	v17 =	vmul.f32 v18, v2;
	[tilespmem:s21+$0xFFFFFFA0] =	vst v13;
	v13 =	vld [tilespmem:s6+$0xFFFFFF80]  }
0xa0: {  	v18 =	vmul.f32 v22, v5;
	[tilespmem:s8+$0x0] =	vst v16;
	v16 =	vld [tilespmem:s6+$0x80]  }
0xa1: {  	[tilespmem:s0+$0xF0] =	vst v17;
	v17 =	vld [tilespmem:s6+$0x10]  }
0xa2: {  	v11 =	vnsel vm0, $0x0, v11;
	[tilespmem:s21+$0xC0] =	vst v18;
	v18 =	vld [tilespmem:s1+$0xFFFFFF40];
	v15 =	vmul.f32 v15, v7  }
0xa3: {  	[tilespmem:s0+$0x80] =	vst v11;
	v11 =	vmul.f32 v12, v10;
	v12 =	vld [tilespmem:s1+$0xFFFFFFC0]  }
0xa4: {  	v13 =	vmul.f32 v13, v9;
	[tilespmem:s21+$0x50] =	vst v15;
	v15 =	vld [tilespmem:s1+$0xC0]  }
0xa5: {  	[tilespmem:s8+$0xFFFFFEE0] =	vst v11;
	v11 =	vmul.f32 v16, v8;
	v16 =	vld [tilespmem:s1+$0x60]  }
0xa6: {  	[tilespmem:s8+$0xFFFFFF70] =	vst v13;
	v19 =	vld [tilespmem:s6+$0xFFFFFF10];
	v13 =	vmul.f32 v17, v14  }
0xa7: {  	v17 =	vld [tilespmem:s6+$0xFFFFFF90];
	[tilespmem:s8+$0x90] =	vst v11;
	v11 =	vmul.f32 v18, v6  }
0xa8: {  	v12 =	vmul.f32 v12, v4;
	[tilespmem:s8+$0x10] =	vst v13;
	v13 =	vld [tilespmem:s6+$0x90]  }
0xa9: {  	v21 =	vld [tilespmem:s6+$0x20];
	[tilespmem:s21+$0xFFFFFF20] =	vst v11;
	v11 =	vmul.f32 v15, v5  }
0xaa: {  	[tilespmem:s21+$0xFFFFFFB0] =	vst v12;
	v22 =	vld [tilespmem:s1+$0xFFFFFF50];
	v12 =	vmul.f32 v16, v7  }
0xab: {  	v27 =	vld [tilespmem:s1+$0xFFFFFFD0];
	v16 =	vmul.f32 v19, v10;
	[tilespmem:s21+$0xD0] =	vst v11  }
0xac: {  	v20 =	vnsel vm0, $0x0, v3;
	v11 =	vmul.f32 v17, v9;
	[tilespmem:s21+$0x60] =	vst v12;
	v28 =	vld [tilespmem:s1+$0xD0]  }
0xad: {  	v18 =	vnsel vm0, $0x0, v7;
	v15 =	vnsel vm0, $0x0, v2;
	[tilespmem:s8+$0xFFFFFEF0] =	vst v16;
	v13 =	vmul.f32 v13, v8;
	v24 =	vld [tilespmem:s1+$0x70]  }
0xae: {  	v19 =	vnsel vm0, $0x0, v1;
	v17 =	vnsel vm0, $0x0, v4;
	v26 =	vld [tilespmem:s6+$0xFFFFFF20];
	[tilespmem:s8+$0xFFFFFF80] =	vst v11;
	v11 =	vmul.f32 v21, v14  }
0xaf: {  	v16 =	vnsel vm0, $0x0, v6;
	v12 =	vnsel vm0, $0x0, v5;
	v25 =	vld [tilespmem:s6+$0xFFFFFFA0];
	[tilespmem:s8+$0xA0] =	vst v13;
	v30 =	vmul.f32 v22, v6  }
0xb0: {  	v21 =	vnsel vm0, $0x0, v9;
	v13 =	vnsel vm0, $0x0, v14;
	v29 =	vmul.f32 v27, v4;
	[tilespmem:s8+$0x20] =	vst v11;
	v23 =	vld [tilespmem:s6+$0xA0]  }
0xb1: {  	s31 =	sshll.u32 s30, $0x8;
	s9 =	simm.s32 $0x8;
	s7 =	simm.s32 $0xACA0;
	v22 =	vnsel vm0, $0x0, v10;
	v11 =	vnsel vm0, $0x0, v8;
	v27 =	vld [tilespmem:s6+$0x30];
	[tilespmem:s21+$0xFFFFFF30] =	vst v30;
	v28 =	vmul.f32 v28, v5  }
.LBB2_5:
0xb2: {  	s10 =	sadd.s32 s9, s29;
	s9 =	sadd.s32 $0x4, s9;
	v30 =	vld [tilespmem:s1+$0xFFFFFF60];
	[tilespmem:s21+$0xFFFFFFC0] =	vst v29;
	v24 =	vmul.f32 v24, v7;
	v7 =	vmov v14  }
0xb3: {  	s11 =	sadd.s32 $0x4, s10;
	s13 =	sadd.s32 $0x6, s10;
	p2 =	slt.u32 s9, $0x7C;
	v14 =	vmul.f32 v26, v10;
	v26 =	vld [tilespmem:s1+$0xFFFFFFE0];
	[tilespmem:s21+$0xE0] =	vst v28  }
0xb4: {  	v28 =	vmov s11;
	s11 =	sadd.s32 $0x5, s10;
	v29 =	vmov s13;
	s10 =	sadd.s32 $0x7, s10;
	v25 =	vmul.f32 v25, v9;
	[tilespmem:s21+$0x70] =	vst v24;
	v24 =	vld [tilespmem:s1+$0xE0]  }
0xb5: {  	v28 =	vand.u32 $0xFFFFFFFC, v28;
	v31 =	vmov s11;
	v29 =	vand.u32 $0xFFFFFFFE, v29;
	[tilespmem:s8+$0xFFFFFF00] =	vst v14;
	v14 =	vld [tilespmem:s20+$0xFFFFFF70]  }
0xb6: {  	v31 =	vand.u32 $0xFFFFFFFD, v31;
	v29 =	vbroadcast v29, $0x0;
	v32 =	vld [tilespmem:s6+$0xFFFFFF30];
	[tilespmem:s8+$0xFFFFFF90] =	vst v25;
	v25 =	vmul.f32 v27, v7  }
0xb7: {  	v27 =	vbroadcast v28, $0x0;
	v28 =	vbroadcast v31, $0x0;
	v31 =	vmov s10;
	v33 =	vld [tilespmem:s6+$0xFFFFFFB0];
	[tilespmem:s0+$0xFFFFFF60] =	vst v20;
	v20 =	vmovc v16;
	v16 =	vmovc v22  }
0xb8: {  	v22 =	vmul.f32 v23, v8;
	v23 =	vmul.f32 v30, v6;
	[tilespmem:s8+$0x30] =	vst v25;
	v25 =	vld [tilespmem:s20+$0xFFFFFFF0]  }
0xb9: {  	v26 =	vmul.f32 v26, v4;
	v30 =	vld [tilespmem:s6+$0x40];
	v24 =	vmul.f32 v24, v5;
	[tilespmem:s0+$0xFFFFFFF0] =	vst v19;
	v19 =	vmovc v17;
	v17 =	vmov v21  }
0xba: {  	[tilespmem:s8+$0xB0] =	vst v22;
	v21 =	vmul.f32 v14, v3;
	v22 =	vld [tilespmem:s20+$0xF0];
	v3 =	vmov v6;
	v6 =	vmov v10;
	s20 =	smov.u32 s1;
	s1 =	smov.u32 s6  }
0xbb: {  	v10 =	vmul.f32 v32, v6;
	v32 =	vld [tilespmem:s6+$0xB0];
	[tilespmem:s21+$0xFFFFFF40] =	vst v23  }
0xbc: {  	s6 =	sadd.s32 $0x200, s6;
	v14 =	vld.idx.msk [tilespmem:v29+s23+$0x0], $0xffff;
	v23 =	vmul.f32 v33, v9;
	[tilespmem:s21+$0xFFFFFFD0] =	vst v26  }
0xbd: {  	v26 =	vld [tilespmem:s6+$0x0];
	[tilespmem:s8+$0xFFFFFF10] =	vst v10;
	v25 =	vmul.f32 v25, v1;
	v1 =	vmov v4;
	v4 =	vmov v9  }
0xbe: {  	v10 =	vld.idx.msk [tilespmem:v27+s23+$0x0], $0xffff;
	[tilespmem:s8+$0xFFFFFFA0] =	vst v23;
	v23 =	vmul.f32 v30, v7  }
0xbf: {  	v9 =	vld.idx.msk [tilespmem:v28+s23+$0x0], $0xffff;
	[tilespmem:s21+$0xF0] =	vst v24;
	v24 =	vmul.f32 v22, v2;
	v2 =	vmov v5;
	v5 =	vmov v8  }
0xc0: {  	v8 =	vld.idx.msk [tilespmem:v31+s23+$0x0], $0xffff;
	[tilespmem:s8+$0x40] =	vst v23;
	v22 =	vmul.f32 v32, v5  }
0xc1: {  	v23 =	vld [tilespmem:s1+$0x50];
	[tilespmem:s0+$0xFFFFFF50] =	vst v21  }
0xc2: {  	v27 =	vld [tilespmem:s6+$0xFFFFFF00];
	v21 =	vmul.f32 v26, v14;
	v26 =	vnsel vm0, $0x0, v14;
	[tilespmem:s8+$0xC0] =	vst v22  }
0xc3: {  	s8 =	sadd.s32 $0x240, s8;
	v28 =	vld [tilespmem:s6+$0xFFFFFF80];
	[tilespmem:s0+$0xFFFFFFE0] =	vst v25  }
0xc4: {  	v22 =	vnsel vm0, $0x0, v10;
	[tilespmem:s8+$0x0] =	vst v21;
	v25 =	vld [tilespmem:s6+$0x80]  }
0xc5: {  	v21 =	vnsel vm0, $0x0, v9;
	v29 =	vld [tilespmem:s6+$0x10];
	[tilespmem:s0+$0x100] =	vst v24  }
0xc6: {  	v24 =	vnsel vm0, $0x0, v8;
	v30 =	vld [tilespmem:s1+$0xFFFFFF40];
	v23 =	vmul.f32 v23, v7;
	[tilespmem:s21+$0x80] =	vst v18;
	v18 =	vmovc v13;
	v13 =	vmov v26  }
0xc7: {  	v26 =	vmul.f32 v27, v10;
	v27 =	vld [tilespmem:s1+$0xFFFFFFC0];
	[tilespmem:s0+$0x110] =	vst v15;
	v15 =	vmovc v12;
	v12 =	vmov v11;
	v11 =	vmov v24;
	s0 =	smov.u32 s21;
	s21 =	smov.u32 s7;
	s7 =	smov.u32 s8  }
0xc8: {  	v24 =	vmul.f32 v28, v9;
	[tilespmem:s21+$0x50] =	vst v23;
	v23 =	vld [tilespmem:s1+$0xC0]  }
0xc9: {  	[tilespmem:s8+$0xFFFFFEE0] =	vst v26;
	v25 =	vmul.f32 v25, v8;
	v26 =	vld [tilespmem:s1+$0x60]  }
0xca: {  	v28 =	vld [tilespmem:s6+$0xFFFFFF10];
	[tilespmem:s8+$0xFFFFFF70] =	vst v24;
	v24 =	vmul.f32 v29, v14  }
0xcb: {  	v29 =	vld [tilespmem:s6+$0xFFFFFF90];
	[tilespmem:s8+$0x90] =	vst v25;
	v25 =	vmul.f32 v30, v6  }
0xcc: {  	[tilespmem:s8+$0x10] =	vst v24;
	v24 =	vld [tilespmem:s6+$0x90];
	v27 =	vmul.f32 v27, v4  }
0xcd: {  	v30 =	vld [tilespmem:s6+$0x20];
	[tilespmem:s21+$0xFFFFFF20] =	vst v25;
	v23 =	vmul.f32 v23, v5  }
0xce: {  	v31 =	vld [tilespmem:s1+$0xFFFFFF50];
	[tilespmem:s21+$0xFFFFFFB0] =	vst v27;
	v25 =	vmul.f32 v26, v7  }
0xcf: {  	v26 =	vmul.f32 v28, v10;
	v27 =	vld [tilespmem:s1+$0xFFFFFFD0];
	[tilespmem:s21+$0xD0] =	vst v23  }
0xd0: {  	v23 =	vmul.f32 v29, v9;
	[tilespmem:s21+$0x60] =	vst v25;
	v28 =	vld [tilespmem:s1+$0xD0]  }
.Ltmp1:
0xd1: {  	[tilespmem:s8+$0xFFFFFEF0] =	vst v26;
	v29 =	vmul.f32 v24, v8;
	v24 =	vld [tilespmem:s1+$0x70];
	(pc) =	sbr.rel @p2 .LBB2_5-.Ltmp1, $4  }
0xd2: {  	v26 =	vld [tilespmem:s6+$0xFFFFFF20];
	[tilespmem:s8+$0xFFFFFF80] =	vst v23;
	v23 =	vmul.f32 v30, v14  }
0xd3: {  	v25 =	vld [tilespmem:s6+$0xFFFFFFA0];
	[tilespmem:s8+$0xA0] =	vst v29;
	v30 =	vmul.f32 v31, v6  }
0xd4: {  	[tilespmem:s8+$0x20] =	vst v23;
	v23 =	vld [tilespmem:s6+$0xA0];
	v29 =	vmul.f32 v27, v4  }
0xd5: {  	v27 =	vld [tilespmem:s6+$0x30];
	[tilespmem:s21+$0xFFFFFF30] =	vst v30;
	v28 =	vmul.f32 v28, v5  }
0xd6: {  	_ =	sdelay $0x3  }
0xd7: {  	v27 =	vmul.f32 v27, v14  }
0xd8: {  	v26 =	vmul.f32 v26, v10  }
0xd9: {  	v25 =	vmul.f32 v25, v9;
	[tilespmem:s8+$0x30] =	vst v27  }
0xda: {  	[tilespmem:s8+$0xFFFFFF00] =	vst v26;
	v23 =	vmul.f32 v23, v8;
	v27 =	vld [tilespmem:s6+$0x40]  }
0xdb: {  	v26 =	vld [tilespmem:s6+$0xFFFFFF30];
	[tilespmem:s8+$0xFFFFFF90] =	vst v25  }
0xdc: {  	v25 =	vld [tilespmem:s6+$0xFFFFFFB0];
	[tilespmem:s8+$0xB0] =	vst v23  }
0xdd: {  	v23 =	vld [tilespmem:s6+$0xB0]  }
0xde: {  	[tilespmem:s21+$0xFFFFFFC0] =	vst v29  }
0xdf: {  	[tilespmem:s21+$0x80] =	vst v18;
	v27 =	vmul.f32 v27, v14  }
0xe0: {  	v30 =	vld [tilespmem:s1+$0xFFFFFF60];
	[tilespmem:s21+$0xE0] =	vst v28;
	v26 =	vmul.f32 v26, v10  }
0xe1: {  	v7 =	vmul.f32 v24, v7;
	v24 =	vld [tilespmem:s1+$0xFFFFFFE0];
	v25 =	vmul.f32 v25, v9;
	[tilespmem:s8+$0x40] =	vst v27  }
0xe2: {  	[tilespmem:s8+$0xFFFFFF10] =	vst v26;
	v23 =	vmul.f32 v23, v8;
	v27 =	vld [tilespmem:s6+$0x50]  }
0xe3: {  	[tilespmem:s8+$0xFFFFFFA0] =	vst v25;
	v25 =	vld [tilespmem:s6+$0xFFFFFF40]  }
0xe4: {  	[tilespmem:s8+$0xC0] =	vst v23;
	v23 =	vld [tilespmem:s6+$0xFFFFFFC0]  }
0xe5: {  	v28 =	vld [tilespmem:s20+$0xFFFFFFF0];
	[tilespmem:s0+$0xFFFFFFF0] =	vst v19  }
0xe6: {  	[tilespmem:s21+$0x70] =	vst v7;
	v19 =	vmul.f32 v24, v4;
	v26 =	vld [tilespmem:s6+$0xC0]  }
0xe7: {  	v7 =	vld [tilespmem:s20+$0xFFFFFF70];
	[tilespmem:s0+$0xFFFFFF60] =	vst v20;
	v20 =	vmul.f32 v27, v14  }
0xe8: {  	[tilespmem:s21+$0xFFFFFFD0] =	vst v19;
	v24 =	vmul.f32 v25, v10  }
0xe9: {  	v29 =	vmul.f32 v30, v6;
	v19 =	vmul.f32 v23, v9;
	v23 =	vld [tilespmem:s20+$0xF0];
	[tilespmem:s7+$0x50] =	vst v20  }
0xea: {  	[tilespmem:s7+$0xFFFFFF20] =	vst v24;
	v20 =	vld [tilespmem:s6+$0x60]  }
0xeb: {  	v1 =	vmul.f32 v28, v1;
	[tilespmem:s21+$0xFFFFFF40] =	vst v29;
	v24 =	vmul.f32 v26, v8;
	v26 =	vld [tilespmem:s6+$0xFFFFFF50]  }
0xec: {  	[tilespmem:s7+$0xFFFFFFB0] =	vst v19  }
0xed: {  	v3 =	vmul.f32 v7, v3;
	[tilespmem:s0+$0xFFFFFFE0] =	vst v1;
	v7 =	vld [tilespmem:s6+$0xFFFFFFD0]  }
0xee: {  	v27 =	vld [tilespmem:s1+$0xE0];
	[tilespmem:s7+$0xD0] =	vst v24;
	v2 =	vmul.f32 v23, v2  }
0xef: {  	[tilespmem:s0+$0xFFFFFF50] =	vst v3;
	v19 =	vmul.f32 v20, v14;
	v20 =	vld [tilespmem:s6+$0xD0]  }
0xf0: {  	v3 =	vmul.f32 v26, v10;
	[tilespmem:s0+$0x100] =	vst v2  }
0xf1: {  	[tilespmem:s7+$0x60] =	vst v19  }
0xf2: {  	v2 =	vmul.f32 v7, v9;
	[tilespmem:s7+$0xFFFFFF30] =	vst v3;
	v1 =	vld [tilespmem:s6+$0x70]  }
0xf3: {  	[tilespmem:s0+$0x110] =	vst v15;
	v25 =	vmul.f32 v27, v5;
	v7 =	vld [tilespmem:s6+$0xFFFFFF60]  }
0xf4: {  	[tilespmem:s7+$0xFFFFFFC0] =	vst v2;
	v3 =	vmul.f32 v20, v8  }
0xf5: {  	[tilespmem:s21+$0xF0] =	vst v25;
	v2 =	vld [tilespmem:s6+$0xFFFFFFE0]  }
0xf6: {  	v15 =	vld [tilespmem:s1+$0xF0];
	[tilespmem:s7+$0xE0] =	vst v3  }
0xf7: {  	[tilespmem:s21+$0x110] =	vst v12;
	v1 =	vmul.f32 v1, v14;
	v3 =	vld [tilespmem:s6+$0xE0]  }
0xf8: {  	[tilespmem:s7+$0x80] =	vst v13;
	v7 =	vmul.f32 v7, v10  }
0xf9: {  	[tilespmem:s7+$0x70] =	vst v1;
	v1 =	vld [tilespmem:s1+$0xFFFFFFF0]  }
0xfa: {  	v2 =	vmul.f32 v2, v9;
	[tilespmem:s7+$0xFFFFFF40] =	vst v7;
	v14 =	vld [tilespmem:s1+$0xFFFFFF70]  }
0xfb: {  	[tilespmem:s21+$0xFFFFFF60] =	vst v16  }
0xfc: {  	[tilespmem:s7+$0xFFFFFFD0] =	vst v2;
	v3 =	vmul.f32 v3, v8  }
0xfd: {  	v2 =	vmul.f32 v15, v5;
	[tilespmem:s21+$0xFFFFFFF0] =	vst v17  }
0xfe: {  	v1 =	vmul.f32 v1, v4;
	[tilespmem:s7+$0xF0] =	vst v3;
	v3 =	vld [tilespmem:s6+$0xFFFFFF70]  }
0xff: {  	[tilespmem:s21+$0x100] =	vst v2;
	v6 =	vmul.f32 v14, v6;
	v2 =	vld [tilespmem:s6+$0xF0]  }
0x100: {  	[tilespmem:s21+$0xFFFFFFE0] =	vst v1;
	v1 =	vld [tilespmem:s6+$0xFFFFFFF0]  }
0x101: {  	[tilespmem:s21+$0xFFFFFF50] =	vst v6  }
0x102: {  	[tilespmem:s7+$0xFFFFFF60] =	vst v22  }
0x103: {  	[tilespmem:s7+$0x110] =	vst v11;
	v3 =	vmul.f32 v3, v10  }
0x104: {  	[tilespmem:s7+$0xFFFFFFF0] =	vst v21;
	v2 =	vmul.f32 v2, v8  }
0x105: {  	p2 =	sge.u32 s30, s14;
	s1 =	sshll.u32 s30, $0xA;
	v1 =	vmul.f32 v1, v9;
	[tilespmem:s7+$0xFFFFFF50] =	vst v3  }
0x106: {  	s0 =	sshra.s32 @!p2 s1, $0x2;
	[tilespmem:s7+$0x100] =	vst v2  }
0x107: {  	s8 =	simm.s32 @!p2 $0x2700;
	s6 =	sadd.s32 @!p2 $0x100, s0;
	[tilespmem:s7+$0xFFFFFFE0] =	vst v1;
	s7 =	simm.s32 @!p2 $0x80  }
0x108: {  	[tilespmem:s8], [sflag:$0x1] =	stream.indirect.gather @!p2 [hbm4b:s4+s7], $0x80, s6, s7, $0xb8;
	[tilespmem:$0x19100] =	vst v63  }
0x109: {  	s1 =	sshra.s32 s1, $0x2;
	s8 =	sadd.s32 $0xFFFFFFFC, s29  }
0x10a: {  	s1 =	sadd.s32 $0xD00, s1;
	s9 =	sadd.s32 $0x86, s8  }
0x10b: {  	v1 =	vmov s9;
	[spmem:s2] =	stream.indirect.scatter.add.f32 [tilespmem:s17], [sflag:$0x3], $0x90, s1, s19, $0xb8;
	[tilespmem:$0x19100] =	vst v63  }
0x10c: {  	v1 =	vand.u32 $0xFFFFFFFE, v1;
	_ =	swait.ge [sflag:s24], $0x4000  }
0x10d: {  	s10 =	sadd.s32 $0x84, s8;
	v1 =	vbroadcast v1, $0x0;
	[sflag:s24] =	ssyncset.done $0x0  }
0x10e: {  	s7 =	simm.s32 @!p1 $0x4;
	s11 =	sadd.s32 $0x85, s8;
	v2 =	vmov s10;
	[sflag:s24] =	ssyncadd.s32 $0xFFFFC000  }
0x10f: {  	v3 =	vmov s11;
	v2 =	vand.u32 $0xFFFFFFFC, v2;
	_ =	swait.ge @!p1 [sflag:s7], $0x4800  }
0x110: {  	v3 =	vand.u32 $0xFFFFFFFD, v3;
	v2 =	vbroadcast v2, $0x0;
	[sflag:s7] =	ssyncset.done @!p1 $0x0  }
0x111: {  	s21 =	simm.s32 $0x68F0;
	v4 =	vbroadcast v3, $0x0;
	[sflag:s7] =	ssyncadd.s32 @!p1 $0xFFFFB800  }
0x112: {  	v5 =	vld [tilespmem:s21+$0xFFFFFF10]  }
0x113: {  	v11 =	vld.idx.msk [tilespmem:v1+s23+$0x0], $0xffff;
	_ =	sdelay $0x1  }
0x114: {  	v7 =	vld [tilespmem:s21+$0xFFFFFE10]  }
0x115: {  	s13 =	sadd.s32 $0x87, s8;
	v3 =	vld.idx.msk [tilespmem:v2+s23+$0x0], $0xffff  }
0x116: {  	v6 =	vmov s13;
	v1 =	vld.idx.msk [tilespmem:v4+s23+$0x0], $0xffff  }
0x117: {  	v4 =	vmul.f32 v5, v11;
	v5 =	vld [tilespmem:s21+$0xFFFFFE90]  }
0x118: {  	s20 =	simm.s32 $0xF130  }
0x119: {  	[tilespmem:s20+$0xFFFFFEF0] =	vst v4  }
0x11a: {  	v7 =	vmul.f32 v7, v3;
	v4 =	vld [tilespmem:s21+$0xFFFFFF20]  }
0x11b: {  	v2 =	vld.idx.msk [tilespmem:v6+s23+$0x0], $0xffff  }
0x11c: {  	v6 =	vld [tilespmem:s21+$0xFFFFFF90];
	[tilespmem:s20+$0xFFFFFDD0] =	vst v7;
	v5 =	vmul.f32 v5, v1  }
0x11d: {  	v7 =	vld [tilespmem:s21+$0xFFFFFE20]  }
0x11e: {  	[tilespmem:s20+$0xFFFFFE60] =	vst v5  }
0x11f: {  	v4 =	vmul.f32 v4, v11;
	v5 =	vld [tilespmem:s21+$0xFFFFFEA0];
	_ =	sdelay $0x1  }
0x120: {  	v6 =	vmul.f32 v6, v2;
	[tilespmem:s20+$0xFFFFFF00] =	vst v4  }
0x121: {  	v7 =	vmul.f32 v7, v3;
	v4 =	vld [tilespmem:s21+$0xFFFFFF30]  }
0x122: {  	[tilespmem:s20+$0xFFFFFF80] =	vst v6  }
0x123: {  	s15 =	sadd.s32 $0x0, s29;
	v6 =	vld [tilespmem:s21+$0xFFFFFFA0];
	[tilespmem:s20+$0xFFFFFDE0] =	vst v7;
	v5 =	vmul.f32 v5, v1  }
0x124: {  	s7 =	sadd.s32 $0x86, s15;
	v7 =	vld [tilespmem:s21+$0xFFFFFE30]  }
0x125: {  	v8 =	vmov s7;
	[tilespmem:s20+$0xFFFFFE70] =	vst v5  }
0x126: {  	v5 =	vand.u32 $0xFFFFFFFE, v8;
	v4 =	vmul.f32 v4, v11;
	v8 =	vld [tilespmem:s21+$0xFFFFFEB0]  }
0x127: {  	s8 =	sadd.s32 $0x84, s15  }
0x128: {  	v9 =	vmov s8;
	v6 =	vmul.f32 v6, v2;
	[tilespmem:s20+$0xFFFFFF10] =	vst v4;
	v4 =	vbroadcast v5, $0x0  }
0x129: {  	v9 =	vand.u32 $0xFFFFFFFC, v9;
	v7 =	vmul.f32 v7, v3;
	v5 =	vld [tilespmem:s21+$0xFFFFFF40]  }
0x12a: {  	s9 =	sadd.s32 $0x85, s15;
	v9 =	vbroadcast v9, $0x0;
	[tilespmem:s20+$0xFFFFFF90] =	vst v6  }
0x12b: {  	v10 =	vmov s9;
	v6 =	vld [tilespmem:s21+$0xFFFFFFB0];
	[tilespmem:s20+$0xFFFFFDF0] =	vst v7;
	v8 =	vmul.f32 v8, v1  }
0x12c: {  	s6 =	simm.s32 $0x6AF0;
	v7 =	vand.u32 $0xFFFFFFFD, v10;
	v10 =	vld [tilespmem:s21+$0xFFFFFE40]  }
0x12d: {  	v12 =	vbroadcast v7, $0x0;
	[tilespmem:s20+$0xFFFFFE80] =	vst v8;
	v8 =	vld [tilespmem:s6+$0xFFFFFF10]  }
0x12e: {  	v5 =	vmul.f32 v5, v11;
	v7 =	vld.idx.msk [tilespmem:v4+s23+$0x0], $0xffff  }
0x12f: {  	s1 =	sadd.s32 $0x87, s15;
	v14 =	vld [tilespmem:s21+$0xFFFFFEC0]  }
0x130: {  	v13 =	vmov s1;
	v4 =	vmul.f32 v6, v2;
	v6 =	vld.idx.msk [tilespmem:v9+s23+$0x0], $0xffff;
	[tilespmem:s20+$0xFFFFFF20] =	vst v5  }
0x131: {  	v15 =	vld [tilespmem:s21+$0xFFFFFF50]  }
0x132: {  	v9 =	vld [tilespmem:s6+$0xFFFFFE10]  }
0x133: {  	[tilespmem:s20+$0xFFFFFFA0] =	vst v4;
	v4 =	vld.idx.msk [tilespmem:v12+s23+$0x0], $0xffff;
	v8 =	vmul.f32 v8, v7  }
0x134: {  	s1 =	simm.s32 $0xF370;
	v16 =	vld [tilespmem:s21+$0xFFFFFFC0]  }
0x135: {  	v5 =	vld.idx.msk [tilespmem:v13+s23+$0x0], $0xffff;
	[tilespmem:s1+$0xFFFFFEF0] =	vst v8  }
0x136: {  	v8 =	vmul.f32 v15, v11;
	v12 =	vld [tilespmem:s6+$0xFFFFFF20]  }
0x137: {  	v10 =	vmul.f32 v10, v3;
	v13 =	vld [tilespmem:s6+$0xFFFFFE90]  }
0x138: {  	v14 =	vmul.f32 v14, v1;
	[tilespmem:s20+$0xFFFFFF30] =	vst v8;
	v8 =	vld [tilespmem:s6+$0xFFFFFF90]  }
0x139: {  	[tilespmem:s20+$0xFFFFFE00] =	vst v10;
	v10 =	vmul.f32 v16, v2;
	v15 =	vld [tilespmem:s21+$0xFFFFFF60]  }
0x13a: {  	v9 =	vmul.f32 v9, v6;
	[tilespmem:s20+$0xFFFFFE90] =	vst v14;
	v14 =	vld [tilespmem:s21+$0xFFFFFE50]  }
0x13b: {  	[tilespmem:s20+$0xFFFFFFB0] =	vst v10;
	v10 =	vld [tilespmem:s21+$0xFFFFFED0];
	v12 =	vmul.f32 v12, v7  }
0x13c: {  	v13 =	vmul.f32 v13, v4;
	[tilespmem:s1+$0xFFFFFDD0] =	vst v9;
	v16 =	vld [tilespmem:s21+$0xFFFFFFD0]  }
0x13d: {  	v9 =	vld [tilespmem:s6+$0xFFFFFE20];
	v8 =	vmul.f32 v8, v5;
	[tilespmem:s1+$0xFFFFFF00] =	vst v12  }
0x13e: {  	[tilespmem:s1+$0xFFFFFE60] =	vst v13;
	v12 =	vmul.f32 v15, v11;
	v13 =	vld [tilespmem:s6+$0xFFFFFF30]  }
0x13f: {  	v15 =	vld [tilespmem:s6+$0xFFFFFEA0];
	[tilespmem:s1+$0xFFFFFF80] =	vst v8;
	v8 =	vmul.f32 v14, v3  }
0x140: {  	v10 =	vmul.f32 v10, v1;
	[tilespmem:s20+$0xFFFFFF40] =	vst v12;
	v12 =	vld [tilespmem:s6+$0xFFFFFFA0]  }
0x141: {  	v14 =	vld [tilespmem:s21+$0xFFFFFF70];
	[tilespmem:s20+$0xFFFFFE10] =	vst v8;
	v8 =	vmul.f32 v16, v2  }
0x142: {  	v9 =	vmul.f32 v9, v6;
	[tilespmem:s20+$0xFFFFFEA0] =	vst v10;
	v16 =	vld [tilespmem:s21+$0xFFFFFE60]  }
0x143: {  	v10 =	vld [tilespmem:s21+$0xFFFFFEE0];
	[tilespmem:s20+$0xFFFFFFC0] =	vst v8;
	v8 =	vmul.f32 v13, v7  }
0x144: {  	[tilespmem:s1+$0xFFFFFDE0] =	vst v9;
	v13 =	vmul.f32 v15, v4;
	v15 =	vld [tilespmem:s21+$0xFFFFFFE0]  }
0x145: {  	v9 =	vmul.f32 v12, v5;
	v12 =	vld [tilespmem:s6+$0xFFFFFE30];
	[tilespmem:s1+$0xFFFFFF10] =	vst v8  }
0x146: {  	[tilespmem:s1+$0xFFFFFE70] =	vst v13;
	v8 =	vmul.f32 v14, v11;
	v13 =	vld [tilespmem:s6+$0xFFFFFF40]  }
0x147: {  	v14 =	vld [tilespmem:s6+$0xFFFFFEB0];
	[tilespmem:s1+$0xFFFFFF90] =	vst v9;
	v9 =	vmul.f32 v16, v3  }
0x148: {  	s10 =	sadd.s32 $0x4, s29;
	v10 =	vmul.f32 v10, v1;
	[tilespmem:s20+$0xFFFFFF50] =	vst v8;
	v8 =	vld [tilespmem:s6+$0xFFFFFFB0]  }
0x149: {  	s11 =	sadd.s32 $0x86, s10;
	s15 =	sadd.s32 $0x85, s10;
	v16 =	vld [tilespmem:s21+$0xFFFFFF80];
	[tilespmem:s20+$0xFFFFFE20] =	vst v9;
	v9 =	vmul.f32 v15, v2  }
0x14a: {  	s13 =	sadd.s32 $0x84, s10;
	v19 =	vmov s15;
	[tilespmem:s20+$0xFFFFFEB0] =	vst v10;
	v15 =	vmov s11;
	v17 =	vld [tilespmem:s21+$0xFFFFFE70];
	v10 =	vmul.f32 v12, v6  }
0x14b: {  	v12 =	vand.u32 $0xFFFFFFFE, v15;
	v15 =	vld [tilespmem:s21+$0xFFFFFEF0];
	[tilespmem:s20+$0xFFFFFFD0] =	vst v9;
	v9 =	vmov s13;
	v13 =	vmul.f32 v13, v7  }
0x14c: {  	v12 =	vbroadcast v12, $0x0;
	v14 =	vmul.f32 v14, v4;
	v18 =	vld [tilespmem:s21+$0xFFFFFFF0];
	v9 =	vand.u32 $0xFFFFFFFC, v9;
	[tilespmem:s1+$0xFFFFFDF0] =	vst v10  }
0x14d: {  	v10 =	vand.u32 $0xFFFFFFFD, v19;
	v19 =	vld [tilespmem:s6+$0xFFFFFE40];
	v9 =	vbroadcast v9, $0x0;
	[tilespmem:s1+$0xFFFFFF20] =	vst v13;
	v8 =	vmul.f32 v8, v5  }
0x14e: {  	[tilespmem:s1+$0xFFFFFE80] =	vst v14;
	v13 =	vbroadcast v10, $0x0;
	v20 =	vld [tilespmem:s6+$0xFFFFFF50]  }
0x14f: {  	s7 =	sadd.s32 $0x87, s10;
	v21 =	vld [tilespmem:s6+$0xFFFFFEC0];
	[tilespmem:s1+$0xFFFFFFA0] =	vst v8  }
0x150: {  	v8 =	vmov s7;
	s7 =	simm.s32 $0x6CF0;
	v22 =	vld [tilespmem:s6+$0xFFFFFFC0]  }
0x151: {  	v10 =	vmul.f32 v16, v11;
	v16 =	vld [tilespmem:s7+$0xFFFFFF10]  }
0x152: {  	v14 =	vld.idx.msk [tilespmem:v12+s23+$0x0], $0xffff;
	v12 =	vmul.f32 v17, v3  }
0x153: {  	[tilespmem:s20+$0xFFFFFF60] =	vst v10;
	v10 =	vld.idx.msk [tilespmem:v9+s23+$0x0], $0xffff;
	v17 =	vmul.f32 v20, v7  }
0x154: {  	v15 =	vmul.f32 v15, v1;
	[tilespmem:s20+$0xFFFFFE30] =	vst v12;
	v9 =	vld.idx.msk [tilespmem:v13+s23+$0x0], $0xffff  }
0x155: {  	v12 =	vmul.f32 v19, v6;
	v8 =	vld.idx.msk [tilespmem:v8+s23+$0x0], $0xffff;
	[tilespmem:s1+$0xFFFFFF30] =	vst v17  }
0x156: {  	[tilespmem:s20+$0xFFFFFEC0] =	vst v15;
	v13 =	vmul.f32 v21, v4;
	v15 =	vld [tilespmem:s6+$0xFFFFFF60]  }
0x157: {  	[tilespmem:s1+$0xFFFFFE00] =	vst v12;
	v12 =	vld [tilespmem:s7+$0xFFFFFE10];
	v16 =	vmul.f32 v16, v14  }
0x158: {  	s9 =	simm.s32 $0xF5B0;
	v17 =	vmul.f32 v18, v2;
	[tilespmem:s1+$0xFFFFFE90] =	vst v13;
	v13 =	vld [tilespmem:s7+$0xFFFFFE90]  }
0x159: {  	v18 =	vmul.f32 v22, v5;
	[tilespmem:s9+$0xFFFFFEF0] =	vst v16;
	v16 =	vld [tilespmem:s7+$0xFFFFFF90]  }
0x15a: {  	[tilespmem:s20+$0xFFFFFFE0] =	vst v17;
	v17 =	vld [tilespmem:s7+$0xFFFFFF20]  }
0x15b: {  	v11 =	vnsel vm0, $0x0, v11;
	[tilespmem:s1+$0xFFFFFFB0] =	vst v18;
	v18 =	vld [tilespmem:s6+$0xFFFFFE50];
	v15 =	vmul.f32 v15, v7  }
0x15c: {  	[tilespmem:s20+$0xFFFFFF70] =	vst v11;
	v11 =	vmul.f32 v12, v10;
	v12 =	vld [tilespmem:s6+$0xFFFFFED0]  }
0x15d: {  	v13 =	vmul.f32 v13, v9;
	[tilespmem:s1+$0xFFFFFF40] =	vst v15;
	v15 =	vld [tilespmem:s6+$0xFFFFFFD0]  }
0x15e: {  	[tilespmem:s9+$0xFFFFFDD0] =	vst v11;
	v11 =	vmul.f32 v16, v8;
	v16 =	vld [tilespmem:s6+$0xFFFFFF70]  }
0x15f: {  	[tilespmem:s9+$0xFFFFFE60] =	vst v13;
	v19 =	vld [tilespmem:s7+$0xFFFFFE20];
	v13 =	vmul.f32 v17, v14  }
0x160: {  	v17 =	vld [tilespmem:s7+$0xFFFFFEA0];
	[tilespmem:s9+$0xFFFFFF80] =	vst v11;
	v11 =	vmul.f32 v18, v6  }
0x161: {  	v12 =	vmul.f32 v12, v4;
	[tilespmem:s9+$0xFFFFFF00] =	vst v13;
	v13 =	vld [tilespmem:s7+$0xFFFFFFA0]  }
0x162: {  	v21 =	vld [tilespmem:s7+$0xFFFFFF30];
	[tilespmem:s1+$0xFFFFFE10] =	vst v11;
	v11 =	vmul.f32 v15, v5  }
0x163: {  	[tilespmem:s1+$0xFFFFFEA0] =	vst v12;
	v22 =	vld [tilespmem:s6+$0xFFFFFE60];
	v12 =	vmul.f32 v16, v7  }
0x164: {  	v27 =	vld [tilespmem:s6+$0xFFFFFEE0];
	v16 =	vmul.f32 v19, v10;
	[tilespmem:s1+$0xFFFFFFC0] =	vst v11  }
0x165: {  	v20 =	vnsel vm0, $0x0, v3;
	v11 =	vmul.f32 v17, v9;
	[tilespmem:s1+$0xFFFFFF50] =	vst v12;
	v28 =	vld [tilespmem:s6+$0xFFFFFFE0]  }
0x166: {  	v18 =	vnsel vm0, $0x0, v7;
	v15 =	vnsel vm0, $0x0, v2;
	[tilespmem:s9+$0xFFFFFDE0] =	vst v16;
	v12 =	vmul.f32 v13, v8;
	v24 =	vld [tilespmem:s6+$0xFFFFFF80]  }
0x167: {  	v19 =	vnsel vm0, $0x0, v1;
	v17 =	vnsel vm0, $0x0, v4;
	v26 =	vld [tilespmem:s7+$0xFFFFFE30];
	[tilespmem:s9+$0xFFFFFE70] =	vst v11;
	v23 =	vmul.f32 v21, v14  }
0x168: {  	v16 =	vnsel vm0, $0x0, v6;
	v13 =	vnsel vm0, $0x0, v14;
	v25 =	vld [tilespmem:s7+$0xFFFFFEB0];
	[tilespmem:s9+$0xFFFFFF90] =	vst v12;
	v30 =	vmul.f32 v22, v6  }
0x169: {  	v11 =	vnsel vm0, $0x0, v5;
	v21 =	vnsel vm0, $0x0, v9;
	v29 =	vmul.f32 v27, v4;
	[tilespmem:s9+$0xFFFFFF10] =	vst v23;
	v23 =	vld [tilespmem:s7+$0xFFFFFFB0]  }
0x16a: {  	s31 =	sor.u32 $0x80, s31;
	s8 =	simm.s32 $0xF5B0;
	s10 =	simm.s32 $0x8;
	v22 =	vnsel vm0, $0x0, v10;
	v12 =	vnsel vm0, $0x0, v8;
	v27 =	vld [tilespmem:s7+$0xFFFFFF40];
	[tilespmem:s1+$0xFFFFFE20] =	vst v30;
	v28 =	vmul.f32 v28, v5  }
.LBB2_7:
0x16b: {  	s11 =	sadd.s32 s10, s29;
	s10 =	sadd.s32 $0x4, s10;
	v30 =	vld [tilespmem:s6+$0xFFFFFE70];
	[tilespmem:s1+$0xFFFFFEB0] =	vst v29;
	v24 =	vmul.f32 v24, v7;
	v7 =	vmov v14  }
0x16c: {  	s13 =	sadd.s32 $0x84, s11;
	s15 =	sadd.s32 $0x86, s11;
	p1 =	slt.u32 s10, $0x7C;
	v14 =	vmul.f32 v26, v10;
	v26 =	vld [tilespmem:s6+$0xFFFFFEF0];
	[tilespmem:s1+$0xFFFFFFD0] =	vst v28  }
0x16d: {  	v28 =	vmov s13;
	s13 =	sadd.s32 $0x85, s11;
	v29 =	vmov s15;
	s11 =	sadd.s32 $0x87, s11;
	v25 =	vmul.f32 v25, v9;
	[tilespmem:s1+$0xFFFFFF60] =	vst v24;
	v24 =	vld [tilespmem:s6+$0xFFFFFFF0]  }
0x16e: {  	v28 =	vand.u32 $0xFFFFFFFC, v28;
	v31 =	vmov s13;
	v29 =	vand.u32 $0xFFFFFFFE, v29;
	[tilespmem:s9+$0xFFFFFDF0] =	vst v14;
	v14 =	vld [tilespmem:s21+$0xFFFFFE80]  }
0x16f: {  	v31 =	vand.u32 $0xFFFFFFFD, v31;
	v29 =	vbroadcast v29, $0x0;
	v32 =	vld [tilespmem:s7+$0xFFFFFE40];
	[tilespmem:s9+$0xFFFFFE80] =	vst v25;
	v25 =	vmul.f32 v27, v7  }
0x170: {  	v27 =	vbroadcast v28, $0x0;
	v28 =	vbroadcast v31, $0x0;
	v31 =	vmov s11;
	v33 =	vld [tilespmem:s7+$0xFFFFFEC0];
	[tilespmem:s20+$0xFFFFFE50] =	vst v20;
	v20 =	vmovc v16;
	v16 =	vmovc v22  }
0x171: {  	v22 =	vmul.f32 v23, v8;
	v23 =	vmul.f32 v30, v6;
	[tilespmem:s9+$0xFFFFFF20] =	vst v25;
	v25 =	vld [tilespmem:s21+$0xFFFFFF00]  }
0x172: {  	v26 =	vmul.f32 v26, v4;
	v30 =	vld [tilespmem:s7+$0xFFFFFF50];
	v24 =	vmul.f32 v24, v5;
	[tilespmem:s20+$0xFFFFFEE0] =	vst v19;
	v19 =	vmovc v17;
	v17 =	vmov v21  }
0x173: {  	[tilespmem:s9+$0xFFFFFFA0] =	vst v22;
	v21 =	vmul.f32 v14, v3;
	v22 =	vld [tilespmem:s21+$0x0];
	v3 =	vmov v6;
	v6 =	vmov v10;
	s21 =	smov.u32 s6;
	s6 =	smov.u32 s7  }
0x174: {  	v10 =	vmul.f32 v32, v6;
	v32 =	vld [tilespmem:s7+$0xFFFFFFC0];
	[tilespmem:s1+$0xFFFFFE30] =	vst v23  }
0x175: {  	s7 =	sadd.s32 $0x200, s7;
	v14 =	vld.idx.msk [tilespmem:v29+s23+$0x0], $0xffff;
	v23 =	vmul.f32 v33, v9;
	[tilespmem:s1+$0xFFFFFEC0] =	vst v26  }
0x176: {  	v26 =	vld [tilespmem:s7+$0xFFFFFF10];
	[tilespmem:s9+$0xFFFFFE00] =	vst v10;
	v25 =	vmul.f32 v25, v1;
	v1 =	vmov v4;
	v4 =	vmov v9  }
0x177: {  	v10 =	vld.idx.msk [tilespmem:v27+s23+$0x0], $0xffff;
	[tilespmem:s9+$0xFFFFFE90] =	vst v23;
	v23 =	vmul.f32 v30, v7  }
0x178: {  	v9 =	vld.idx.msk [tilespmem:v28+s23+$0x0], $0xffff;
	[tilespmem:s1+$0xFFFFFFE0] =	vst v24;
	v24 =	vmul.f32 v22, v2;
	v2 =	vmov v5;
	v5 =	vmov v8  }
0x179: {  	v8 =	vld.idx.msk [tilespmem:v31+s23+$0x0], $0xffff;
	[tilespmem:s9+$0xFFFFFF30] =	vst v23;
	v22 =	vmul.f32 v32, v5  }
0x17a: {  	v23 =	vld [tilespmem:s6+$0xFFFFFF60];
	[tilespmem:s20+$0xFFFFFE40] =	vst v21  }
0x17b: {  	v27 =	vld [tilespmem:s7+$0xFFFFFE10];
	v21 =	vmul.f32 v26, v14;
	v26 =	vnsel vm0, $0x0, v14;
	[tilespmem:s9+$0xFFFFFFB0] =	vst v22  }
0x17c: {  	s9 =	sadd.s32 $0x240, s9;
	v28 =	vld [tilespmem:s7+$0xFFFFFE90];
	[tilespmem:s20+$0xFFFFFED0] =	vst v25  }
0x17d: {  	v22 =	vnsel vm0, $0x0, v10;
	[tilespmem:s9+$0xFFFFFEF0] =	vst v21;
	v25 =	vld [tilespmem:s7+$0xFFFFFF90]  }
0x17e: {  	v21 =	vnsel vm0, $0x0, v9;
	v29 =	vld [tilespmem:s7+$0xFFFFFF20];
	[tilespmem:s20+$0xFFFFFFF0] =	vst v24  }
0x17f: {  	v24 =	vnsel vm0, $0x0, v8;
	v30 =	vld [tilespmem:s6+$0xFFFFFE50];
	v23 =	vmul.f32 v23, v7;
	[tilespmem:s1+$0xFFFFFF70] =	vst v18;
	v18 =	vmovc v13;
	v13 =	vmov v26  }
0x180: {  	v26 =	vmul.f32 v27, v10;
	v27 =	vld [tilespmem:s6+$0xFFFFFED0];
	[tilespmem:s20+$0x0] =	vst v15;
	v15 =	vmovc v11;
	v11 =	vmov v12;
	v12 =	vmov v24;
	s20 =	smov.u32 s1;
	s1 =	smov.u32 s8;
	s8 =	smov.u32 s9  }
0x181: {  	v24 =	vmul.f32 v28, v9;
	[tilespmem:s1+$0xFFFFFF40] =	vst v23;
	v23 =	vld [tilespmem:s6+$0xFFFFFFD0]  }
0x182: {  	[tilespmem:s9+$0xFFFFFDD0] =	vst v26;
	v25 =	vmul.f32 v25, v8;
	v26 =	vld [tilespmem:s6+$0xFFFFFF70]  }
0x183: {  	v28 =	vld [tilespmem:s7+$0xFFFFFE20];
	[tilespmem:s9+$0xFFFFFE60] =	vst v24;
	v24 =	vmul.f32 v29, v14  }
0x184: {  	v29 =	vld [tilespmem:s7+$0xFFFFFEA0];
	[tilespmem:s9+$0xFFFFFF80] =	vst v25;
	v25 =	vmul.f32 v30, v6  }
0x185: {  	[tilespmem:s9+$0xFFFFFF00] =	vst v24;
	v24 =	vld [tilespmem:s7+$0xFFFFFFA0];
	v27 =	vmul.f32 v27, v4  }
0x186: {  	v30 =	vld [tilespmem:s7+$0xFFFFFF30];
	[tilespmem:s1+$0xFFFFFE10] =	vst v25;
	v23 =	vmul.f32 v23, v5  }
0x187: {  	v31 =	vld [tilespmem:s6+$0xFFFFFE60];
	[tilespmem:s1+$0xFFFFFEA0] =	vst v27;
	v25 =	vmul.f32 v26, v7  }
0x188: {  	v26 =	vmul.f32 v28, v10;
	v27 =	vld [tilespmem:s6+$0xFFFFFEE0];
	[tilespmem:s1+$0xFFFFFFC0] =	vst v23  }
0x189: {  	v23 =	vmul.f32 v29, v9;
	[tilespmem:s1+$0xFFFFFF50] =	vst v25;
	v28 =	vld [tilespmem:s6+$0xFFFFFFE0]  }
.Ltmp2:
0x18a: {  	[tilespmem:s9+$0xFFFFFDE0] =	vst v26;
	v29 =	vmul.f32 v24, v8;
	v24 =	vld [tilespmem:s6+$0xFFFFFF80];
	(pc) =	sbr.rel @p1 .LBB2_7-.Ltmp2, $4  }
0x18b: {  	v26 =	vld [tilespmem:s7+$0xFFFFFE30];
	[tilespmem:s9+$0xFFFFFE70] =	vst v23;
	v23 =	vmul.f32 v30, v14  }
0x18c: {  	v25 =	vld [tilespmem:s7+$0xFFFFFEB0];
	[tilespmem:s9+$0xFFFFFF90] =	vst v29;
	v30 =	vmul.f32 v31, v6  }
0x18d: {  	[tilespmem:s9+$0xFFFFFF10] =	vst v23;
	v23 =	vld [tilespmem:s7+$0xFFFFFFB0];
	v29 =	vmul.f32 v27, v4  }
0x18e: {  	v27 =	vld [tilespmem:s7+$0xFFFFFF40];
	[tilespmem:s1+$0xFFFFFE20] =	vst v30;
	v28 =	vmul.f32 v28, v5  }
0x18f: {  	_ =	sdelay $0x3  }
0x190: {  	v27 =	vmul.f32 v27, v14;
	_ =	sdelay $0x1  }
0x191: {  	v26 =	vmul.f32 v26, v10;
	[tilespmem:s9+$0xFFFFFF20] =	vst v27  }
0x192: {  	v25 =	vmul.f32 v25, v9;
	v27 =	vld [tilespmem:s7+$0xFFFFFF50]  }
0x193: {  	[tilespmem:s9+$0xFFFFFDF0] =	vst v26;
	v23 =	vmul.f32 v23, v8  }
0x194: {  	v26 =	vld [tilespmem:s7+$0xFFFFFE40];
	[tilespmem:s9+$0xFFFFFE80] =	vst v25  }
0x195: {  	v25 =	vld [tilespmem:s7+$0xFFFFFEC0];
	[tilespmem:s9+$0xFFFFFFA0] =	vst v23  }
0x196: {  	[tilespmem:s1+$0xFFFFFEB0] =	vst v29;
	v23 =	vld [tilespmem:s7+$0xFFFFFFC0]  }
0x197: {  	v42 =	vld [tilespmem:s21+$0xFFFFFE80];
	[tilespmem:s20+$0xFFFFFE50] =	vst v20;
	v27 =	vmul.f32 v27, v14  }
0x198: {  	v43 =	vld [tilespmem:s21+$0xFFFFFF00];
	[tilespmem:s20+$0xFFFFFEE0] =	vst v19  }
0x199: {  	v30 =	vld [tilespmem:s6+$0xFFFFFE70];
	v26 =	vmul.f32 v26, v10;
	[tilespmem:s9+$0xFFFFFF30] =	vst v27  }
0x19a: {  	[tilespmem:s1+$0xFFFFFF70] =	vst v18;
	v25 =	vmul.f32 v25, v9;
	v27 =	vld [tilespmem:s7+$0xFFFFFF60]  }
0x19b: {  	v53 =	vld [tilespmem:s21+$0x0];
	[tilespmem:s9+$0xFFFFFE00] =	vst v26;
	v23 =	vmul.f32 v23, v8  }
0x19c: {  	[tilespmem:s9+$0xFFFFFE90] =	vst v25;
	v44 =	vld [tilespmem:s7+$0xFFFFFE50]  }
0x19d: {  	[tilespmem:s9+$0xFFFFFFB0] =	vst v23;
	v45 =	vld [tilespmem:s7+$0xFFFFFED0]  }
0x19e: {  	v7 =	vmul.f32 v24, v7;
	[tilespmem:s20+$0x0] =	vst v15;
	v47 =	vld [tilespmem:s7+$0xFFFFFFD0]  }
0x19f: {  	[tilespmem:s1+$0xFFFFFFD0] =	vst v28;
	v46 =	vmul.f32 v27, v14  }
0x1a0: {  	[tilespmem:s1+$0xFFFFFF60] =	vst v7;
	v49 =	vmul.f32 v30, v6  }
0x1a1: {  	v51 =	vmul.f32 v44, v10;
	[tilespmem:s8+$0xFFFFFF40] =	vst v46  }
0x1a2: {  	[tilespmem:s1+$0xFFFFFE30] =	vst v49;
	v52 =	vmul.f32 v45, v9;
	v20 =	vld [tilespmem:s7+$0xFFFFFF70]  }
0x1a3: {  	v41 =	vld [tilespmem:s6+$0xFFFFFEF0];
	[tilespmem:s8+$0xFFFFFE10] =	vst v51;
	v54 =	vmul.f32 v47, v8  }
0x1a4: {  	v3 =	vmul.f32 v42, v3;
	v56 =	vld [tilespmem:s7+$0xFFFFFE60];
	[tilespmem:s8+$0xFFFFFEA0] =	vst v52  }
0x1a5: {  	v1 =	vmul.f32 v43, v1;
	v57 =	vld [tilespmem:s7+$0xFFFFFEE0];
	[tilespmem:s8+$0xFFFFFFC0] =	vst v54  }
0x1a6: {  	v2 =	vmul.f32 v53, v2;
	[tilespmem:s20+$0xFFFFFE40] =	vst v3;
	v59 =	vld [tilespmem:s7+$0xFFFFFFE0]  }
0x1a7: {  	[tilespmem:s20+$0xFFFFFED0] =	vst v1;
	v58 =	vmul.f32 v20, v14  }
0x1a8: {  	v48 =	vld [tilespmem:s6+$0xFFFFFFF0];
	v50 =	vmul.f32 v41, v4;
	[tilespmem:s20+$0xFFFFFFF0] =	vst v2  }
0x1a9: {  	v3 =	vmul.f32 v56, v10;
	[tilespmem:s8+$0xFFFFFF50] =	vst v58  }
0x1aa: {  	[tilespmem:s1+$0xFFFFFEC0] =	vst v50;
	v2 =	vmul.f32 v57, v9;
	v1 =	vld [tilespmem:s7+$0xFFFFFF80]  }
0x1ab: {  	v61 =	vld [tilespmem:s6+$0xFFFFFE80];
	[tilespmem:s8+$0xFFFFFE20] =	vst v3;
	v3 =	vmul.f32 v59, v8  }
0x1ac: {  	v60 =	vld [tilespmem:s7+$0xFFFFFE70];
	[tilespmem:s8+$0xFFFFFEB0] =	vst v2  }
0x1ad: {  	v55 =	vmul.f32 v48, v5;
	v2 =	vld [tilespmem:s7+$0xFFFFFEF0];
	[tilespmem:s8+$0xFFFFFFD0] =	vst v3  }
0x1ae: {  	[tilespmem:s1+$0xFFFFFE50] =	vst v16;
	v3 =	vld [tilespmem:s7+$0xFFFFFFF0]  }
0x1af: {  	[tilespmem:s1+$0xFFFFFFE0] =	vst v55;
	v1 =	vmul.f32 v1, v14  }
0x1b0: {  	v62 =	vld [tilespmem:s6+$0x0];
	[tilespmem:s1+$0x0] =	vst v11;
	v63 =	vmul.f32 v61, v6  }
0x1b1: {  	v7 =	vmul.f32 v60, v10;
	[tilespmem:s8+$0xFFFFFF60] =	vst v1;
	v1 =	vld [tilespmem:s6+$0xFFFFFF00]  }
0x1b2: {  	[tilespmem:s1+$0xFFFFFE40] =	vst v63;
	v2 =	vmul.f32 v2, v9  }
0x1b3: {  	v3 =	vmul.f32 v3, v8;
	[tilespmem:s8+$0xFFFFFE30] =	vst v7  }
0x1b4: {  	[tilespmem:s8+$0xFFFFFEC0] =	vst v2  }
0x1b5: {  	v2 =	vmul.f32 v62, v5;
	[tilespmem:s8+$0xFFFFFFE0] =	vst v3;
	v3 =	vld [tilespmem:s7+$0xFFFFFE80]  }
0x1b6: {  	[tilespmem:s8+$0xFFFFFF70] =	vst v13;
	v1 =	vmul.f32 v1, v4  }
0x1b7: {  	[tilespmem:s1+$0xFFFFFFF0] =	vst v2;
	v2 =	vld [tilespmem:s7+$0x0]  }
0x1b8: {  	[tilespmem:s1+$0xFFFFFED0] =	vst v1;
	v1 =	vld [tilespmem:s7+$0xFFFFFF00]  }
0x1b9: {  	[tilespmem:s8+$0xFFFFFE50] =	vst v22  }
0x1ba: {  	[tilespmem:s1+$0xFFFFFEE0] =	vst v17;
	v3 =	vmul.f32 v3, v10  }
0x1bb: {  	[tilespmem:s8+$0x0] =	vst v12  }
0x1bc: {  	s30 =	sadd.s32 $0x1, s30;
	v2 =	vmul.f32 v2, v8;
	[tilespmem:s8+$0xFFFFFE40] =	vst v3  }
0x1bd: {  	p1 =	sne.s32 s30, s5;
	[tilespmem:s8+$0xFFFFFEE0] =	vst v21;
	v1 =	vmul.f32 v1, v9  }
.Ltmp3:
0x1be: {  	[tilespmem:s8+$0xFFFFFFF0] =	vst v2;
	(pc) =	sbr.rel @p1 .LBB2_4-.Ltmp3, $4  }
0x1bf: {  	s0 =	sadd.s32 @!p2 $0x180, s0;
	s6 =	simm.s32 @!p2 $0x6700;
	s1 =	simm.s32 @!p2 $0x80;
	[tilespmem:s8+$0xFFFFFED0] =	vst v1  }
0x1c0: {  	[tilespmem:s6], [sflag:$0x2] =	stream.indirect.gather @!p2 [hbm4b:s4+s1], $0x80, s0, s1, $0xb8;
	[tilespmem:$0x19100] =	vst v63  }
0x1c1: {  	s31 =	sadd.s32 $0xD00, s31;
	s29 =	sadd.s32 $0x100, s29  }
0x1c2: {  	[spmem:s2] =	stream.indirect.scatter.add.f32 [tilespmem:s25], [sflag:$0x4], $0x90, s31, s19, $0xb8;
	[tilespmem:$0x19100] =	vst v63  }
0x1c3: {  	_ =	swait.ge [sflag:s26], $0x4800  }
0x1c4: {  	[sflag:s26] =	ssyncset.done $0x0  }
0x1c5: {  	[sflag:s26] =	ssyncadd.s32 $0xFFFFB800  }
0x1c6: {  	_ =	swait.ge [sflag:s28], $0x4800  }
0x1c7: {  	s0 =	stileid.u32;
	[sflag:s28] =	ssyncset.done $0x0  }
0x1c8: {  	s1 =	sshrl.u32 s12, $0x3;
	s3 =	sadd.s32 $0x1, s3;
	[sflag:s28] =	ssyncadd.s32 $0xFFFFB800  }
0x1c9: {  	s0 =	sshll.u32 s0, $0x6;
	p1 =	sne.s32 s3, s16;
	[bflag:$0x0] =	sbarrier.arrive $0xFFFF  }
.Ltmp4:
0x1ca: {  	s0 =	sor.u32 $0x1C05, s0;
	s6 =	rddreg [dreg:$0xb];
	(pc) =	sbr.rel @p1 .LBB2_1-.Ltmp4, $4  }
0x1cb: {  	[hbm:s6], [sflag:s0] =	dma.local [spmem:s1], $0xB40  }
0x1cc: {  	_ =	swait.ge [sflag:s18], $0xB40  }
0x1cd: {  	[sflag:s18] =	ssyncset.done $0x0  }
0x1ce: {  	[sflag:s18] =	ssyncadd.s32 $0xFFFFF4C0  }
0x1cf: {  	_ =	sfence.sel $0x180000  }
0x1d0: {  	[bflag:$0x0] =	sbarrier.arrive $0xFFFF  }
0x1d1: {  	_ =	strace $0x9000004D  }
0x1d2: {  	s0 =	stileid.u32;
	[bflag:$0x2] =	sbarrier.arrive $0xFFFF  }
0x1d3: {  	p0 =	sne.s32 s0, $0x0;
	s0 =	rddreg [dreg:$0x3]  }
0x1d4: {  	s0 =	sadd.s32 @!p0 $0x100000, s0  }
0x1d5: {  	[sflag:s0] =	ssyncadd.tile.s32 @!p0 $0x1;
	_ =	shalt  }
.Lfunc_end2:
_tile_overlayer_lowered:
.L_overlay_start_2:
0x1d6: {  	(tag) =	ssettag $0x2  }
0x1d7: {  	s0 =	rddreg [dreg:$0x0];
	s2 =	stileid.u32  }
0x1d8: {  	s1 =	rddreg [dreg:$0x1];
	p0 =	sne.s32 s2, $0x0  }
0x1d9: {  	s3 =	rddreg [dreg:$0x2];
	[bflag:$0x3] =	sbarrier.arrive $0xFFFF;
	s2 =	simm.s32 @!p0 $0x1C05  }
0x1da: {  	[timem:s3], [sflag:s2] =	dma.local @!p0 [hbm:s0], s1  }
0x1db: {  	s0 =	simm.s32 @!p0 $0x5  }
0x1dc: {  	_ =	swait.ge @!p0 [sflag:s0], s1  }
0x1dd: {  	s1 =	ssub.s32 @!p0 $0x0, s1;
	[sflag:s0] =	ssyncset.done @!p0 $0x0  }
0x1de: {  	[sflag:s0] =	ssyncadd.s32 @!p0 s1  }
0x1df: {  	[bflag:$0x3] =	sbarrier.arrive $0xFFFF  }
0x1e0: {  	_ =	shalt  }

// kernel: kernel.7.cloned.1.call-start
scs
__scs_entry_jumppad:
0x0: {  	(pc) =	sbr.rel $0x88, $3  }
0x1: {  	(tag) =	ssettag $0x0;
	lr =	simm.s32 $0x1  }
0x2: {  	[smem:$0x3F94] =	sst lr;
	_ =	strace $0xD0000000  }
0x3: {  	_ = 	snop  }
0x4: {  	_ = 	snop  }
0x5: {  	_ = 	snop  }
0x6: {  	_ = 	snop  }
0x7: {  	_ = 	snop  }
__scs_overlays_trampoline_lowered:
0x8: {  	[smem:$0x3FA3] =	sst s0  }
0x9: {  	[smem:$0x3FA4] =	sst s1  }
0xa: {  	[smem:$0x3FA5] =	sst s2  }
0xb: {  	[smem:$0x3FA6] =	sst s3  }
0xc: {  	[smem:$0x3FA7] =	sst s4  }
0xd: {  	[smem:$0x3FA8] =	sst s5  }
0xe: {  	[smem:$0x3FA9] =	sst s6  }
0xf: {  	[smem:$0x3FAA] =	sst s7  }
0x10: {  	[smem:$0x3FAB] =	sst s8  }
0x11: {  	[smem:$0x3FAC] =	sst s9;
	s0 =	simm.s32 @!p0 $0x0  }
0x12: {  	s1 =	sld [smem:$0x3F92];
	s0 =	simm.s32 @p0 $0x1  }
0x13: {  	[smem:$0x3FAD] =	sst s0;
	s0 =	simm.s32 @!p1 $0x0  }
0x14: {  	s2 =	sld [smem:$0x3F91];
	s0 =	simm.s32 @p1 $0x1  }
0x15: {  	[smem:$0x3FAE] =	sst s0;
	s0 =	simm.s32 @!p2 $0x0  }
0x16: {  	s3 =	sld [smem:$0x3FDB];
	s0 =	simm.s32 @p2 $0x1  }
0x17: {  	s4 =	simm.s32 $0x1BF5;
	[smem:$0x3FB0] =	sst s0  }
0x18: {  	s0 =	sld [smem:$0x3F93];
	_ =	swait.ge [sflag:s4], $0x0  }
0x19: {  	s7 =	sld [smem:$0x3F94]  }
0x1a: {  	s8 =	sadd.s32 $0xFFFFE003, lr  }
0x1b: {  	s9 =	sadd.s32 $0xFFFFFEF7, lr;
	s5 =	simm.s32 $0xFFFFFFFF;
	p2 =	slt.u32 s8, $0xFFFFF086  }
0x1c: {  	p1 =	slt.u32 s9, $0xF7A;
	s5 =	simm.s32 @!p2 $0x0  }
0x1d: {  	s5 =	simm.s32 @p1 $0x1;
	p0 =	seq.s32 s7, s2  }
0x1e: {  	s7 =	smul.u32 @!p0 $0xF7A, s2;
	p2 =	seq.s32 @!p0 s5, $0x0  }
0x1f: {  	s9 =	smul.u32 $0xF7A, s1;
	s8 =	simm.s32 @!p0 $0x1BF5;
	p2 =	por !p2, p0  }
0x20: {  	[sflag:s8] =	ssyncset.s32 @!p0 $0xFFFFF086;
	s6 =	sadd.s32 @!p0 s3, s7;
	s7 =	simm.s32 @!p0 $0x108  }
0x21: {  	s3 =	sadd.s32 s3, s9;
	s6 =	sadd.s32 @!p0 $0x88, s6;
	s7 =	simm.s32 @p2 $0x1082  }
0x22: {  	[simem:s7], [sflag:s8] =	dma.local @!p0 [hbm:s6], $0xF7A  }
0x23: {  	s9 =	sor.u32 $0xD0000000, s2;
	s6 =	simm.s32 $0x108;
	_ =	swait.ge @!p0 [sflag:s8], $0x0  }
0x24: {  	s3 =	sadd.s32 $0x88, s3;
	s6 =	simm.s32 @!p1 $0x1082;
	[sflag:s4] =	ssyncset.s32 $0xFFFFF086  }
0x25: {  	[simem:s6], [sflag:s4] =	dma.local [hbm:s3], $0xF7A  }
0x26: {  	[smem:$0x3F94] =	sst s1;
	(tag) =	ssettag s2;
	_ =	strace s9  }
0x27: {  	s1 =	sld [smem:$0x3FA4]  }
0x28: {  	s2 =	sld [smem:$0x3FA5]  }
0x29: {  	s4 =	sld [smem:$0x3FA7]  }
0x2a: {  	p0 =	seq.s32 s5, $0x0;
	s5 =	sld [smem:$0x3FA8]  }
0x2b: {  	s6 =	sld [smem:$0x3FA9]  }
0x2c: {  	s7 =	sld [smem:$0x3FAA]  }
0x2d: {  	s3 =	simm.s32 $0x108;
	s8 =	sld [smem:$0x3FAB]  }
0x2e: {  	s3 =	simm.s32 @!p0 $0x1082;
	s9 =	sld [smem:$0x3FAC]  }
0x2f: {  	lr =	sadd.s32 s0, s3;
	s0 =	sld [smem:$0x3FA3]  }
0x30: {  	s3 =	sld [smem:$0x3FA6]  }
0x31: {  	[smem:$0x3FAF] =	sst s10  }
0x32: {  	s10 =	sld [smem:$0x3FAD];
	_ =	sdelay $0x3  }
0x33: {  	p0 =	seq.s32 s10, $0x1;
	s10 =	sld [smem:$0x3FAF];
	_ =	sdelay $0x3  }
0x34: {  	[smem:$0x3FAF] =	sst s10  }
0x35: {  	s10 =	sld [smem:$0x3FAE];
	_ =	sdelay $0x3  }
0x36: {  	p1 =	seq.s32 s10, $0x1;
	s10 =	sld [smem:$0x3FAF];
	_ =	sdelay $0x3  }
0x37: {  	[smem:$0x3FAF] =	sst s10  }
0x38: {  	s10 =	sld [smem:$0x3FB0]  }
0x39: {  	_ = 	snop;
	(pc) =	sbr.ind lr, $3  }
0x3a: {  	_ = 	snop  }
0x3b: {  	_ = 	snop  }
0x3c: {  	p2 =	seq.s32 s10, $0x1;
	s10 =	sld [smem:$0x3FAF]  }
0x3d: {  	_ =	shalt  }
0x3e: {  	_ =	shalt  }
0x3f: {  	_ =	shalt  }
0x40: {  	_ =	shalt  }
0x41: {  	_ =	shalt  }
0x42: {  	_ =	shalt  }
0x43: {  	_ =	shalt  }
0x44: {  	_ =	shalt  }
0x45: {  	_ =	shalt  }
0x46: {  	_ =	shalt  }
0x47: {  	_ =	shalt  }
0x48: {  	_ =	shalt  }
0x49: {  	_ =	shalt  }
0x4a: {  	_ =	shalt  }
0x4b: {  	_ =	shalt  }
0x4c: {  	_ =	shalt  }
0x4d: {  	_ =	shalt  }
0x4e: {  	_ =	shalt  }
0x4f: {  	_ =	shalt  }
0x50: {  	_ =	shalt  }
0x51: {  	_ =	shalt  }
0x52: {  	_ =	shalt  }
0x53: {  	_ =	shalt  }
0x54: {  	_ =	shalt  }
0x55: {  	_ =	shalt  }
0x56: {  	_ =	shalt  }
0x57: {  	_ =	shalt  }
0x58: {  	_ =	shalt  }
0x59: {  	_ =	shalt  }
0x5a: {  	_ =	shalt  }
0x5b: {  	_ =	shalt  }
0x5c: {  	_ =	shalt  }
0x5d: {  	_ =	shalt  }
0x5e: {  	_ =	shalt  }
0x5f: {  	_ =	shalt  }
0x60: {  	_ =	shalt  }
0x61: {  	_ =	shalt  }
0x62: {  	_ =	shalt  }
0x63: {  	_ =	shalt  }
0x64: {  	_ =	shalt  }
0x65: {  	_ =	shalt  }
0x66: {  	_ =	shalt  }
0x67: {  	_ =	shalt  }
0x68: {  	_ =	shalt  }
0x69: {  	_ =	shalt  }
0x6a: {  	_ =	shalt  }
0x6b: {  	_ =	shalt  }
0x6c: {  	_ =	shalt  }
0x6d: {  	_ =	shalt  }
0x6e: {  	_ =	shalt  }
0x6f: {  	_ =	shalt  }
0x70: {  	_ =	shalt  }
0x71: {  	_ =	shalt  }
0x72: {  	_ =	shalt  }
0x73: {  	_ =	shalt  }
0x74: {  	_ =	shalt  }
0x75: {  	_ =	shalt  }
0x76: {  	_ =	shalt  }
0x77: {  	_ =	shalt  }
0x78: {  	_ =	shalt  }
0x79: {  	_ =	shalt  }
0x7a: {  	_ =	shalt  }
0x7b: {  	_ =	shalt  }
0x7c: {  	_ =	shalt  }
0x7d: {  	_ =	shalt  }
0x7e: {  	_ =	shalt  }
0x7f: {  	_ =	shalt  }
0x80: {  	_ =	shalt  }
0x81: {  	_ =	shalt  }
0x82: {  	_ =	shalt  }
0x83: {  	_ =	shalt  }
0x84: {  	_ =	shalt  }
0x85: {  	_ =	shalt  }
0x86: {  	_ =	shalt  }
0x87: {  	_ =	shalt  }
.Lfunc_end0:
.L_simem_size_0:
called_computation_lowered:
.L_overlay_start_0:
0x88: {  	s2 =	sld [smem:$0x3FD9]  }
0x89: {  	s3 =	sld [smem:$0x3FFE];
	_ =	sdelay $0x1  }
0x8a: {  	s1 =	srdreg.scid  }
0x8b: {  	s0 =	sand.u32 $0x1, s1  }
0x8c: {  	s14 =	sshll.u32 s0, $0xA;
	s2 =	sadd.s32 s3, s2  }
0x8d: {  	s2 =	sadd.s32 s2, s14  }
0x8e: {  	[smem:$0x3FBB] =	sst s2  }
0x8f: {  	_ = 	snop  }
0x90: {  	s2 =	sld [smem:$0x3FD0];
	_ =	sdelay $0x2  }
0x91: {  	s15 =	simm.s32 $0xA;
	s4 =	simm.s32 $0x10  }
0x92: {  	[smem:s4], [sflag:s15] =	dma.local [hbm:s2], $0x1  }
0x93: {  	_ =	swait.eq [sflag:s15], $0x1  }
0x94: {  	[sflag:s15] =	ssyncset.done $0x0  }
0x95: {  	s16 =	sld [smem:$0x11];
	[sflag:s15] =	ssyncadd.s32 $0xFFFFFFFF  }
0x96: {  	s17 =	sld [smem:$0x12];
	(tm) =	ssettm $0x1  }
0x97: {  	s18 =	sld [smem:$0x3FFB];
	_ =	sdelay $0x3  }
0x98: {  	_ =	strace s18  }
0x99: {  	s4 =	sld [smem:$0x3FFC];
	_ =	sdelay $0x3  }
0x9a: {  	_ =	strace s4  }
0x9b: {  	s4 =	sld [smem:$0x3FFD];
	_ =	sdelay $0x3  }
0x9c: {  	_ =	strace s4  }
0x9d: {  	_ =	strace $0x8FFFFFFF  }
0x9e: {  	s19 =	sld [smem:$0x3FDB];
	_ =	sdelay $0x1  }
0x9f: {  	s5 =	simm.s32 $_scs_section_size  }
0xa0: {  	s6 =	simm.s32 $_size__tile_overlayer_lowered;
	s7 =	simm.s32 $_tile_overlayer_lowered  }
0xa1: {  	s22 =	simm.s32 $0x1BFF;
	s21 =	sshll.u32 s7, $0x1;
	s4 =	sadd.s32 s5, s19  }
0xa2: {  	s8 =	simm.s32 $0x0;
	s20 =	sshll.u32 s6, $0x1;
	s6 =	sadd.s32 s21, s4  }
0xa3: {  	[timem:s8], [sflag:s22] =	dma.local [hbm:s6], s20  }
0xa4: {  	_ =	swait.ge [sflag:s22], s20  }
0xa5: {  	s5 =	ssub.s32 $0x0, s20;
	[sflag:s22] =	ssyncset.done $0x0  }
0xa6: {  	[sflag:s22] =	ssyncadd.s32 s5;
	_ =	sdelay $0x1  }
0xa7: {  	s23 =	simm.s32 $0x1B8B  }
0xa8: {  	_ =	swait.ge [sflag:s23], $0x1  }
0xa9: {  	[sflag:s23] =	ssyncset.done $0x0  }
0xaa: {  	s25 =	simm.s32 $0x1B8E;
	s24 =	sld [smem:$0x3FFE];
	[sflag:s23] =	ssyncadd.s32 $0xFFFFFFFF  }
0xab: {  	s26 =	simm.s32 $execute0_lowered;
	[smem:$0x3FD2] =	sst s25  }
0xac: {  	s6 =	sshll.u32 s26, $0x1;
	_ =	strace $0x80000046;
	[dreg:$0x1] =	wrdreg $0xFFFFFFFF  }
0xad: {  	s28 =	simm.s32 $_size_execute0_lowered;
	s4 =	sadd.s32 s4, s6;
	[dreg:$0x0] =	wrdreg $0x0  }
0xae: {  	s6 =	sshll.u32 s28, $0x1;
	[dreg:$0x2] =	wrdreg s4  }
0xaf: {  	[dreg:$0x3] =	wrdreg s6  }
0xb0: {  	[dreg:$0x4] =	wrdreg $0xC0  }
0xb1: {  	_ =	task [dreg:s8], $0x5FFFF  }
0xb2: {  	[dreg:$0x1] =	wrdreg $0xFFFFFFFF  }
0xb3: {  	[dreg:$0x0] =	wrdreg $0x60  }
0xb4: {  	[dreg:$0x2] =	wrdreg s24  }
0xb5: {  	[dreg:$0x3] =	wrdreg s17  }
0xb6: {  	[dreg:$0x4] =	wrdreg s16  }
0xb7: {  	[dreg:$0x5] =	wrdreg $0x9  }
0xb8: {  	_ =	task.clear_ibuf [dreg:s8], $0x6FFFF;
	_ =	strace $0x90000046  }
0xb9: {  	s29 =	simm.s32 $0x9;
	_ =	strace $0x80000048  }
0xba: {  	_ =	swait.ge [sflag:s29], $0x1  }
0xbb: {  	[sflag:s29] =	ssyncadd.s32 $0xFFFFFFFF  }
0xbc: {  	_ =	strace $0x90000048  }
0xbd: {  	_ =	sfence  }
0xbe: {  	s30 =	sld [smem:$0x0];
	_ =	sdelay $0x2  }
0xbf: {  	s31 =	sshll.u32 s1, $0xD;
	s1 =	sshrl.u32 s1, $0x2  }
0xc0: {  	s3 =	sand.u32 $0x4000, s31;
	s1 =	sadd.s32 s1, s30  }
0xc1: {  	s0 =	sor.u32 s3, s0;
	s1 =	sshll.u32 s1, $0x11  }
0xc2: {  	s0 =	sor.u32 s1, s0  }
0xc3: {  	s0 =	sadd.s32 $0x8F2B, s0  }
0xc4: {  	[sflag:s0] =	ssyncadd.remote.s32 $0x1  }
0xc5: {  	_ =	sfence.sel $0xFFFF  }
0xc6: {  	[dreg:$0x0] =	wrdreg $0xFFFFFFFF;
	(pc) =	sbr.abs _section_cstart, $3  }
0xc7: {  	[dreg:$0x1] =	wrdreg $0xFFFFFFFF  }
0xc8: {  	_ =	task.clear_ibuf [dreg:s8], $0x2FFFF;
	_ =	strace $0x9FFFFFFF  }
0xc9: {  	(tm) =	ssettm $0x7FFFFFFF  }
tec
execute0_lowered:
.L_overlay_start_1:
0x0: {  	(tag) =	ssettag $0x1  }
0x1: {  	s0 =	rddreg [dreg:$0x0]  }
0x2: {  	s1 =	rddreg [dreg:$0x1]  }
0x3: {  	s2 =	rddreg [dreg:$0x2];
	s3 =	srdreg.scid  }
0x4: {  	s5 =	stileid.u32;
	s16 =	simm.s32 $0x1;
	s17 =	simm.s32 $0x2780  }
0x5: {  	s18 =	simm.s32 $0x4F00;
	s19 =	simm.s32 $0x7680;
	s20 =	simm.s32 $0x8080  }
0x6: {  	s21 =	simm.s32 $0x8A80;
	s22 =	simm.s32 $0x9480;
	s23 =	simm.s32 $0xBC80  }
0x7: {  	s24 =	simm.s32 $0x10C80;
	s25 =	simm.s32 $0x11680;
	s26 =	simm.s32 $0xE480  }
0x8: {  	s28 =	simm.s32 $0x12080;
	s29 =	simm.s32 $0x0;
	s9 =	sand.u32 $0x1, s3  }
0x9: {  	s3 =	simm.s32 $0x0;
	s6 =	sadd.s32 $0x200, s0;
	s4 =	sshll.u32 s9, $0x4  }
0xa: {  	s8 =	sadd.s32 $0x1600, s0;
	[smem:$0x7FF] =	sst s3;
	s7 =	sor.u32 s5, s4  }
0xb: {  	s9 =	ssub.s32 $0x2, s9;
	_ =	strace $0x80000047;
	s10 =	smul.u32 $0x500, s7  }
0xc: {  	s4 =	sadd.s32 $0xE00, s0;
	s31 =	sshrl.u32 s9, $0x1;
	s11 =	smul.u32 $0x140, s7  }
0xd: {  	s5 =	sadd.s32 $0x800, s0;
	s7 =	sadd.s32 $0x1400, s0;
	s15 =	ssub.s32 s9, s31  }
0xe: {  	s15 =	smax.u32 s15, $0x1;
	s13 =	sadd.s32 s10, s0;
	s0 =	sadd.s32 s11, s0  }
0xf: {  	s11 =	sadd.s32 s2, s11;
	s9 =	sadd.s32 $0x1800, s13;
	s10 =	sadd.s32 $0xB800, s13  }
0x10: {  	s12 =	sadd.s32 $0x15800, s0;
	s13 =	sadd.s32 $0x18000, s13;
	s14 =	sadd.s32 $0x22000, s0  }
.LBB2_1:
0x11: {  	[tilespmem:s3], [sflag:$0x1] =	stream.linear.gather [hbm4b:s4+s3], $0x2780, $0x38;
	[tilespmem:$0x12A80] =	vst v63  }
0x12: {  	_ =	swait.ge [sflag:s16], $0x2780  }
0x13: {  	[sflag:s16] =	ssyncset.done $0x0  }
0x14: {  	[sflag:s16] =	ssyncadd.s32 $0xFFFFD880  }
0x15: {  	[tilespmem:s17], [sflag:$0x1] =	stream.linear.gather [hbm4b:s5+s3], $0x2780, $0x38;
	[tilespmem:$0x12A80] =	vst v63  }
0x16: {  	_ =	swait.ge [sflag:s16], $0x2780  }
0x17: {  	[sflag:s16] =	ssyncset.done $0x0  }
0x18: {  	[sflag:s16] =	ssyncadd.s32 $0xFFFFD880  }
0x19: {  	[tilespmem:s18], [sflag:$0x1] =	stream.linear.gather [hbm4b:s6+s3], $0x2780, $0x38;
	[tilespmem:$0x12A80] =	vst v63  }
0x1a: {  	_ =	swait.ge [sflag:s16], $0x2780  }
0x1b: {  	[sflag:s16] =	ssyncset.done $0x0  }
0x1c: {  	[sflag:s16] =	ssyncadd.s32 $0xFFFFD880  }
0x1d: {  	[tilespmem:s19], [sflag:$0x1] =	stream.linear.gather [hbm4b:s1+s3], $0xA00, $0x38;
	[tilespmem:$0x12A80] =	vst v63  }
0x1e: {  	_ =	swait.ge [sflag:s16], $0xA00  }
0x1f: {  	[sflag:s16] =	ssyncset.done $0x0  }
0x20: {  	[sflag:s16] =	ssyncadd.s32 $0xFFFFF600  }
0x21: {  	[tilespmem:s20], [sflag:$0x1] =	stream.linear.gather [hbm4b:s7+s3], $0xA00, $0x38;
	[tilespmem:$0x12A80] =	vst v63  }
0x22: {  	_ =	swait.ge [sflag:s16], $0xA00  }
0x23: {  	[sflag:s16] =	ssyncset.done $0x0  }
0x24: {  	[sflag:s16] =	ssyncadd.s32 $0xFFFFF600  }
0x25: {  	[tilespmem:s21], [sflag:$0x1] =	stream.linear.gather [hbm4b:s8+s3], $0xA00, $0x38;
	[tilespmem:$0x12A80] =	vst v63  }
0x26: {  	_ =	swait.ge [sflag:s16], $0xA00  }
0x27: {  	[sflag:s16] =	ssyncset.done $0x0  }
0x28: {  	[sflag:s16] =	ssyncadd.s32 $0xFFFFF600  }
0x29: {  	[tilespmem:s22], [sflag:$0x1] =	stream.linear.gather [hbm4b:s9+s3], $0x2800, $0x38;
	[tilespmem:$0x12A80] =	vst v63  }
0x2a: {  	_ =	swait.ge [sflag:s16], $0x2800  }
0x2b: {  	[sflag:s16] =	ssyncset.done $0x0  }
0x2c: {  	[sflag:s16] =	ssyncadd.s32 $0xFFFFD800  }
0x2d: {  	[tilespmem:s23], [sflag:$0x1] =	stream.linear.gather [hbm4b:s10+s3], $0x2800, $0x38;
	[tilespmem:$0x12A80] =	vst v63  }
0x2e: {  	_ =	swait.ge [sflag:s16], $0x2800  }
0x2f: {  	[sflag:s16] =	ssyncset.done $0x0  }
0x30: {  	[sflag:s16] =	ssyncadd.s32 $0xFFFFD800  }
0x31: {  	[tilespmem:s24], [sflag:$0x1] =	stream.linear.gather [hbm4b:s11+s3], $0xA00, $0x38;
	[tilespmem:$0x12A80] =	vst v63  }
0x32: {  	_ =	swait.ge [sflag:s16], $0xA00  }
0x33: {  	[sflag:s16] =	ssyncset.done $0x0  }
0x34: {  	[sflag:s16] =	ssyncadd.s32 $0xFFFFF600  }
0x35: {  	[tilespmem:s25], [sflag:$0x1] =	stream.linear.gather [hbm4b:s12+s3], $0xA00, $0x38;
	[tilespmem:$0x12A80] =	vst v63  }
0x36: {  	_ =	swait.ge [sflag:s16], $0xA00  }
0x37: {  	[sflag:s16] =	ssyncset.done $0x0  }
0x38: {  	s0 =	simm.s32 $0x94A0;
	[sflag:s16] =	ssyncadd.s32 $0xFFFFF600  }
0x39: {  	s2 =	simm.s32 $0xBCA0;
	v0 =	vld [tilespmem:s0+$0x10]  }
0x3a: {  	v1 =	vld [tilespmem:s2+$0x10]  }
0x3b: {  	v2 =	vld [tilespmem:s2+$0xFFFFFFE0]  }
0x3c: {  	v3 =	vld [tilespmem:s0+$0xFFFFFFF0]  }
0x3d: {  	v4 =	vld [tilespmem:s2+$0xFFFFFFF0]  }
0x3e: {  	v5 =	vld [tilespmem:s0+$0x0]  }
0x3f: {  	v6 =	vld [tilespmem:s2+$0x0]  }
0x40: {  	s30 =	simm.s32 $0xBCE0;
	v7 =	vld [tilespmem:s0+$0xFFFFFFE0]  }
0x41: {  	s2 =	simm.s32 $0x94E0;
	v49 =	vld [tilespmem:s30+$0xFFFFFFE0]  }
0x42: {  	v53 =	vld [tilespmem:s2+$0x0]  }
0x43: {  	v8 =	vld.idx.msk [tilespmem:v0+s3+$0x0], $0xffff  }
0x44: {  	v9 =	vld.idx.msk [tilespmem:v1+s3+$0x0], $0xffff  }
0x45: {  	v10 =	vld.idx.msk [tilespmem:v0+s17+$0x0], $0xffff  }
0x46: {  	v11 =	vld.idx.msk [tilespmem:v1+s17+$0x0], $0xffff  }
0x47: {  	v0 =	vld.idx.msk [tilespmem:v0+s18+$0x0], $0xffff  }
0x48: {  	v1 =	vld.idx.msk [tilespmem:v1+s18+$0x0], $0xffff  }
0x49: {  	v12 =	vld.idx.msk [tilespmem:v2+s3+$0x0], $0xffff  }
0x4a: {  	v13 =	vld.idx.msk [tilespmem:v7+s3+$0x0], $0xffff  }
0x4b: {  	v14 =	vld.idx.msk [tilespmem:v7+s17+$0x0], $0xffff  }
0x4c: {  	v15 =	vld.idx.msk [tilespmem:v2+s17+$0x0], $0xffff  }
0x4d: {  	v16 =	vld.idx.msk [tilespmem:v3+s3+$0x0], $0xffff  }
0x4e: {  	v17 =	vld.idx.msk [tilespmem:v4+s3+$0x0], $0xffff  }
0x4f: {  	v18 =	vld.idx.msk [tilespmem:v3+s17+$0x0], $0xffff  }
0x50: {  	v19 =	vld.idx.msk [tilespmem:v4+s17+$0x0], $0xffff  }
0x51: {  	v20 =	vld.idx.msk [tilespmem:v5+s3+$0x0], $0xffff  }
0x52: {  	v21 =	vld.idx.msk [tilespmem:v6+s3+$0x0], $0xffff  }
0x53: {  	v22 =	vld.idx.msk [tilespmem:v5+s17+$0x0], $0xffff  }
0x54: {  	v23 =	vld.idx.msk [tilespmem:v6+s17+$0x0], $0xffff  }
0x55: {  	v7 =	vld.idx.msk [tilespmem:v7+s18+$0x0], $0xffff  }
0x56: {  	v2 =	vld.idx.msk [tilespmem:v2+s18+$0x0], $0xffff  }
0x57: {  	v3 =	vld.idx.msk [tilespmem:v3+s18+$0x0], $0xffff  }
0x58: {  	v4 =	vld.idx.msk [tilespmem:v4+s18+$0x0], $0xffff;
	v8 =	vsub.f32 v8, v9;
	v9 =	vsub.f32 v10, v11  }
0x59: {  	v5 =	vld.idx.msk [tilespmem:v5+s18+$0x0], $0xffff  }
0x5a: {  	v0 =	vsub.f32 v0, v1;
	v11 =	vld [tilespmem:s30+$0x10];
	v1 =	vmul.f32 v8, v8;
	v8 =	vmul.f32 v9, v9  }
0x5b: {  	v6 =	vld.idx.msk [tilespmem:v6+s18+$0x0], $0xffff;
	v10 =	vsub.f32 v13, v12;
	v51 =	vsub.f32 v16, v17  }
0x5c: {  	v9 =	vld [tilespmem:s2+$0x10];
	v0 =	vmul.f32 v0, v0;
	v1 =	vadd.f32 v8, v1;
	v8 =	vsub.f32 v14, v15  }
0x5d: {  	v50 =	vld [tilespmem:s2+$0xFFFFFFF0];
	v52 =	vsub.f32 v18, v19;
	v2 =	vsub.f32 v7, v2  }
0x5e: {  	v55 =	vld [tilespmem:s2+$0xFFFFFFE0];
	v10 =	vmul.f32 v10, v10;
	v0 =	vadd.f32 v0, v1;
	v1 =	vmul.f32 v8, v8  }
0x5f: {  	v57 =	vld.idx.msk [tilespmem:v49+s17+$0x0], $0xffff;
	v54 =	vsub.f32 v22, v23;
	v3 =	vsub.f32 v3, v4;
	v2 =	vmul.f32 v2, v2  }
0x60: {  	v58 =	vld.idx.msk [tilespmem:v53+s3+$0x0], $0xffff;
	v14 =	vmul.f32 v51, v51;
	v15 =	vmul.f32 v52, v52;
	v1 =	vadd.f32 v1, v10  }
0x61: {  	v60 =	vld.idx.msk [tilespmem:v53+s17+$0x0], $0xffff;
	v5 =	vsub.f32 v5, v6;
	v10 =	vsub.f32 v20, v21  }
0x62: {  	v14 =	vadd.f32 v15, v14;
	v6 =	vld.idx.msk [tilespmem:v11+s3+$0x0], $0xffff;
	v1 =	vadd.f32 v2, v1;
	v2 =	vmul.f32 v3, v3  }
0x63: {  	v17 =	vmul.f32 v54, v54;
	v56 =	vld.idx.msk [tilespmem:v11+s17+$0x0], $0xffff;
	v10 =	vmul.f32 v10, v10  }
0x64: {  	v0 =	vsub.f32 $0.0e+00, v0;
	v4 =	vld.idx.msk [tilespmem:v9+s3+$0x0], $0xffff;
	v2 =	vadd.f32 v2, v14  }
0x65: {  	v5 =	vmul.f32 v5, v5;
	v3 =	vld.idx.msk [tilespmem:v9+s17+$0x0], $0xffff;
	v10 =	vadd.f32 v17, v10;
	v1 =	vsub.f32 $0.0e+00, v1  }
0x66: {  	v8 =	vld [tilespmem:s30+$0xFFFFFFF0];
	v0 =	vmul.f32 $1.442695020e+00, v0;
	v2 =	vsub.f32 $0.0e+00, v2  }
0x67: {  	v9 =	vld.idx.msk [tilespmem:v9+s18+$0x0], $0xffff;
	v5 =	vadd.f32 v5, v10;
	v1 =	vmul.f32 $1.442695020e+00, v1  }
0x68: {  	(erf) = vpow2.f32 v0;
	v10 =	vld.idx.msk [tilespmem:v11+s18+$0x0], $0xffff;
	v2 =	vmul.f32 $1.442695020e+00, v2  }
0x69: {  	v7 =	vld [tilespmem:s30+$0x0];
	v0 =	vsub.f32 $0.0e+00, v5;
	(erf) = vpow2.f32 v1  }
0x6a: {  	v11 =	vld.idx.msk [tilespmem:v49+s3+$0x0], $0xffff;
	v3 =	vsub.f32 v3, v56;
	(erf) = vpow2.f32 v2;
	v2 =	vsub.f32 v4, v6  }
0x6b: {  	v5 =	vld.idx.msk [tilespmem:v55+s3+$0x0], $0xffff;
	v0 =	vmul.f32 $1.442695020e+00, v0  }
0x6c: {  	v1 =	vld.idx.msk [tilespmem:v55+s17+$0x0], $0xffff;
	v3 =	vmul.f32 v3, v3;
	v2 =	vmul.f32 v2, v2  }
0x6d: {  	v4 =	vld.idx.msk [tilespmem:v50+s3+$0x0], $0xffff;
	(erf) = vpow2.f32 v0;
	v0 =	vsub.f32 v9, v10  }
0x6e: {  	v6 =	vld.idx.msk [tilespmem:v8+s3+$0x0], $0xffff;
	v2 =	vadd.f32 v3, v2  }
0x6f: {  	v9 =	vld.idx.msk [tilespmem:v50+s17+$0x0], $0xffff;
	v0 =	vmul.f32 v0, v0  }
0x70: {  	v10 =	vld.idx.msk [tilespmem:v8+s17+$0x0], $0xffff  }
0x71: {  	s31 =	simm.s32 $0xE4A0;
	v59 =	vld.idx.msk [tilespmem:v7+s3+$0x0], $0xffff;
	v3 =	vpop (erf);
	v0 =	vadd.f32 v0, v2  }
0x72: {  	[tilespmem:s31+$0x10] =	vst v3;
	v3 =	vsub.f32 v5, v11;
	v11 =	vld.idx.msk [tilespmem:v7+s17+$0x0], $0xffff;
	v2 =	vpop (erf)  }
0x73: {  	v5 =	vsub.f32 v4, v6;
	v6 =	vld.idx.msk [tilespmem:v8+s18+$0x0], $0xffff;
	[tilespmem:s31+$0xFFFFFFE0] =	vst v2;
	v2 =	vsub.f32 $0.0e+00, v0  }
0x74: {  	v1 =	vsub.f32 v1, v57;
	v7 =	vld.idx.msk [tilespmem:v7+s18+$0x0], $0xffff  }
0x75: {  	v61 =	vmul.f32 v3, v3;
	v3 =	vld.idx.msk [tilespmem:v49+s18+$0x0], $0xffff;
	v9 =	vsub.f32 v9, v10;
	v2 =	vmul.f32 $1.442695020e+00, v2  }
0x76: {  	v1 =	vmul.f32 v1, v1;
	v62 =	vmul.f32 v5, v5;
	v0 =	vld.idx.msk [tilespmem:v55+s18+$0x0], $0xffff  }
0x77: {  	v63 =	vsub.f32 v58, v59;
	v5 =	vld.idx.msk [tilespmem:v53+s18+$0x0], $0xffff;
	v4 =	vpop (erf);
	v8 =	vmul.f32 v9, v9;
	(erf) = vpow2.f32 v2  }
0x78: {  	v1 =	vadd.f32 v1, v61;
	[tilespmem:s31+$0xFFFFFFF0] =	vst v4;
	v4 =	vld.idx.msk [tilespmem:v50+s18+$0x0], $0xffff;
	v10 =	vpop (erf)  }
0x79: {  	s0 =	simm.s32 $0x4;
	s2 =	simm.s32 $0x9520;
	v9 =	vsub.f32 v60, v11;
	[tilespmem:s31+$0x0] =	vst v10;
	v2 =	vadd.f32 v8, v62;
	v8 =	vmul.f32 v63, v63  }
.LBB2_2:
0x7a: {  	v10 =	vld [tilespmem:s2+$0x10];
	s30 =	sadd.s32 $0x40, s30  }
0x7b: {  	v0 =	vsub.f32 v0, v3;
	v11 =	vld [tilespmem:s30+$0x10];
	v3 =	vmul.f32 v9, v9  }
0x7c: {  	v9 =	vld [tilespmem:s30+$0xFFFFFFE0]  }
0x7d: {  	s0 =	sadd.s32 $0x4, s0;
	v0 =	vmul.f32 v0, v0;
	v4 =	vsub.f32 v4, v6;
	v12 =	vld [tilespmem:s2+$0xFFFFFFF0];
	v3 =	vadd.f32 v3, v8  }
0x7e: {  	p0 =	slt.u32 s0, $0x27C;
	v6 =	vld [tilespmem:s30+$0xFFFFFFF0]  }
0x7f: {  	v0 =	vadd.f32 v0, v1;
	v1 =	vmul.f32 v4, v4;
	v4 =	vsub.f32 v5, v7;
	v8 =	vld [tilespmem:s2+$0x0]  }
0x80: {  	s31 =	sadd.s32 $0x40, s31;
	v7 =	vld [tilespmem:s30+$0x0];
	v5 =	vpop (erf)  }
0x81: {  	v0 =	vsub.f32 $0.0e+00, v0;
	v1 =	vadd.f32 v1, v2;
	v2 =	vmul.f32 v4, v4;
	v13 =	vld [tilespmem:s2+$0xFFFFFFE0];
	[tilespmem:s31+$0x10] =	vst v5  }
0x82: {  	v4 =	vld.idx.msk [tilespmem:v10+s3+$0x0], $0xffff  }
0x83: {  	v0 =	vmul.f32 $1.442695020e+00, v0;
	v1 =	vsub.f32 $0.0e+00, v1;
	v2 =	vadd.f32 v2, v3;
	v5 =	vld.idx.msk [tilespmem:v11+s3+$0x0], $0xffff  }
0x84: {  	v3 =	vld.idx.msk [tilespmem:v10+s17+$0x0], $0xffff  }
0x85: {  	v1 =	vmul.f32 $1.442695020e+00, v1;
	v2 =	vsub.f32 $0.0e+00, v2;
	v14 =	vld.idx.msk [tilespmem:v11+s17+$0x0], $0xffff;
	(erf) = vpow2.f32 v0  }
0x86: {  	v0 =	vld.idx.msk [tilespmem:v10+s18+$0x0], $0xffff  }
0x87: {  	v2 =	vmul.f32 $1.442695020e+00, v2;
	v10 =	vld.idx.msk [tilespmem:v11+s18+$0x0], $0xffff;
	(erf) = vpow2.f32 v1  }
0x88: {  	v1 =	vld.idx.msk [tilespmem:v9+s3+$0x0], $0xffff  }
0x89: {  	v11 =	vld.idx.msk [tilespmem:v13+s3+$0x0], $0xffff;
	(erf) = vpow2.f32 v2  }
0x8a: {  	v2 =	vld.idx.msk [tilespmem:v13+s17+$0x0], $0xffff  }
0x8b: {  	v4 =	vsub.f32 v4, v5;
	v3 =	vsub.f32 v3, v14;
	v15 =	vld.idx.msk [tilespmem:v9+s17+$0x0], $0xffff  }
0x8c: {  	v5 =	vld.idx.msk [tilespmem:v12+s3+$0x0], $0xffff  }
0x8d: {  	v18 =	vmul.f32 v4, v4;
	v0 =	vsub.f32 v0, v10;
	v3 =	vmul.f32 v3, v3;
	v14 =	vld.idx.msk [tilespmem:v6+s3+$0x0], $0xffff  }
0x8e: {  	v10 =	vld.idx.msk [tilespmem:v12+s17+$0x0], $0xffff;
	v16 =	vpop (erf)  }
0x8f: {  	v1 =	vsub.f32 v11, v1;
	v18 =	vadd.f32 v3, v18;
	v0 =	vmul.f32 v0, v0;
	v11 =	vld.idx.msk [tilespmem:v6+s17+$0x0], $0xffff  }
0x90: {  	v17 =	vld.idx.msk [tilespmem:v8+s3+$0x0], $0xffff;
	[tilespmem:s31+$0xFFFFFFE0] =	vst v16;
	v4 =	vpop (erf)  }
0x91: {  	v2 =	vsub.f32 v2, v15;
	v1 =	vmul.f32 v1, v1;
	v0 =	vadd.f32 v0, v18;
	v15 =	vld.idx.msk [tilespmem:v7+s3+$0x0], $0xffff  }
0x92: {  	v16 =	vld.idx.msk [tilespmem:v8+s17+$0x0], $0xffff;
	[tilespmem:s31+$0xFFFFFFF0] =	vst v4;
	v3 =	vpop (erf)  }
0x93: {  	v2 =	vmul.f32 v2, v2;
	v4 =	vsub.f32 v5, v14;
	v5 =	vsub.f32 $0.0e+00, v0;
	v14 =	vld.idx.msk [tilespmem:v7+s17+$0x0], $0xffff;
	[tilespmem:s31+$0x0] =	vst v3  }
0x94: {  	v0 =	vld.idx.msk [tilespmem:v13+s18+$0x0], $0xffff  }
.Ltmp0:
0x95: {  	v5 =	vmul.f32 $1.442695020e+00, v5;
	v3 =	vld.idx.msk [tilespmem:v9+s18+$0x0], $0xffff;
	v9 =	vsub.f32 v10, v11;
	v10 =	vmul.f32 v4, v4;
	(pc) =	sbr.rel @p0 .LBB2_2-.Ltmp0, $4  }
0x96: {  	v1 =	vadd.f32 v2, v1;
	v4 =	vld.idx.msk [tilespmem:v12+s18+$0x0], $0xffff  }
0x97: {  	v11 =	vsub.f32 v17, v15;
	v6 =	vld.idx.msk [tilespmem:v6+s18+$0x0], $0xffff;
	v2 =	vmul.f32 v9, v9;
	(erf) = vpow2.f32 v5  }
0x98: {  	v5 =	vld.idx.msk [tilespmem:v8+s18+$0x0], $0xffff  }
0x99: {  	s2 =	sadd.s32 $0x40, s2;
	v9 =	vsub.f32 v16, v14;
	v8 =	vmul.f32 v11, v11;
	v2 =	vadd.f32 v2, v10;
	v7 =	vld.idx.msk [tilespmem:v7+s18+$0x0], $0xffff  }
0x9a: {  	_ =	sdelay $0x1  }
0x9b: {  	v0 =	vsub.f32 v0, v3  }
0x9c: {  	v3 =	vsub.f32 v4, v6  }
0x9d: {  	v4 =	vmul.f32 v9, v9;
	v0 =	vmul.f32 v0, v0;
	v5 =	vsub.f32 v5, v7  }
0x9e: {  	v3 =	vmul.f32 v3, v3  }
0x9f: {  	v4 =	vadd.f32 v4, v8;
	v0 =	vadd.f32 v0, v1;
	v1 =	vmul.f32 v5, v5  }
0xa0: {  	v2 =	vadd.f32 v3, v2  }
0xa1: {  	v0 =	vsub.f32 $0.0e+00, v0;
	v1 =	vadd.f32 v1, v4  }
0xa2: {  	v2 =	vsub.f32 $0.0e+00, v2  }
0xa3: {  	v0 =	vmul.f32 $1.442695020e+00, v0;
	v1 =	vsub.f32 $0.0e+00, v1  }
0xa4: {  	v2 =	vmul.f32 $1.442695020e+00, v2  }
0xa5: {  	(erf) = vpow2.f32 v0;
	v0 =	vmul.f32 $1.442695020e+00, v1  }
0xa6: {  	(erf) = vpow2.f32 v2  }
0xa7: {  	(erf) = vpow2.f32 v0;
	_ =	sdelay $0x5  }
0xa8: {  	s0 =	sadd.s32 $0x40, s31;
	v0 =	vpop (erf)  }
0xa9: {  	[tilespmem:s0+$0x10] =	vst v0;
	v0 =	vpop (erf)  }
0xaa: {  	[tilespmem:s0+$0xFFFFFFE0] =	vst v0;
	v0 =	vpop (erf)  }
0xab: {  	[tilespmem:s0+$0xFFFFFFF0] =	vst v0;
	v0 =	vpop (erf)  }
0xac: {  	[tilespmem:s0+$0x0] =	vst v0  }
0xad: {  	[hbm4b:s13+s3] =	stream.linear.scatter [tilespmem:s26], [sflag:$0x1], $0x2800, $0x38;
	[tilespmem:$0x12A80] =	vst v63  }
0xae: {  	_ =	swait.ge [sflag:s16], $0x2800  }
0xaf: {  	[sflag:s16] =	ssyncset.done $0x0  }
0xb0: {  	s0 =	simm.s32 $0x10CA0;
	[sflag:s16] =	ssyncadd.s32 $0xFFFFD800  }
0xb1: {  	s2 =	simm.s32 $0x116A0;
	v0 =	vld [tilespmem:s0+$0x10]  }
0xb2: {  	v1 =	vld [tilespmem:s2+$0x10]  }
0xb3: {  	v2 =	vld [tilespmem:s2+$0xFFFFFFE0]  }
0xb4: {  	v3 =	vld [tilespmem:s0+$0xFFFFFFF0]  }
0xb5: {  	v4 =	vld [tilespmem:s2+$0xFFFFFFF0]  }
0xb6: {  	v5 =	vld [tilespmem:s0+$0x0]  }
0xb7: {  	v6 =	vld [tilespmem:s2+$0x0]  }
0xb8: {  	s30 =	simm.s32 $0x116E0;
	v7 =	vld [tilespmem:s0+$0xFFFFFFE0]  }
0xb9: {  	s2 =	simm.s32 $0x10CE0;
	v49 =	vld [tilespmem:s30+$0xFFFFFFE0]  }
0xba: {  	v53 =	vld [tilespmem:s2+$0x0]  }
0xbb: {  	v8 =	vld.idx.msk [tilespmem:v0+s3+$0x0], $0xffff  }
0xbc: {  	v9 =	vld.idx.msk [tilespmem:v1+s19+$0x0], $0xffff  }
0xbd: {  	v10 =	vld.idx.msk [tilespmem:v0+s17+$0x0], $0xffff  }
0xbe: {  	v11 =	vld.idx.msk [tilespmem:v1+s20+$0x0], $0xffff  }
0xbf: {  	v0 =	vld.idx.msk [tilespmem:v0+s18+$0x0], $0xffff  }
0xc0: {  	v1 =	vld.idx.msk [tilespmem:v1+s21+$0x0], $0xffff  }
0xc1: {  	v12 =	vld.idx.msk [tilespmem:v2+s19+$0x0], $0xffff  }
0xc2: {  	v13 =	vld.idx.msk [tilespmem:v7+s3+$0x0], $0xffff  }
0xc3: {  	v14 =	vld.idx.msk [tilespmem:v7+s17+$0x0], $0xffff  }
0xc4: {  	v15 =	vld.idx.msk [tilespmem:v2+s20+$0x0], $0xffff  }
0xc5: {  	v16 =	vld.idx.msk [tilespmem:v3+s3+$0x0], $0xffff  }
0xc6: {  	v17 =	vld.idx.msk [tilespmem:v4+s19+$0x0], $0xffff  }
0xc7: {  	v18 =	vld.idx.msk [tilespmem:v3+s17+$0x0], $0xffff  }
0xc8: {  	v19 =	vld.idx.msk [tilespmem:v4+s20+$0x0], $0xffff  }
0xc9: {  	v20 =	vld.idx.msk [tilespmem:v5+s3+$0x0], $0xffff  }
0xca: {  	v21 =	vld.idx.msk [tilespmem:v6+s19+$0x0], $0xffff  }
0xcb: {  	v22 =	vld.idx.msk [tilespmem:v5+s17+$0x0], $0xffff  }
0xcc: {  	v23 =	vld.idx.msk [tilespmem:v6+s20+$0x0], $0xffff  }
0xcd: {  	v7 =	vld.idx.msk [tilespmem:v7+s18+$0x0], $0xffff  }
0xce: {  	v2 =	vld.idx.msk [tilespmem:v2+s21+$0x0], $0xffff  }
0xcf: {  	v3 =	vld.idx.msk [tilespmem:v3+s18+$0x0], $0xffff  }
0xd0: {  	v4 =	vld.idx.msk [tilespmem:v4+s21+$0x0], $0xffff;
	v8 =	vsub.f32 v8, v9;
	v9 =	vsub.f32 v10, v11  }
0xd1: {  	v5 =	vld.idx.msk [tilespmem:v5+s18+$0x0], $0xffff  }
0xd2: {  	v0 =	vsub.f32 v0, v1;
	v11 =	vld [tilespmem:s30+$0x10];
	v1 =	vmul.f32 v8, v8;
	v8 =	vmul.f32 v9, v9  }
0xd3: {  	v6 =	vld.idx.msk [tilespmem:v6+s21+$0x0], $0xffff;
	v10 =	vsub.f32 v13, v12;
	v51 =	vsub.f32 v16, v17  }
0xd4: {  	v9 =	vld [tilespmem:s2+$0x10];
	v0 =	vmul.f32 v0, v0;
	v1 =	vadd.f32 v8, v1;
	v8 =	vsub.f32 v14, v15  }
0xd5: {  	v50 =	vld [tilespmem:s2+$0xFFFFFFF0];
	v52 =	vsub.f32 v18, v19;
	v2 =	vsub.f32 v7, v2  }
0xd6: {  	v55 =	vld [tilespmem:s2+$0xFFFFFFE0];
	v10 =	vmul.f32 v10, v10;
	v0 =	vadd.f32 v0, v1;
	v1 =	vmul.f32 v8, v8  }
0xd7: {  	v57 =	vld.idx.msk [tilespmem:v49+s20+$0x0], $0xffff;
	v54 =	vsub.f32 v22, v23;
	v3 =	vsub.f32 v3, v4;
	v2 =	vmul.f32 v2, v2  }
0xd8: {  	v58 =	vld.idx.msk [tilespmem:v53+s3+$0x0], $0xffff;
	v14 =	vmul.f32 v51, v51;
	v15 =	vmul.f32 v52, v52;
	v1 =	vadd.f32 v1, v10  }
0xd9: {  	v60 =	vld.idx.msk [tilespmem:v53+s17+$0x0], $0xffff;
	v5 =	vsub.f32 v5, v6;
	v10 =	vsub.f32 v20, v21  }
0xda: {  	v14 =	vadd.f32 v15, v14;
	v6 =	vld.idx.msk [tilespmem:v11+s19+$0x0], $0xffff;
	v1 =	vadd.f32 v2, v1;
	v2 =	vmul.f32 v3, v3  }
0xdb: {  	v17 =	vmul.f32 v54, v54;
	v56 =	vld.idx.msk [tilespmem:v11+s20+$0x0], $0xffff;
	v10 =	vmul.f32 v10, v10  }
0xdc: {  	v0 =	vsub.f32 $0.0e+00, v0;
	v4 =	vld.idx.msk [tilespmem:v9+s3+$0x0], $0xffff;
	v2 =	vadd.f32 v2, v14  }
0xdd: {  	v5 =	vmul.f32 v5, v5;
	v3 =	vld.idx.msk [tilespmem:v9+s17+$0x0], $0xffff;
	v10 =	vadd.f32 v17, v10;
	v1 =	vsub.f32 $0.0e+00, v1  }
0xde: {  	v8 =	vld [tilespmem:s30+$0xFFFFFFF0];
	v0 =	vmul.f32 $1.442695020e+00, v0;
	v2 =	vsub.f32 $0.0e+00, v2  }
0xdf: {  	v9 =	vld.idx.msk [tilespmem:v9+s18+$0x0], $0xffff;
	v5 =	vadd.f32 v5, v10;
	v1 =	vmul.f32 $1.442695020e+00, v1  }
0xe0: {  	(erf) = vpow2.f32 v0;
	v10 =	vld.idx.msk [tilespmem:v11+s21+$0x0], $0xffff;
	v2 =	vmul.f32 $1.442695020e+00, v2  }
0xe1: {  	v7 =	vld [tilespmem:s30+$0x0];
	v0 =	vsub.f32 $0.0e+00, v5;
	(erf) = vpow2.f32 v1  }
0xe2: {  	v11 =	vld.idx.msk [tilespmem:v49+s19+$0x0], $0xffff;
	v3 =	vsub.f32 v3, v56;
	(erf) = vpow2.f32 v2;
	v2 =	vsub.f32 v4, v6  }
0xe3: {  	v5 =	vld.idx.msk [tilespmem:v55+s3+$0x0], $0xffff;
	v0 =	vmul.f32 $1.442695020e+00, v0  }
0xe4: {  	v1 =	vld.idx.msk [tilespmem:v55+s17+$0x0], $0xffff;
	v3 =	vmul.f32 v3, v3;
	v2 =	vmul.f32 v2, v2  }
0xe5: {  	v4 =	vld.idx.msk [tilespmem:v50+s3+$0x0], $0xffff;
	(erf) = vpow2.f32 v0;
	v0 =	vsub.f32 v9, v10  }
0xe6: {  	v6 =	vld.idx.msk [tilespmem:v8+s19+$0x0], $0xffff;
	v2 =	vadd.f32 v3, v2  }
0xe7: {  	v9 =	vld.idx.msk [tilespmem:v50+s17+$0x0], $0xffff;
	v0 =	vmul.f32 v0, v0  }
0xe8: {  	v10 =	vld.idx.msk [tilespmem:v8+s20+$0x0], $0xffff  }
0xe9: {  	s31 =	simm.s32 $0x120A0;
	v59 =	vld.idx.msk [tilespmem:v7+s19+$0x0], $0xffff;
	v3 =	vpop (erf);
	v0 =	vadd.f32 v0, v2  }
0xea: {  	[tilespmem:s31+$0x10] =	vst v3;
	v3 =	vsub.f32 v5, v11;
	v11 =	vld.idx.msk [tilespmem:v7+s20+$0x0], $0xffff;
	v2 =	vpop (erf)  }
0xeb: {  	v5 =	vsub.f32 v4, v6;
	v6 =	vld.idx.msk [tilespmem:v8+s21+$0x0], $0xffff;
	[tilespmem:s31+$0xFFFFFFE0] =	vst v2;
	v2 =	vsub.f32 $0.0e+00, v0  }
0xec: {  	v1 =	vsub.f32 v1, v57;
	v7 =	vld.idx.msk [tilespmem:v7+s21+$0x0], $0xffff  }
0xed: {  	v61 =	vmul.f32 v3, v3;
	v3 =	vld.idx.msk [tilespmem:v49+s21+$0x0], $0xffff;
	v9 =	vsub.f32 v9, v10;
	v2 =	vmul.f32 $1.442695020e+00, v2  }
0xee: {  	v1 =	vmul.f32 v1, v1;
	v62 =	vmul.f32 v5, v5;
	v0 =	vld.idx.msk [tilespmem:v55+s18+$0x0], $0xffff  }
0xef: {  	v63 =	vsub.f32 v58, v59;
	v5 =	vld.idx.msk [tilespmem:v53+s18+$0x0], $0xffff;
	v4 =	vpop (erf);
	v8 =	vmul.f32 v9, v9;
	(erf) = vpow2.f32 v2  }
0xf0: {  	v1 =	vadd.f32 v1, v61;
	[tilespmem:s31+$0xFFFFFFF0] =	vst v4;
	v4 =	vld.idx.msk [tilespmem:v50+s18+$0x0], $0xffff;
	v10 =	vpop (erf)  }
0xf1: {  	s0 =	simm.s32 $0x4;
	s2 =	simm.s32 $0x10D20;
	v9 =	vsub.f32 v60, v11;
	[tilespmem:s31+$0x0] =	vst v10;
	v2 =	vadd.f32 v8, v62;
	v8 =	vmul.f32 v63, v63  }
.LBB2_4:
0xf2: {  	v10 =	vld [tilespmem:s2+$0x10];
	s30 =	sadd.s32 $0x40, s30  }
0xf3: {  	v0 =	vsub.f32 v0, v3;
	v11 =	vld [tilespmem:s30+$0x10];
	v3 =	vmul.f32 v9, v9  }
0xf4: {  	v9 =	vld [tilespmem:s30+$0xFFFFFFE0]  }
0xf5: {  	s0 =	sadd.s32 $0x4, s0;
	v0 =	vmul.f32 v0, v0;
	v4 =	vsub.f32 v4, v6;
	v12 =	vld [tilespmem:s2+$0xFFFFFFF0];
	v3 =	vadd.f32 v3, v8  }
0xf6: {  	p0 =	slt.u32 s0, $0x9C;
	v6 =	vld [tilespmem:s30+$0xFFFFFFF0]  }
0xf7: {  	v0 =	vadd.f32 v0, v1;
	v1 =	vmul.f32 v4, v4;
	v4 =	vsub.f32 v5, v7;
	v8 =	vld [tilespmem:s2+$0x0]  }
0xf8: {  	s31 =	sadd.s32 $0x40, s31;
	v7 =	vld [tilespmem:s30+$0x0];
	v5 =	vpop (erf)  }
0xf9: {  	v0 =	vsub.f32 $0.0e+00, v0;
	v1 =	vadd.f32 v1, v2;
	v2 =	vmul.f32 v4, v4;
	v13 =	vld [tilespmem:s2+$0xFFFFFFE0];
	[tilespmem:s31+$0x10] =	vst v5  }
0xfa: {  	v4 =	vld.idx.msk [tilespmem:v10+s3+$0x0], $0xffff  }
0xfb: {  	v0 =	vmul.f32 $1.442695020e+00, v0;
	v1 =	vsub.f32 $0.0e+00, v1;
	v2 =	vadd.f32 v2, v3;
	v5 =	vld.idx.msk [tilespmem:v11+s19+$0x0], $0xffff  }
0xfc: {  	v3 =	vld.idx.msk [tilespmem:v10+s17+$0x0], $0xffff  }
0xfd: {  	v1 =	vmul.f32 $1.442695020e+00, v1;
	v2 =	vsub.f32 $0.0e+00, v2;
	v14 =	vld.idx.msk [tilespmem:v11+s20+$0x0], $0xffff;
	(erf) = vpow2.f32 v0  }
0xfe: {  	v0 =	vld.idx.msk [tilespmem:v10+s18+$0x0], $0xffff  }
0xff: {  	v2 =	vmul.f32 $1.442695020e+00, v2;
	v10 =	vld.idx.msk [tilespmem:v11+s21+$0x0], $0xffff;
	(erf) = vpow2.f32 v1  }
0x100: {  	v1 =	vld.idx.msk [tilespmem:v9+s19+$0x0], $0xffff  }
0x101: {  	v11 =	vld.idx.msk [tilespmem:v13+s3+$0x0], $0xffff;
	(erf) = vpow2.f32 v2  }
0x102: {  	v2 =	vld.idx.msk [tilespmem:v13+s17+$0x0], $0xffff  }
0x103: {  	v4 =	vsub.f32 v4, v5;
	v3 =	vsub.f32 v3, v14;
	v15 =	vld.idx.msk [tilespmem:v9+s20+$0x0], $0xffff  }
0x104: {  	v5 =	vld.idx.msk [tilespmem:v12+s3+$0x0], $0xffff  }
0x105: {  	v18 =	vmul.f32 v4, v4;
	v0 =	vsub.f32 v0, v10;
	v3 =	vmul.f32 v3, v3;
	v14 =	vld.idx.msk [tilespmem:v6+s19+$0x0], $0xffff  }
0x106: {  	v10 =	vld.idx.msk [tilespmem:v12+s17+$0x0], $0xffff;
	v16 =	vpop (erf)  }
0x107: {  	v1 =	vsub.f32 v11, v1;
	v18 =	vadd.f32 v3, v18;
	v0 =	vmul.f32 v0, v0;
	v11 =	vld.idx.msk [tilespmem:v6+s20+$0x0], $0xffff  }
0x108: {  	v17 =	vld.idx.msk [tilespmem:v8+s3+$0x0], $0xffff;
	[tilespmem:s31+$0xFFFFFFE0] =	vst v16;
	v4 =	vpop (erf)  }
0x109: {  	v2 =	vsub.f32 v2, v15;
	v1 =	vmul.f32 v1, v1;
	v0 =	vadd.f32 v0, v18;
	v15 =	vld.idx.msk [tilespmem:v7+s19+$0x0], $0xffff  }
0x10a: {  	v16 =	vld.idx.msk [tilespmem:v8+s17+$0x0], $0xffff;
	[tilespmem:s31+$0xFFFFFFF0] =	vst v4;
	v3 =	vpop (erf)  }
0x10b: {  	v2 =	vmul.f32 v2, v2;
	v4 =	vsub.f32 v5, v14;
	v5 =	vsub.f32 $0.0e+00, v0;
	v14 =	vld.idx.msk [tilespmem:v7+s20+$0x0], $0xffff;
	[tilespmem:s31+$0x0] =	vst v3  }
0x10c: {  	v0 =	vld.idx.msk [tilespmem:v13+s18+$0x0], $0xffff  }
.Ltmp1:
0x10d: {  	v5 =	vmul.f32 $1.442695020e+00, v5;
	v3 =	vld.idx.msk [tilespmem:v9+s21+$0x0], $0xffff;
	v9 =	vsub.f32 v10, v11;
	v10 =	vmul.f32 v4, v4;
	(pc) =	sbr.rel @p0 .LBB2_4-.Ltmp1, $4  }
0x10e: {  	v1 =	vadd.f32 v2, v1;
	v4 =	vld.idx.msk [tilespmem:v12+s18+$0x0], $0xffff  }
0x10f: {  	v11 =	vsub.f32 v17, v15;
	v6 =	vld.idx.msk [tilespmem:v6+s21+$0x0], $0xffff;
	v2 =	vmul.f32 v9, v9;
	(erf) = vpow2.f32 v5  }
0x110: {  	v5 =	vld.idx.msk [tilespmem:v8+s18+$0x0], $0xffff  }
0x111: {  	s2 =	sadd.s32 $0x40, s2;
	v9 =	vsub.f32 v16, v14;
	v8 =	vmul.f32 v11, v11;
	v2 =	vadd.f32 v2, v10;
	v7 =	vld.idx.msk [tilespmem:v7+s21+$0x0], $0xffff  }
0x112: {  	_ =	sdelay $0x1  }
0x113: {  	v0 =	vsub.f32 v0, v3  }
0x114: {  	v56 =	vsub.f32 v4, v6  }
0x115: {  	v57 =	vmul.f32 v9, v9;
	v0 =	vmul.f32 v0, v0;
	v5 =	vsub.f32 v5, v7  }
0x116: {  	v3 =	vmul.f32 v56, v56  }
0x117: {  	v4 =	vadd.f32 v57, v8;
	v0 =	vadd.f32 v0, v1;
	v58 =	vmul.f32 v5, v5  }
0x118: {  	v2 =	vadd.f32 v3, v2  }
0x119: {  	v0 =	vsub.f32 $0.0e+00, v0;
	v1 =	vadd.f32 v58, v4  }
0x11a: {  	v2 =	vsub.f32 $0.0e+00, v2  }
0x11b: {  	v0 =	vmul.f32 $1.442695020e+00, v0;
	v1 =	vsub.f32 $0.0e+00, v1  }
0x11c: {  	v2 =	vmul.f32 $1.442695020e+00, v2  }
0x11d: {  	(erf) = vpow2.f32 v0;
	v59 =	vmul.f32 $1.442695020e+00, v1  }
0x11e: {  	(erf) = vpow2.f32 v2  }
0x11f: {  	(erf) = vpow2.f32 v59;
	_ =	sdelay $0x5  }
0x120: {  	s0 =	sadd.s32 $0x40, s31;
	v60 =	vpop (erf)  }
0x121: {  	[tilespmem:s0+$0x10] =	vst v60;
	v61 =	vpop (erf)  }
0x122: {  	s29 =	sadd.s32 $0x1, s29;
	[tilespmem:s0+$0xFFFFFFE0] =	vst v61;
	v62 =	vpop (erf)  }
0x123: {  	p0 =	sne.s32 s29, s15;
	[tilespmem:s0+$0xFFFFFFF0] =	vst v62;
	v63 =	vpop (erf)  }
.Ltmp2:
0x124: {  	[tilespmem:s0+$0x0] =	vst v63;
	(pc) =	sbr.rel @p0 .LBB2_1-.Ltmp2, $4  }
0x125: {  	[hbm4b:s14+s3] =	stream.linear.scatter [tilespmem:s28], [sflag:$0x1], $0xA00, $0x38;
	[tilespmem:$0x12A80] =	vst v63  }
0x126: {  	_ =	swait.ge [sflag:s16], $0xA00  }
0x127: {  	[sflag:s16] =	ssyncset.done $0x0  }
0x128: {  	[sflag:s16] =	ssyncadd.s32 $0xFFFFF600  }
0x129: {  	_ =	sfence.sel $0x180000  }
0x12a: {  	[bflag:$0x0] =	sbarrier.arrive $0xFFFF  }
0x12b: {  	_ =	strace $0x90000047  }
0x12c: {  	s0 =	stileid.u32;
	[bflag:$0x2] =	sbarrier.arrive $0xFFFF  }
0x12d: {  	p0 =	sne.s32 s0, $0x0;
	s0 =	rddreg [dreg:$0x3]  }
0x12e: {  	s0 =	sadd.s32 @!p0 $0x100000, s0  }
0x12f: {  	[sflag:s0] =	ssyncadd.tile.s32 @!p0 $0x1;
	_ =	shalt  }
.Lfunc_end2:
_tile_overlayer_lowered:
.L_overlay_start_2:
0x130: {  	(tag) =	ssettag $0x2  }
0x131: {  	s0 =	rddreg [dreg:$0x0];
	s2 =	stileid.u32  }
0x132: {  	s1 =	rddreg [dreg:$0x1];
	p0 =	sne.s32 s2, $0x0  }
0x133: {  	s3 =	rddreg [dreg:$0x2];
	[bflag:$0x3] =	sbarrier.arrive $0xFFFF;
	s2 =	simm.s32 @!p0 $0x1C01  }
0x134: {  	[timem:s3], [sflag:s2] =	dma.local @!p0 [hbm:s0], s1  }
0x135: {  	s0 =	simm.s32 @!p0 $0x1  }
0x136: {  	_ =	swait.ge @!p0 [sflag:s0], s1  }
0x137: {  	s1 =	ssub.s32 @!p0 $0x0, s1;
	[sflag:s0] =	ssyncset.done @!p0 $0x0  }
0x138: {  	[sflag:s0] =	ssyncadd.s32 @!p0 s1  }
0x139: {  	[bflag:$0x3] =	sbarrier.arrive $0xFFFF  }
0x13a: {  	_ =	shalt  }

</sc_bundles>
